<compile_context>
chip_gen: v7x
topology: tpu7x:2x2x1
jax: 0.10.2.dev20260603
libtpu: 0.0.44.dev20260713+nightly
codegen_flags: <defaults>
</compile_context>

<pallas_src>
import functools

import jax
import jax.numpy as jnp
from jax import lax
from jax.experimental import pallas as pl
from jax.experimental.pallas import tpu as pltpu
from jax.experimental.pallas import tpu_sc as plsc

_LANES = 16


def _scores_sc_kernel(n_workers: int, e_pos: int, e_neg: int, d: int,
                      chunk: int):
    per_w_pos = e_pos // n_workers
    per_w_neg = e_neg // n_workers
    groups = chunk // _LANES

    def body(table_hbm, pos_hbm, neg_hbm, out_hbm,
             src_idx_v, dst_idx_v, src_rows_v, dst_rows_v,
             scores_v, sem):
        cid = lax.axis_index("c")
        sid = lax.axis_index("s")
        n_cores = lax.axis_size("c")
        wid = sid * n_cores + cid

        def do_range(eidx_hbm, e_half, per_w, out_base):
            base = wid * per_w
            n_chunks = per_w // chunk

            def chunk_body(i, _):
                off = pl.multiple_of(base + i * chunk, 8)
                off2 = pl.multiple_of(e_half + base + i * chunk, 8)
                pltpu.sync_copy(eidx_hbm.at[pl.ds(off, chunk)], src_idx_v)
                pltpu.sync_copy(eidx_hbm.at[pl.ds(off2, chunk)], dst_idx_v)
                cp1 = pltpu.async_copy(table_hbm.at[src_idx_v], src_rows_v,
                                       sem)
                cp2 = pltpu.async_copy(table_hbm.at[dst_idx_v], dst_rows_v,
                                       sem)
                cp1.wait()
                cp2.wait()

                def group_body(g, _):
                    e0 = g * _LANES
                    lane = lax.iota(jnp.int32, _LANES)
                    tot = jnp.zeros((_LANES,), jnp.float32)
                    for e16 in range(_LANES):
                        e = e0 + e16
                        acc = jnp.zeros((_LANES,), jnp.float32)
                        for j in range(d // _LANES):
                            s = src_rows_v[e, pl.ds(j * _LANES, _LANES)]
                            t = dst_rows_v[e, pl.ds(j * _LANES, _LANES)]
                            acc = acc + s * t
                        sc = jnp.sum(acc)
                        tot = jnp.where(lane == e16, sc, tot)
                    scores_v[pl.ds(e0, _LANES)] = tot
                    return 0

                lax.fori_loop(0, groups, group_body, 0)
                out_off = pl.multiple_of(out_base + base + i * chunk, 8)
                pltpu.sync_copy(scores_v, out_hbm.at[pl.ds(out_off, chunk)])
                return 0

            lax.fori_loop(0, n_chunks, chunk_body, 0)

        do_range(pos_hbm, e_pos, per_w_pos, 0)
        do_range(neg_hbm, e_neg, per_w_neg, e_pos)

    return body


def _bce_tc_kernel(pos_rows: int, total: int):
    def body(s_ref, o_ref):
        s = s_ref[...]
        rows = lax.broadcasted_iota(jnp.int32, s.shape, 0)
        label = jnp.where(rows < pos_rows, 1.0, 0.0)
        t = (jnp.maximum(s, 0.0) - s * label
             + jnp.log1p(jnp.exp(-jnp.abs(s))))
        o_ref[...] = (jnp.sum(t) / total).reshape(1, 1)
    return body


@jax.jit
def kernel(block_outputs, pos_edge_index, neg_edge_index):
    n, d = block_outputs.shape
    e_pos = pos_edge_index.shape[1]
    e_neg = neg_edge_index.shape[1]
    total = e_pos + e_neg

    info = plsc.get_sparse_core_info()
    nw = info.num_cores * info.num_subcores
    chunk = 80
    assert e_pos % (nw * chunk) == 0 and e_neg % (nw * chunk) == 0
    assert d % _LANES == 0

    mesh = plsc.VectorSubcoreMesh(core_axis_name="c", subcore_axis_name="s")
    scores = pl.kernel(
        _scores_sc_kernel(nw, e_pos, e_neg, d, chunk),
        out_type=jax.ShapeDtypeStruct((total,), jnp.float32),
        mesh=mesh,
        compiler_params=pltpu.CompilerParams(needs_layout_passes=False),
        scratch_types=[
            pltpu.VMEM((chunk,), jnp.int32),
            pltpu.VMEM((chunk,), jnp.int32),
            pltpu.VMEM((chunk, d), jnp.float32),
            pltpu.VMEM((chunk, d), jnp.float32),
            pltpu.VMEM((chunk,), jnp.float32),
            pltpu.SemaphoreType.DMA,
        ],
    )(block_outputs, pos_edge_index.reshape(-1), neg_edge_index.reshape(-1))

    cols = 128
    rows = total // cols
    pos_rows = e_pos // cols
    loss = pl.pallas_call(
        _bce_tc_kernel(pos_rows, total),
        out_shape=jax.ShapeDtypeStruct((1, 1), jnp.float32),
    )(scores.reshape(rows, cols))
    return loss[0, 0]

# --- scband reference (transcript-rebuilt; emitter-appended) ---
"""Pipeline reference for scband-cross-entropy-loss-6038724018390 (READ-ONLY COPY).

The authoritative reference and input builder live on the scoring server;
editing this copy changes nothing except your own understanding.
"""

import jax, jax.numpy as jnp
import numpy as np

N = 10000
D = 128
E_POS = 320000
E_NEG = 320000


def setup_inputs(seed: int = 0) -> dict:
    key = jax.random.key(seed)
    k1, k2, k3 = jax.random.split(key, 3)
    block_outputs = jax.random.normal(k1, (N, D), dtype=jnp.float32)
    pos_edge_index = jax.random.randint(k2, (2, E_POS), 0, N, dtype=jnp.int32)
    neg_edge_index = jax.random.randint(k3, (2, E_NEG), 0, N, dtype=jnp.int32)
    return {
        "block_outputs": block_outputs,
        "pos_edge_index": pos_edge_index,
        "neg_edge_index": neg_edge_index,
    }


def _u_dot_v(h, edge_index):
    # DGL fn.u_dot_v('h','h','score'): per-edge dot product of src and dst node features
    src = jnp.take(h, edge_index[0], axis=0)
    dst = jnp.take(h, edge_index[1], axis=0)
    return jnp.sum(src * dst, axis=1)


def reference(block_outputs, pos_edge_index, neg_edge_index):
    pos_score = _u_dot_v(block_outputs, pos_edge_index)
    neg_score = _u_dot_v(block_outputs, neg_edge_index)
    score = jnp.concatenate([pos_score, neg_score])
    label = jnp.concatenate([jnp.ones_like(pos_score), jnp.zeros_like(neg_score)])
    # binary_cross_entropy_with_logits, numerically stable form, mean reduction
    loss = jnp.mean(
        jnp.maximum(score, 0.0) - score * label + jnp.log1p(jnp.exp(-jnp.abs(score)))
    )
    return loss

if __name__ == "__main__":
    import jax
    _d = setup_inputs()
    print(jax.jit(kernel)(*tuple(_d.values())))

</pallas_src>

<mosaic_0001>
#map = affine_map<(d0, d1) -> (0, 0)>
#map1 = affine_map<(d0, d1) -> (0)>
module attributes {stable_mosaic.version = 14 : i64} {
  func.func @body(%arg0: i32, %arg1: i32, %arg2: memref<10000x128xf32, #tpu.memory_space<hbm>>, %arg3: memref<640000xi32, #tpu.memory_space<hbm>>, %arg4: memref<640000xi32, #tpu.memory_space<hbm>>, %arg5: memref<640000xf32, #tpu.memory_space<hbm>>, %arg6: memref<80xi32, #tpu.memory_space<vmem>>, %arg7: memref<80xi32, #tpu.memory_space<vmem>>, %arg8: memref<80x128xf32, #tpu.memory_space<vmem>>, %arg9: memref<80x128xf32, #tpu.memory_space<vmem>>, %arg10: memref<80xf32, #tpu.memory_space<vmem>>, %arg11: memref<!tpu.dma_semaphore, #tpu.memory_space<semaphore_mem>>) attributes {dimension_semantics = [#tpu.dimension_semantics<core_parallel>, #tpu.dimension_semantics<subcore_parallel>], iteration_bounds = array<i64: 2, 16>, scalar_prefetch = 0 : i64, scratch_operands = 6 : i64, tpu.core_type = #tpu.core_type<sc_vector_subcore>, window_params = [{transform_indices = #map}, {transform_indices = #map1}, {transform_indices = #map1}, {transform_indices = #map1}]} {
    %mul3A = arith.constant 2 : i32
    %mul3A_0 = arith.muli %arg1, %mul3A : i32
    %add3A = arith.addi %mul3A_0, %arg0 : i32
    %mul3A_1 = arith.constant 10000 : i32
    %mul3A_2 = arith.muli %add3A, %mul3A_1 : i32
    %scan3A = arith.constant 0 : i32
    %scan3A_3 = arith.constant 0 : i32
    %scan3A_4 = arith.constant 125 : i32
    %scan3A_5 = arith.addi %scan3A_3, %scan3A_4 : i32
    %scan3A_6 = arith.constant 1 : i32
    %scan3A_7 = scf.for %scan3A_18 = %scan3A_3 to %scan3A_5 step %scan3A_6 iter_args(%scan3A_19 = %scan3A) -> (i32)  : i32 {
      %mul3A_20 = arith.constant 80 : i32
      %mul3A_21 = arith.muli %scan3A_18, %mul3A_20 : i32
      %add3A_22 = arith.addi %mul3A_2, %mul3A_21 : i32
      %multiple_of3A = tpu.assume_multiple %add3A_22, 8 : i32
      %add3A_23 = arith.constant 320000 : i32
      %add3A_24 = arith.addi %add3A_23, %mul3A_2 : i32
      %mul3A_25 = arith.constant 80 : i32
      %mul3A_26 = arith.muli %scan3A_18, %mul3A_25 : i32
      %add3A_27 = arith.addi %add3A_24, %mul3A_26 : i32
      %multiple_of3A_28 = tpu.assume_multiple %add3A_27, 8 : i32
      "tpu.region"() ({
        %run_scoped3A = tpu.sem_alloc : memref<!tpu.dma_semaphore, #tpu.memory_space<semaphore_mem>>
        %dma_start3A_53 = tpu.memref_slice %arg3[%multiple_of3A] : memref<640000xi32, #tpu.memory_space<hbm>> -> memref<80xi32, #tpu.memory_space<hbm>>
        %dma_start3A_54 = tpu.memref_slice %arg3[%multiple_of3A] : memref<640000xi32, #tpu.memory_space<hbm>> -> memref<80xi32, #tpu.memory_space<hbm>>
        tpu.enqueue_dma source(%dma_start3A_54 : memref<80xi32, #tpu.memory_space<hbm>>) target(%arg6 : memref<80xi32, #tpu.memory_space<vmem>>) target_semaphore(%run_scoped3A : memref<!tpu.dma_semaphore, #tpu.memory_space<semaphore_mem>>)
        %dma_wait3A_55 = tpu.memref_slice %arg3[%multiple_of3A] : memref<640000xi32, #tpu.memory_space<hbm>> -> memref<80xi32, #tpu.memory_space<hbm>>
        %dma_wait3A_56 = tpu.memref_slice %arg3[%multiple_of3A] : memref<640000xi32, #tpu.memory_space<hbm>> -> memref<80xi32, #tpu.memory_space<hbm>>
        tpu.wait_dma2 semaphore(%run_scoped3A : memref<!tpu.dma_semaphore, #tpu.memory_space<semaphore_mem>>) src(%dma_wait3A_56 : memref<80xi32, #tpu.memory_space<hbm>>) dst(%arg6 : memref<80xi32, #tpu.memory_space<vmem>>)
        tpu.yield
      }) : () -> ()
      "tpu.region"() ({
        %run_scoped3A = tpu.sem_alloc : memref<!tpu.dma_semaphore, #tpu.memory_space<semaphore_mem>>
        %dma_start3A_53 = tpu.memref_slice %arg3[%multiple_of3A_28] : memref<640000xi32, #tpu.memory_space<hbm>> -> memref<80xi32, #tpu.memory_space<hbm>>
        %dma_start3A_54 = tpu.memref_slice %arg3[%multiple_of3A_28] : memref<640000xi32, #tpu.memory_space<hbm>> -> memref<80xi32, #tpu.memory_space<hbm>>
        tpu.enqueue_dma source(%dma_start3A_54 : memref<80xi32, #tpu.memory_space<hbm>>) target(%arg7 : memref<80xi32, #tpu.memory_space<vmem>>) target_semaphore(%run_scoped3A : memref<!tpu.dma_semaphore, #tpu.memory_space<semaphore_mem>>)
        %dma_wait3A_55 = tpu.memref_slice %arg3[%multiple_of3A_28] : memref<640000xi32, #tpu.memory_space<hbm>> -> memref<80xi32, #tpu.memory_space<hbm>>
        %dma_wait3A_56 = tpu.memref_slice %arg3[%multiple_of3A_28] : memref<640000xi32, #tpu.memory_space<hbm>> -> memref<80xi32, #tpu.memory_space<hbm>>
        tpu.wait_dma2 semaphore(%run_scoped3A : memref<!tpu.dma_semaphore, #tpu.memory_space<semaphore_mem>>) src(%dma_wait3A_56 : memref<80xi32, #tpu.memory_space<hbm>>) dst(%arg7 : memref<80xi32, #tpu.memory_space<vmem>>)
        tpu.yield
      }) : () -> ()
      %dma_start3A = arith.constant 0 : i32
      %dma_start3A_29 = arith.constant 0 : i32
      %dma_start3A_30 = tpu.memref_slice %arg2[%dma_start3A, %dma_start3A_29] : memref<10000x128xf32, #tpu.memory_space<hbm>> -> memref<10000x128xf32, #tpu.memory_space<hbm>>
      tpu.enqueue_indirect_dma source(%dma_start3A_30 : memref<10000x128xf32, #tpu.memory_space<hbm>>) target(%arg8 : memref<80x128xf32, #tpu.memory_space<vmem>>) offsets(%arg6 : memref<80xi32, #tpu.memory_space<vmem>>) semaphore(%arg11 : memref<!tpu.dma_semaphore, #tpu.memory_space<semaphore_mem>>)
      %dma_start3A_31 = arith.constant 0 : i32
      %dma_start3A_32 = arith.constant 0 : i32
      %dma_start3A_33 = tpu.memref_slice %arg2[%dma_start3A_31, %dma_start3A_32] : memref<10000x128xf32, #tpu.memory_space<hbm>> -> memref<10000x128xf32, #tpu.memory_space<hbm>>
      tpu.enqueue_indirect_dma source(%dma_start3A_33 : memref<10000x128xf32, #tpu.memory_space<hbm>>) target(%arg9 : memref<80x128xf32, #tpu.memory_space<vmem>>) offsets(%arg7 : memref<80xi32, #tpu.memory_space<vmem>>) semaphore(%arg11 : memref<!tpu.dma_semaphore, #tpu.memory_space<semaphore_mem>>)
      %dma_wait3A = arith.constant 0 : i32
      %dma_wait3A_34 = arith.constant 0 : i32
      %dma_wait3A_35 = tpu.memref_slice %arg2[%dma_wait3A, %dma_wait3A_34] : memref<10000x128xf32, #tpu.memory_space<hbm>> -> memref<10000x128xf32, #tpu.memory_space<hbm>>
      tpu.wait_indirect_dma semaphore(%arg11 : memref<!tpu.dma_semaphore, #tpu.memory_space<semaphore_mem>>) src(%dma_wait3A_35 : memref<10000x128xf32, #tpu.memory_space<hbm>>) dst(%arg8 : memref<80x128xf32, #tpu.memory_space<vmem>>)
      %dma_wait3A_36 = arith.constant 0 : i32
      %dma_wait3A_37 = arith.constant 0 : i32
      %dma_wait3A_38 = tpu.memref_slice %arg2[%dma_wait3A_36, %dma_wait3A_37] : memref<10000x128xf32, #tpu.memory_space<hbm>> -> memref<10000x128xf32, #tpu.memory_space<hbm>>
      tpu.wait_indirect_dma semaphore(%arg11 : memref<!tpu.dma_semaphore, #tpu.memory_space<semaphore_mem>>) src(%dma_wait3A_38 : memref<10000x128xf32, #tpu.memory_space<hbm>>) dst(%arg9 : memref<80x128xf32, #tpu.memory_space<vmem>>)
      %scan3A_39 = arith.constant 0 : i32
      %scan3A_40 = arith.constant 0 : i32
      %scan3A_41 = arith.constant 5 : i32
      %scan3A_42 = arith.addi %scan3A_40, %scan3A_41 : i32
      %scan3A_43 = arith.constant 1 : i32
      %scan3A_44 = scf.for %scan3A_53 = %scan3A_40 to %scan3A_42 step %scan3A_43 iter_args(%scan3A_54 = %scan3A_39) -> (i32)  : i32 {
        %mul3A_55 = arith.constant 16 : i32
        %mul3A_56 = arith.muli %scan3A_53, %mul3A_55 : i32
        %iota3A = tpu.iota {dimensions = array<i32: 0>} : vector<16xi32>
        %broadcast_in_dim3A = arith.constant 0.000000e+00 : f32
        %broadcast_in_dim3A_57 = vector.broadcast %broadcast_in_dim3A : f32 to vector<16xf32>
        %add3A_58 = arith.constant 0 : i32
        %add3A_59 = arith.addi %mul3A_56, %add3A_58 : i32
        %broadcast_in_dim3A_60 = arith.constant 0.000000e+00 : f32
        %broadcast_in_dim3A_61 = vector.broadcast %broadcast_in_dim3A_60 : f32 to vector<16xf32>
        %get3A = arith.index_cast %add3A_59 : i32 to index
        %get3A_62 = arith.constant 0 : index
        %get3A_63 = tpu.vector_load %arg8[%get3A, %get3A_62] {strides = array<i32>} : memref<80x128xf32, #tpu.memory_space<vmem>>, vector<16xf32>,
        %get3A_64 = arith.index_cast %add3A_59 : i32 to index
        %get3A_65 = arith.constant 0 : index
        %get3A_66 = tpu.vector_load %arg9[%get3A_64, %get3A_65] {strides = array<i32>} : memref<80x128xf32, #tpu.memory_space<vmem>>, vector<16xf32>,
        %mul3A_67 = arith.mulf %get3A_63, %get3A_66 : vector<16xf32>
        %add3A_68 = arith.addf %broadcast_in_dim3A_61, %mul3A_67 : vector<16xf32>
        %get3A_69 = arith.index_cast %add3A_59 : i32 to index
        %get3A_70 = arith.constant 16 : index
        %get3A_71 = tpu.vector_load %arg8[%get3A_69, %get3A_70] {strides = array<i32>} : memref<80x128xf32, #tpu.memory_space<vmem>>, vector<16xf32>,
        %get3A_72 = arith.index_cast %add3A_59 : i32 to index
        %get3A_73 = arith.constant 16 : index
        %get3A_74 = tpu.vector_load %arg9[%get3A_72, %get3A_73] {strides = array<i32>} : memref<80x128xf32, #tpu.memory_space<vmem>>, vector<16xf32>,
        %mul3A_75 = arith.mulf %get3A_71, %get3A_74 : vector<16xf32>
        %add3A_76 = arith.addf %add3A_68, %mul3A_75 : vector<16xf32>
        %get3A_77 = arith.index_cast %add3A_59 : i32 to index
        %get3A_78 = arith.constant 32 : index
        %get3A_79 = tpu.vector_load %arg8[%get3A_77, %get3A_78] {strides = array<i32>} : memref<80x128xf32, #tpu.memory_space<vmem>>, vector<16xf32>,
        %get3A_80 = arith.index_cast %add3A_59 : i32 to index
        %get3A_81 = arith.constant 32 : index
        %get3A_82 = tpu.vector_load %arg9[%get3A_80, %get3A_81] {strides = array<i32>} : memref<80x128xf32, #tpu.memory_space<vmem>>, vector<16xf32>,
        %mul3A_83 = arith.mulf %get3A_79, %get3A_82 : vector<16xf32>
        %add3A_84 = arith.addf %add3A_76, %mul3A_83 : vector<16xf32>
        %get3A_85 = arith.index_cast %add3A_59 : i32 to index
        %get3A_86 = arith.constant 48 : index
        %get3A_87 = tpu.vector_load %arg8[%get3A_85, %get3A_86] {strides = array<i32>} : memref<80x128xf32, #tpu.memory_space<vmem>>, vector<16xf32>,
        %get3A_88 = arith.index_cast %add3A_59 : i32 to index
        %get3A_89 = arith.constant 48 : index
        %get3A_90 = tpu.vector_load %arg9[%get3A_88, %get3A_89] {strides = array<i32>} : memref<80x128xf32, #tpu.memory_space<vmem>>, vector<16xf32>,
        %mul3A_91 = arith.mulf %get3A_87, %get3A_90 : vector<16xf32>
        %add3A_92 = arith.addf %add3A_84, %mul3A_91 : vector<16xf32>
        %get3A_93 = arith.index_cast %add3A_59 : i32 to index
        %get3A_94 = arith.constant 64 : index
        %get3A_95 = tpu.vector_load %arg8[%get3A_93, %get3A_94] {strides = array<i32>} : memref<80x128xf32, #tpu.memory_space<vmem>>, vector<16xf32>,
        %get3A_96 = arith.index_cast %add3A_59 : i32 to index
        %get3A_97 = arith.constant 64 : index
        %get3A_98 = tpu.vector_load %arg9[%get3A_96, %get3A_97] {strides = array<i32>} : memref<80x128xf32, #tpu.memory_space<vmem>>, vector<16xf32>,
        %mul3A_99 = arith.mulf %get3A_95, %get3A_98 : vector<16xf32>
        %add3A_100 = arith.addf %add3A_92, %mul3A_99 : vector<16xf32>
        %get3A_101 = arith.index_cast %add3A_59 : i32 to index
        %get3A_102 = arith.constant 80 : index
        %get3A_103 = tpu.vector_load %arg8[%get3A_101, %get3A_102] {strides = array<i32>} : memref<80x128xf32, #tpu.memory_space<vmem>>, vector<16xf32>,
        %get3A_104 = arith.index_cast %add3A_59 : i32 to index
        %get3A_105 = arith.constant 80 : index
        %get3A_106 = tpu.vector_load %arg9[%get3A_104, %get3A_105] {strides = array<i32>} : memref<80x128xf32, #tpu.memory_space<vmem>>, vector<16xf32>,
        %mul3A_107 = arith.mulf %get3A_103, %get3A_106 : vector<16xf32>
        %add3A_108 = arith.addf %add3A_100, %mul3A_107 : vector<16xf32>
        %get3A_109 = arith.index_cast %add3A_59 : i32 to index
        %get3A_110 = arith.constant 96 : index
        %get3A_111 = tpu.vector_load %arg8[%get3A_109, %get3A_110] {strides = array<i32>} : memref<80x128xf32, #tpu.memory_space<vmem>>, vector<16xf32>,
        %get3A_112 = arith.index_cast %add3A_59 : i32 to index
        %get3A_113 = arith.constant 96 : index
        %get3A_114 = tpu.vector_load %arg9[%get3A_112, %get3A_113] {strides = array<i32>} : memref<80x128xf32, #tpu.memory_space<vmem>>, vector<16xf32>,
        %mul3A_115 = arith.mulf %get3A_111, %get3A_114 : vector<16xf32>
        %add3A_116 = arith.addf %add3A_108, %mul3A_115 : vector<16xf32>
        %get3A_117 = arith.index_cast %add3A_59 : i32 to index
        %get3A_118 = arith.constant 112 : index
        %get3A_119 = tpu.vector_load %arg8[%get3A_117, %get3A_118] {strides = array<i32>} : memref<80x128xf32, #tpu.memory_space<vmem>>, vector<16xf32>,
        %get3A_120 = arith.index_cast %add3A_59 : i32 to index
        %get3A_121 = arith.constant 112 : index
        %get3A_122 = tpu.vector_load %arg9[%get3A_120, %get3A_121] {strides = array<i32>} : memref<80x128xf32, #tpu.memory_space<vmem>>, vector<16xf32>,
        %mul3A_123 = arith.mulf %get3A_119, %get3A_122 : vector<16xf32>
        %add3A_124 = arith.addf %add3A_116, %mul3A_123 : vector<16xf32>
        %reduce_sum3A = arith.constant true
        %reduce_sum3A_125 = vector.broadcast %reduce_sum3A : i1 to vector<16xi1>
        %reduce_sum3A_126 = tpu.scan <sum>, %add3A_124 masked %reduce_sum3A_125 : vector<16xf32>, vector<16xi1> -> vector<16xf32>
        %reduce_sum3A_127 = vector.extract %reduce_sum3A_126[15] : f32 from vector<16xf32>
        %eq3A = arith.constant 0 : i32
        %eq3A_128 = vector.broadcast %eq3A : i32 to vector<16xi32>
        %eq3A_129 = arith.cmpi eq, %iota3A, %eq3A_128 : vector<16xi32>
        %broadcast_in_dim3A_130 = vector.broadcast %reduce_sum3A_127 : f32 to vector<16xf32>
        %select_n3A = arith.select %eq3A_129, %broadcast_in_dim3A_130, %broadcast_in_dim3A_57 : vector<16xi1>, vector<16xf32>
        %add3A_131 = arith.constant 1 : i32
        %add3A_132 = arith.addi %mul3A_56, %add3A_131 : i32
        %broadcast_in_dim3A_133 = arith.constant 0.000000e+00 : f32
        %broadcast_in_dim3A_134 = vector.broadcast %broadcast_in_dim3A_133 : f32 to vector<16xf32>
        %get3A_135 = arith.index_cast %add3A_132 : i32 to index
        %get3A_136 = arith.constant 0 : index
        %get3A_137 = tpu.vector_load %arg8[%get3A_135, %get3A_136] {strides = array<i32>} : memref<80x128xf32, #tpu.memory_space<vmem>>, vector<16xf32>,
        %get3A_138 = arith.index_cast %add3A_132 : i32 to index
        %get3A_139 = arith.constant 0 : index
        %get3A_140 = tpu.vector_load %arg9[%get3A_138, %get3A_139] {strides = array<i32>} : memref<80x128xf32, #tpu.memory_space<vmem>>, vector<16xf32>,
        %mul3A_141 = arith.mulf %get3A_137, %get3A_140 : vector<16xf32>
        %add3A_142 = arith.addf %broadcast_in_dim3A_134, %mul3A_141 : vector<16xf32>
        %get3A_143 = arith.index_cast %add3A_132 : i32 to index
        %get3A_144 = arith.constant 16 : index
        %get3A_145 = tpu.vector_load %arg8[%get3A_143, %get3A_144] {strides = array<i32>} : memref<80x128xf32, #tpu.memory_space<vmem>>, vector<16xf32>,
        %get3A_146 = arith.index_cast %add3A_132 : i32 to index
        %get3A_147 = arith.constant 16 : index
        %get3A_148 = tpu.vector_load %arg9[%get3A_146, %get3A_147] {strides = array<i32>} : memref<80x128xf32, #tpu.memory_space<vmem>>, vector<16xf32>,
        %mul3A_149 = arith.mulf %get3A_145, %get3A_148 : vector<16xf32>
        %add3A_150 = arith.addf %add3A_142, %mul3A_149 : vector<16xf32>
        %get3A_151 = arith.index_cast %add3A_132 : i32 to index
        %get3A_152 = arith.constant 32 : index
        %get3A_153 = tpu.vector_load %arg8[%get3A_151, %get3A_152] {strides = array<i32>} : memref<80x128xf32, #tpu.memory_space<vmem>>, vector<16xf32>,
        %get3A_154 = arith.index_cast %add3A_132 : i32 to index
        %get3A_155 = arith.constant 32 : index
        %get3A_156 = tpu.vector_load %arg9[%get3A_154, %get3A_155] {strides = array<i32>} : memref<80x128xf32, #tpu.memory_space<vmem>>, vector<16xf32>,
        %mul3A_157 = arith.mulf %get3A_153, %get3A_156 : vector<16xf32>
        %add3A_158 = arith.addf %add3A_150, %mul3A_157 : vector<16xf32>
        %get3A_159 = arith.index_cast %add3A_132 : i32 to index
        %get3A_160 = arith.constant 48 : index
        %get3A_161 = tpu.vector_load %arg8[%get3A_159, %get3A_160] {strides = array<i32>} : memref<80x128xf32, #tpu.memory_space<vmem>>, vector<16xf32>,
        %get3A_162 = arith.index_cast %add3A_132 : i32 to index
        %get3A_163 = arith.constant 48 : index
        %get3A_164 = tpu.vector_load %arg9[%get3A_162, %get3A_163] {strides = array<i32>} : memref<80x128xf32, #tpu.memory_space<vmem>>, vector<16xf32>,
        %mul3A_165 = arith.mulf %get3A_161, %get3A_164 : vector<16xf32>
        %add3A_166 = arith.addf %add3A_158, %mul3A_165 : vector<16xf32>
        %get3A_167 = arith.index_cast %add3A_132 : i32 to index
        %get3A_168 = arith.constant 64 : index
        %get3A_169 = tpu.vector_load %arg8[%get3A_167, %get3A_168] {strides = array<i32>} : memref<80x128xf32, #tpu.memory_space<vmem>>, vector<16xf32>,
        %get3A_170 = arith.index_cast %add3A_132 : i32 to index
        %get3A_171 = arith.constant 64 : index
        %get3A_172 = tpu.vector_load %arg9[%get3A_170, %get3A_171] {strides = array<i32>} : memref<80x128xf32, #tpu.memory_space<vmem>>, vector<16xf32>,
        %mul3A_173 = arith.mulf %get3A_169, %get3A_172 : vector<16xf32>
        %add3A_174 = arith.addf %add3A_166, %mul3A_173 : vector<16xf32>
        %get3A_175 = arith.index_cast %add3A_132 : i32 to index
        %get3A_176 = arith.constant 80 : index
        %get3A_177 = tpu.vector_load %arg8[%get3A_175, %get3A_176] {strides = array<i32>} : memref<80x128xf32, #tpu.memory_space<vmem>>, vector<16xf32>,
        %get3A_178 = arith.index_cast %add3A_132 : i32 to index
        %get3A_179 = arith.constant 80 : index
        %get3A_180 = tpu.vector_load %arg9[%get3A_178, %get3A_179] {strides = array<i32>} : memref<80x128xf32, #tpu.memory_space<vmem>>, vector<16xf32>,
        %mul3A_181 = arith.mulf %get3A_177, %get3A_180 : vector<16xf32>
        %add3A_182 = arith.addf %add3A_174, %mul3A_181 : vector<16xf32>
        %get3A_183 = arith.index_cast %add3A_132 : i32 to index
        %get3A_184 = arith.constant 96 : index
        %get3A_185 = tpu.vector_load %arg8[%get3A_183, %get3A_184] {strides = array<i32>} : memref<80x128xf32, #tpu.memory_space<vmem>>, vector<16xf32>,
        %get3A_186 = arith.index_cast %add3A_132 : i32 to index
        %get3A_187 = arith.constant 96 : index
        %get3A_188 = tpu.vector_load %arg9[%get3A_186, %get3A_187] {strides = array<i32>} : memref<80x128xf32, #tpu.memory_space<vmem>>, vector<16xf32>,
        %mul3A_189 = arith.mulf %get3A_185, %get3A_188 : vector<16xf32>
        %add3A_190 = arith.addf %add3A_182, %mul3A_189 : vector<16xf32>
        %get3A_191 = arith.index_cast %add3A_132 : i32 to index
        %get3A_192 = arith.constant 112 : index
        %get3A_193 = tpu.vector_load %arg8[%get3A_191, %get3A_192] {strides = array<i32>} : memref<80x128xf32, #tpu.memory_space<vmem>>, vector<16xf32>,
        %get3A_194 = arith.index_cast %add3A_132 : i32 to index
        %get3A_195 = arith.constant 112 : index
        %get3A_196 = tpu.vector_load %arg9[%get3A_194, %get3A_195] {strides = array<i32>} : memref<80x128xf32, #tpu.memory_space<vmem>>, vector<16xf32>,
        %mul3A_197 = arith.mulf %get3A_193, %get3A_196 : vector<16xf32>
        %add3A_198 = arith.addf %add3A_190, %mul3A_197 : vector<16xf32>
        %reduce_sum3A_199 = arith.constant true
        %reduce_sum3A_200 = vector.broadcast %reduce_sum3A_199 : i1 to vector<16xi1>
        %reduce_sum3A_201 = tpu.scan <sum>, %add3A_198 masked %reduce_sum3A_200 : vector<16xf32>, vector<16xi1> -> vector<16xf32>
        %reduce_sum3A_202 = vector.extract %reduce_sum3A_201[15] : f32 from vector<16xf32>
        %eq3A_203 = arith.constant 1 : i32
        %eq3A_204 = vector.broadcast %eq3A_203 : i32 to vector<16xi32>
        %eq3A_205 = arith.cmpi eq, %iota3A, %eq3A_204 : vector<16xi32>
        %broadcast_in_dim3A_206 = vector.broadcast %reduce_sum3A_202 : f32 to vector<16xf32>
        %select_n3A_207 = arith.select %eq3A_205, %broadcast_in_dim3A_206, %select_n3A : vector<16xi1>, vector<16xf32>
        %add3A_208 = arith.constant 2 : i32
        %add3A_209 = arith.addi %mul3A_56, %add3A_208 : i32
        %broadcast_in_dim3A_210 = arith.constant 0.000000e+00 : f32
        %broadcast_in_dim3A_211 = vector.broadcast %broadcast_in_dim3A_210 : f32 to vector<16xf32>
        %get3A_212 = arith.index_cast %add3A_209 : i32 to index
        %get3A_213 = arith.constant 0 : index
        %get3A_214 = tpu.vector_load %arg8[%get3A_212, %get3A_213] {strides = array<i32>} : memref<80x128xf32, #tpu.memory_space<vmem>>, vector<16xf32>,
        %get3A_215 = arith.index_cast %add3A_209 : i32 to index
        %get3A_216 = arith.constant 0 : index
        %get3A_217 = tpu.vector_load %arg9[%get3A_215, %get3A_216] {strides = array<i32>} : memref<80x128xf32, #tpu.memory_space<vmem>>, vector<16xf32>,
        %mul3A_218 = arith.mulf %get3A_214, %get3A_217 : vector<16xf32>
        %add3A_219 = arith.addf %broadcast_in_dim3A_211, %mul3A_218 : vector<16xf32>
        %get3A_220 = arith.index_cast %add3A_209 : i32 to index
        %get3A_221 = arith.constant 16 : index
        %get3A_222 = tpu.vector_load %arg8[%get3A_220, %get3A_221] {strides = array<i32>} : memref<80x128xf32, #tpu.memory_space<vmem>>, vector<16xf32>,
        %get3A_223 = arith.index_cast %add3A_209 : i32 to index
        %get3A_224 = arith.constant 16 : index
        %get3A_225 = tpu.vector_load %arg9[%get3A_223, %get3A_224] {strides = array<i32>} : memref<80x128xf32, #tpu.memory_space<vmem>>, vector<16xf32>,
        %mul3A_226 = arith.mulf %get3A_222, %get3A_225 : vector<16xf32>
        %add3A_227 = arith.addf %add3A_219, %mul3A_226 : vector<16xf32>
        %get3A_228 = arith.index_cast %add3A_209 : i32 to index
        %get3A_229 = arith.constant 32 : index
        %get3A_230 = tpu.vector_load %arg8[%get3A_228, %get3A_229] {strides = array<i32>} : memref<80x128xf32, #tpu.memory_space<vmem>>, vector<16xf32>,
        %get3A_231 = arith.index_cast %add3A_209 : i32 to index
        %get3A_232 = arith.constant 32 : index
        %get3A_233 = tpu.vector_load %arg9[%get3A_231, %get3A_232] {strides = array<i32>} : memref<80x128xf32, #tpu.memory_space<vmem>>, vector<16xf32>,
        %mul3A_234 = arith.mulf %get3A_230, %get3A_233 : vector<16xf32>
        %add3A_235 = arith.addf %add3A_227, %mul3A_234 : vector<16xf32>
        %get3A_236 = arith.index_cast %add3A_209 : i32 to index
        %get3A_237 = arith.constant 48 : index
        %get3A_238 = tpu.vector_load %arg8[%get3A_236, %get3A_237] {strides = array<i32>} : memref<80x128xf32, #tpu.memory_space<vmem>>, vector<16xf32>,
        %get3A_239 = arith.index_cast %add3A_209 : i32 to index
        %get3A_240 = arith.constant 48 : index
        %get3A_241 = tpu.vector_load %arg9[%get3A_239, %get3A_240] {strides = array<i32>} : memref<80x128xf32, #tpu.memory_space<vmem>>, vector<16xf32>,
        %mul3A_242 = arith.mulf %get3A_238, %get3A_241 : vector<16xf32>
        %add3A_243 = arith.addf %add3A_235, %mul3A_242 : vector<16xf32>
        %get3A_244 = arith.index_cast %add3A_209 : i32 to index
        %get3A_245 = arith.constant 64 : index
        %get3A_246 = tpu.vector_load %arg8[%get3A_244, %get3A_245] {strides = array<i32>} : memref<80x128xf32, #tpu.memory_space<vmem>>, vector<16xf32>,
        %get3A_247 = arith.index_cast %add3A_209 : i32 to index
        %get3A_248 = arith.constant 64 : index
        %get3A_249 = tpu.vector_load %arg9[%get3A_247, %get3A_248] {strides = array<i32>} : memref<80x128xf32, #tpu.memory_space<vmem>>, vector<16xf32>,
        %mul3A_250 = arith.mulf %get3A_246, %get3A_249 : vector<16xf32>
        %add3A_251 = arith.addf %add3A_243, %mul3A_250 : vector<16xf32>
        %get3A_252 = arith.index_cast %add3A_209 : i32 to index
        %get3A_253 = arith.constant 80 : index
        %get3A_254 = tpu.vector_load %arg8[%get3A_252, %get3A_253] {strides = array<i32>} : memref<80x128xf32, #tpu.memory_space<vmem>>, vector<16xf32>,
        %get3A_255 = arith.index_cast %add3A_209 : i32 to index
        %get3A_256 = arith.constant 80 : index
        %get3A_257 = tpu.vector_load %arg9[%get3A_255, %get3A_256] {strides = array<i32>} : memref<80x128xf32, #tpu.memory_space<vmem>>, vector<16xf32>,
        %mul3A_258 = arith.mulf %get3A_254, %get3A_257 : vector<16xf32>
        %add3A_259 = arith.addf %add3A_251, %mul3A_258 : vector<16xf32>
        %get3A_260 = arith.index_cast %add3A_209 : i32 to index
        %get3A_261 = arith.constant 96 : index
        %get3A_262 = tpu.vector_load %arg8[%get3A_260, %get3A_261] {strides = array<i32>} : memref<80x128xf32, #tpu.memory_space<vmem>>, vector<16xf32>,
        %get3A_263 = arith.index_cast %add3A_209 : i32 to index
        %get3A_264 = arith.constant 96 : index
        %get3A_265 = tpu.vector_load %arg9[%get3A_263, %get3A_264] {strides = array<i32>} : memref<80x128xf32, #tpu.memory_space<vmem>>, vector<16xf32>,
        %mul3A_266 = arith.mulf %get3A_262, %get3A_265 : vector<16xf32>
        %add3A_267 = arith.addf %add3A_259, %mul3A_266 : vector<16xf32>
        %get3A_268 = arith.index_cast %add3A_209 : i32 to index
        %get3A_269 = arith.constant 112 : index
        %get3A_270 = tpu.vector_load %arg8[%get3A_268, %get3A_269] {strides = array<i32>} : memref<80x128xf32, #tpu.memory_space<vmem>>, vector<16xf32>,
        %get3A_271 = arith.index_cast %add3A_209 : i32 to index
        %get3A_272 = arith.constant 112 : index
        %get3A_273 = tpu.vector_load %arg9[%get3A_271, %get3A_272] {strides = array<i32>} : memref<80x128xf32, #tpu.memory_space<vmem>>, vector<16xf32>,
        %mul3A_274 = arith.mulf %get3A_270, %get3A_273 : vector<16xf32>
        %add3A_275 = arith.addf %add3A_267, %mul3A_274 : vector<16xf32>
        %reduce_sum3A_276 = arith.constant true
        %reduce_sum3A_277 = vector.broadcast %reduce_sum3A_276 : i1 to vector<16xi1>
        %reduce_sum3A_278 = tpu.scan <sum>, %add3A_275 masked %reduce_sum3A_277 : vector<16xf32>, vector<16xi1> -> vector<16xf32>
        %reduce_sum3A_279 = vector.extract %reduce_sum3A_278[15] : f32 from vector<16xf32>
        %eq3A_280 = arith.constant 2 : i32
        %eq3A_281 = vector.broadcast %eq3A_280 : i32 to vector<16xi32>
        %eq3A_282 = arith.cmpi eq, %iota3A, %eq3A_281 : vector<16xi32>
        %broadcast_in_dim3A_283 = vector.broadcast %reduce_sum3A_279 : f32 to vector<16xf32>
        %select_n3A_284 = arith.select %eq3A_282, %broadcast_in_dim3A_283, %select_n3A_207 : vector<16xi1>, vector<16xf32>
        %add3A_285 = arith.constant 3 : i32
        %add3A_286 = arith.addi %mul3A_56, %add3A_285 : i32
        %broadcast_in_dim3A_287 = arith.constant 0.000000e+00 : f32
        %broadcast_in_dim3A_288 = vector.broadcast %broadcast_in_dim3A_287 : f32 to vector<16xf32>
        %get3A_289 = arith.index_cast %add3A_286 : i32 to index
        %get3A_290 = arith.constant 0 : index
        %get3A_291 = tpu.vector_load %arg8[%get3A_289, %get3A_290] {strides = array<i32>} : memref<80x128xf32, #tpu.memory_space<vmem>>, vector<16xf32>,
        %get3A_292 = arith.index_cast %add3A_286 : i32 to index
        %get3A_293 = arith.constant 0 : index
        %get3A_294 = tpu.vector_load %arg9[%get3A_292, %get3A_293] {strides = array<i32>} : memref<80x128xf32, #tpu.memory_space<vmem>>, vector<16xf32>,
        %mul3A_295 = arith.mulf %get3A_291, %get3A_294 : vector<16xf32>
        %add3A_296 = arith.addf %broadcast_in_dim3A_288, %mul3A_295 : vector<16xf32>
        %get3A_297 = arith.index_cast %add3A_286 : i32 to index
        %get3A_298 = arith.constant 16 : index
        %get3A_299 = tpu.vector_load %arg8[%get3A_297, %get3A_298] {strides = array<i32>} : memref<80x128xf32, #tpu.memory_space<vmem>>, vector<16xf32>,
        %get3A_300 = arith.index_cast %add3A_286 : i32 to index
        %get3A_301 = arith.constant 16 : index
        %get3A_302 = tpu.vector_load %arg9[%get3A_300, %get3A_301] {strides = array<i32>} : memref<80x128xf32, #tpu.memory_space<vmem>>, vector<16xf32>,
        %mul3A_303 = arith.mulf %get3A_299, %get3A_302 : vector<16xf32>
        %add3A_304 = arith.addf %add3A_296, %mul3A_303 : vector<16xf32>
        %get3A_305 = arith.index_cast %add3A_286 : i32 to index
        %get3A_306 = arith.constant 32 : index
        %get3A_307 = tpu.vector_load %arg8[%get3A_305, %get3A_306] {strides = array<i32>} : memref<80x128xf32, #tpu.memory_space<vmem>>, vector<16xf32>,
        %get3A_308 = arith.index_cast %add3A_286 : i32 to index
        %get3A_309 = arith.constant 32 : index
        %get3A_310 = tpu.vector_load %arg9[%get3A_308, %get3A_309] {strides = array<i32>} : memref<80x128xf32, #tpu.memory_space<vmem>>, vector<16xf32>,
        %mul3A_311 = arith.mulf %get3A_307, %get3A_310 : vector<16xf32>
        %add3A_312 = arith.addf %add3A_304, %mul3A_311 : vector<16xf32>
        %get3A_313 = arith.index_cast %add3A_286 : i32 to index
        %get3A_314 = arith.constant 48 : index
        %get3A_315 = tpu.vector_load %arg8[%get3A_313, %get3A_314] {strides = array<i32>} : memref<80x128xf32, #tpu.memory_space<vmem>>, vector<16xf32>,
        %get3A_316 = arith.index_cast %add3A_286 : i32 to index
        %get3A_317 = arith.constant 48 : index
        %get3A_318 = tpu.vector_load %arg9[%get3A_316, %get3A_317] {strides = array<i32>} : memref<80x128xf32, #tpu.memory_space<vmem>>, vector<16xf32>,
        %mul3A_319 = arith.mulf %get3A_315, %get3A_318 : vector<16xf32>
        %add3A_320 = arith.addf %add3A_312, %mul3A_319 : vector<16xf32>
        %get3A_321 = arith.index_cast %add3A_286 : i32 to index
        %get3A_322 = arith.constant 64 : index
        %get3A_323 = tpu.vector_load %arg8[%get3A_321, %get3A_322] {strides = array<i32>} : memref<80x128xf32, #tpu.memory_space<vmem>>, vector<16xf32>,
        %get3A_324 = arith.index_cast %add3A_286 : i32 to index
        %get3A_325 = arith.constant 64 : index
        %get3A_326 = tpu.vector_load %arg9[%get3A_324, %get3A_325] {strides = array<i32>} : memref<80x128xf32, #tpu.memory_space<vmem>>, vector<16xf32>,
        %mul3A_327 = arith.mulf %get3A_323, %get3A_326 : vector<16xf32>
        %add3A_328 = arith.addf %add3A_320, %mul3A_327 : vector<16xf32>
        %get3A_329 = arith.index_cast %add3A_286 : i32 to index
        %get3A_330 = arith.constant 80 : index
        %get3A_331 = tpu.vector_load %arg8[%get3A_329, %get3A_330] {strides = array<i32>} : memref<80x128xf32, #tpu.memory_space<vmem>>, vector<16xf32>,
        %get3A_332 = arith.index_cast %add3A_286 : i32 to index
        %get3A_333 = arith.constant 80 : index
        %get3A_334 = tpu.vector_load %arg9[%get3A_332, %get3A_333] {strides = array<i32>} : memref<80x128xf32, #tpu.memory_space<vmem>>, vector<16xf32>,
        %mul3A_335 = arith.mulf %get3A_331, %get3A_334 : vector<16xf32>
        %add3A_336 = arith.addf %add3A_328, %mul3A_335 : vector<16xf32>
        %get3A_337 = arith.index_cast %add3A_286 : i32 to index
        %get3A_338 = arith.constant 96 : index
        %get3A_339 = tpu.vector_load %arg8[%get3A_337, %get3A_338] {strides = array<i32>} : memref<80x128xf32, #tpu.memory_space<vmem>>, vector<16xf32>,
        %get3A_340 = arith.index_cast %add3A_286 : i32 to index
        %get3A_341 = arith.constant 96 : index
        %get3A_342 = tpu.vector_load %arg9[%get3A_340, %get3A_341] {strides = array<i32>} : memref<80x128xf32, #tpu.memory_space<vmem>>, vector<16xf32>,
        %mul3A_343 = arith.mulf %get3A_339, %get3A_342 : vector<16xf32>
        %add3A_344 = arith.addf %add3A_336, %mul3A_343 : vector<16xf32>
        %get3A_345 = arith.index_cast %add3A_286 : i32 to index
        %get3A_346 = arith.constant 112 : index
        %get3A_347 = tpu.vector_load %arg8[%get3A_345, %get3A_346] {strides = array<i32>} : memref<80x128xf32, #tpu.memory_space<vmem>>, vector<16xf32>,
        %get3A_348 = arith.index_cast %add3A_286 : i32 to index
        %get3A_349 = arith.constant 112 : index
        %get3A_350 = tpu.vector_load %arg9[%get3A_348, %get3A_349] {strides = array<i32>} : memref<80x128xf32, #tpu.memory_space<vmem>>, vector<16xf32>,
        %mul3A_351 = arith.mulf %get3A_347, %get3A_350 : vector<16xf32>
        %add3A_352 = arith.addf %add3A_344, %mul3A_351 : vector<16xf32>
        %reduce_sum3A_353 = arith.constant true
        %reduce_sum3A_354 = vector.broadcast %reduce_sum3A_353 : i1 to vector<16xi1>
        %reduce_sum3A_355 = tpu.scan <sum>, %add3A_352 masked %reduce_sum3A_354 : vector<16xf32>, vector<16xi1> -> vector<16xf32>
        %reduce_sum3A_356 = vector.extract %reduce_sum3A_355[15] : f32 from vector<16xf32>
        %eq3A_357 = arith.constant 3 : i32
        %eq3A_358 = vector.broadcast %eq3A_357 : i32 to vector<16xi32>
        %eq3A_359 = arith.cmpi eq, %iota3A, %eq3A_358 : vector<16xi32>
        %broadcast_in_dim3A_360 = vector.broadcast %reduce_sum3A_356 : f32 to vector<16xf32>
        %select_n3A_361 = arith.select %eq3A_359, %broadcast_in_dim3A_360, %select_n3A_284 : vector<16xi1>, vector<16xf32>
        %add3A_362 = arith.constant 4 : i32
        %add3A_363 = arith.addi %mul3A_56, %add3A_362 : i32
        %broadcast_in_dim3A_364 = arith.constant 0.000000e+00 : f32
        %broadcast_in_dim3A_365 = vector.broadcast %broadcast_in_dim3A_364 : f32 to vector<16xf32>
        %get3A_366 = arith.index_cast %add3A_363 : i32 to index
        %get3A_367 = arith.constant 0 : index
        %get3A_368 = tpu.vector_load %arg8[%get3A_366, %get3A_367] {strides = array<i32>} : memref<80x128xf32, #tpu.memory_space<vmem>>, vector<16xf32>,
        %get3A_369 = arith.index_cast %add3A_363 : i32 to index
        %get3A_370 = arith.constant 0 : index
        %get3A_371 = tpu.vector_load %arg9[%get3A_369, %get3A_370] {strides = array<i32>} : memref<80x128xf32, #tpu.memory_space<vmem>>, vector<16xf32>,
        %mul3A_372 = arith.mulf %get3A_368, %get3A_371 : vector<16xf32>
        %add3A_373 = arith.addf %broadcast_in_dim3A_365, %mul3A_372 : vector<16xf32>
        %get3A_374 = arith.index_cast %add3A_363 : i32 to index
        %get3A_375 = arith.constant 16 : index
        %get3A_376 = tpu.vector_load %arg8[%get3A_374, %get3A_375] {strides = array<i32>} : memref<80x128xf32, #tpu.memory_space<vmem>>, vector<16xf32>,
        %get3A_377 = arith.index_cast %add3A_363 : i32 to index
        %get3A_378 = arith.constant 16 : index
        %get3A_379 = tpu.vector_load %arg9[%get3A_377, %get3A_378] {strides = array<i32>} : memref<80x128xf32, #tpu.memory_space<vmem>>, vector<16xf32>,
        %mul3A_380 = arith.mulf %get3A_376, %get3A_379 : vector<16xf32>
        %add3A_381 = arith.addf %add3A_373, %mul3A_380 : vector<16xf32>
        %get3A_382 = arith.index_cast %add3A_363 : i32 to index
        %get3A_383 = arith.constant 32 : index
        %get3A_384 = tpu.vector_load %arg8[%get3A_382, %get3A_383] {strides = array<i32>} : memref<80x128xf32, #tpu.memory_space<vmem>>, vector<16xf32>,
        %get3A_385 = arith.index_cast %add3A_363 : i32 to index
        %get3A_386 = arith.constant 32 : index
        %get3A_387 = tpu.vector_load %arg9[%get3A_385, %get3A_386] {strides = array<i32>} : memref<80x128xf32, #tpu.memory_space<vmem>>, vector<16xf32>,
        %mul3A_388 = arith.mulf %get3A_384, %get3A_387 : vector<16xf32>
        %add3A_389 = arith.addf %add3A_381, %mul3A_388 : vector<16xf32>
        %get3A_390 = arith.index_cast %add3A_363 : i32 to index
        %get3A_391 = arith.constant 48 : index
        %get3A_392 = tpu.vector_load %arg8[%get3A_390, %get3A_391] {strides = array<i32>} : memref<80x128xf32, #tpu.memory_space<vmem>>, vector<16xf32>,
        %get3A_393 = arith.index_cast %add3A_363 : i32 to index
        %get3A_394 = arith.constant 48 : index
        %get3A_395 = tpu.vector_load %arg9[%get3A_393, %get3A_394] {strides = array<i32>} : memref<80x128xf32, #tpu.memory_space<vmem>>, vector<16xf32>,
        %mul3A_396 = arith.mulf %get3A_392, %get3A_395 : vector<16xf32>
        %add3A_397 = arith.addf %add3A_389, %mul3A_396 : vector<16xf32>
        %get3A_398 = arith.index_cast %add3A_363 : i32 to index
        %get3A_399 = arith.constant 64 : index
        %get3A_400 = tpu.vector_load %arg8[%get3A_398, %get3A_399] {strides = array<i32>} : memref<80x128xf32, #tpu.memory_space<vmem>>, vector<16xf32>,
        %get3A_401 = arith.index_cast %add3A_363 : i32 to index
        %get3A_402 = arith.constant 64 : index
        %get3A_403 = tpu.vector_load %arg9[%get3A_401, %get3A_402] {strides = array<i32>} : memref<80x128xf32, #tpu.memory_space<vmem>>, vector<16xf32>,
        %mul3A_404 = arith.mulf %get3A_400, %get3A_403 : vector<16xf32>
        %add3A_405 = arith.addf %add3A_397, %mul3A_404 : vector<16xf32>
        %get3A_406 = arith.index_cast %add3A_363 : i32 to index
        %get3A_407 = arith.constant 80 : index
        %get3A_408 = tpu.vector_load %arg8[%get3A_406, %get3A_407] {strides = array<i32>} : memref<80x128xf32, #tpu.memory_space<vmem>>, vector<16xf32>,
        %get3A_409 = arith.index_cast %add3A_363 : i32 to index
        %get3A_410 = arith.constant 80 : index
        %get3A_411 = tpu.vector_load %arg9[%get3A_409, %get3A_410] {strides = array<i32>} : memref<80x128xf32, #tpu.memory_space<vmem>>, vector<16xf32>,
        %mul3A_412 = arith.mulf %get3A_408, %get3A_411 : vector<16xf32>
        %add3A_413 = arith.addf %add3A_405, %mul3A_412 : vector<16xf32>
        %get3A_414 = arith.index_cast %add3A_363 : i32 to index
        %get3A_415 = arith.constant 96 : index
        %get3A_416 = tpu.vector_load %arg8[%get3A_414, %get3A_415] {strides = array<i32>} : memref<80x128xf32, #tpu.memory_space<vmem>>, vector<16xf32>,
        %get3A_417 = arith.index_cast %add3A_363 : i32 to index
        %get3A_418 = arith.constant 96 : index
        %get3A_419 = tpu.vector_load %arg9[%get3A_417, %get3A_418] {strides = array<i32>} : memref<80x128xf32, #tpu.memory_space<vmem>>, vector<16xf32>,
        %mul3A_420 = arith.mulf %get3A_416, %get3A_419 : vector<16xf32>
        %add3A_421 = arith.addf %add3A_413, %mul3A_420 : vector<16xf32>
        %get3A_422 = arith.index_cast %add3A_363 : i32 to index
        %get3A_423 = arith.constant 112 : index
        %get3A_424 = tpu.vector_load %arg8[%get3A_422, %get3A_423] {strides = array<i32>} : memref<80x128xf32, #tpu.memory_space<vmem>>, vector<16xf32>,
        %get3A_425 = arith.index_cast %add3A_363 : i32 to index
        %get3A_426 = arith.constant 112 : index
        %get3A_427 = tpu.vector_load %arg9[%get3A_425, %get3A_426] {strides = array<i32>} : memref<80x128xf32, #tpu.memory_space<vmem>>, vector<16xf32>,
        %mul3A_428 = arith.mulf %get3A_424, %get3A_427 : vector<16xf32>
        %add3A_429 = arith.addf %add3A_421, %mul3A_428 : vector<16xf32>
        %reduce_sum3A_430 = arith.constant true
        %reduce_sum3A_431 = vector.broadcast %reduce_sum3A_430 : i1 to vector<16xi1>
        %reduce_sum3A_432 = tpu.scan <sum>, %add3A_429 masked %reduce_sum3A_431 : vector<16xf32>, vector<16xi1> -> vector<16xf32>
        %reduce_sum3A_433 = vector.extract %reduce_sum3A_432[15] : f32 from vector<16xf32>
        %eq3A_434 = arith.constant 4 : i32
        %eq3A_435 = vector.broadcast %eq3A_434 : i32 to vector<16xi32>
        %eq3A_436 = arith.cmpi eq, %iota3A, %eq3A_435 : vector<16xi32>
        %broadcast_in_dim3A_437 = vector.broadcast %reduce_sum3A_433 : f32 to vector<16xf32>
        %select_n3A_438 = arith.select %eq3A_436, %broadcast_in_dim3A_437, %select_n3A_361 : vector<16xi1>, vector<16xf32>
        %add3A_439 = arith.constant 5 : i32
        %add3A_440 = arith.addi %mul3A_56, %add3A_439 : i32
        %broadcast_in_dim3A_441 = arith.constant 0.000000e+00 : f32
        %broadcast_in_dim3A_442 = vector.broadcast %broadcast_in_dim3A_441 : f32 to vector<16xf32>
        %get3A_443 = arith.index_cast %add3A_440 : i32 to index
        %get3A_444 = arith.constant 0 : index
        %get3A_445 = tpu.vector_load %arg8[%get3A_443, %get3A_444] {strides = array<i32>} : memref<80x128xf32, #tpu.memory_space<vmem>>, vector<16xf32>,
        %get3A_446 = arith.index_cast %add3A_440 : i32 to index
        %get3A_447 = arith.constant 0 : index
        %get3A_448 = tpu.vector_load %arg9[%get3A_446, %get3A_447] {strides = array<i32>} : memref<80x128xf32, #tpu.memory_space<vmem>>, vector<16xf32>,
        %mul3A_449 = arith.mulf %get3A_445, %get3A_448 : vector<16xf32>
        %add3A_450 = arith.addf %broadcast_in_dim3A_442, %mul3A_449 : vector<16xf32>
        %get3A_451 = arith.index_cast %add3A_440 : i32 to index
        %get3A_452 = arith.constant 16 : index
        %get3A_453 = tpu.vector_load %arg8[%get3A_451, %get3A_452] {strides = array<i32>} : memref<80x128xf32, #tpu.memory_space<vmem>>, vector<16xf32>,
        %get3A_454 = arith.index_cast %add3A_440 : i32 to index
        %get3A_455 = arith.constant 16 : index
        %get3A_456 = tpu.vector_load %arg9[%get3A_454, %get3A_455] {strides = array<i32>} : memref<80x128xf32, #tpu.memory_space<vmem>>, vector<16xf32>,
        %mul3A_457 = arith.mulf %get3A_453, %get3A_456 : vector<16xf32>
        %add3A_458 = arith.addf %add3A_450, %mul3A_457 : vector<16xf32>
        %get3A_459 = arith.index_cast %add3A_440 : i32 to index
        %get3A_460 = arith.constant 32 : index
        %get3A_461 = tpu.vector_load %arg8[%get3A_459, %get3A_460] {strides = array<i32>} : memref<80x128xf32, #tpu.memory_space<vmem>>, vector<16xf32>,
        %get3A_462 = arith.index_cast %add3A_440 : i32 to index
        %get3A_463 = arith.constant 32 : index
        %get3A_464 = tpu.vector_load %arg9[%get3A_462, %get3A_463] {strides = array<i32>} : memref<80x128xf32, #tpu.memory_space<vmem>>, vector<16xf32>,
        %mul3A_465 = arith.mulf %get3A_461, %get3A_464 : vector<16xf32>
        %add3A_466 = arith.addf %add3A_458, %mul3A_465 : vector<16xf32>
        %get3A_467 = arith.index_cast %add3A_440 : i32 to index
        %get3A_468 = arith.constant 48 : index
        %get3A_469 = tpu.vector_load %arg8[%get3A_467, %get3A_468] {strides = array<i32>} : memref<80x128xf32, #tpu.memory_space<vmem>>, vector<16xf32>,
        %get3A_470 = arith.index_cast %add3A_440 : i32 to index
        %get3A_471 = arith.constant 48 : index
        %get3A_472 = tpu.vector_load %arg9[%get3A_470, %get3A_471] {strides = array<i32>} : memref<80x128xf32, #tpu.memory_space<vmem>>, vector<16xf32>,
        %mul3A_473 = arith.mulf %get3A_469, %get3A_472 : vector<16xf32>
        %add3A_474 = arith.addf %add3A_466, %mul3A_473 : vector<16xf32>
        %get3A_475 = arith.index_cast %add3A_440 : i32 to index
        %get3A_476 = arith.constant 64 : index
        %get3A_477 = tpu.vector_load %arg8[%get3A_475, %get3A_476] {strides = array<i32>} : memref<80x128xf32, #tpu.memory_space<vmem>>, vector<16xf32>,
        %get3A_478 = arith.index_cast %add3A_440 : i32 to index
        %get3A_479 = arith.constant 64 : index
        %get3A_480 = tpu.vector_load %arg9[%get3A_478, %get3A_479] {strides = array<i32>} : memref<80x128xf32, #tpu.memory_space<vmem>>, vector<16xf32>,
        %mul3A_481 = arith.mulf %get3A_477, %get3A_480 : vector<16xf32>
        %add3A_482 = arith.addf %add3A_474, %mul3A_481 : vector<16xf32>
        %get3A_483 = arith.index_cast %add3A_440 : i32 to index
        %get3A_484 = arith.constant 80 : index
        %get3A_485 = tpu.vector_load %arg8[%get3A_483, %get3A_484] {strides = array<i32>} : memref<80x128xf32, #tpu.memory_space<vmem>>, vector<16xf32>,
        %get3A_486 = arith.index_cast %add3A_440 : i32 to index
        %get3A_487 = arith.constant 80 : index
        %get3A_488 = tpu.vector_load %arg9[%get3A_486, %get3A_487] {strides = array<i32>} : memref<80x128xf32, #tpu.memory_space<vmem>>, vector<16xf32>,
        %mul3A_489 = arith.mulf %get3A_485, %get3A_488 : vector<16xf32>
        %add3A_490 = arith.addf %add3A_482, %mul3A_489 : vector<16xf32>
        %get3A_491 = arith.index_cast %add3A_440 : i32 to index
        %get3A_492 = arith.constant 96 : index
        %get3A_493 = tpu.vector_load %arg8[%get3A_491, %get3A_492] {strides = array<i32>} : memref<80x128xf32, #tpu.memory_space<vmem>>, vector<16xf32>,
        %get3A_494 = arith.index_cast %add3A_440 : i32 to index
        %get3A_495 = arith.constant 96 : index
        %get3A_496 = tpu.vector_load %arg9[%get3A_494, %get3A_495] {strides = array<i32>} : memref<80x128xf32, #tpu.memory_space<vmem>>, vector<16xf32>,
        %mul3A_497 = arith.mulf %get3A_493, %get3A_496 : vector<16xf32>
        %add3A_498 = arith.addf %add3A_490, %mul3A_497 : vector<16xf32>
        %get3A_499 = arith.index_cast %add3A_440 : i32 to index
        %get3A_500 = arith.constant 112 : index
        %get3A_501 = tpu.vector_load %arg8[%get3A_499, %get3A_500] {strides = array<i32>} : memref<80x128xf32, #tpu.memory_space<vmem>>, vector<16xf32>,
        %get3A_502 = arith.index_cast %add3A_440 : i32 to index
        %get3A_503 = arith.constant 112 : index
        %get3A_504 = tpu.vector_load %arg9[%get3A_502, %get3A_503] {strides = array<i32>} : memref<80x128xf32, #tpu.memory_space<vmem>>, vector<16xf32>,
        %mul3A_505 = arith.mulf %get3A_501, %get3A_504 : vector<16xf32>
        %add3A_506 = arith.addf %add3A_498, %mul3A_505 : vector<16xf32>
        %reduce_sum3A_507 = arith.constant true
        %reduce_sum3A_508 = vector.broadcast %reduce_sum3A_507 : i1 to vector<16xi1>
        %reduce_sum3A_509 = tpu.scan <sum>, %add3A_506 masked %reduce_sum3A_508 : vector<16xf32>, vector<16xi1> -> vector<16xf32>
        %reduce_sum3A_510 = vector.extract %reduce_sum3A_509[15] : f32 from vector<16xf32>
        %eq3A_511 = arith.constant 5 : i32
        %eq3A_512 = vector.broadcast %eq3A_511 : i32 to vector<16xi32>
        %eq3A_513 = arith.cmpi eq, %iota3A, %eq3A_512 : vector<16xi32>
        %broadcast_in_dim3A_514 = vector.broadcast %reduce_sum3A_510 : f32 to vector<16xf32>
        %select_n3A_515 = arith.select %eq3A_513, %broadcast_in_dim3A_514, %select_n3A_438 : vector<16xi1>, vector<16xf32>
        %add3A_516 = arith.constant 6 : i32
        %add3A_517 = arith.addi %mul3A_56, %add3A_516 : i32
        %broadcast_in_dim3A_518 = arith.constant 0.000000e+00 : f32
        %broadcast_in_dim3A_519 = vector.broadcast %broadcast_in_dim3A_518 : f32 to vector<16xf32>
        %get3A_520 = arith.index_cast %add3A_517 : i32 to index
        %get3A_521 = arith.constant 0 : index
        %get3A_522 = tpu.vector_load %arg8[%get3A_520, %get3A_521] {strides = array<i32>} : memref<80x128xf32, #tpu.memory_space<vmem>>, vector<16xf32>,
        %get3A_523 = arith.index_cast %add3A_517 : i32 to index
        %get3A_524 = arith.constant 0 : index
        %get3A_525 = tpu.vector_load %arg9[%get3A_523, %get3A_524] {strides = array<i32>} : memref<80x128xf32, #tpu.memory_space<vmem>>, vector<16xf32>,
        %mul3A_526 = arith.mulf %get3A_522, %get3A_525 : vector<16xf32>
        %add3A_527 = arith.addf %broadcast_in_dim3A_519, %mul3A_526 : vector<16xf32>
        %get3A_528 = arith.index_cast %add3A_517 : i32 to index
        %get3A_529 = arith.constant 16 : index
        %get3A_530 = tpu.vector_load %arg8[%get3A_528, %get3A_529] {strides = array<i32>} : memref<80x128xf32, #tpu.memory_space<vmem>>, vector<16xf32>,
        %get3A_531 = arith.index_cast %add3A_517 : i32 to index
        %get3A_532 = arith.constant 16 : index
        %get3A_533 = tpu.vector_load %arg9[%get3A_531, %get3A_532] {strides = array<i32>} : memref<80x128xf32, #tpu.memory_space<vmem>>, vector<16xf32>,
        %mul3A_534 = arith.mulf %get3A_530, %get3A_533 : vector<16xf32>
        %add3A_535 = arith.addf %add3A_527, %mul3A_534 : vector<16xf32>
        %get3A_536 = arith.index_cast %add3A_517 : i32 to index
        %get3A_537 = arith.constant 32 : index
        %get3A_538 = tpu.vector_load %arg8[%get3A_536, %get3A_537] {strides = array<i32>} : memref<80x128xf32, #tpu.memory_space<vmem>>, vector<16xf32>,
        %get3A_539 = arith.index_cast %add3A_517 : i32 to index
        %get3A_540 = arith.constant 32 : index
        %get3A_541 = tpu.vector_load %arg9[%get3A_539, %get3A_540] {strides = array<i32>} : memref<80x128xf32, #tpu.memory_space<vmem>>, vector<16xf32>,
        %mul3A_542 = arith.mulf %get3A_538, %get3A_541 : vector<16xf32>
        %add3A_543 = arith.addf %add3A_535, %mul3A_542 : vector<16xf32>
        %get3A_544 = arith.index_cast %add3A_517 : i32 to index
        %get3A_545 = arith.constant 48 : index
        %get3A_546 = tpu.vector_load %arg8[%get3A_544, %get3A_545] {strides = array<i32>} : memref<80x128xf32, #tpu.memory_space<vmem>>, vector<16xf32>,
        %get3A_547 = arith.index_cast %add3A_517 : i32 to index
        %get3A_548 = arith.constant 48 : index
        %get3A_549 = tpu.vector_load %arg9[%get3A_547, %get3A_548] {strides = array<i32>} : memref<80x128xf32, #tpu.memory_space<vmem>>, vector<16xf32>,
        %mul3A_550 = arith.mulf %get3A_546, %get3A_549 : vector<16xf32>
        %add3A_551 = arith.addf %add3A_543, %mul3A_550 : vector<16xf32>
        %get3A_552 = arith.index_cast %add3A_517 : i32 to index
        %get3A_553 = arith.constant 64 : index
        %get3A_554 = tpu.vector_load %arg8[%get3A_552, %get3A_553] {strides = array<i32>} : memref<80x128xf32, #tpu.memory_space<vmem>>, vector<16xf32>,
        %get3A_555 = arith.index_cast %add3A_517 : i32 to index
        %get3A_556 = arith.constant 64 : index
        %get3A_557 = tpu.vector_load %arg9[%get3A_555, %get3A_556] {strides = array<i32>} : memref<80x128xf32, #tpu.memory_space<vmem>>, vector<16xf32>,
        %mul3A_558 = arith.mulf %get3A_554, %get3A_557 : vector<16xf32>
        %add3A_559 = arith.addf %add3A_551, %mul3A_558 : vector<16xf32>
        %get3A_560 = arith.index_cast %add3A_517 : i32 to index
        %get3A_561 = arith.constant 80 : index
        %get3A_562 = tpu.vector_load %arg8[%get3A_560, %get3A_561] {strides = array<i32>} : memref<80x128xf32, #tpu.memory_space<vmem>>, vector<16xf32>,
        %get3A_563 = arith.index_cast %add3A_517 : i32 to index
        %get3A_564 = arith.constant 80 : index
        %get3A_565 = tpu.vector_load %arg9[%get3A_563, %get3A_564] {strides = array<i32>} : memref<80x128xf32, #tpu.memory_space<vmem>>, vector<16xf32>,
        %mul3A_566 = arith.mulf %get3A_562, %get3A_565 : vector<16xf32>
        %add3A_567 = arith.addf %add3A_559, %mul3A_566 : vector<16xf32>
        %get3A_568 = arith.index_cast %add3A_517 : i32 to index
        %get3A_569 = arith.constant 96 : index
        %get3A_570 = tpu.vector_load %arg8[%get3A_568, %get3A_569] {strides = array<i32>} : memref<80x128xf32, #tpu.memory_space<vmem>>, vector<16xf32>,
        %get3A_571 = arith.index_cast %add3A_517 : i32 to index
        %get3A_572 = arith.constant 96 : index
        %get3A_573 = tpu.vector_load %arg9[%get3A_571, %get3A_572] {strides = array<i32>} : memref<80x128xf32, #tpu.memory_space<vmem>>, vector<16xf32>,
        %mul3A_574 = arith.mulf %get3A_570, %get3A_573 : vector<16xf32>
        %add3A_575 = arith.addf %add3A_567, %mul3A_574 : vector<16xf32>
        %get3A_576 = arith.index_cast %add3A_517 : i32 to index
        %get3A_577 = arith.constant 112 : index
        %get3A_578 = tpu.vector_load %arg8[%get3A_576, %get3A_577] {strides = array<i32>} : memref<80x128xf32, #tpu.memory_space<vmem>>, vector<16xf32>,
        %get3A_579 = arith.index_cast %add3A_517 : i32 to index
        %get3A_580 = arith.constant 112 : index
        %get3A_581 = tpu.vector_load %arg9[%get3A_579, %get3A_580] {strides = array<i32>} : memref<80x128xf32, #tpu.memory_space<vmem>>, vector<16xf32>,
        %mul3A_582 = arith.mulf %get3A_578, %get3A_581 : vector<16xf32>
        %add3A_583 = arith.addf %add3A_575, %mul3A_582 : vector<16xf32>
        %reduce_sum3A_584 = arith.constant true
        %reduce_sum3A_585 = vector.broadcast %reduce_sum3A_584 : i1 to vector<16xi1>
        %reduce_sum3A_586 = tpu.scan <sum>, %add3A_583 masked %reduce_sum3A_585 : vector<16xf32>, vector<16xi1> -> vector<16xf32>
        %reduce_sum3A_587 = vector.extract %reduce_sum3A_586[15] : f32 from vector<16xf32>
        %eq3A_588 = arith.constant 6 : i32
        %eq3A_589 = vector.broadcast %eq3A_588 : i32 to vector<16xi32>
        %eq3A_590 = arith.cmpi eq, %iota3A, %eq3A_589 : vector<16xi32>
        %broadcast_in_dim3A_591 = vector.broadcast %reduce_sum3A_587 : f32 to vector<16xf32>
        %select_n3A_592 = arith.select %eq3A_590, %broadcast_in_dim3A_591, %select_n3A_515 : vector<16xi1>, vector<16xf32>
        %add3A_593 = arith.constant 7 : i32
        %add3A_594 = arith.addi %mul3A_56, %add3A_593 : i32
        %broadcast_in_dim3A_595 = arith.constant 0.000000e+00 : f32
        %broadcast_in_dim3A_596 = vector.broadcast %broadcast_in_dim3A_595 : f32 to vector<16xf32>
        %get3A_597 = arith.index_cast %add3A_594 : i32 to index
        %get3A_598 = arith.constant 0 : index
        %get3A_599 = tpu.vector_load %arg8[%get3A_597, %get3A_598] {strides = array<i32>} : memref<80x128xf32, #tpu.memory_space<vmem>>, vector<16xf32>,
        %get3A_600 = arith.index_cast %add3A_594 : i32 to index
        %get3A_601 = arith.constant 0 : index
        %get3A_602 = tpu.vector_load %arg9[%get3A_600, %get3A_601] {strides = array<i32>} : memref<80x128xf32, #tpu.memory_space<vmem>>, vector<16xf32>,
        %mul3A_603 = arith.mulf %get3A_599, %get3A_602 : vector<16xf32>
        %add3A_604 = arith.addf %broadcast_in_dim3A_596, %mul3A_603 : vector<16xf32>
        %get3A_605 = arith.index_cast %add3A_594 : i32 to index
        %get3A_606 = arith.constant 16 : index
        %get3A_607 = tpu.vector_load %arg8[%get3A_605, %get3A_606] {strides = array<i32>} : memref<80x128xf32, #tpu.memory_space<vmem>>, vector<16xf32>,
        %get3A_608 = arith.index_cast %add3A_594 : i32 to index
        %get3A_609 = arith.constant 16 : index
        %get3A_610 = tpu.vector_load %arg9[%get3A_608, %get3A_609] {strides = array<i32>} : memref<80x128xf32, #tpu.memory_space<vmem>>, vector<16xf32>,
        %mul3A_611 = arith.mulf %get3A_607, %get3A_610 : vector<16xf32>
        %add3A_612 = arith.addf %add3A_604, %mul3A_611 : vector<16xf32>
        %get3A_613 = arith.index_cast %add3A_594 : i32 to index
        %get3A_614 = arith.constant 32 : index
        %get3A_615 = tpu.vector_load %arg8[%get3A_613, %get3A_614] {strides = array<i32>} : memref<80x128xf32, #tpu.memory_space<vmem>>, vector<16xf32>,
        %get3A_616 = arith.index_cast %add3A_594 : i32 to index
        %get3A_617 = arith.constant 32 : index
        %get3A_618 = tpu.vector_load %arg9[%get3A_616, %get3A_617] {strides = array<i32>} : memref<80x128xf32, #tpu.memory_space<vmem>>, vector<16xf32>,
        %mul3A_619 = arith.mulf %get3A_615, %get3A_618 : vector<16xf32>
        %add3A_620 = arith.addf %add3A_612, %mul3A_619 : vector<16xf32>
        %get3A_621 = arith.index_cast %add3A_594 : i32 to index
        %get3A_622 = arith.constant 48 : index
        %get3A_623 = tpu.vector_load %arg8[%get3A_621, %get3A_622] {strides = array<i32>} : memref<80x128xf32, #tpu.memory_space<vmem>>, vector<16xf32>,
        %get3A_624 = arith.index_cast %add3A_594 : i32 to index
        %get3A_625 = arith.constant 48 : index
        %get3A_626 = tpu.vector_load %arg9[%get3A_624, %get3A_625] {strides = array<i32>} : memref<80x128xf32, #tpu.memory_space<vmem>>, vector<16xf32>,
        %mul3A_627 = arith.mulf %get3A_623, %get3A_626 : vector<16xf32>
        %add3A_628 = arith.addf %add3A_620, %mul3A_627 : vector<16xf32>
        %get3A_629 = arith.index_cast %add3A_594 : i32 to index
        %get3A_630 = arith.constant 64 : index
        %get3A_631 = tpu.vector_load %arg8[%get3A_629, %get3A_630] {strides = array<i32>} : memref<80x128xf32, #tpu.memory_space<vmem>>, vector<16xf32>,
        %get3A_632 = arith.index_cast %add3A_594 : i32 to index
        %get3A_633 = arith.constant 64 : index
        %get3A_634 = tpu.vector_load %arg9[%get3A_632, %get3A_633] {strides = array<i32>} : memref<80x128xf32, #tpu.memory_space<vmem>>, vector<16xf32>,
        %mul3A_635 = arith.mulf %get3A_631, %get3A_634 : vector<16xf32>
        %add3A_636 = arith.addf %add3A_628, %mul3A_635 : vector<16xf32>
        %get3A_637 = arith.index_cast %add3A_594 : i32 to index
        %get3A_638 = arith.constant 80 : index
        %get3A_639 = tpu.vector_load %arg8[%get3A_637, %get3A_638] {strides = array<i32>} : memref<80x128xf32, #tpu.memory_space<vmem>>, vector<16xf32>,
        %get3A_640 = arith.index_cast %add3A_594 : i32 to index
        %get3A_641 = arith.constant 80 : index
        %get3A_642 = tpu.vector_load %arg9[%get3A_640, %get3A_641] {strides = array<i32>} : memref<80x128xf32, #tpu.memory_space<vmem>>, vector<16xf32>,
        %mul3A_643 = arith.mulf %get3A_639, %get3A_642 : vector<16xf32>
        %add3A_644 = arith.addf %add3A_636, %mul3A_643 : vector<16xf32>
        %get3A_645 = arith.index_cast %add3A_594 : i32 to index
        %get3A_646 = arith.constant 96 : index
        %get3A_647 = tpu.vector_load %arg8[%get3A_645, %get3A_646] {strides = array<i32>} : memref<80x128xf32, #tpu.memory_space<vmem>>, vector<16xf32>,
        %get3A_648 = arith.index_cast %add3A_594 : i32 to index
        %get3A_649 = arith.constant 96 : index
        %get3A_650 = tpu.vector_load %arg9[%get3A_648, %get3A_649] {strides = array<i32>} : memref<80x128xf32, #tpu.memory_space<vmem>>, vector<16xf32>,
        %mul3A_651 = arith.mulf %get3A_647, %get3A_650 : vector<16xf32>
        %add3A_652 = arith.addf %add3A_644, %mul3A_651 : vector<16xf32>
        %get3A_653 = arith.index_cast %add3A_594 : i32 to index
        %get3A_654 = arith.constant 112 : index
        %get3A_655 = tpu.vector_load %arg8[%get3A_653, %get3A_654] {strides = array<i32>} : memref<80x128xf32, #tpu.memory_space<vmem>>, vector<16xf32>,
        %get3A_656 = arith.index_cast %add3A_594 : i32 to index
        %get3A_657 = arith.constant 112 : index
        %get3A_658 = tpu.vector_load %arg9[%get3A_656, %get3A_657] {strides = array<i32>} : memref<80x128xf32, #tpu.memory_space<vmem>>, vector<16xf32>,
        %mul3A_659 = arith.mulf %get3A_655, %get3A_658 : vector<16xf32>
        %add3A_660 = arith.addf %add3A_652, %mul3A_659 : vector<16xf32>
        %reduce_sum3A_661 = arith.constant true
        %reduce_sum3A_662 = vector.broadcast %reduce_sum3A_661 : i1 to vector<16xi1>
        %reduce_sum3A_663 = tpu.scan <sum>, %add3A_660 masked %reduce_sum3A_662 : vector<16xf32>, vector<16xi1> -> vector<16xf32>
        %reduce_sum3A_664 = vector.extract %reduce_sum3A_663[15] : f32 from vector<16xf32>
        %eq3A_665 = arith.constant 7 : i32
        %eq3A_666 = vector.broadcast %eq3A_665 : i32 to vector<16xi32>
        %eq3A_667 = arith.cmpi eq, %iota3A, %eq3A_666 : vector<16xi32>
        %broadcast_in_dim3A_668 = vector.broadcast %reduce_sum3A_664 : f32 to vector<16xf32>
        %select_n3A_669 = arith.select %eq3A_667, %broadcast_in_dim3A_668, %select_n3A_592 : vector<16xi1>, vector<16xf32>
        %add3A_670 = arith.constant 8 : i32
        %add3A_671 = arith.addi %mul3A_56, %add3A_670 : i32
        %broadcast_in_dim3A_672 = arith.constant 0.000000e+00 : f32
        %broadcast_in_dim3A_673 = vector.broadcast %broadcast_in_dim3A_672 : f32 to vector<16xf32>
        %get3A_674 = arith.index_cast %add3A_671 : i32 to index
        %get3A_675 = arith.constant 0 : index
        %get3A_676 = tpu.vector_load %arg8[%get3A_674, %get3A_675] {strides = array<i32>} : memref<80x128xf32, #tpu.memory_space<vmem>>, vector<16xf32>,
        %get3A_677 = arith.index_cast %add3A_671 : i32 to index
        %get3A_678 = arith.constant 0 : index
        %get3A_679 = tpu.vector_load %arg9[%get3A_677, %get3A_678] {strides = array<i32>} : memref<80x128xf32, #tpu.memory_space<vmem>>, vector<16xf32>,
        %mul3A_680 = arith.mulf %get3A_676, %get3A_679 : vector<16xf32>
        %add3A_681 = arith.addf %broadcast_in_dim3A_673, %mul3A_680 : vector<16xf32>
        %get3A_682 = arith.index_cast %add3A_671 : i32 to index
        %get3A_683 = arith.constant 16 : index
        %get3A_684 = tpu.vector_load %arg8[%get3A_682, %get3A_683] {strides = array<i32>} : memref<80x128xf32, #tpu.memory_space<vmem>>, vector<16xf32>,
        %get3A_685 = arith.index_cast %add3A_671 : i32 to index
        %get3A_686 = arith.constant 16 : index
        %get3A_687 = tpu.vector_load %arg9[%get3A_685, %get3A_686] {strides = array<i32>} : memref<80x128xf32, #tpu.memory_space<vmem>>, vector<16xf32>,
        %mul3A_688 = arith.mulf %get3A_684, %get3A_687 : vector<16xf32>
        %add3A_689 = arith.addf %add3A_681, %mul3A_688 : vector<16xf32>
        %get3A_690 = arith.index_cast %add3A_671 : i32 to index
        %get3A_691 = arith.constant 32 : index
        %get3A_692 = tpu.vector_load %arg8[%get3A_690, %get3A_691] {strides = array<i32>} : memref<80x128xf32, #tpu.memory_space<vmem>>, vector<16xf32>,
        %get3A_693 = arith.index_cast %add3A_671 : i32 to index
        %get3A_694 = arith.constant 32 : index
        %get3A_695 = tpu.vector_load %arg9[%get3A_693, %get3A_694] {strides = array<i32>} : memref<80x128xf32, #tpu.memory_space<vmem>>, vector<16xf32>,
        %mul3A_696 = arith.mulf %get3A_692, %get3A_695 : vector<16xf32>
        %add3A_697 = arith.addf %add3A_689, %mul3A_696 : vector<16xf32>
        %get3A_698 = arith.index_cast %add3A_671 : i32 to index
        %get3A_699 = arith.constant 48 : index
        %get3A_700 = tpu.vector_load %arg8[%get3A_698, %get3A_699] {strides = array<i32>} : memref<80x128xf32, #tpu.memory_space<vmem>>, vector<16xf32>,
        %get3A_701 = arith.index_cast %add3A_671 : i32 to index
        %get3A_702 = arith.constant 48 : index
        %get3A_703 = tpu.vector_load %arg9[%get3A_701, %get3A_702] {strides = array<i32>} : memref<80x128xf32, #tpu.memory_space<vmem>>, vector<16xf32>,
        %mul3A_704 = arith.mulf %get3A_700, %get3A_703 : vector<16xf32>
        %add3A_705 = arith.addf %add3A_697, %mul3A_704 : vector<16xf32>
        %get3A_706 = arith.index_cast %add3A_671 : i32 to index
        %get3A_707 = arith.constant 64 : index
        %get3A_708 = tpu.vector_load %arg8[%get3A_706, %get3A_707] {strides = array<i32>} : memref<80x128xf32, #tpu.memory_space<vmem>>, vector<16xf32>,
        %get3A_709 = arith.index_cast %add3A_671 : i32 to index
        %get3A_710 = arith.constant 64 : index
        %get3A_711 = tpu.vector_load %arg9[%get3A_709, %get3A_710] {strides = array<i32>} : memref<80x128xf32, #tpu.memory_space<vmem>>, vector<16xf32>,
        %mul3A_712 = arith.mulf %get3A_708, %get3A_711 : vector<16xf32>
        %add3A_713 = arith.addf %add3A_705, %mul3A_712 : vector<16xf32>
        %get3A_714 = arith.index_cast %add3A_671 : i32 to index
        %get3A_715 = arith.constant 80 : index
        %get3A_716 = tpu.vector_load %arg8[%get3A_714, %get3A_715] {strides = array<i32>} : memref<80x128xf32, #tpu.memory_space<vmem>>, vector<16xf32>,
        %get3A_717 = arith.index_cast %add3A_671 : i32 to index
        %get3A_718 = arith.constant 80 : index
        %get3A_719 = tpu.vector_load %arg9[%get3A_717, %get3A_718] {strides = array<i32>} : memref<80x128xf32, #tpu.memory_space<vmem>>, vector<16xf32>,
        %mul3A_720 = arith.mulf %get3A_716, %get3A_719 : vector<16xf32>
        %add3A_721 = arith.addf %add3A_713, %mul3A_720 : vector<16xf32>
        %get3A_722 = arith.index_cast %add3A_671 : i32 to index
        %get3A_723 = arith.constant 96 : index
        %get3A_724 = tpu.vector_load %arg8[%get3A_722, %get3A_723] {strides = array<i32>} : memref<80x128xf32, #tpu.memory_space<vmem>>, vector<16xf32>,
        %get3A_725 = arith.index_cast %add3A_671 : i32 to index
        %get3A_726 = arith.constant 96 : index
        %get3A_727 = tpu.vector_load %arg9[%get3A_725, %get3A_726] {strides = array<i32>} : memref<80x128xf32, #tpu.memory_space<vmem>>, vector<16xf32>,
        %mul3A_728 = arith.mulf %get3A_724, %get3A_727 : vector<16xf32>
        %add3A_729 = arith.addf %add3A_721, %mul3A_728 : vector<16xf32>
        %get3A_730 = arith.index_cast %add3A_671 : i32 to index
        %get3A_731 = arith.constant 112 : index
        %get3A_732 = tpu.vector_load %arg8[%get3A_730, %get3A_731] {strides = array<i32>} : memref<80x128xf32, #tpu.memory_space<vmem>>, vector<16xf32>,
        %get3A_733 = arith.index_cast %add3A_671 : i32 to index
        %get3A_734 = arith.constant 112 : index
        %get3A_735 = tpu.vector_load %arg9[%get3A_733, %get3A_734] {strides = array<i32>} : memref<80x128xf32, #tpu.memory_space<vmem>>, vector<16xf32>,
        %mul3A_736 = arith.mulf %get3A_732, %get3A_735 : vector<16xf32>
        %add3A_737 = arith.addf %add3A_729, %mul3A_736 : vector<16xf32>
        %reduce_sum3A_738 = arith.constant true
        %reduce_sum3A_739 = vector.broadcast %reduce_sum3A_738 : i1 to vector<16xi1>
        %reduce_sum3A_740 = tpu.scan <sum>, %add3A_737 masked %reduce_sum3A_739 : vector<16xf32>, vector<16xi1> -> vector<16xf32>
        %reduce_sum3A_741 = vector.extract %reduce_sum3A_740[15] : f32 from vector<16xf32>
        %eq3A_742 = arith.constant 8 : i32
        %eq3A_743 = vector.broadcast %eq3A_742 : i32 to vector<16xi32>
        %eq3A_744 = arith.cmpi eq, %iota3A, %eq3A_743 : vector<16xi32>
        %broadcast_in_dim3A_745 = vector.broadcast %reduce_sum3A_741 : f32 to vector<16xf32>
        %select_n3A_746 = arith.select %eq3A_744, %broadcast_in_dim3A_745, %select_n3A_669 : vector<16xi1>, vector<16xf32>
        %add3A_747 = arith.constant 9 : i32
        %add3A_748 = arith.addi %mul3A_56, %add3A_747 : i32
        %broadcast_in_dim3A_749 = arith.constant 0.000000e+00 : f32
        %broadcast_in_dim3A_750 = vector.broadcast %broadcast_in_dim3A_749 : f32 to vector<16xf32>
        %get3A_751 = arith.index_cast %add3A_748 : i32 to index
        %get3A_752 = arith.constant 0 : index
        %get3A_753 = tpu.vector_load %arg8[%get3A_751, %get3A_752] {strides = array<i32>} : memref<80x128xf32, #tpu.memory_space<vmem>>, vector<16xf32>,
        %get3A_754 = arith.index_cast %add3A_748 : i32 to index
        %get3A_755 = arith.constant 0 : index
        %get3A_756 = tpu.vector_load %arg9[%get3A_754, %get3A_755] {strides = array<i32>} : memref<80x128xf32, #tpu.memory_space<vmem>>, vector<16xf32>,
        %mul3A_757 = arith.mulf %get3A_753, %get3A_756 : vector<16xf32>
        %add3A_758 = arith.addf %broadcast_in_dim3A_750, %mul3A_757 : vector<16xf32>
        %get3A_759 = arith.index_cast %add3A_748 : i32 to index
        %get3A_760 = arith.constant 16 : index
        %get3A_761 = tpu.vector_load %arg8[%get3A_759, %get3A_760] {strides = array<i32>} : memref<80x128xf32, #tpu.memory_space<vmem>>, vector<16xf32>,
        %get3A_762 = arith.index_cast %add3A_748 : i32 to index
        %get3A_763 = arith.constant 16 : index
        %get3A_764 = tpu.vector_load %arg9[%get3A_762, %get3A_763] {strides = array<i32>} : memref<80x128xf32, #tpu.memory_space<vmem>>, vector<16xf32>,
        %mul3A_765 = arith.mulf %get3A_761, %get3A_764 : vector<16xf32>
        %add3A_766 = arith.addf %add3A_758, %mul3A_765 : vector<16xf32>
        %get3A_767 = arith.index_cast %add3A_748 : i32 to index
        %get3A_768 = arith.constant 32 : index
        %get3A_769 = tpu.vector_load %arg8[%get3A_767, %get3A_768] {strides = array<i32>} : memref<80x128xf32, #tpu.memory_space<vmem>>, vector<16xf32>,
        %get3A_770 = arith.index_cast %add3A_748 : i32 to index
        %get3A_771 = arith.constant 32 : index
        %get3A_772 = tpu.vector_load %arg9[%get3A_770, %get3A_771] {strides = array<i32>} : memref<80x128xf32, #tpu.memory_space<vmem>>, vector<16xf32>,
        %mul3A_773 = arith.mulf %get3A_769, %get3A_772 : vector<16xf32>
        %add3A_774 = arith.addf %add3A_766, %mul3A_773 : vector<16xf32>
        %get3A_775 = arith.index_cast %add3A_748 : i32 to index
        %get3A_776 = arith.constant 48 : index
        %get3A_777 = tpu.vector_load %arg8[%get3A_775, %get3A_776] {strides = array<i32>} : memref<80x128xf32, #tpu.memory_space<vmem>>, vector<16xf32>,
        %get3A_778 = arith.index_cast %add3A_748 : i32 to index
        %get3A_779 = arith.constant 48 : index
        %get3A_780 = tpu.vector_load %arg9[%get3A_778, %get3A_779] {strides = array<i32>} : memref<80x128xf32, #tpu.memory_space<vmem>>, vector<16xf32>,
        %mul3A_781 = arith.mulf %get3A_777, %get3A_780 : vector<16xf32>
        %add3A_782 = arith.addf %add3A_774, %mul3A_781 : vector<16xf32>
        %get3A_783 = arith.index_cast %add3A_748 : i32 to index
        %get3A_784 = arith.constant 64 : index
        %get3A_785 = tpu.vector_load %arg8[%get3A_783, %get3A_784] {strides = array<i32>} : memref<80x128xf32, #tpu.memory_space<vmem>>, vector<16xf32>,
        %get3A_786 = arith.index_cast %add3A_748 : i32 to index
        %get3A_787 = arith.constant 64 : index
        %get3A_788 = tpu.vector_load %arg9[%get3A_786, %get3A_787] {strides = array<i32>} : memref<80x128xf32, #tpu.memory_space<vmem>>, vector<16xf32>,
        %mul3A_789 = arith.mulf %get3A_785, %get3A_788 : vector<16xf32>
        %add3A_790 = arith.addf %add3A_782, %mul3A_789 : vector<16xf32>
        %get3A_791 = arith.index_cast %add3A_748 : i32 to index
        %get3A_792 = arith.constant 80 : index
        %get3A_793 = tpu.vector_load %arg8[%get3A_791, %get3A_792] {strides = array<i32>} : memref<80x128xf32, #tpu.memory_space<vmem>>, vector<16xf32>,
        %get3A_794 = arith.index_cast %add3A_748 : i32 to index
        %get3A_795 = arith.constant 80 : index
        %get3A_796 = tpu.vector_load %arg9[%get3A_794, %get3A_795] {strides = array<i32>} : memref<80x128xf32, #tpu.memory_space<vmem>>, vector<16xf32>,
        %mul3A_797 = arith.mulf %get3A_793, %get3A_796 : vector<16xf32>
        %add3A_798 = arith.addf %add3A_790, %mul3A_797 : vector<16xf32>
        %get3A_799 = arith.index_cast %add3A_748 : i32 to index
        %get3A_800 = arith.constant 96 : index
        %get3A_801 = tpu.vector_load %arg8[%get3A_799, %get3A_800] {strides = array<i32>} : memref<80x128xf32, #tpu.memory_space<vmem>>, vector<16xf32>,
        %get3A_802 = arith.index_cast %add3A_748 : i32 to index
        %get3A_803 = arith.constant 96 : index
        %get3A_804 = tpu.vector_load %arg9[%get3A_802, %get3A_803] {strides = array<i32>} : memref<80x128xf32, #tpu.memory_space<vmem>>, vector<16xf32>,
        %mul3A_805 = arith.mulf %get3A_801, %get3A_804 : vector<16xf32>
        %add3A_806 = arith.addf %add3A_798, %mul3A_805 : vector<16xf32>
        %get3A_807 = arith.index_cast %add3A_748 : i32 to index
        %get3A_808 = arith.constant 112 : index
        %get3A_809 = tpu.vector_load %arg8[%get3A_807, %get3A_808] {strides = array<i32>} : memref<80x128xf32, #tpu.memory_space<vmem>>, vector<16xf32>,
        %get3A_810 = arith.index_cast %add3A_748 : i32 to index
        %get3A_811 = arith.constant 112 : index
        %get3A_812 = tpu.vector_load %arg9[%get3A_810, %get3A_811] {strides = array<i32>} : memref<80x128xf32, #tpu.memory_space<vmem>>, vector<16xf32>,
        %mul3A_813 = arith.mulf %get3A_809, %get3A_812 : vector<16xf32>
        %add3A_814 = arith.addf %add3A_806, %mul3A_813 : vector<16xf32>
        %reduce_sum3A_815 = arith.constant true
        %reduce_sum3A_816 = vector.broadcast %reduce_sum3A_815 : i1 to vector<16xi1>
        %reduce_sum3A_817 = tpu.scan <sum>, %add3A_814 masked %reduce_sum3A_816 : vector<16xf32>, vector<16xi1> -> vector<16xf32>
        %reduce_sum3A_818 = vector.extract %reduce_sum3A_817[15] : f32 from vector<16xf32>
        %eq3A_819 = arith.constant 9 : i32
        %eq3A_820 = vector.broadcast %eq3A_819 : i32 to vector<16xi32>
        %eq3A_821 = arith.cmpi eq, %iota3A, %eq3A_820 : vector<16xi32>
        %broadcast_in_dim3A_822 = vector.broadcast %reduce_sum3A_818 : f32 to vector<16xf32>
        %select_n3A_823 = arith.select %eq3A_821, %broadcast_in_dim3A_822, %select_n3A_746 : vector<16xi1>, vector<16xf32>
        %add3A_824 = arith.constant 10 : i32
        %add3A_825 = arith.addi %mul3A_56, %add3A_824 : i32
        %broadcast_in_dim3A_826 = arith.constant 0.000000e+00 : f32
        %broadcast_in_dim3A_827 = vector.broadcast %broadcast_in_dim3A_826 : f32 to vector<16xf32>
        %get3A_828 = arith.index_cast %add3A_825 : i32 to index
        %get3A_829 = arith.constant 0 : index
        %get3A_830 = tpu.vector_load %arg8[%get3A_828, %get3A_829] {strides = array<i32>} : memref<80x128xf32, #tpu.memory_space<vmem>>, vector<16xf32>,
        %get3A_831 = arith.index_cast %add3A_825 : i32 to index
        %get3A_832 = arith.constant 0 : index
        %get3A_833 = tpu.vector_load %arg9[%get3A_831, %get3A_832] {strides = array<i32>} : memref<80x128xf32, #tpu.memory_space<vmem>>, vector<16xf32>,
        %mul3A_834 = arith.mulf %get3A_830, %get3A_833 : vector<16xf32>
        %add3A_835 = arith.addf %broadcast_in_dim3A_827, %mul3A_834 : vector<16xf32>
        %get3A_836 = arith.index_cast %add3A_825 : i32 to index
        %get3A_837 = arith.constant 16 : index
        %get3A_838 = tpu.vector_load %arg8[%get3A_836, %get3A_837] {strides = array<i32>} : memref<80x128xf32, #tpu.memory_space<vmem>>, vector<16xf32>,
        %get3A_839 = arith.index_cast %add3A_825 : i32 to index
        %get3A_840 = arith.constant 16 : index
        %get3A_841 = tpu.vector_load %arg9[%get3A_839, %get3A_840] {strides = array<i32>} : memref<80x128xf32, #tpu.memory_space<vmem>>, vector<16xf32>,
        %mul3A_842 = arith.mulf %get3A_838, %get3A_841 : vector<16xf32>
        %add3A_843 = arith.addf %add3A_835, %mul3A_842 : vector<16xf32>
        %get3A_844 = arith.index_cast %add3A_825 : i32 to index
        %get3A_845 = arith.constant 32 : index
        %get3A_846 = tpu.vector_load %arg8[%get3A_844, %get3A_845] {strides = array<i32>} : memref<80x128xf32, #tpu.memory_space<vmem>>, vector<16xf32>,
        %get3A_847 = arith.index_cast %add3A_825 : i32 to index
        %get3A_848 = arith.constant 32 : index
        %get3A_849 = tpu.vector_load %arg9[%get3A_847, %get3A_848] {strides = array<i32>} : memref<80x128xf32, #tpu.memory_space<vmem>>, vector<16xf32>,
        %mul3A_850 = arith.mulf %get3A_846, %get3A_849 : vector<16xf32>
        %add3A_851 = arith.addf %add3A_843, %mul3A_850 : vector<16xf32>
        %get3A_852 = arith.index_cast %add3A_825 : i32 to index
        %get3A_853 = arith.constant 48 : index
        %get3A_854 = tpu.vector_load %arg8[%get3A_852, %get3A_853] {strides = array<i32>} : memref<80x128xf32, #tpu.memory_space<vmem>>, vector<16xf32>,
        %get3A_855 = arith.index_cast %add3A_825 : i32 to index
        %get3A_856 = arith.constant 48 : index
        %get3A_857 = tpu.vector_load %arg9[%get3A_855, %get3A_856] {strides = array<i32>} : memref<80x128xf32, #tpu.memory_space<vmem>>, vector<16xf32>,
        %mul3A_858 = arith.mulf %get3A_854, %get3A_857 : vector<16xf32>
        %add3A_859 = arith.addf %add3A_851, %mul3A_858 : vector<16xf32>
        %get3A_860 = arith.index_cast %add3A_825 : i32 to index
        %get3A_861 = arith.constant 64 : index
        %get3A_862 = tpu.vector_load %arg8[%get3A_860, %get3A_861] {strides = array<i32>} : memref<80x128xf32, #tpu.memory_space<vmem>>, vector<16xf32>,
        %get3A_863 = arith.index_cast %add3A_825 : i32 to index
        %get3A_864 = arith.constant 64 : index
        %get3A_865 = tpu.vector_load %arg9[%get3A_863, %get3A_864] {strides = array<i32>} : memref<80x128xf32, #tpu.memory_space<vmem>>, vector<16xf32>,
        %mul3A_866 = arith.mulf %get3A_862, %get3A_865 : vector<16xf32>
        %add3A_867 = arith.addf %add3A_859, %mul3A_866 : vector<16xf32>
        %get3A_868 = arith.index_cast %add3A_825 : i32 to index
        %get3A_869 = arith.constant 80 : index
        %get3A_870 = tpu.vector_load %arg8[%get3A_868, %get3A_869] {strides = array<i32>} : memref<80x128xf32, #tpu.memory_space<vmem>>, vector<16xf32>,
        %get3A_871 = arith.index_cast %add3A_825 : i32 to index
        %get3A_872 = arith.constant 80 : index
        %get3A_873 = tpu.vector_load %arg9[%get3A_871, %get3A_872] {strides = array<i32>} : memref<80x128xf32, #tpu.memory_space<vmem>>, vector<16xf32>,
        %mul3A_874 = arith.mulf %get3A_870, %get3A_873 : vector<16xf32>
        %add3A_875 = arith.addf %add3A_867, %mul3A_874 : vector<16xf32>
        %get3A_876 = arith.index_cast %add3A_825 : i32 to index
        %get3A_877 = arith.constant 96 : index
        %get3A_878 = tpu.vector_load %arg8[%get3A_876, %get3A_877] {strides = array<i32>} : memref<80x128xf32, #tpu.memory_space<vmem>>, vector<16xf32>,
        %get3A_879 = arith.index_cast %add3A_825 : i32 to index
        %get3A_880 = arith.constant 96 : index
        %get3A_881 = tpu.vector_load %arg9[%get3A_879, %get3A_880] {strides = array<i32>} : memref<80x128xf32, #tpu.memory_space<vmem>>, vector<16xf32>,
        %mul3A_882 = arith.mulf %get3A_878, %get3A_881 : vector<16xf32>
        %add3A_883 = arith.addf %add3A_875, %mul3A_882 : vector<16xf32>
        %get3A_884 = arith.index_cast %add3A_825 : i32 to index
        %get3A_885 = arith.constant 112 : index
        %get3A_886 = tpu.vector_load %arg8[%get3A_884, %get3A_885] {strides = array<i32>} : memref<80x128xf32, #tpu.memory_space<vmem>>, vector<16xf32>,
        %get3A_887 = arith.index_cast %add3A_825 : i32 to index
        %get3A_888 = arith.constant 112 : index
        %get3A_889 = tpu.vector_load %arg9[%get3A_887, %get3A_888] {strides = array<i32>} : memref<80x128xf32, #tpu.memory_space<vmem>>, vector<16xf32>,
        %mul3A_890 = arith.mulf %get3A_886, %get3A_889 : vector<16xf32>
        %add3A_891 = arith.addf %add3A_883, %mul3A_890 : vector<16xf32>
        %reduce_sum3A_892 = arith.constant true
        %reduce_sum3A_893 = vector.broadcast %reduce_sum3A_892 : i1 to vector<16xi1>
        %reduce_sum3A_894 = tpu.scan <sum>, %add3A_891 masked %reduce_sum3A_893 : vector<16xf32>, vector<16xi1> -> vector<16xf32>
        %reduce_sum3A_895 = vector.extract %reduce_sum3A_894[15] : f32 from vector<16xf32>
        %eq3A_896 = arith.constant 10 : i32
        %eq3A_897 = vector.broadcast %eq3A_896 : i32 to vector<16xi32>
        %eq3A_898 = arith.cmpi eq, %iota3A, %eq3A_897 : vector<16xi32>
        %broadcast_in_dim3A_899 = vector.broadcast %reduce_sum3A_895 : f32 to vector<16xf32>
        %select_n3A_900 = arith.select %eq3A_898, %broadcast_in_dim3A_899, %select_n3A_823 : vector<16xi1>, vector<16xf32>
        %add3A_901 = arith.constant 11 : i32
        %add3A_902 = arith.addi %mul3A_56, %add3A_901 : i32
        %broadcast_in_dim3A_903 = arith.constant 0.000000e+00 : f32
        %broadcast_in_dim3A_904 = vector.broadcast %broadcast_in_dim3A_903 : f32 to vector<16xf32>
        %get3A_905 = arith.index_cast %add3A_902 : i32 to index
        %get3A_906 = arith.constant 0 : index
        %get3A_907 = tpu.vector_load %arg8[%get3A_905, %get3A_906] {strides = array<i32>} : memref<80x128xf32, #tpu.memory_space<vmem>>, vector<16xf32>,
        %get3A_908 = arith.index_cast %add3A_902 : i32 to index
        %get3A_909 = arith.constant 0 : index
        %get3A_910 = tpu.vector_load %arg9[%get3A_908, %get3A_909] {strides = array<i32>} : memref<80x128xf32, #tpu.memory_space<vmem>>, vector<16xf32>,
        %mul3A_911 = arith.mulf %get3A_907, %get3A_910 : vector<16xf32>
        %add3A_912 = arith.addf %broadcast_in_dim3A_904, %mul3A_911 : vector<16xf32>
        %get3A_913 = arith.index_cast %add3A_902 : i32 to index
        %get3A_914 = arith.constant 16 : index
        %get3A_915 = tpu.vector_load %arg8[%get3A_913, %get3A_914] {strides = array<i32>} : memref<80x128xf32, #tpu.memory_space<vmem>>, vector<16xf32>,
        %get3A_916 = arith.index_cast %add3A_902 : i32 to index
        %get3A_917 = arith.constant 16 : index
        %get3A_918 = tpu.vector_load %arg9[%get3A_916, %get3A_917] {strides = array<i32>} : memref<80x128xf32, #tpu.memory_space<vmem>>, vector<16xf32>,
        %mul3A_919 = arith.mulf %get3A_915, %get3A_918 : vector<16xf32>
        %add3A_920 = arith.addf %add3A_912, %mul3A_919 : vector<16xf32>
        %get3A_921 = arith.index_cast %add3A_902 : i32 to index
        %get3A_922 = arith.constant 32 : index
        %get3A_923 = tpu.vector_load %arg8[%get3A_921, %get3A_922] {strides = array<i32>} : memref<80x128xf32, #tpu.memory_space<vmem>>, vector<16xf32>,
        %get3A_924 = arith.index_cast %add3A_902 : i32 to index
        %get3A_925 = arith.constant 32 : index
        %get3A_926 = tpu.vector_load %arg9[%get3A_924, %get3A_925] {strides = array<i32>} : memref<80x128xf32, #tpu.memory_space<vmem>>, vector<16xf32>,
        %mul3A_927 = arith.mulf %get3A_923, %get3A_926 : vector<16xf32>
        %add3A_928 = arith.addf %add3A_920, %mul3A_927 : vector<16xf32>
        %get3A_929 = arith.index_cast %add3A_902 : i32 to index
        %get3A_930 = arith.constant 48 : index
        %get3A_931 = tpu.vector_load %arg8[%get3A_929, %get3A_930] {strides = array<i32>} : memref<80x128xf32, #tpu.memory_space<vmem>>, vector<16xf32>,
        %get3A_932 = arith.index_cast %add3A_902 : i32 to index
        %get3A_933 = arith.constant 48 : index
        %get3A_934 = tpu.vector_load %arg9[%get3A_932, %get3A_933] {strides = array<i32>} : memref<80x128xf32, #tpu.memory_space<vmem>>, vector<16xf32>,
        %mul3A_935 = arith.mulf %get3A_931, %get3A_934 : vector<16xf32>
        %add3A_936 = arith.addf %add3A_928, %mul3A_935 : vector<16xf32>
        %get3A_937 = arith.index_cast %add3A_902 : i32 to index
        %get3A_938 = arith.constant 64 : index
        %get3A_939 = tpu.vector_load %arg8[%get3A_937, %get3A_938] {strides = array<i32>} : memref<80x128xf32, #tpu.memory_space<vmem>>, vector<16xf32>,
        %get3A_940 = arith.index_cast %add3A_902 : i32 to index
        %get3A_941 = arith.constant 64 : index
        %get3A_942 = tpu.vector_load %arg9[%get3A_940, %get3A_941] {strides = array<i32>} : memref<80x128xf32, #tpu.memory_space<vmem>>, vector<16xf32>,
        %mul3A_943 = arith.mulf %get3A_939, %get3A_942 : vector<16xf32>
        %add3A_944 = arith.addf %add3A_936, %mul3A_943 : vector<16xf32>
        %get3A_945 = arith.index_cast %add3A_902 : i32 to index
        %get3A_946 = arith.constant 80 : index
        %get3A_947 = tpu.vector_load %arg8[%get3A_945, %get3A_946] {strides = array<i32>} : memref<80x128xf32, #tpu.memory_space<vmem>>, vector<16xf32>,
        %get3A_948 = arith.index_cast %add3A_902 : i32 to index
        %get3A_949 = arith.constant 80 : index
        %get3A_950 = tpu.vector_load %arg9[%get3A_948, %get3A_949] {strides = array<i32>} : memref<80x128xf32, #tpu.memory_space<vmem>>, vector<16xf32>,
        %mul3A_951 = arith.mulf %get3A_947, %get3A_950 : vector<16xf32>
        %add3A_952 = arith.addf %add3A_944, %mul3A_951 : vector<16xf32>
        %get3A_953 = arith.index_cast %add3A_902 : i32 to index
        %get3A_954 = arith.constant 96 : index
        %get3A_955 = tpu.vector_load %arg8[%get3A_953, %get3A_954] {strides = array<i32>} : memref<80x128xf32, #tpu.memory_space<vmem>>, vector<16xf32>,
        %get3A_956 = arith.index_cast %add3A_902 : i32 to index
        %get3A_957 = arith.constant 96 : index
        %get3A_958 = tpu.vector_load %arg9[%get3A_956, %get3A_957] {strides = array<i32>} : memref<80x128xf32, #tpu.memory_space<vmem>>, vector<16xf32>,
        %mul3A_959 = arith.mulf %get3A_955, %get3A_958 : vector<16xf32>
        %add3A_960 = arith.addf %add3A_952, %mul3A_959 : vector<16xf32>
        %get3A_961 = arith.index_cast %add3A_902 : i32 to index
        %get3A_962 = arith.constant 112 : index
        %get3A_963 = tpu.vector_load %arg8[%get3A_961, %get3A_962] {strides = array<i32>} : memref<80x128xf32, #tpu.memory_space<vmem>>, vector<16xf32>,
        %get3A_964 = arith.index_cast %add3A_902 : i32 to index
        %get3A_965 = arith.constant 112 : index
        %get3A_966 = tpu.vector_load %arg9[%get3A_964, %get3A_965] {strides = array<i32>} : memref<80x128xf32, #tpu.memory_space<vmem>>, vector<16xf32>,
        %mul3A_967 = arith.mulf %get3A_963, %get3A_966 : vector<16xf32>
        %add3A_968 = arith.addf %add3A_960, %mul3A_967 : vector<16xf32>
        %reduce_sum3A_969 = arith.constant true
        %reduce_sum3A_970 = vector.broadcast %reduce_sum3A_969 : i1 to vector<16xi1>
        %reduce_sum3A_971 = tpu.scan <sum>, %add3A_968 masked %reduce_sum3A_970 : vector<16xf32>, vector<16xi1> -> vector<16xf32>
        %reduce_sum3A_972 = vector.extract %reduce_sum3A_971[15] : f32 from vector<16xf32>
        %eq3A_973 = arith.constant 11 : i32
        %eq3A_974 = vector.broadcast %eq3A_973 : i32 to vector<16xi32>
        %eq3A_975 = arith.cmpi eq, %iota3A, %eq3A_974 : vector<16xi32>
        %broadcast_in_dim3A_976 = vector.broadcast %reduce_sum3A_972 : f32 to vector<16xf32>
        %select_n3A_977 = arith.select %eq3A_975, %broadcast_in_dim3A_976, %select_n3A_900 : vector<16xi1>, vector<16xf32>
        %add3A_978 = arith.constant 12 : i32
        %add3A_979 = arith.addi %mul3A_56, %add3A_978 : i32
        %broadcast_in_dim3A_980 = arith.constant 0.000000e+00 : f32
        %broadcast_in_dim3A_981 = vector.broadcast %broadcast_in_dim3A_980 : f32 to vector<16xf32>
        %get3A_982 = arith.index_cast %add3A_979 : i32 to index
        %get3A_983 = arith.constant 0 : index
        %get3A_984 = tpu.vector_load %arg8[%get3A_982, %get3A_983] {strides = array<i32>} : memref<80x128xf32, #tpu.memory_space<vmem>>, vector<16xf32>,
        %get3A_985 = arith.index_cast %add3A_979 : i32 to index
        %get3A_986 = arith.constant 0 : index
        %get3A_987 = tpu.vector_load %arg9[%get3A_985, %get3A_986] {strides = array<i32>} : memref<80x128xf32, #tpu.memory_space<vmem>>, vector<16xf32>,
        %mul3A_988 = arith.mulf %get3A_984, %get3A_987 : vector<16xf32>
        %add3A_989 = arith.addf %broadcast_in_dim3A_981, %mul3A_988 : vector<16xf32>
        %get3A_990 = arith.index_cast %add3A_979 : i32 to index
        %get3A_991 = arith.constant 16 : index
        %get3A_992 = tpu.vector_load %arg8[%get3A_990, %get3A_991] {strides = array<i32>} : memref<80x128xf32, #tpu.memory_space<vmem>>, vector<16xf32>,
        %get3A_993 = arith.index_cast %add3A_979 : i32 to index
        %get3A_994 = arith.constant 16 : index
        %get3A_995 = tpu.vector_load %arg9[%get3A_993, %get3A_994] {strides = array<i32>} : memref<80x128xf32, #tpu.memory_space<vmem>>, vector<16xf32>,
        %mul3A_996 = arith.mulf %get3A_992, %get3A_995 : vector<16xf32>
        %add3A_997 = arith.addf %add3A_989, %mul3A_996 : vector<16xf32>
        %get3A_998 = arith.index_cast %add3A_979 : i32 to index
        %get3A_999 = arith.constant 32 : index
        %get3A_1000 = tpu.vector_load %arg8[%get3A_998, %get3A_999] {strides = array<i32>} : memref<80x128xf32, #tpu.memory_space<vmem>>, vector<16xf32>,
        %get3A_1001 = arith.index_cast %add3A_979 : i32 to index
        %get3A_1002 = arith.constant 32 : index
        %get3A_1003 = tpu.vector_load %arg9[%get3A_1001, %get3A_1002] {strides = array<i32>} : memref<80x128xf32, #tpu.memory_space<vmem>>, vector<16xf32>,
        %mul3A_1004 = arith.mulf %get3A_1000, %get3A_1003 : vector<16xf32>
        %add3A_1005 = arith.addf %add3A_997, %mul3A_1004 : vector<16xf32>
        %get3A_1006 = arith.index_cast %add3A_979 : i32 to index
        %get3A_1007 = arith.constant 48 : index
        %get3A_1008 = tpu.vector_load %arg8[%get3A_1006, %get3A_1007] {strides = array<i32>} : memref<80x128xf32, #tpu.memory_space<vmem>>, vector<16xf32>,
        %get3A_1009 = arith.index_cast %add3A_979 : i32 to index
        %get3A_1010 = arith.constant 48 : index
        %get3A_1011 = tpu.vector_load %arg9[%get3A_1009, %get3A_1010] {strides = array<i32>} : memref<80x128xf32, #tpu.memory_space<vmem>>, vector<16xf32>,
        %mul3A_1012 = arith.mulf %get3A_1008, %get3A_1011 : vector<16xf32>
        %add3A_1013 = arith.addf %add3A_1005, %mul3A_1012 : vector<16xf32>
        %get3A_1014 = arith.index_cast %add3A_979 : i32 to index
        %get3A_1015 = arith.constant 64 : index
        %get3A_1016 = tpu.vector_load %arg8[%get3A_1014, %get3A_1015] {strides = array<i32>} : memref<80x128xf32, #tpu.memory_space<vmem>>, vector<16xf32>,
        %get3A_1017 = arith.index_cast %add3A_979 : i32 to index
        %get3A_1018 = arith.constant 64 : index
        %get3A_1019 = tpu.vector_load %arg9[%get3A_1017, %get3A_1018] {strides = array<i32>} : memref<80x128xf32, #tpu.memory_space<vmem>>, vector<16xf32>,
        %mul3A_1020 = arith.mulf %get3A_1016, %get3A_1019 : vector<16xf32>
        %add3A_1021 = arith.addf %add3A_1013, %mul3A_1020 : vector<16xf32>
        %get3A_1022 = arith.index_cast %add3A_979 : i32 to index
        %get3A_1023 = arith.constant 80 : index
        %get3A_1024 = tpu.vector_load %arg8[%get3A_1022, %get3A_1023] {strides = array<i32>} : memref<80x128xf32, #tpu.memory_space<vmem>>, vector<16xf32>,
        %get3A_1025 = arith.index_cast %add3A_979 : i32 to index
        %get3A_1026 = arith.constant 80 : index
        %get3A_1027 = tpu.vector_load %arg9[%get3A_1025, %get3A_1026] {strides = array<i32>} : memref<80x128xf32, #tpu.memory_space<vmem>>, vector<16xf32>,
        %mul3A_1028 = arith.mulf %get3A_1024, %get3A_1027 : vector<16xf32>
        %add3A_1029 = arith.addf %add3A_1021, %mul3A_1028 : vector<16xf32>
        %get3A_1030 = arith.index_cast %add3A_979 : i32 to index
        %get3A_1031 = arith.constant 96 : index
        %get3A_1032 = tpu.vector_load %arg8[%get3A_1030, %get3A_1031] {strides = array<i32>} : memref<80x128xf32, #tpu.memory_space<vmem>>, vector<16xf32>,
        %get3A_1033 = arith.index_cast %add3A_979 : i32 to index
        %get3A_1034 = arith.constant 96 : index
        %get3A_1035 = tpu.vector_load %arg9[%get3A_1033, %get3A_1034] {strides = array<i32>} : memref<80x128xf32, #tpu.memory_space<vmem>>, vector<16xf32>,
        %mul3A_1036 = arith.mulf %get3A_1032, %get3A_1035 : vector<16xf32>
        %add3A_1037 = arith.addf %add3A_1029, %mul3A_1036 : vector<16xf32>
        %get3A_1038 = arith.index_cast %add3A_979 : i32 to index
        %get3A_1039 = arith.constant 112 : index
        %get3A_1040 = tpu.vector_load %arg8[%get3A_1038, %get3A_1039] {strides = array<i32>} : memref<80x128xf32, #tpu.memory_space<vmem>>, vector<16xf32>,
        %get3A_1041 = arith.index_cast %add3A_979 : i32 to index
        %get3A_1042 = arith.constant 112 : index
        %get3A_1043 = tpu.vector_load %arg9[%get3A_1041, %get3A_1042] {strides = array<i32>} : memref<80x128xf32, #tpu.memory_space<vmem>>, vector<16xf32>,
        %mul3A_1044 = arith.mulf %get3A_1040, %get3A_1043 : vector<16xf32>
        %add3A_1045 = arith.addf %add3A_1037, %mul3A_1044 : vector<16xf32>
        %reduce_sum3A_1046 = arith.constant true
        %reduce_sum3A_1047 = vector.broadcast %reduce_sum3A_1046 : i1 to vector<16xi1>
        %reduce_sum3A_1048 = tpu.scan <sum>, %add3A_1045 masked %reduce_sum3A_1047 : vector<16xf32>, vector<16xi1> -> vector<16xf32>
        %reduce_sum3A_1049 = vector.extract %reduce_sum3A_1048[15] : f32 from vector<16xf32>
        %eq3A_1050 = arith.constant 12 : i32
        %eq3A_1051 = vector.broadcast %eq3A_1050 : i32 to vector<16xi32>
        %eq3A_1052 = arith.cmpi eq, %iota3A, %eq3A_1051 : vector<16xi32>
        %broadcast_in_dim3A_1053 = vector.broadcast %reduce_sum3A_1049 : f32 to vector<16xf32>
        %select_n3A_1054 = arith.select %eq3A_1052, %broadcast_in_dim3A_1053, %select_n3A_977 : vector<16xi1>, vector<16xf32>
        %add3A_1055 = arith.constant 13 : i32
        %add3A_1056 = arith.addi %mul3A_56, %add3A_1055 : i32
        %broadcast_in_dim3A_1057 = arith.constant 0.000000e+00 : f32
        %broadcast_in_dim3A_1058 = vector.broadcast %broadcast_in_dim3A_1057 : f32 to vector<16xf32>
        %get3A_1059 = arith.index_cast %add3A_1056 : i32 to index
        %get3A_1060 = arith.constant 0 : index
        %get3A_1061 = tpu.vector_load %arg8[%get3A_1059, %get3A_1060] {strides = array<i32>} : memref<80x128xf32, #tpu.memory_space<vmem>>, vector<16xf32>,
        %get3A_1062 = arith.index_cast %add3A_1056 : i32 to index
        %get3A_1063 = arith.constant 0 : index
        %get3A_1064 = tpu.vector_load %arg9[%get3A_1062, %get3A_1063] {strides = array<i32>} : memref<80x128xf32, #tpu.memory_space<vmem>>, vector<16xf32>,
        %mul3A_1065 = arith.mulf %get3A_1061, %get3A_1064 : vector<16xf32>
        %add3A_1066 = arith.addf %broadcast_in_dim3A_1058, %mul3A_1065 : vector<16xf32>
        %get3A_1067 = arith.index_cast %add3A_1056 : i32 to index
        %get3A_1068 = arith.constant 16 : index
        %get3A_1069 = tpu.vector_load %arg8[%get3A_1067, %get3A_1068] {strides = array<i32>} : memref<80x128xf32, #tpu.memory_space<vmem>>, vector<16xf32>,
        %get3A_1070 = arith.index_cast %add3A_1056 : i32 to index
        %get3A_1071 = arith.constant 16 : index
        %get3A_1072 = tpu.vector_load %arg9[%get3A_1070, %get3A_1071] {strides = array<i32>} : memref<80x128xf32, #tpu.memory_space<vmem>>, vector<16xf32>,
        %mul3A_1073 = arith.mulf %get3A_1069, %get3A_1072 : vector<16xf32>
        %add3A_1074 = arith.addf %add3A_1066, %mul3A_1073 : vector<16xf32>
        %get3A_1075 = arith.index_cast %add3A_1056 : i32 to index
        %get3A_1076 = arith.constant 32 : index
        %get3A_1077 = tpu.vector_load %arg8[%get3A_1075, %get3A_1076] {strides = array<i32>} : memref<80x128xf32, #tpu.memory_space<vmem>>, vector<16xf32>,
        %get3A_1078 = arith.index_cast %add3A_1056 : i32 to index
        %get3A_1079 = arith.constant 32 : index
        %get3A_1080 = tpu.vector_load %arg9[%get3A_1078, %get3A_1079] {strides = array<i32>} : memref<80x128xf32, #tpu.memory_space<vmem>>, vector<16xf32>,
        %mul3A_1081 = arith.mulf %get3A_1077, %get3A_1080 : vector<16xf32>
        %add3A_1082 = arith.addf %add3A_1074, %mul3A_1081 : vector<16xf32>
        %get3A_1083 = arith.index_cast %add3A_1056 : i32 to index
        %get3A_1084 = arith.constant 48 : index
        %get3A_1085 = tpu.vector_load %arg8[%get3A_1083, %get3A_1084] {strides = array<i32>} : memref<80x128xf32, #tpu.memory_space<vmem>>, vector<16xf32>,
        %get3A_1086 = arith.index_cast %add3A_1056 : i32 to index
        %get3A_1087 = arith.constant 48 : index
        %get3A_1088 = tpu.vector_load %arg9[%get3A_1086, %get3A_1087] {strides = array<i32>} : memref<80x128xf32, #tpu.memory_space<vmem>>, vector<16xf32>,
        %mul3A_1089 = arith.mulf %get3A_1085, %get3A_1088 : vector<16xf32>
        %add3A_1090 = arith.addf %add3A_1082, %mul3A_1089 : vector<16xf32>
        %get3A_1091 = arith.index_cast %add3A_1056 : i32 to index
        %get3A_1092 = arith.constant 64 : index
        %get3A_1093 = tpu.vector_load %arg8[%get3A_1091, %get3A_1092] {strides = array<i32>} : memref<80x128xf32, #tpu.memory_space<vmem>>, vector<16xf32>,
        %get3A_1094 = arith.index_cast %add3A_1056 : i32 to index
        %get3A_1095 = arith.constant 64 : index
        %get3A_1096 = tpu.vector_load %arg9[%get3A_1094, %get3A_1095] {strides = array<i32>} : memref<80x128xf32, #tpu.memory_space<vmem>>, vector<16xf32>,
        %mul3A_1097 = arith.mulf %get3A_1093, %get3A_1096 : vector<16xf32>
        %add3A_1098 = arith.addf %add3A_1090, %mul3A_1097 : vector<16xf32>
        %get3A_1099 = arith.index_cast %add3A_1056 : i32 to index
        %get3A_1100 = arith.constant 80 : index
        %get3A_1101 = tpu.vector_load %arg8[%get3A_1099, %get3A_1100] {strides = array<i32>} : memref<80x128xf32, #tpu.memory_space<vmem>>, vector<16xf32>,
        %get3A_1102 = arith.index_cast %add3A_1056 : i32 to index
        %get3A_1103 = arith.constant 80 : index
        %get3A_1104 = tpu.vector_load %arg9[%get3A_1102, %get3A_1103] {strides = array<i32>} : memref<80x128xf32, #tpu.memory_space<vmem>>, vector<16xf32>,
        %mul3A_1105 = arith.mulf %get3A_1101, %get3A_1104 : vector<16xf32>
        %add3A_1106 = arith.addf %add3A_1098, %mul3A_1105 : vector<16xf32>
        %get3A_1107 = arith.index_cast %add3A_1056 : i32 to index
        %get3A_1108 = arith.constant 96 : index
        %get3A_1109 = tpu.vector_load %arg8[%get3A_1107, %get3A_1108] {strides = array<i32>} : memref<80x128xf32, #tpu.memory_space<vmem>>, vector<16xf32>,
        %get3A_1110 = arith.index_cast %add3A_1056 : i32 to index
        %get3A_1111 = arith.constant 96 : index
        %get3A_1112 = tpu.vector_load %arg9[%get3A_1110, %get3A_1111] {strides = array<i32>} : memref<80x128xf32, #tpu.memory_space<vmem>>, vector<16xf32>,
        %mul3A_1113 = arith.mulf %get3A_1109, %get3A_1112 : vector<16xf32>
        %add3A_1114 = arith.addf %add3A_1106, %mul3A_1113 : vector<16xf32>
        %get3A_1115 = arith.index_cast %add3A_1056 : i32 to index
        %get3A_1116 = arith.constant 112 : index
        %get3A_1117 = tpu.vector_load %arg8[%get3A_1115, %get3A_1116] {strides = array<i32>} : memref<80x128xf32, #tpu.memory_space<vmem>>, vector<16xf32>,
        %get3A_1118 = arith.index_cast %add3A_1056 : i32 to index
        %get3A_1119 = arith.constant 112 : index
        %get3A_1120 = tpu.vector_load %arg9[%get3A_1118, %get3A_1119] {strides = array<i32>} : memref<80x128xf32, #tpu.memory_space<vmem>>, vector<16xf32>,
        %mul3A_1121 = arith.mulf %get3A_1117, %get3A_1120 : vector<16xf32>
        %add3A_1122 = arith.addf %add3A_1114, %mul3A_1121 : vector<16xf32>
        %reduce_sum3A_1123 = arith.constant true
        %reduce_sum3A_1124 = vector.broadcast %reduce_sum3A_1123 : i1 to vector<16xi1>
        %reduce_sum3A_1125 = tpu.scan <sum>, %add3A_1122 masked %reduce_sum3A_1124 : vector<16xf32>, vector<16xi1> -> vector<16xf32>
        %reduce_sum3A_1126 = vector.extract %reduce_sum3A_1125[15] : f32 from vector<16xf32>
        %eq3A_1127 = arith.constant 13 : i32
        %eq3A_1128 = vector.broadcast %eq3A_1127 : i32 to vector<16xi32>
        %eq3A_1129 = arith.cmpi eq, %iota3A, %eq3A_1128 : vector<16xi32>
        %broadcast_in_dim3A_1130 = vector.broadcast %reduce_sum3A_1126 : f32 to vector<16xf32>
        %select_n3A_1131 = arith.select %eq3A_1129, %broadcast_in_dim3A_1130, %select_n3A_1054 : vector<16xi1>, vector<16xf32>
        %add3A_1132 = arith.constant 14 : i32
        %add3A_1133 = arith.addi %mul3A_56, %add3A_1132 : i32
        %broadcast_in_dim3A_1134 = arith.constant 0.000000e+00 : f32
        %broadcast_in_dim3A_1135 = vector.broadcast %broadcast_in_dim3A_1134 : f32 to vector<16xf32>
        %get3A_1136 = arith.index_cast %add3A_1133 : i32 to index
        %get3A_1137 = arith.constant 0 : index
        %get3A_1138 = tpu.vector_load %arg8[%get3A_1136, %get3A_1137] {strides = array<i32>} : memref<80x128xf32, #tpu.memory_space<vmem>>, vector<16xf32>,
        %get3A_1139 = arith.index_cast %add3A_1133 : i32 to index
        %get3A_1140 = arith.constant 0 : index
        %get3A_1141 = tpu.vector_load %arg9[%get3A_1139, %get3A_1140] {strides = array<i32>} : memref<80x128xf32, #tpu.memory_space<vmem>>, vector<16xf32>,
        %mul3A_1142 = arith.mulf %get3A_1138, %get3A_1141 : vector<16xf32>
        %add3A_1143 = arith.addf %broadcast_in_dim3A_1135, %mul3A_1142 : vector<16xf32>
        %get3A_1144 = arith.index_cast %add3A_1133 : i32 to index
        %get3A_1145 = arith.constant 16 : index
        %get3A_1146 = tpu.vector_load %arg8[%get3A_1144, %get3A_1145] {strides = array<i32>} : memref<80x128xf32, #tpu.memory_space<vmem>>, vector<16xf32>,
        %get3A_1147 = arith.index_cast %add3A_1133 : i32 to index
        %get3A_1148 = arith.constant 16 : index
        %get3A_1149 = tpu.vector_load %arg9[%get3A_1147, %get3A_1148] {strides = array<i32>} : memref<80x128xf32, #tpu.memory_space<vmem>>, vector<16xf32>,
        %mul3A_1150 = arith.mulf %get3A_1146, %get3A_1149 : vector<16xf32>
        %add3A_1151 = arith.addf %add3A_1143, %mul3A_1150 : vector<16xf32>
        %get3A_1152 = arith.index_cast %add3A_1133 : i32 to index
        %get3A_1153 = arith.constant 32 : index
        %get3A_1154 = tpu.vector_load %arg8[%get3A_1152, %get3A_1153] {strides = array<i32>} : memref<80x128xf32, #tpu.memory_space<vmem>>, vector<16xf32>,
        %get3A_1155 = arith.index_cast %add3A_1133 : i32 to index
        %get3A_1156 = arith.constant 32 : index
        %get3A_1157 = tpu.vector_load %arg9[%get3A_1155, %get3A_1156] {strides = array<i32>} : memref<80x128xf32, #tpu.memory_space<vmem>>, vector<16xf32>,
        %mul3A_1158 = arith.mulf %get3A_1154, %get3A_1157 : vector<16xf32>
        %add3A_1159 = arith.addf %add3A_1151, %mul3A_1158 : vector<16xf32>
        %get3A_1160 = arith.index_cast %add3A_1133 : i32 to index
        %get3A_1161 = arith.constant 48 : index
        %get3A_1162 = tpu.vector_load %arg8[%get3A_1160, %get3A_1161] {strides = array<i32>} : memref<80x128xf32, #tpu.memory_space<vmem>>, vector<16xf32>,
        %get3A_1163 = arith.index_cast %add3A_1133 : i32 to index
        %get3A_1164 = arith.constant 48 : index
        %get3A_1165 = tpu.vector_load %arg9[%get3A_1163, %get3A_1164] {strides = array<i32>} : memref<80x128xf32, #tpu.memory_space<vmem>>, vector<16xf32>,
        %mul3A_1166 = arith.mulf %get3A_1162, %get3A_1165 : vector<16xf32>
        %add3A_1167 = arith.addf %add3A_1159, %mul3A_1166 : vector<16xf32>
        %get3A_1168 = arith.index_cast %add3A_1133 : i32 to index
        %get3A_1169 = arith.constant 64 : index
        %get3A_1170 = tpu.vector_load %arg8[%get3A_1168, %get3A_1169] {strides = array<i32>} : memref<80x128xf32, #tpu.memory_space<vmem>>, vector<16xf32>,
        %get3A_1171 = arith.index_cast %add3A_1133 : i32 to index
        %get3A_1172 = arith.constant 64 : index
        %get3A_1173 = tpu.vector_load %arg9[%get3A_1171, %get3A_1172] {strides = array<i32>} : memref<80x128xf32, #tpu.memory_space<vmem>>, vector<16xf32>,
        %mul3A_1174 = arith.mulf %get3A_1170, %get3A_1173 : vector<16xf32>
        %add3A_1175 = arith.addf %add3A_1167, %mul3A_1174 : vector<16xf32>
        %get3A_1176 = arith.index_cast %add3A_1133 : i32 to index
        %get3A_1177 = arith.constant 80 : index
        %get3A_1178 = tpu.vector_load %arg8[%get3A_1176, %get3A_1177] {strides = array<i32>} : memref<80x128xf32, #tpu.memory_space<vmem>>, vector<16xf32>,
        %get3A_1179 = arith.index_cast %add3A_1133 : i32 to index
        %get3A_1180 = arith.constant 80 : index
        %get3A_1181 = tpu.vector_load %arg9[%get3A_1179, %get3A_1180] {strides = array<i32>} : memref<80x128xf32, #tpu.memory_space<vmem>>, vector<16xf32>,
        %mul3A_1182 = arith.mulf %get3A_1178, %get3A_1181 : vector<16xf32>
        %add3A_1183 = arith.addf %add3A_1175, %mul3A_1182 : vector<16xf32>
        %get3A_1184 = arith.index_cast %add3A_1133 : i32 to index
        %get3A_1185 = arith.constant 96 : index
        %get3A_1186 = tpu.vector_load %arg8[%get3A_1184, %get3A_1185] {strides = array<i32>} : memref<80x128xf32, #tpu.memory_space<vmem>>, vector<16xf32>,
        %get3A_1187 = arith.index_cast %add3A_1133 : i32 to index
        %get3A_1188 = arith.constant 96 : index
        %get3A_1189 = tpu.vector_load %arg9[%get3A_1187, %get3A_1188] {strides = array<i32>} : memref<80x128xf32, #tpu.memory_space<vmem>>, vector<16xf32>,
        %mul3A_1190 = arith.mulf %get3A_1186, %get3A_1189 : vector<16xf32>
        %add3A_1191 = arith.addf %add3A_1183, %mul3A_1190 : vector<16xf32>
        %get3A_1192 = arith.index_cast %add3A_1133 : i32 to index
        %get3A_1193 = arith.constant 112 : index
        %get3A_1194 = tpu.vector_load %arg8[%get3A_1192, %get3A_1193] {strides = array<i32>} : memref<80x128xf32, #tpu.memory_space<vmem>>, vector<16xf32>,
        %get3A_1195 = arith.index_cast %add3A_1133 : i32 to index
        %get3A_1196 = arith.constant 112 : index
        %get3A_1197 = tpu.vector_load %arg9[%get3A_1195, %get3A_1196] {strides = array<i32>} : memref<80x128xf32, #tpu.memory_space<vmem>>, vector<16xf32>,
        %mul3A_1198 = arith.mulf %get3A_1194, %get3A_1197 : vector<16xf32>
        %add3A_1199 = arith.addf %add3A_1191, %mul3A_1198 : vector<16xf32>
        %reduce_sum3A_1200 = arith.constant true
        %reduce_sum3A_1201 = vector.broadcast %reduce_sum3A_1200 : i1 to vector<16xi1>
        %reduce_sum3A_1202 = tpu.scan <sum>, %add3A_1199 masked %reduce_sum3A_1201 : vector<16xf32>, vector<16xi1> -> vector<16xf32>
        %reduce_sum3A_1203 = vector.extract %reduce_sum3A_1202[15] : f32 from vector<16xf32>
        %eq3A_1204 = arith.constant 14 : i32
        %eq3A_1205 = vector.broadcast %eq3A_1204 : i32 to vector<16xi32>
        %eq3A_1206 = arith.cmpi eq, %iota3A, %eq3A_1205 : vector<16xi32>
        %broadcast_in_dim3A_1207 = vector.broadcast %reduce_sum3A_1203 : f32 to vector<16xf32>
        %select_n3A_1208 = arith.select %eq3A_1206, %broadcast_in_dim3A_1207, %select_n3A_1131 : vector<16xi1>, vector<16xf32>
        %add3A_1209 = arith.constant 15 : i32
        %add3A_1210 = arith.addi %mul3A_56, %add3A_1209 : i32
        %broadcast_in_dim3A_1211 = arith.constant 0.000000e+00 : f32
        %broadcast_in_dim3A_1212 = vector.broadcast %broadcast_in_dim3A_1211 : f32 to vector<16xf32>
        %get3A_1213 = arith.index_cast %add3A_1210 : i32 to index
        %get3A_1214 = arith.constant 0 : index
        %get3A_1215 = tpu.vector_load %arg8[%get3A_1213, %get3A_1214] {strides = array<i32>} : memref<80x128xf32, #tpu.memory_space<vmem>>, vector<16xf32>,
        %get3A_1216 = arith.index_cast %add3A_1210 : i32 to index
        %get3A_1217 = arith.constant 0 : index
        %get3A_1218 = tpu.vector_load %arg9[%get3A_1216, %get3A_1217] {strides = array<i32>} : memref<80x128xf32, #tpu.memory_space<vmem>>, vector<16xf32>,
        %mul3A_1219 = arith.mulf %get3A_1215, %get3A_1218 : vector<16xf32>
        %add3A_1220 = arith.addf %broadcast_in_dim3A_1212, %mul3A_1219 : vector<16xf32>
        %get3A_1221 = arith.index_cast %add3A_1210 : i32 to index
        %get3A_1222 = arith.constant 16 : index
        %get3A_1223 = tpu.vector_load %arg8[%get3A_1221, %get3A_1222] {strides = array<i32>} : memref<80x128xf32, #tpu.memory_space<vmem>>, vector<16xf32>,
        %get3A_1224 = arith.index_cast %add3A_1210 : i32 to index
        %get3A_1225 = arith.constant 16 : index
        %get3A_1226 = tpu.vector_load %arg9[%get3A_1224, %get3A_1225] {strides = array<i32>} : memref<80x128xf32, #tpu.memory_space<vmem>>, vector<16xf32>,
        %mul3A_1227 = arith.mulf %get3A_1223, %get3A_1226 : vector<16xf32>
        %add3A_1228 = arith.addf %add3A_1220, %mul3A_1227 : vector<16xf32>
        %get3A_1229 = arith.index_cast %add3A_1210 : i32 to index
        %get3A_1230 = arith.constant 32 : index
        %get3A_1231 = tpu.vector_load %arg8[%get3A_1229, %get3A_1230] {strides = array<i32>} : memref<80x128xf32, #tpu.memory_space<vmem>>, vector<16xf32>,
        %get3A_1232 = arith.index_cast %add3A_1210 : i32 to index
        %get3A_1233 = arith.constant 32 : index
        %get3A_1234 = tpu.vector_load %arg9[%get3A_1232, %get3A_1233] {strides = array<i32>} : memref<80x128xf32, #tpu.memory_space<vmem>>, vector<16xf32>,
        %mul3A_1235 = arith.mulf %get3A_1231, %get3A_1234 : vector<16xf32>
        %add3A_1236 = arith.addf %add3A_1228, %mul3A_1235 : vector<16xf32>
        %get3A_1237 = arith.index_cast %add3A_1210 : i32 to index
        %get3A_1238 = arith.constant 48 : index
        %get3A_1239 = tpu.vector_load %arg8[%get3A_1237, %get3A_1238] {strides = array<i32>} : memref<80x128xf32, #tpu.memory_space<vmem>>, vector<16xf32>,
        %get3A_1240 = arith.index_cast %add3A_1210 : i32 to index
        %get3A_1241 = arith.constant 48 : index
        %get3A_1242 = tpu.vector_load %arg9[%get3A_1240, %get3A_1241] {strides = array<i32>} : memref<80x128xf32, #tpu.memory_space<vmem>>, vector<16xf32>,
        %mul3A_1243 = arith.mulf %get3A_1239, %get3A_1242 : vector<16xf32>
        %add3A_1244 = arith.addf %add3A_1236, %mul3A_1243 : vector<16xf32>
        %get3A_1245 = arith.index_cast %add3A_1210 : i32 to index
        %get3A_1246 = arith.constant 64 : index
        %get3A_1247 = tpu.vector_load %arg8[%get3A_1245, %get3A_1246] {strides = array<i32>} : memref<80x128xf32, #tpu.memory_space<vmem>>, vector<16xf32>,
        %get3A_1248 = arith.index_cast %add3A_1210 : i32 to index
        %get3A_1249 = arith.constant 64 : index
        %get3A_1250 = tpu.vector_load %arg9[%get3A_1248, %get3A_1249] {strides = array<i32>} : memref<80x128xf32, #tpu.memory_space<vmem>>, vector<16xf32>,
        %mul3A_1251 = arith.mulf %get3A_1247, %get3A_1250 : vector<16xf32>
        %add3A_1252 = arith.addf %add3A_1244, %mul3A_1251 : vector<16xf32>
        %get3A_1253 = arith.index_cast %add3A_1210 : i32 to index
        %get3A_1254 = arith.constant 80 : index
        %get3A_1255 = tpu.vector_load %arg8[%get3A_1253, %get3A_1254] {strides = array<i32>} : memref<80x128xf32, #tpu.memory_space<vmem>>, vector<16xf32>,
        %get3A_1256 = arith.index_cast %add3A_1210 : i32 to index
        %get3A_1257 = arith.constant 80 : index
        %get3A_1258 = tpu.vector_load %arg9[%get3A_1256, %get3A_1257] {strides = array<i32>} : memref<80x128xf32, #tpu.memory_space<vmem>>, vector<16xf32>,
        %mul3A_1259 = arith.mulf %get3A_1255, %get3A_1258 : vector<16xf32>
        %add3A_1260 = arith.addf %add3A_1252, %mul3A_1259 : vector<16xf32>
        %get3A_1261 = arith.index_cast %add3A_1210 : i32 to index
        %get3A_1262 = arith.constant 96 : index
        %get3A_1263 = tpu.vector_load %arg8[%get3A_1261, %get3A_1262] {strides = array<i32>} : memref<80x128xf32, #tpu.memory_space<vmem>>, vector<16xf32>,
        %get3A_1264 = arith.index_cast %add3A_1210 : i32 to index
        %get3A_1265 = arith.constant 96 : index
        %get3A_1266 = tpu.vector_load %arg9[%get3A_1264, %get3A_1265] {strides = array<i32>} : memref<80x128xf32, #tpu.memory_space<vmem>>, vector<16xf32>,
        %mul3A_1267 = arith.mulf %get3A_1263, %get3A_1266 : vector<16xf32>
        %add3A_1268 = arith.addf %add3A_1260, %mul3A_1267 : vector<16xf32>
        %get3A_1269 = arith.index_cast %add3A_1210 : i32 to index
        %get3A_1270 = arith.constant 112 : index
        %get3A_1271 = tpu.vector_load %arg8[%get3A_1269, %get3A_1270] {strides = array<i32>} : memref<80x128xf32, #tpu.memory_space<vmem>>, vector<16xf32>,
        %get3A_1272 = arith.index_cast %add3A_1210 : i32 to index
        %get3A_1273 = arith.constant 112 : index
        %get3A_1274 = tpu.vector_load %arg9[%get3A_1272, %get3A_1273] {strides = array<i32>} : memref<80x128xf32, #tpu.memory_space<vmem>>, vector<16xf32>,
        %mul3A_1275 = arith.mulf %get3A_1271, %get3A_1274 : vector<16xf32>
        %add3A_1276 = arith.addf %add3A_1268, %mul3A_1275 : vector<16xf32>
        %reduce_sum3A_1277 = arith.constant true
        %reduce_sum3A_1278 = vector.broadcast %reduce_sum3A_1277 : i1 to vector<16xi1>
        %reduce_sum3A_1279 = tpu.scan <sum>, %add3A_1276 masked %reduce_sum3A_1278 : vector<16xf32>, vector<16xi1> -> vector<16xf32>
        %reduce_sum3A_1280 = vector.extract %reduce_sum3A_1279[15] : f32 from vector<16xf32>
        %eq3A_1281 = arith.constant 15 : i32
        %eq3A_1282 = vector.broadcast %eq3A_1281 : i32 to vector<16xi32>
        %eq3A_1283 = arith.cmpi eq, %iota3A, %eq3A_1282 : vector<16xi32>
        %broadcast_in_dim3A_1284 = vector.broadcast %reduce_sum3A_1280 : f32 to vector<16xf32>
        %select_n3A_1285 = arith.select %eq3A_1283, %broadcast_in_dim3A_1284, %select_n3A_1208 : vector<16xi1>, vector<16xf32>
        %swap3A = arith.index_cast %mul3A_56 : i32 to index
        %swap3A_1286 = tpu.vector_load %arg10[%swap3A] {strides = array<i32>} : memref<80xf32, #tpu.memory_space<vmem>>, vector<16xf32>,
        tpu.vector_store %arg10[%swap3A], %select_n3A_1285 {strides = array<i32>} : memref<80xf32, #tpu.memory_space<vmem>>, vector<16xf32>,
        %scan3A_1287 = arith.constant 0 : i32
        scf.yield %scan3A_1287 : i32
      }
      %scan3A_45 = arith.constant 5 : i32
      %add3A_46 = arith.constant 0 : i32
      %add3A_47 = arith.addi %add3A_46, %mul3A_2 : i32
      %mul3A_48 = arith.constant 80 : i32
      %mul3A_49 = arith.muli %scan3A_18, %mul3A_48 : i32
      %add3A_50 = arith.addi %add3A_47, %mul3A_49 : i32
      %multiple_of3A_51 = tpu.assume_multiple %add3A_50, 8 : i32
      "tpu.region"() ({
        %run_scoped3A = tpu.sem_alloc : memref<!tpu.dma_semaphore, #tpu.memory_space<semaphore_mem>>
        %dma_start3A_53 = tpu.memref_slice %arg5[%multiple_of3A_51] : memref<640000xf32, #tpu.memory_space<hbm>> -> memref<80xf32, #tpu.memory_space<hbm>>
        %dma_start3A_54 = tpu.memref_slice %arg5[%multiple_of3A_51] : memref<640000xf32, #tpu.memory_space<hbm>> -> memref<80xf32, #tpu.memory_space<hbm>>
        tpu.enqueue_dma source(%arg10 : memref<80xf32, #tpu.memory_space<vmem>>) target(%dma_start3A_54 : memref<80xf32, #tpu.memory_space<hbm>>) target_semaphore(%run_scoped3A : memref<!tpu.dma_semaphore, #tpu.memory_space<semaphore_mem>>)
        %dma_wait3A_55 = tpu.memref_slice %arg5[%multiple_of3A_51] : memref<640000xf32, #tpu.memory_space<hbm>> -> memref<80xf32, #tpu.memory_space<hbm>>
        %dma_wait3A_56 = tpu.memref_slice %arg5[%multiple_of3A_51] : memref<640000xf32, #tpu.memory_space<hbm>> -> memref<80xf32, #tpu.memory_space<hbm>>
        tpu.wait_dma2 semaphore(%run_scoped3A : memref<!tpu.dma_semaphore, #tpu.memory_space<semaphore_mem>>) src(%arg10 : memref<80xf32, #tpu.memory_space<vmem>>) dst(%dma_wait3A_56 : memref<80xf32, #tpu.memory_space<hbm>>)
        tpu.yield
      }) : () -> ()
      %scan3A_52 = arith.constant 0 : i32
      scf.yield %scan3A_52 : i32
    }
    %scan3A_8 = arith.constant 125 : i32
    %mul3A_9 = arith.constant 10000 : i32
    %mul3A_10 = arith.muli %add3A, %mul3A_9 : i32
    %scan3A_11 = arith.constant 0 : i32
    %scan3A_12 = arith.constant 0 : i32
    %scan3A_13 = arith.constant 125 : i32
    %scan3A_14 = arith.addi %scan3A_12, %scan3A_13 : i32
    %scan3A_15 = arith.constant 1 : i32
    %scan3A_16 = scf.for %scan3A_18 = %scan3A_12 to %scan3A_14 step %scan3A_15 iter_args(%scan3A_19 = %scan3A_11) -> (i32)  : i32 {
      %mul3A_20 = arith.constant 80 : i32
      %mul3A_21 = arith.muli %scan3A_18, %mul3A_20 : i32
      %add3A_22 = arith.addi %mul3A_10, %mul3A_21 : i32
      %multiple_of3A = tpu.assume_multiple %add3A_22, 8 : i32
      %add3A_23 = arith.constant 320000 : i32
      %add3A_24 = arith.addi %add3A_23, %mul3A_10 : i32
      %mul3A_25 = arith.constant 80 : i32
      %mul3A_26 = arith.muli %scan3A_18, %mul3A_25 : i32
      %add3A_27 = arith.addi %add3A_24, %mul3A_26 : i32
      %multiple_of3A_28 = tpu.assume_multiple %add3A_27, 8 : i32
      "tpu.region"() ({
        %run_scoped3A = tpu.sem_alloc : memref<!tpu.dma_semaphore, #tpu.memory_space<semaphore_mem>>
        %dma_start3A_53 = tpu.memref_slice %arg4[%multiple_of3A] : memref<640000xi32, #tpu.memory_space<hbm>> -> memref<80xi32, #tpu.memory_space<hbm>>
        %dma_start3A_54 = tpu.memref_slice %arg4[%multiple_of3A] : memref<640000xi32, #tpu.memory_space<hbm>> -> memref<80xi32, #tpu.memory_space<hbm>>
        tpu.enqueue_dma source(%dma_start3A_54 : memref<80xi32, #tpu.memory_space<hbm>>) target(%arg6 : memref<80xi32, #tpu.memory_space<vmem>>) target_semaphore(%run_scoped3A : memref<!tpu.dma_semaphore, #tpu.memory_space<semaphore_mem>>)
        %dma_wait3A_55 = tpu.memref_slice %arg4[%multiple_of3A] : memref<640000xi32, #tpu.memory_space<hbm>> -> memref<80xi32, #tpu.memory_space<hbm>>
        %dma_wait3A_56 = tpu.memref_slice %arg4[%multiple_of3A] : memref<640000xi32, #tpu.memory_space<hbm>> -> memref<80xi32, #tpu.memory_space<hbm>>
        tpu.wait_dma2 semaphore(%run_scoped3A : memref<!tpu.dma_semaphore, #tpu.memory_space<semaphore_mem>>) src(%dma_wait3A_56 : memref<80xi32, #tpu.memory_space<hbm>>) dst(%arg6 : memref<80xi32, #tpu.memory_space<vmem>>)
        tpu.yield
      }) : () -> ()
      "tpu.region"() ({
        %run_scoped3A = tpu.sem_alloc : memref<!tpu.dma_semaphore, #tpu.memory_space<semaphore_mem>>
        %dma_start3A_53 = tpu.memref_slice %arg4[%multiple_of3A_28] : memref<640000xi32, #tpu.memory_space<hbm>> -> memref<80xi32, #tpu.memory_space<hbm>>
        %dma_start3A_54 = tpu.memref_slice %arg4[%multiple_of3A_28] : memref<640000xi32, #tpu.memory_space<hbm>> -> memref<80xi32, #tpu.memory_space<hbm>>
        tpu.enqueue_dma source(%dma_start3A_54 : memref<80xi32, #tpu.memory_space<hbm>>) target(%arg7 : memref<80xi32, #tpu.memory_space<vmem>>) target_semaphore(%run_scoped3A : memref<!tpu.dma_semaphore, #tpu.memory_space<semaphore_mem>>)
        %dma_wait3A_55 = tpu.memref_slice %arg4[%multiple_of3A_28] : memref<640000xi32, #tpu.memory_space<hbm>> -> memref<80xi32, #tpu.memory_space<hbm>>
        %dma_wait3A_56 = tpu.memref_slice %arg4[%multiple_of3A_28] : memref<640000xi32, #tpu.memory_space<hbm>> -> memref<80xi32, #tpu.memory_space<hbm>>
        tpu.wait_dma2 semaphore(%run_scoped3A : memref<!tpu.dma_semaphore, #tpu.memory_space<semaphore_mem>>) src(%dma_wait3A_56 : memref<80xi32, #tpu.memory_space<hbm>>) dst(%arg7 : memref<80xi32, #tpu.memory_space<vmem>>)
        tpu.yield
      }) : () -> ()
      %dma_start3A = arith.constant 0 : i32
      %dma_start3A_29 = arith.constant 0 : i32
      %dma_start3A_30 = tpu.memref_slice %arg2[%dma_start3A, %dma_start3A_29] : memref<10000x128xf32, #tpu.memory_space<hbm>> -> memref<10000x128xf32, #tpu.memory_space<hbm>>
      tpu.enqueue_indirect_dma source(%dma_start3A_30 : memref<10000x128xf32, #tpu.memory_space<hbm>>) target(%arg8 : memref<80x128xf32, #tpu.memory_space<vmem>>) offsets(%arg6 : memref<80xi32, #tpu.memory_space<vmem>>) semaphore(%arg11 : memref<!tpu.dma_semaphore, #tpu.memory_space<semaphore_mem>>)
      %dma_start3A_31 = arith.constant 0 : i32
      %dma_start3A_32 = arith.constant 0 : i32
      %dma_start3A_33 = tpu.memref_slice %arg2[%dma_start3A_31, %dma_start3A_32] : memref<10000x128xf32, #tpu.memory_space<hbm>> -> memref<10000x128xf32, #tpu.memory_space<hbm>>
      tpu.enqueue_indirect_dma source(%dma_start3A_33 : memref<10000x128xf32, #tpu.memory_space<hbm>>) target(%arg9 : memref<80x128xf32, #tpu.memory_space<vmem>>) offsets(%arg7 : memref<80xi32, #tpu.memory_space<vmem>>) semaphore(%arg11 : memref<!tpu.dma_semaphore, #tpu.memory_space<semaphore_mem>>)
      %dma_wait3A = arith.constant 0 : i32
      %dma_wait3A_34 = arith.constant 0 : i32
      %dma_wait3A_35 = tpu.memref_slice %arg2[%dma_wait3A, %dma_wait3A_34] : memref<10000x128xf32, #tpu.memory_space<hbm>> -> memref<10000x128xf32, #tpu.memory_space<hbm>>
      tpu.wait_indirect_dma semaphore(%arg11 : memref<!tpu.dma_semaphore, #tpu.memory_space<semaphore_mem>>) src(%dma_wait3A_35 : memref<10000x128xf32, #tpu.memory_space<hbm>>) dst(%arg8 : memref<80x128xf32, #tpu.memory_space<vmem>>)
      %dma_wait3A_36 = arith.constant 0 : i32
      %dma_wait3A_37 = arith.constant 0 : i32
      %dma_wait3A_38 = tpu.memref_slice %arg2[%dma_wait3A_36, %dma_wait3A_37] : memref<10000x128xf32, #tpu.memory_space<hbm>> -> memref<10000x128xf32, #tpu.memory_space<hbm>>
      tpu.wait_indirect_dma semaphore(%arg11 : memref<!tpu.dma_semaphore, #tpu.memory_space<semaphore_mem>>) src(%dma_wait3A_38 : memref<10000x128xf32, #tpu.memory_space<hbm>>) dst(%arg9 : memref<80x128xf32, #tpu.memory_space<vmem>>)
      %scan3A_39 = arith.constant 0 : i32
      %scan3A_40 = arith.constant 0 : i32
      %scan3A_41 = arith.constant 5 : i32
      %scan3A_42 = arith.addi %scan3A_40, %scan3A_41 : i32
      %scan3A_43 = arith.constant 1 : i32
      %scan3A_44 = scf.for %scan3A_53 = %scan3A_40 to %scan3A_42 step %scan3A_43 iter_args(%scan3A_54 = %scan3A_39) -> (i32)  : i32 {
        %mul3A_55 = arith.constant 16 : i32
        %mul3A_56 = arith.muli %scan3A_53, %mul3A_55 : i32
        %iota3A = tpu.iota {dimensions = array<i32: 0>} : vector<16xi32>
        %broadcast_in_dim3A = arith.constant 0.000000e+00 : f32
        %broadcast_in_dim3A_57 = vector.broadcast %broadcast_in_dim3A : f32 to vector<16xf32>
        %add3A_58 = arith.constant 0 : i32
        %add3A_59 = arith.addi %mul3A_56, %add3A_58 : i32
        %broadcast_in_dim3A_60 = arith.constant 0.000000e+00 : f32
        %broadcast_in_dim3A_61 = vector.broadcast %broadcast_in_dim3A_60 : f32 to vector<16xf32>
        %get3A = arith.index_cast %add3A_59 : i32 to index
        %get3A_62 = arith.constant 0 : index
        %get3A_63 = tpu.vector_load %arg8[%get3A, %get3A_62] {strides = array<i32>} : memref<80x128xf32, #tpu.memory_space<vmem>>, vector<16xf32>,
        %get3A_64 = arith.index_cast %add3A_59 : i32 to index
        %get3A_65 = arith.constant 0 : index
        %get3A_66 = tpu.vector_load %arg9[%get3A_64, %get3A_65] {strides = array<i32>} : memref<80x128xf32, #tpu.memory_space<vmem>>, vector<16xf32>,
        %mul3A_67 = arith.mulf %get3A_63, %get3A_66 : vector<16xf32>
        %add3A_68 = arith.addf %broadcast_in_dim3A_61, %mul3A_67 : vector<16xf32>
        %get3A_69 = arith.index_cast %add3A_59 : i32 to index
        %get3A_70 = arith.constant 16 : index
        %get3A_71 = tpu.vector_load %arg8[%get3A_69, %get3A_70] {strides = array<i32>} : memref<80x128xf32, #tpu.memory_space<vmem>>, vector<16xf32>,
        %get3A_72 = arith.index_cast %add3A_59 : i32 to index
        %get3A_73 = arith.constant 16 : index
        %get3A_74 = tpu.vector_load %arg9[%get3A_72, %get3A_73] {strides = array<i32>} : memref<80x128xf32, #tpu.memory_space<vmem>>, vector<16xf32>,
        %mul3A_75 = arith.mulf %get3A_71, %get3A_74 : vector<16xf32>
        %add3A_76 = arith.addf %add3A_68, %mul3A_75 : vector<16xf32>
        %get3A_77 = arith.index_cast %add3A_59 : i32 to index
        %get3A_78 = arith.constant 32 : index
        %get3A_79 = tpu.vector_load %arg8[%get3A_77, %get3A_78] {strides = array<i32>} : memref<80x128xf32, #tpu.memory_space<vmem>>, vector<16xf32>,
        %get3A_80 = arith.index_cast %add3A_59 : i32 to index
        %get3A_81 = arith.constant 32 : index
        %get3A_82 = tpu.vector_load %arg9[%get3A_80, %get3A_81] {strides = array<i32>} : memref<80x128xf32, #tpu.memory_space<vmem>>, vector<16xf32>,
        %mul3A_83 = arith.mulf %get3A_79, %get3A_82 : vector<16xf32>
        %add3A_84 = arith.addf %add3A_76, %mul3A_83 : vector<16xf32>
        %get3A_85 = arith.index_cast %add3A_59 : i32 to index
        %get3A_86 = arith.constant 48 : index
        %get3A_87 = tpu.vector_load %arg8[%get3A_85, %get3A_86] {strides = array<i32>} : memref<80x128xf32, #tpu.memory_space<vmem>>, vector<16xf32>,
        %get3A_88 = arith.index_cast %add3A_59 : i32 to index
        %get3A_89 = arith.constant 48 : index
        %get3A_90 = tpu.vector_load %arg9[%get3A_88, %get3A_89] {strides = array<i32>} : memref<80x128xf32, #tpu.memory_space<vmem>>, vector<16xf32>,
        %mul3A_91 = arith.mulf %get3A_87, %get3A_90 : vector<16xf32>
        %add3A_92 = arith.addf %add3A_84, %mul3A_91 : vector<16xf32>
        %get3A_93 = arith.index_cast %add3A_59 : i32 to index
        %get3A_94 = arith.constant 64 : index
        %get3A_95 = tpu.vector_load %arg8[%get3A_93, %get3A_94] {strides = array<i32>} : memref<80x128xf32, #tpu.memory_space<vmem>>, vector<16xf32>,
        %get3A_96 = arith.index_cast %add3A_59 : i32 to index
        %get3A_97 = arith.constant 64 : index
        %get3A_98 = tpu.vector_load %arg9[%get3A_96, %get3A_97] {strides = array<i32>} : memref<80x128xf32, #tpu.memory_space<vmem>>, vector<16xf32>,
        %mul3A_99 = arith.mulf %get3A_95, %get3A_98 : vector<16xf32>
        %add3A_100 = arith.addf %add3A_92, %mul3A_99 : vector<16xf32>
        %get3A_101 = arith.index_cast %add3A_59 : i32 to index
        %get3A_102 = arith.constant 80 : index
        %get3A_103 = tpu.vector_load %arg8[%get3A_101, %get3A_102] {strides = array<i32>} : memref<80x128xf32, #tpu.memory_space<vmem>>, vector<16xf32>,
        %get3A_104 = arith.index_cast %add3A_59 : i32 to index
        %get3A_105 = arith.constant 80 : index
        %get3A_106 = tpu.vector_load %arg9[%get3A_104, %get3A_105] {strides = array<i32>} : memref<80x128xf32, #tpu.memory_space<vmem>>, vector<16xf32>,
        %mul3A_107 = arith.mulf %get3A_103, %get3A_106 : vector<16xf32>
        %add3A_108 = arith.addf %add3A_100, %mul3A_107 : vector<16xf32>
        %get3A_109 = arith.index_cast %add3A_59 : i32 to index
        %get3A_110 = arith.constant 96 : index
        %get3A_111 = tpu.vector_load %arg8[%get3A_109, %get3A_110] {strides = array<i32>} : memref<80x128xf32, #tpu.memory_space<vmem>>, vector<16xf32>,
        %get3A_112 = arith.index_cast %add3A_59 : i32 to index
        %get3A_113 = arith.constant 96 : index
        %get3A_114 = tpu.vector_load %arg9[%get3A_112, %get3A_113] {strides = array<i32>} : memref<80x128xf32, #tpu.memory_space<vmem>>, vector<16xf32>,
        %mul3A_115 = arith.mulf %get3A_111, %get3A_114 : vector<16xf32>
        %add3A_116 = arith.addf %add3A_108, %mul3A_115 : vector<16xf32>
        %get3A_117 = arith.index_cast %add3A_59 : i32 to index
        %get3A_118 = arith.constant 112 : index
        %get3A_119 = tpu.vector_load %arg8[%get3A_117, %get3A_118] {strides = array<i32>} : memref<80x128xf32, #tpu.memory_space<vmem>>, vector<16xf32>,
        %get3A_120 = arith.index_cast %add3A_59 : i32 to index
        %get3A_121 = arith.constant 112 : index
        %get3A_122 = tpu.vector_load %arg9[%get3A_120, %get3A_121] {strides = array<i32>} : memref<80x128xf32, #tpu.memory_space<vmem>>, vector<16xf32>,
        %mul3A_123 = arith.mulf %get3A_119, %get3A_122 : vector<16xf32>
        %add3A_124 = arith.addf %add3A_116, %mul3A_123 : vector<16xf32>
        %reduce_sum3A = arith.constant true
        %reduce_sum3A_125 = vector.broadcast %reduce_sum3A : i1 to vector<16xi1>
        %reduce_sum3A_126 = tpu.scan <sum>, %add3A_124 masked %reduce_sum3A_125 : vector<16xf32>, vector<16xi1> -> vector<16xf32>
        %reduce_sum3A_127 = vector.extract %reduce_sum3A_126[15] : f32 from vector<16xf32>
        %eq3A = arith.constant 0 : i32
        %eq3A_128 = vector.broadcast %eq3A : i32 to vector<16xi32>
        %eq3A_129 = arith.cmpi eq, %iota3A, %eq3A_128 : vector<16xi32>
        %broadcast_in_dim3A_130 = vector.broadcast %reduce_sum3A_127 : f32 to vector<16xf32>
        %select_n3A = arith.select %eq3A_129, %broadcast_in_dim3A_130, %broadcast_in_dim3A_57 : vector<16xi1>, vector<16xf32>
        %add3A_131 = arith.constant 1 : i32
        %add3A_132 = arith.addi %mul3A_56, %add3A_131 : i32
        %broadcast_in_dim3A_133 = arith.constant 0.000000e+00 : f32
        %broadcast_in_dim3A_134 = vector.broadcast %broadcast_in_dim3A_133 : f32 to vector<16xf32>
        %get3A_135 = arith.index_cast %add3A_132 : i32 to index
        %get3A_136 = arith.constant 0 : index
        %get3A_137 = tpu.vector_load %arg8[%get3A_135, %get3A_136] {strides = array<i32>} : memref<80x128xf32, #tpu.memory_space<vmem>>, vector<16xf32>,
        %get3A_138 = arith.index_cast %add3A_132 : i32 to index
        %get3A_139 = arith.constant 0 : index
        %get3A_140 = tpu.vector_load %arg9[%get3A_138, %get3A_139] {strides = array<i32>} : memref<80x128xf32, #tpu.memory_space<vmem>>, vector<16xf32>,
        %mul3A_141 = arith.mulf %get3A_137, %get3A_140 : vector<16xf32>
        %add3A_142 = arith.addf %broadcast_in_dim3A_134, %mul3A_141 : vector<16xf32>
        %get3A_143 = arith.index_cast %add3A_132 : i32 to index
        %get3A_144 = arith.constant 16 : index
        %get3A_145 = tpu.vector_load %arg8[%get3A_143, %get3A_144] {strides = array<i32>} : memref<80x128xf32, #tpu.memory_space<vmem>>, vector<16xf32>,
        %get3A_146 = arith.index_cast %add3A_132 : i32 to index
        %get3A_147 = arith.constant 16 : index
        %get3A_148 = tpu.vector_load %arg9[%get3A_146, %get3A_147] {strides = array<i32>} : memref<80x128xf32, #tpu.memory_space<vmem>>, vector<16xf32>,
        %mul3A_149 = arith.mulf %get3A_145, %get3A_148 : vector<16xf32>
        %add3A_150 = arith.addf %add3A_142, %mul3A_149 : vector<16xf32>
        %get3A_151 = arith.index_cast %add3A_132 : i32 to index
        %get3A_152 = arith.constant 32 : index
        %get3A_153 = tpu.vector_load %arg8[%get3A_151, %get3A_152] {strides = array<i32>} : memref<80x128xf32, #tpu.memory_space<vmem>>, vector<16xf32>,
        %get3A_154 = arith.index_cast %add3A_132 : i32 to index
        %get3A_155 = arith.constant 32 : index
        %get3A_156 = tpu.vector_load %arg9[%get3A_154, %get3A_155] {strides = array<i32>} : memref<80x128xf32, #tpu.memory_space<vmem>>, vector<16xf32>,
        %mul3A_157 = arith.mulf %get3A_153, %get3A_156 : vector<16xf32>
        %add3A_158 = arith.addf %add3A_150, %mul3A_157 : vector<16xf32>
        %get3A_159 = arith.index_cast %add3A_132 : i32 to index
        %get3A_160 = arith.constant 48 : index
        %get3A_161 = tpu.vector_load %arg8[%get3A_159, %get3A_160] {strides = array<i32>} : memref<80x128xf32, #tpu.memory_space<vmem>>, vector<16xf32>,
        %get3A_162 = arith.index_cast %add3A_132 : i32 to index
        %get3A_163 = arith.constant 48 : index
        %get3A_164 = tpu.vector_load %arg9[%get3A_162, %get3A_163] {strides = array<i32>} : memref<80x128xf32, #tpu.memory_space<vmem>>, vector<16xf32>,
        %mul3A_165 = arith.mulf %get3A_161, %get3A_164 : vector<16xf32>
        %add3A_166 = arith.addf %add3A_158, %mul3A_165 : vector<16xf32>
        %get3A_167 = arith.index_cast %add3A_132 : i32 to index
        %get3A_168 = arith.constant 64 : index
        %get3A_169 = tpu.vector_load %arg8[%get3A_167, %get3A_168] {strides = array<i32>} : memref<80x128xf32, #tpu.memory_space<vmem>>, vector<16xf32>,
        %get3A_170 = arith.index_cast %add3A_132 : i32 to index
        %get3A_171 = arith.constant 64 : index
        %get3A_172 = tpu.vector_load %arg9[%get3A_170, %get3A_171] {strides = array<i32>} : memref<80x128xf32, #tpu.memory_space<vmem>>, vector<16xf32>,
        %mul3A_173 = arith.mulf %get3A_169, %get3A_172 : vector<16xf32>
        %add3A_174 = arith.addf %add3A_166, %mul3A_173 : vector<16xf32>
        %get3A_175 = arith.index_cast %add3A_132 : i32 to index
        %get3A_176 = arith.constant 80 : index
        %get3A_177 = tpu.vector_load %arg8[%get3A_175, %get3A_176] {strides = array<i32>} : memref<80x128xf32, #tpu.memory_space<vmem>>, vector<16xf32>,
        %get3A_178 = arith.index_cast %add3A_132 : i32 to index
        %get3A_179 = arith.constant 80 : index
        %get3A_180 = tpu.vector_load %arg9[%get3A_178, %get3A_179] {strides = array<i32>} : memref<80x128xf32, #tpu.memory_space<vmem>>, vector<16xf32>,
        %mul3A_181 = arith.mulf %get3A_177, %get3A_180 : vector<16xf32>
        %add3A_182 = arith.addf %add3A_174, %mul3A_181 : vector<16xf32>
        %get3A_183 = arith.index_cast %add3A_132 : i32 to index
        %get3A_184 = arith.constant 96 : index
        %get3A_185 = tpu.vector_load %arg8[%get3A_183, %get3A_184] {strides = array<i32>} : memref<80x128xf32, #tpu.memory_space<vmem>>, vector<16xf32>,
        %get3A_186 = arith.index_cast %add3A_132 : i32 to index
        %get3A_187 = arith.constant 96 : index
        %get3A_188 = tpu.vector_load %arg9[%get3A_186, %get3A_187] {strides = array<i32>} : memref<80x128xf32, #tpu.memory_space<vmem>>, vector<16xf32>,
        %mul3A_189 = arith.mulf %get3A_185, %get3A_188 : vector<16xf32>
        %add3A_190 = arith.addf %add3A_182, %mul3A_189 : vector<16xf32>
        %get3A_191 = arith.index_cast %add3A_132 : i32 to index
        %get3A_192 = arith.constant 112 : index
        %get3A_193 = tpu.vector_load %arg8[%get3A_191, %get3A_192] {strides = array<i32>} : memref<80x128xf32, #tpu.memory_space<vmem>>, vector<16xf32>,
        %get3A_194 = arith.index_cast %add3A_132 : i32 to index
        %get3A_195 = arith.constant 112 : index
        %get3A_196 = tpu.vector_load %arg9[%get3A_194, %get3A_195] {strides = array<i32>} : memref<80x128xf32, #tpu.memory_space<vmem>>, vector<16xf32>,
        %mul3A_197 = arith.mulf %get3A_193, %get3A_196 : vector<16xf32>
        %add3A_198 = arith.addf %add3A_190, %mul3A_197 : vector<16xf32>
        %reduce_sum3A_199 = arith.constant true
        %reduce_sum3A_200 = vector.broadcast %reduce_sum3A_199 : i1 to vector<16xi1>
        %reduce_sum3A_201 = tpu.scan <sum>, %add3A_198 masked %reduce_sum3A_200 : vector<16xf32>, vector<16xi1> -> vector<16xf32>
        %reduce_sum3A_202 = vector.extract %reduce_sum3A_201[15] : f32 from vector<16xf32>
        %eq3A_203 = arith.constant 1 : i32
        %eq3A_204 = vector.broadcast %eq3A_203 : i32 to vector<16xi32>
        %eq3A_205 = arith.cmpi eq, %iota3A, %eq3A_204 : vector<16xi32>
        %broadcast_in_dim3A_206 = vector.broadcast %reduce_sum3A_202 : f32 to vector<16xf32>
        %select_n3A_207 = arith.select %eq3A_205, %broadcast_in_dim3A_206, %select_n3A : vector<16xi1>, vector<16xf32>
        %add3A_208 = arith.constant 2 : i32
        %add3A_209 = arith.addi %mul3A_56, %add3A_208 : i32
        %broadcast_in_dim3A_210 = arith.constant 0.000000e+00 : f32
        %broadcast_in_dim3A_211 = vector.broadcast %broadcast_in_dim3A_210 : f32 to vector<16xf32>
        %get3A_212 = arith.index_cast %add3A_209 : i32 to index
        %get3A_213 = arith.constant 0 : index
        %get3A_214 = tpu.vector_load %arg8[%get3A_212, %get3A_213] {strides = array<i32>} : memref<80x128xf32, #tpu.memory_space<vmem>>, vector<16xf32>,
        %get3A_215 = arith.index_cast %add3A_209 : i32 to index
        %get3A_216 = arith.constant 0 : index
        %get3A_217 = tpu.vector_load %arg9[%get3A_215, %get3A_216] {strides = array<i32>} : memref<80x128xf32, #tpu.memory_space<vmem>>, vector<16xf32>,
        %mul3A_218 = arith.mulf %get3A_214, %get3A_217 : vector<16xf32>
        %add3A_219 = arith.addf %broadcast_in_dim3A_211, %mul3A_218 : vector<16xf32>
        %get3A_220 = arith.index_cast %add3A_209 : i32 to index
        %get3A_221 = arith.constant 16 : index
        %get3A_222 = tpu.vector_load %arg8[%get3A_220, %get3A_221] {strides = array<i32>} : memref<80x128xf32, #tpu.memory_space<vmem>>, vector<16xf32>,
        %get3A_223 = arith.index_cast %add3A_209 : i32 to index
        %get3A_224 = arith.constant 16 : index
        %get3A_225 = tpu.vector_load %arg9[%get3A_223, %get3A_224] {strides = array<i32>} : memref<80x128xf32, #tpu.memory_space<vmem>>, vector<16xf32>,
        %mul3A_226 = arith.mulf %get3A_222, %get3A_225 : vector<16xf32>
        %add3A_227 = arith.addf %add3A_219, %mul3A_226 : vector<16xf32>
        %get3A_228 = arith.index_cast %add3A_209 : i32 to index
        %get3A_229 = arith.constant 32 : index
        %get3A_230 = tpu.vector_load %arg8[%get3A_228, %get3A_229] {strides = array<i32>} : memref<80x128xf32, #tpu.memory_space<vmem>>, vector<16xf32>,
        %get3A_231 = arith.index_cast %add3A_209 : i32 to index
        %get3A_232 = arith.constant 32 : index
        %get3A_233 = tpu.vector_load %arg9[%get3A_231, %get3A_232] {strides = array<i32>} : memref<80x128xf32, #tpu.memory_space<vmem>>, vector<16xf32>,
        %mul3A_234 = arith.mulf %get3A_230, %get3A_233 : vector<16xf32>
        %add3A_235 = arith.addf %add3A_227, %mul3A_234 : vector<16xf32>
        %get3A_236 = arith.index_cast %add3A_209 : i32 to index
        %get3A_237 = arith.constant 48 : index
        %get3A_238 = tpu.vector_load %arg8[%get3A_236, %get3A_237] {strides = array<i32>} : memref<80x128xf32, #tpu.memory_space<vmem>>, vector<16xf32>,
        %get3A_239 = arith.index_cast %add3A_209 : i32 to index
        %get3A_240 = arith.constant 48 : index
        %get3A_241 = tpu.vector_load %arg9[%get3A_239, %get3A_240] {strides = array<i32>} : memref<80x128xf32, #tpu.memory_space<vmem>>, vector<16xf32>,
        %mul3A_242 = arith.mulf %get3A_238, %get3A_241 : vector<16xf32>
        %add3A_243 = arith.addf %add3A_235, %mul3A_242 : vector<16xf32>
        %get3A_244 = arith.index_cast %add3A_209 : i32 to index
        %get3A_245 = arith.constant 64 : index
        %get3A_246 = tpu.vector_load %arg8[%get3A_244, %get3A_245] {strides = array<i32>} : memref<80x128xf32, #tpu.memory_space<vmem>>, vector<16xf32>,
        %get3A_247 = arith.index_cast %add3A_209 : i32 to index
        %get3A_248 = arith.constant 64 : index
        %get3A_249 = tpu.vector_load %arg9[%get3A_247, %get3A_248] {strides = array<i32>} : memref<80x128xf32, #tpu.memory_space<vmem>>, vector<16xf32>,
        %mul3A_250 = arith.mulf %get3A_246, %get3A_249 : vector<16xf32>
        %add3A_251 = arith.addf %add3A_243, %mul3A_250 : vector<16xf32>
        %get3A_252 = arith.index_cast %add3A_209 : i32 to index
        %get3A_253 = arith.constant 80 : index
        %get3A_254 = tpu.vector_load %arg8[%get3A_252, %get3A_253] {strides = array<i32>} : memref<80x128xf32, #tpu.memory_space<vmem>>, vector<16xf32>,
        %get3A_255 = arith.index_cast %add3A_209 : i32 to index
        %get3A_256 = arith.constant 80 : index
        %get3A_257 = tpu.vector_load %arg9[%get3A_255, %get3A_256] {strides = array<i32>} : memref<80x128xf32, #tpu.memory_space<vmem>>, vector<16xf32>,
        %mul3A_258 = arith.mulf %get3A_254, %get3A_257 : vector<16xf32>
        %add3A_259 = arith.addf %add3A_251, %mul3A_258 : vector<16xf32>
        %get3A_260 = arith.index_cast %add3A_209 : i32 to index
        %get3A_261 = arith.constant 96 : index
        %get3A_262 = tpu.vector_load %arg8[%get3A_260, %get3A_261] {strides = array<i32>} : memref<80x128xf32, #tpu.memory_space<vmem>>, vector<16xf32>,
        %get3A_263 = arith.index_cast %add3A_209 : i32 to index
        %get3A_264 = arith.constant 96 : index
        %get3A_265 = tpu.vector_load %arg9[%get3A_263, %get3A_264] {strides = array<i32>} : memref<80x128xf32, #tpu.memory_space<vmem>>, vector<16xf32>,
        %mul3A_266 = arith.mulf %get3A_262, %get3A_265 : vector<16xf32>
        %add3A_267 = arith.addf %add3A_259, %mul3A_266 : vector<16xf32>
        %get3A_268 = arith.index_cast %add3A_209 : i32 to index
        %get3A_269 = arith.constant 112 : index
        %get3A_270 = tpu.vector_load %arg8[%get3A_268, %get3A_269] {strides = array<i32>} : memref<80x128xf32, #tpu.memory_space<vmem>>, vector<16xf32>,
        %get3A_271 = arith.index_cast %add3A_209 : i32 to index
        %get3A_272 = arith.constant 112 : index
        %get3A_273 = tpu.vector_load %arg9[%get3A_271, %get3A_272] {strides = array<i32>} : memref<80x128xf32, #tpu.memory_space<vmem>>, vector<16xf32>,
        %mul3A_274 = arith.mulf %get3A_270, %get3A_273 : vector<16xf32>
        %add3A_275 = arith.addf %add3A_267, %mul3A_274 : vector<16xf32>
        %reduce_sum3A_276 = arith.constant true
        %reduce_sum3A_277 = vector.broadcast %reduce_sum3A_276 : i1 to vector<16xi1>
        %reduce_sum3A_278 = tpu.scan <sum>, %add3A_275 masked %reduce_sum3A_277 : vector<16xf32>, vector<16xi1> -> vector<16xf32>
        %reduce_sum3A_279 = vector.extract %reduce_sum3A_278[15] : f32 from vector<16xf32>
        %eq3A_280 = arith.constant 2 : i32
        %eq3A_281 = vector.broadcast %eq3A_280 : i32 to vector<16xi32>
        %eq3A_282 = arith.cmpi eq, %iota3A, %eq3A_281 : vector<16xi32>
        %broadcast_in_dim3A_283 = vector.broadcast %reduce_sum3A_279 : f32 to vector<16xf32>
        %select_n3A_284 = arith.select %eq3A_282, %broadcast_in_dim3A_283, %select_n3A_207 : vector<16xi1>, vector<16xf32>
        %add3A_285 = arith.constant 3 : i32
        %add3A_286 = arith.addi %mul3A_56, %add3A_285 : i32
        %broadcast_in_dim3A_287 = arith.constant 0.000000e+00 : f32
        %broadcast_in_dim3A_288 = vector.broadcast %broadcast_in_dim3A_287 : f32 to vector<16xf32>
        %get3A_289 = arith.index_cast %add3A_286 : i32 to index
        %get3A_290 = arith.constant 0 : index
        %get3A_291 = tpu.vector_load %arg8[%get3A_289, %get3A_290] {strides = array<i32>} : memref<80x128xf32, #tpu.memory_space<vmem>>, vector<16xf32>,
        %get3A_292 = arith.index_cast %add3A_286 : i32 to index
        %get3A_293 = arith.constant 0 : index
        %get3A_294 = tpu.vector_load %arg9[%get3A_292, %get3A_293] {strides = array<i32>} : memref<80x128xf32, #tpu.memory_space<vmem>>, vector<16xf32>,
        %mul3A_295 = arith.mulf %get3A_291, %get3A_294 : vector<16xf32>
        %add3A_296 = arith.addf %broadcast_in_dim3A_288, %mul3A_295 : vector<16xf32>
        %get3A_297 = arith.index_cast %add3A_286 : i32 to index
        %get3A_298 = arith.constant 16 : index
        %get3A_299 = tpu.vector_load %arg8[%get3A_297, %get3A_298] {strides = array<i32>} : memref<80x128xf32, #tpu.memory_space<vmem>>, vector<16xf32>,
        %get3A_300 = arith.index_cast %add3A_286 : i32 to index
        %get3A_301 = arith.constant 16 : index
        %get3A_302 = tpu.vector_load %arg9[%get3A_300, %get3A_301] {strides = array<i32>} : memref<80x128xf32, #tpu.memory_space<vmem>>, vector<16xf32>,
        %mul3A_303 = arith.mulf %get3A_299, %get3A_302 : vector<16xf32>
        %add3A_304 = arith.addf %add3A_296, %mul3A_303 : vector<16xf32>
        %get3A_305 = arith.index_cast %add3A_286 : i32 to index
        %get3A_306 = arith.constant 32 : index
        %get3A_307 = tpu.vector_load %arg8[%get3A_305, %get3A_306] {strides = array<i32>} : memref<80x128xf32, #tpu.memory_space<vmem>>, vector<16xf32>,
        %get3A_308 = arith.index_cast %add3A_286 : i32 to index
        %get3A_309 = arith.constant 32 : index
        %get3A_310 = tpu.vector_load %arg9[%get3A_308, %get3A_309] {strides = array<i32>} : memref<80x128xf32, #tpu.memory_space<vmem>>, vector<16xf32>,
        %mul3A_311 = arith.mulf %get3A_307, %get3A_310 : vector<16xf32>
        %add3A_312 = arith.addf %add3A_304, %mul3A_311 : vector<16xf32>
        %get3A_313 = arith.index_cast %add3A_286 : i32 to index
        %get3A_314 = arith.constant 48 : index
        %get3A_315 = tpu.vector_load %arg8[%get3A_313, %get3A_314] {strides = array<i32>} : memref<80x128xf32, #tpu.memory_space<vmem>>, vector<16xf32>,
        %get3A_316 = arith.index_cast %add3A_286 : i32 to index
        %get3A_317 = arith.constant 48 : index
        %get3A_318 = tpu.vector_load %arg9[%get3A_316, %get3A_317] {strides = array<i32>} : memref<80x128xf32, #tpu.memory_space<vmem>>, vector<16xf32>,
        %mul3A_319 = arith.mulf %get3A_315, %get3A_318 : vector<16xf32>
        %add3A_320 = arith.addf %add3A_312, %mul3A_319 : vector<16xf32>
        %get3A_321 = arith.index_cast %add3A_286 : i32 to index
        %get3A_322 = arith.constant 64 : index
        %get3A_323 = tpu.vector_load %arg8[%get3A_321, %get3A_322] {strides = array<i32>} : memref<80x128xf32, #tpu.memory_space<vmem>>, vector<16xf32>,
        %get3A_324 = arith.index_cast %add3A_286 : i32 to index
        %get3A_325 = arith.constant 64 : index
        %get3A_326 = tpu.vector_load %arg9[%get3A_324, %get3A_325] {strides = array<i32>} : memref<80x128xf32, #tpu.memory_space<vmem>>, vector<16xf32>,
        %mul3A_327 = arith.mulf %get3A_323, %get3A_326 : vector<16xf32>
        %add3A_328 = arith.addf %add3A_320, %mul3A_327 : vector<16xf32>
        %get3A_329 = arith.index_cast %add3A_286 : i32 to index
        %get3A_330 = arith.constant 80 : index
        %get3A_331 = tpu.vector_load %arg8[%get3A_329, %get3A_330] {strides = array<i32>} : memref<80x128xf32, #tpu.memory_space<vmem>>, vector<16xf32>,
        %get3A_332 = arith.index_cast %add3A_286 : i32 to index
        %get3A_333 = arith.constant 80 : index
        %get3A_334 = tpu.vector_load %arg9[%get3A_332, %get3A_333] {strides = array<i32>} : memref<80x128xf32, #tpu.memory_space<vmem>>, vector<16xf32>,
        %mul3A_335 = arith.mulf %get3A_331, %get3A_334 : vector<16xf32>
        %add3A_336 = arith.addf %add3A_328, %mul3A_335 : vector<16xf32>
        %get3A_337 = arith.index_cast %add3A_286 : i32 to index
        %get3A_338 = arith.constant 96 : index
        %get3A_339 = tpu.vector_load %arg8[%get3A_337, %get3A_338] {strides = array<i32>} : memref<80x128xf32, #tpu.memory_space<vmem>>, vector<16xf32>,
        %get3A_340 = arith.index_cast %add3A_286 : i32 to index
        %get3A_341 = arith.constant 96 : index
        %get3A_342 = tpu.vector_load %arg9[%get3A_340, %get3A_341] {strides = array<i32>} : memref<80x128xf32, #tpu.memory_space<vmem>>, vector<16xf32>,
        %mul3A_343 = arith.mulf %get3A_339, %get3A_342 : vector<16xf32>
        %add3A_344 = arith.addf %add3A_336, %mul3A_343 : vector<16xf32>
        %get3A_345 = arith.index_cast %add3A_286 : i32 to index
        %get3A_346 = arith.constant 112 : index
        %get3A_347 = tpu.vector_load %arg8[%get3A_345, %get3A_346] {strides = array<i32>} : memref<80x128xf32, #tpu.memory_space<vmem>>, vector<16xf32>,
        %get3A_348 = arith.index_cast %add3A_286 : i32 to index
        %get3A_349 = arith.constant 112 : index
        %get3A_350 = tpu.vector_load %arg9[%get3A_348, %get3A_349] {strides = array<i32>} : memref<80x128xf32, #tpu.memory_space<vmem>>, vector<16xf32>,
        %mul3A_351 = arith.mulf %get3A_347, %get3A_350 : vector<16xf32>
        %add3A_352 = arith.addf %add3A_344, %mul3A_351 : vector<16xf32>
        %reduce_sum3A_353 = arith.constant true
        %reduce_sum3A_354 = vector.broadcast %reduce_sum3A_353 : i1 to vector<16xi1>
        %reduce_sum3A_355 = tpu.scan <sum>, %add3A_352 masked %reduce_sum3A_354 : vector<16xf32>, vector<16xi1> -> vector<16xf32>
        %reduce_sum3A_356 = vector.extract %reduce_sum3A_355[15] : f32 from vector<16xf32>
        %eq3A_357 = arith.constant 3 : i32
        %eq3A_358 = vector.broadcast %eq3A_357 : i32 to vector<16xi32>
        %eq3A_359 = arith.cmpi eq, %iota3A, %eq3A_358 : vector<16xi32>
        %broadcast_in_dim3A_360 = vector.broadcast %reduce_sum3A_356 : f32 to vector<16xf32>
        %select_n3A_361 = arith.select %eq3A_359, %broadcast_in_dim3A_360, %select_n3A_284 : vector<16xi1>, vector<16xf32>
        %add3A_362 = arith.constant 4 : i32
        %add3A_363 = arith.addi %mul3A_56, %add3A_362 : i32
        %broadcast_in_dim3A_364 = arith.constant 0.000000e+00 : f32
        %broadcast_in_dim3A_365 = vector.broadcast %broadcast_in_dim3A_364 : f32 to vector<16xf32>
        %get3A_366 = arith.index_cast %add3A_363 : i32 to index
        %get3A_367 = arith.constant 0 : index
        %get3A_368 = tpu.vector_load %arg8[%get3A_366, %get3A_367] {strides = array<i32>} : memref<80x128xf32, #tpu.memory_space<vmem>>, vector<16xf32>,
        %get3A_369 = arith.index_cast %add3A_363 : i32 to index
        %get3A_370 = arith.constant 0 : index
        %get3A_371 = tpu.vector_load %arg9[%get3A_369, %get3A_370] {strides = array<i32>} : memref<80x128xf32, #tpu.memory_space<vmem>>, vector<16xf32>,
        %mul3A_372 = arith.mulf %get3A_368, %get3A_371 : vector<16xf32>
        %add3A_373 = arith.addf %broadcast_in_dim3A_365, %mul3A_372 : vector<16xf32>
        %get3A_374 = arith.index_cast %add3A_363 : i32 to index
        %get3A_375 = arith.constant 16 : index
        %get3A_376 = tpu.vector_load %arg8[%get3A_374, %get3A_375] {strides = array<i32>} : memref<80x128xf32, #tpu.memory_space<vmem>>, vector<16xf32>,
        %get3A_377 = arith.index_cast %add3A_363 : i32 to index
        %get3A_378 = arith.constant 16 : index
        %get3A_379 = tpu.vector_load %arg9[%get3A_377, %get3A_378] {strides = array<i32>} : memref<80x128xf32, #tpu.memory_space<vmem>>, vector<16xf32>,
        %mul3A_380 = arith.mulf %get3A_376, %get3A_379 : vector<16xf32>
        %add3A_381 = arith.addf %add3A_373, %mul3A_380 : vector<16xf32>
        %get3A_382 = arith.index_cast %add3A_363 : i32 to index
        %get3A_383 = arith.constant 32 : index
        %get3A_384 = tpu.vector_load %arg8[%get3A_382, %get3A_383] {strides = array<i32>} : memref<80x128xf32, #tpu.memory_space<vmem>>, vector<16xf32>,
        %get3A_385 = arith.index_cast %add3A_363 : i32 to index
        %get3A_386 = arith.constant 32 : index
        %get3A_387 = tpu.vector_load %arg9[%get3A_385, %get3A_386] {strides = array<i32>} : memref<80x128xf32, #tpu.memory_space<vmem>>, vector<16xf32>,
        %mul3A_388 = arith.mulf %get3A_384, %get3A_387 : vector<16xf32>
        %add3A_389 = arith.addf %add3A_381, %mul3A_388 : vector<16xf32>
        %get3A_390 = arith.index_cast %add3A_363 : i32 to index
        %get3A_391 = arith.constant 48 : index
        %get3A_392 = tpu.vector_load %arg8[%get3A_390, %get3A_391] {strides = array<i32>} : memref<80x128xf32, #tpu.memory_space<vmem>>, vector<16xf32>,
        %get3A_393 = arith.index_cast %add3A_363 : i32 to index
        %get3A_394 = arith.constant 48 : index
        %get3A_395 = tpu.vector_load %arg9[%get3A_393, %get3A_394] {strides = array<i32>} : memref<80x128xf32, #tpu.memory_space<vmem>>, vector<16xf32>,
        %mul3A_396 = arith.mulf %get3A_392, %get3A_395 : vector<16xf32>
        %add3A_397 = arith.addf %add3A_389, %mul3A_396 : vector<16xf32>
        %get3A_398 = arith.index_cast %add3A_363 : i32 to index
        %get3A_399 = arith.constant 64 : index
        %get3A_400 = tpu.vector_load %arg8[%get3A_398, %get3A_399] {strides = array<i32>} : memref<80x128xf32, #tpu.memory_space<vmem>>, vector<16xf32>,
        %get3A_401 = arith.index_cast %add3A_363 : i32 to index
        %get3A_402 = arith.constant 64 : index
        %get3A_403 = tpu.vector_load %arg9[%get3A_401, %get3A_402] {strides = array<i32>} : memref<80x128xf32, #tpu.memory_space<vmem>>, vector<16xf32>,
        %mul3A_404 = arith.mulf %get3A_400, %get3A_403 : vector<16xf32>
        %add3A_405 = arith.addf %add3A_397, %mul3A_404 : vector<16xf32>
        %get3A_406 = arith.index_cast %add3A_363 : i32 to index
        %get3A_407 = arith.constant 80 : index
        %get3A_408 = tpu.vector_load %arg8[%get3A_406, %get3A_407] {strides = array<i32>} : memref<80x128xf32, #tpu.memory_space<vmem>>, vector<16xf32>,
        %get3A_409 = arith.index_cast %add3A_363 : i32 to index
        %get3A_410 = arith.constant 80 : index
        %get3A_411 = tpu.vector_load %arg9[%get3A_409, %get3A_410] {strides = array<i32>} : memref<80x128xf32, #tpu.memory_space<vmem>>, vector<16xf32>,
        %mul3A_412 = arith.mulf %get3A_408, %get3A_411 : vector<16xf32>
        %add3A_413 = arith.addf %add3A_405, %mul3A_412 : vector<16xf32>
        %get3A_414 = arith.index_cast %add3A_363 : i32 to index
        %get3A_415 = arith.constant 96 : index
        %get3A_416 = tpu.vector_load %arg8[%get3A_414, %get3A_415] {strides = array<i32>} : memref<80x128xf32, #tpu.memory_space<vmem>>, vector<16xf32>,
        %get3A_417 = arith.index_cast %add3A_363 : i32 to index
        %get3A_418 = arith.constant 96 : index
        %get3A_419 = tpu.vector_load %arg9[%get3A_417, %get3A_418] {strides = array<i32>} : memref<80x128xf32, #tpu.memory_space<vmem>>, vector<16xf32>,
        %mul3A_420 = arith.mulf %get3A_416, %get3A_419 : vector<16xf32>
        %add3A_421 = arith.addf %add3A_413, %mul3A_420 : vector<16xf32>
        %get3A_422 = arith.index_cast %add3A_363 : i32 to index
        %get3A_423 = arith.constant 112 : index
        %get3A_424 = tpu.vector_load %arg8[%get3A_422, %get3A_423] {strides = array<i32>} : memref<80x128xf32, #tpu.memory_space<vmem>>, vector<16xf32>,
        %get3A_425 = arith.index_cast %add3A_363 : i32 to index
        %get3A_426 = arith.constant 112 : index
        %get3A_427 = tpu.vector_load %arg9[%get3A_425, %get3A_426] {strides = array<i32>} : memref<80x128xf32, #tpu.memory_space<vmem>>, vector<16xf32>,
        %mul3A_428 = arith.mulf %get3A_424, %get3A_427 : vector<16xf32>
        %add3A_429 = arith.addf %add3A_421, %mul3A_428 : vector<16xf32>
        %reduce_sum3A_430 = arith.constant true
        %reduce_sum3A_431 = vector.broadcast %reduce_sum3A_430 : i1 to vector<16xi1>
        %reduce_sum3A_432 = tpu.scan <sum>, %add3A_429 masked %reduce_sum3A_431 : vector<16xf32>, vector<16xi1> -> vector<16xf32>
        %reduce_sum3A_433 = vector.extract %reduce_sum3A_432[15] : f32 from vector<16xf32>
        %eq3A_434 = arith.constant 4 : i32
        %eq3A_435 = vector.broadcast %eq3A_434 : i32 to vector<16xi32>
        %eq3A_436 = arith.cmpi eq, %iota3A, %eq3A_435 : vector<16xi32>
        %broadcast_in_dim3A_437 = vector.broadcast %reduce_sum3A_433 : f32 to vector<16xf32>
        %select_n3A_438 = arith.select %eq3A_436, %broadcast_in_dim3A_437, %select_n3A_361 : vector<16xi1>, vector<16xf32>
        %add3A_439 = arith.constant 5 : i32
        %add3A_440 = arith.addi %mul3A_56, %add3A_439 : i32
        %broadcast_in_dim3A_441 = arith.constant 0.000000e+00 : f32
        %broadcast_in_dim3A_442 = vector.broadcast %broadcast_in_dim3A_441 : f32 to vector<16xf32>
        %get3A_443 = arith.index_cast %add3A_440 : i32 to index
        %get3A_444 = arith.constant 0 : index
        %get3A_445 = tpu.vector_load %arg8[%get3A_443, %get3A_444] {strides = array<i32>} : memref<80x128xf32, #tpu.memory_space<vmem>>, vector<16xf32>,
        %get3A_446 = arith.index_cast %add3A_440 : i32 to index
        %get3A_447 = arith.constant 0 : index
        %get3A_448 = tpu.vector_load %arg9[%get3A_446, %get3A_447] {strides = array<i32>} : memref<80x128xf32, #tpu.memory_space<vmem>>, vector<16xf32>,
        %mul3A_449 = arith.mulf %get3A_445, %get3A_448 : vector<16xf32>
        %add3A_450 = arith.addf %broadcast_in_dim3A_442, %mul3A_449 : vector<16xf32>
        %get3A_451 = arith.index_cast %add3A_440 : i32 to index
        %get3A_452 = arith.constant 16 : index
        %get3A_453 = tpu.vector_load %arg8[%get3A_451, %get3A_452] {strides = array<i32>} : memref<80x128xf32, #tpu.memory_space<vmem>>, vector<16xf32>,
        %get3A_454 = arith.index_cast %add3A_440 : i32 to index
        %get3A_455 = arith.constant 16 : index
        %get3A_456 = tpu.vector_load %arg9[%get3A_454, %get3A_455] {strides = array<i32>} : memref<80x128xf32, #tpu.memory_space<vmem>>, vector<16xf32>,
        %mul3A_457 = arith.mulf %get3A_453, %get3A_456 : vector<16xf32>
        %add3A_458 = arith.addf %add3A_450, %mul3A_457 : vector<16xf32>
        %get3A_459 = arith.index_cast %add3A_440 : i32 to index
        %get3A_460 = arith.constant 32 : index
        %get3A_461 = tpu.vector_load %arg8[%get3A_459, %get3A_460] {strides = array<i32>} : memref<80x128xf32, #tpu.memory_space<vmem>>, vector<16xf32>,
        %get3A_462 = arith.index_cast %add3A_440 : i32 to index
        %get3A_463 = arith.constant 32 : index
        %get3A_464 = tpu.vector_load %arg9[%get3A_462, %get3A_463] {strides = array<i32>} : memref<80x128xf32, #tpu.memory_space<vmem>>, vector<16xf32>,
        %mul3A_465 = arith.mulf %get3A_461, %get3A_464 : vector<16xf32>
        %add3A_466 = arith.addf %add3A_458, %mul3A_465 : vector<16xf32>
        %get3A_467 = arith.index_cast %add3A_440 : i32 to index
        %get3A_468 = arith.constant 48 : index
        %get3A_469 = tpu.vector_load %arg8[%get3A_467, %get3A_468] {strides = array<i32>} : memref<80x128xf32, #tpu.memory_space<vmem>>, vector<16xf32>,
        %get3A_470 = arith.index_cast %add3A_440 : i32 to index
        %get3A_471 = arith.constant 48 : index
        %get3A_472 = tpu.vector_load %arg9[%get3A_470, %get3A_471] {strides = array<i32>} : memref<80x128xf32, #tpu.memory_space<vmem>>, vector<16xf32>,
        %mul3A_473 = arith.mulf %get3A_469, %get3A_472 : vector<16xf32>
        %add3A_474 = arith.addf %add3A_466, %mul3A_473 : vector<16xf32>
        %get3A_475 = arith.index_cast %add3A_440 : i32 to index
        %get3A_476 = arith.constant 64 : index
        %get3A_477 = tpu.vector_load %arg8[%get3A_475, %get3A_476] {strides = array<i32>} : memref<80x128xf32, #tpu.memory_space<vmem>>, vector<16xf32>,
        %get3A_478 = arith.index_cast %add3A_440 : i32 to index
        %get3A_479 = arith.constant 64 : index
        %get3A_480 = tpu.vector_load %arg9[%get3A_478, %get3A_479] {strides = array<i32>} : memref<80x128xf32, #tpu.memory_space<vmem>>, vector<16xf32>,
        %mul3A_481 = arith.mulf %get3A_477, %get3A_480 : vector<16xf32>
        %add3A_482 = arith.addf %add3A_474, %mul3A_481 : vector<16xf32>
        %get3A_483 = arith.index_cast %add3A_440 : i32 to index
        %get3A_484 = arith.constant 80 : index
        %get3A_485 = tpu.vector_load %arg8[%get3A_483, %get3A_484] {strides = array<i32>} : memref<80x128xf32, #tpu.memory_space<vmem>>, vector<16xf32>,
        %get3A_486 = arith.index_cast %add3A_440 : i32 to index
        %get3A_487 = arith.constant 80 : index
        %get3A_488 = tpu.vector_load %arg9[%get3A_486, %get3A_487] {strides = array<i32>} : memref<80x128xf32, #tpu.memory_space<vmem>>, vector<16xf32>,
        %mul3A_489 = arith.mulf %get3A_485, %get3A_488 : vector<16xf32>
        %add3A_490 = arith.addf %add3A_482, %mul3A_489 : vector<16xf32>
        %get3A_491 = arith.index_cast %add3A_440 : i32 to index
        %get3A_492 = arith.constant 96 : index
        %get3A_493 = tpu.vector_load %arg8[%get3A_491, %get3A_492] {strides = array<i32>} : memref<80x128xf32, #tpu.memory_space<vmem>>, vector<16xf32>,
        %get3A_494 = arith.index_cast %add3A_440 : i32 to index
        %get3A_495 = arith.constant 96 : index
        %get3A_496 = tpu.vector_load %arg9[%get3A_494, %get3A_495] {strides = array<i32>} : memref<80x128xf32, #tpu.memory_space<vmem>>, vector<16xf32>,
        %mul3A_497 = arith.mulf %get3A_493, %get3A_496 : vector<16xf32>
        %add3A_498 = arith.addf %add3A_490, %mul3A_497 : vector<16xf32>
        %get3A_499 = arith.index_cast %add3A_440 : i32 to index
        %get3A_500 = arith.constant 112 : index
        %get3A_501 = tpu.vector_load %arg8[%get3A_499, %get3A_500] {strides = array<i32>} : memref<80x128xf32, #tpu.memory_space<vmem>>, vector<16xf32>,
        %get3A_502 = arith.index_cast %add3A_440 : i32 to index
        %get3A_503 = arith.constant 112 : index
        %get3A_504 = tpu.vector_load %arg9[%get3A_502, %get3A_503] {strides = array<i32>} : memref<80x128xf32, #tpu.memory_space<vmem>>, vector<16xf32>,
        %mul3A_505 = arith.mulf %get3A_501, %get3A_504 : vector<16xf32>
        %add3A_506 = arith.addf %add3A_498, %mul3A_505 : vector<16xf32>
        %reduce_sum3A_507 = arith.constant true
        %reduce_sum3A_508 = vector.broadcast %reduce_sum3A_507 : i1 to vector<16xi1>
        %reduce_sum3A_509 = tpu.scan <sum>, %add3A_506 masked %reduce_sum3A_508 : vector<16xf32>, vector<16xi1> -> vector<16xf32>
        %reduce_sum3A_510 = vector.extract %reduce_sum3A_509[15] : f32 from vector<16xf32>
        %eq3A_511 = arith.constant 5 : i32
        %eq3A_512 = vector.broadcast %eq3A_511 : i32 to vector<16xi32>
        %eq3A_513 = arith.cmpi eq, %iota3A, %eq3A_512 : vector<16xi32>
        %broadcast_in_dim3A_514 = vector.broadcast %reduce_sum3A_510 : f32 to vector<16xf32>
        %select_n3A_515 = arith.select %eq3A_513, %broadcast_in_dim3A_514, %select_n3A_438 : vector<16xi1>, vector<16xf32>
        %add3A_516 = arith.constant 6 : i32
        %add3A_517 = arith.addi %mul3A_56, %add3A_516 : i32
        %broadcast_in_dim3A_518 = arith.constant 0.000000e+00 : f32
        %broadcast_in_dim3A_519 = vector.broadcast %broadcast_in_dim3A_518 : f32 to vector<16xf32>
        %get3A_520 = arith.index_cast %add3A_517 : i32 to index
        %get3A_521 = arith.constant 0 : index
        %get3A_522 = tpu.vector_load %arg8[%get3A_520, %get3A_521] {strides = array<i32>} : memref<80x128xf32, #tpu.memory_space<vmem>>, vector<16xf32>,
        %get3A_523 = arith.index_cast %add3A_517 : i32 to index
        %get3A_524 = arith.constant 0 : index
        %get3A_525 = tpu.vector_load %arg9[%get3A_523, %get3A_524] {strides = array<i32>} : memref<80x128xf32, #tpu.memory_space<vmem>>, vector<16xf32>,
        %mul3A_526 = arith.mulf %get3A_522, %get3A_525 : vector<16xf32>
        %add3A_527 = arith.addf %broadcast_in_dim3A_519, %mul3A_526 : vector<16xf32>
        %get3A_528 = arith.index_cast %add3A_517 : i32 to index
        %get3A_529 = arith.constant 16 : index
        %get3A_530 = tpu.vector_load %arg8[%get3A_528, %get3A_529] {strides = array<i32>} : memref<80x128xf32, #tpu.memory_space<vmem>>, vector<16xf32>,
        %get3A_531 = arith.index_cast %add3A_517 : i32 to index
        %get3A_532 = arith.constant 16 : index
        %get3A_533 = tpu.vector_load %arg9[%get3A_531, %get3A_532] {strides = array<i32>} : memref<80x128xf32, #tpu.memory_space<vmem>>, vector<16xf32>,
        %mul3A_534 = arith.mulf %get3A_530, %get3A_533 : vector<16xf32>
        %add3A_535 = arith.addf %add3A_527, %mul3A_534 : vector<16xf32>
        %get3A_536 = arith.index_cast %add3A_517 : i32 to index
        %get3A_537 = arith.constant 32 : index
        %get3A_538 = tpu.vector_load %arg8[%get3A_536, %get3A_537] {strides = array<i32>} : memref<80x128xf32, #tpu.memory_space<vmem>>, vector<16xf32>,
        %get3A_539 = arith.index_cast %add3A_517 : i32 to index
        %get3A_540 = arith.constant 32 : index
        %get3A_541 = tpu.vector_load %arg9[%get3A_539, %get3A_540] {strides = array<i32>} : memref<80x128xf32, #tpu.memory_space<vmem>>, vector<16xf32>,
        %mul3A_542 = arith.mulf %get3A_538, %get3A_541 : vector<16xf32>
        %add3A_543 = arith.addf %add3A_535, %mul3A_542 : vector<16xf32>
        %get3A_544 = arith.index_cast %add3A_517 : i32 to index
        %get3A_545 = arith.constant 48 : index
        %get3A_546 = tpu.vector_load %arg8[%get3A_544, %get3A_545] {strides = array<i32>} : memref<80x128xf32, #tpu.memory_space<vmem>>, vector<16xf32>,
        %get3A_547 = arith.index_cast %add3A_517 : i32 to index
        %get3A_548 = arith.constant 48 : index
        %get3A_549 = tpu.vector_load %arg9[%get3A_547, %get3A_548] {strides = array<i32>} : memref<80x128xf32, #tpu.memory_space<vmem>>, vector<16xf32>,
        %mul3A_550 = arith.mulf %get3A_546, %get3A_549 : vector<16xf32>
        %add3A_551 = arith.addf %add3A_543, %mul3A_550 : vector<16xf32>
        %get3A_552 = arith.index_cast %add3A_517 : i32 to index
        %get3A_553 = arith.constant 64 : index
        %get3A_554 = tpu.vector_load %arg8[%get3A_552, %get3A_553] {strides = array<i32>} : memref<80x128xf32, #tpu.memory_space<vmem>>, vector<16xf32>,
        %get3A_555 = arith.index_cast %add3A_517 : i32 to index
        %get3A_556 = arith.constant 64 : index
        %get3A_557 = tpu.vector_load %arg9[%get3A_555, %get3A_556] {strides = array<i32>} : memref<80x128xf32, #tpu.memory_space<vmem>>, vector<16xf32>,
        %mul3A_558 = arith.mulf %get3A_554, %get3A_557 : vector<16xf32>
        %add3A_559 = arith.addf %add3A_551, %mul3A_558 : vector<16xf32>
        %get3A_560 = arith.index_cast %add3A_517 : i32 to index
        %get3A_561 = arith.constant 80 : index
        %get3A_562 = tpu.vector_load %arg8[%get3A_560, %get3A_561] {strides = array<i32>} : memref<80x128xf32, #tpu.memory_space<vmem>>, vector<16xf32>,
        %get3A_563 = arith.index_cast %add3A_517 : i32 to index
        %get3A_564 = arith.constant 80 : index
        %get3A_565 = tpu.vector_load %arg9[%get3A_563, %get3A_564] {strides = array<i32>} : memref<80x128xf32, #tpu.memory_space<vmem>>, vector<16xf32>,
        %mul3A_566 = arith.mulf %get3A_562, %get3A_565 : vector<16xf32>
        %add3A_567 = arith.addf %add3A_559, %mul3A_566 : vector<16xf32>
        %get3A_568 = arith.index_cast %add3A_517 : i32 to index
        %get3A_569 = arith.constant 96 : index
        %get3A_570 = tpu.vector_load %arg8[%get3A_568, %get3A_569] {strides = array<i32>} : memref<80x128xf32, #tpu.memory_space<vmem>>, vector<16xf32>,
        %get3A_571 = arith.index_cast %add3A_517 : i32 to index
        %get3A_572 = arith.constant 96 : index
        %get3A_573 = tpu.vector_load %arg9[%get3A_571, %get3A_572] {strides = array<i32>} : memref<80x128xf32, #tpu.memory_space<vmem>>, vector<16xf32>,
        %mul3A_574 = arith.mulf %get3A_570, %get3A_573 : vector<16xf32>
        %add3A_575 = arith.addf %add3A_567, %mul3A_574 : vector<16xf32>
        %get3A_576 = arith.index_cast %add3A_517 : i32 to index
        %get3A_577 = arith.constant 112 : index
        %get3A_578 = tpu.vector_load %arg8[%get3A_576, %get3A_577] {strides = array<i32>} : memref<80x128xf32, #tpu.memory_space<vmem>>, vector<16xf32>,
        %get3A_579 = arith.index_cast %add3A_517 : i32 to index
        %get3A_580 = arith.constant 112 : index
        %get3A_581 = tpu.vector_load %arg9[%get3A_579, %get3A_580] {strides = array<i32>} : memref<80x128xf32, #tpu.memory_space<vmem>>, vector<16xf32>,
        %mul3A_582 = arith.mulf %get3A_578, %get3A_581 : vector<16xf32>
        %add3A_583 = arith.addf %add3A_575, %mul3A_582 : vector<16xf32>
        %reduce_sum3A_584 = arith.constant true
        %reduce_sum3A_585 = vector.broadcast %reduce_sum3A_584 : i1 to vector<16xi1>
        %reduce_sum3A_586 = tpu.scan <sum>, %add3A_583 masked %reduce_sum3A_585 : vector<16xf32>, vector<16xi1> -> vector<16xf32>
        %reduce_sum3A_587 = vector.extract %reduce_sum3A_586[15] : f32 from vector<16xf32>
        %eq3A_588 = arith.constant 6 : i32
        %eq3A_589 = vector.broadcast %eq3A_588 : i32 to vector<16xi32>
        %eq3A_590 = arith.cmpi eq, %iota3A, %eq3A_589 : vector<16xi32>
        %broadcast_in_dim3A_591 = vector.broadcast %reduce_sum3A_587 : f32 to vector<16xf32>
        %select_n3A_592 = arith.select %eq3A_590, %broadcast_in_dim3A_591, %select_n3A_515 : vector<16xi1>, vector<16xf32>
        %add3A_593 = arith.constant 7 : i32
        %add3A_594 = arith.addi %mul3A_56, %add3A_593 : i32
        %broadcast_in_dim3A_595 = arith.constant 0.000000e+00 : f32
        %broadcast_in_dim3A_596 = vector.broadcast %broadcast_in_dim3A_595 : f32 to vector<16xf32>
        %get3A_597 = arith.index_cast %add3A_594 : i32 to index
        %get3A_598 = arith.constant 0 : index
        %get3A_599 = tpu.vector_load %arg8[%get3A_597, %get3A_598] {strides = array<i32>} : memref<80x128xf32, #tpu.memory_space<vmem>>, vector<16xf32>,
        %get3A_600 = arith.index_cast %add3A_594 : i32 to index
        %get3A_601 = arith.constant 0 : index
        %get3A_602 = tpu.vector_load %arg9[%get3A_600, %get3A_601] {strides = array<i32>} : memref<80x128xf32, #tpu.memory_space<vmem>>, vector<16xf32>,
        %mul3A_603 = arith.mulf %get3A_599, %get3A_602 : vector<16xf32>
        %add3A_604 = arith.addf %broadcast_in_dim3A_596, %mul3A_603 : vector<16xf32>
        %get3A_605 = arith.index_cast %add3A_594 : i32 to index
        %get3A_606 = arith.constant 16 : index
        %get3A_607 = tpu.vector_load %arg8[%get3A_605, %get3A_606] {strides = array<i32>} : memref<80x128xf32, #tpu.memory_space<vmem>>, vector<16xf32>,
        %get3A_608 = arith.index_cast %add3A_594 : i32 to index
        %get3A_609 = arith.constant 16 : index
        %get3A_610 = tpu.vector_load %arg9[%get3A_608, %get3A_609] {strides = array<i32>} : memref<80x128xf32, #tpu.memory_space<vmem>>, vector<16xf32>,
        %mul3A_611 = arith.mulf %get3A_607, %get3A_610 : vector<16xf32>
        %add3A_612 = arith.addf %add3A_604, %mul3A_611 : vector<16xf32>
        %get3A_613 = arith.index_cast %add3A_594 : i32 to index
        %get3A_614 = arith.constant 32 : index
        %get3A_615 = tpu.vector_load %arg8[%get3A_613, %get3A_614] {strides = array<i32>} : memref<80x128xf32, #tpu.memory_space<vmem>>, vector<16xf32>,
        %get3A_616 = arith.index_cast %add3A_594 : i32 to index
        %get3A_617 = arith.constant 32 : index
        %get3A_618 = tpu.vector_load %arg9[%get3A_616, %get3A_617] {strides = array<i32>} : memref<80x128xf32, #tpu.memory_space<vmem>>, vector<16xf32>,
        %mul3A_619 = arith.mulf %get3A_615, %get3A_618 : vector<16xf32>
        %add3A_620 = arith.addf %add3A_612, %mul3A_619 : vector<16xf32>
        %get3A_621 = arith.index_cast %add3A_594 : i32 to index
        %get3A_622 = arith.constant 48 : index
        %get3A_623 = tpu.vector_load %arg8[%get3A_621, %get3A_622] {strides = array<i32>} : memref<80x128xf32, #tpu.memory_space<vmem>>, vector<16xf32>,
        %get3A_624 = arith.index_cast %add3A_594 : i32 to index
        %get3A_625 = arith.constant 48 : index
        %get3A_626 = tpu.vector_load %arg9[%get3A_624, %get3A_625] {strides = array<i32>} : memref<80x128xf32, #tpu.memory_space<vmem>>, vector<16xf32>,
        %mul3A_627 = arith.mulf %get3A_623, %get3A_626 : vector<16xf32>
        %add3A_628 = arith.addf %add3A_620, %mul3A_627 : vector<16xf32>
        %get3A_629 = arith.index_cast %add3A_594 : i32 to index
        %get3A_630 = arith.constant 64 : index
        %get3A_631 = tpu.vector_load %arg8[%get3A_629, %get3A_630] {strides = array<i32>} : memref<80x128xf32, #tpu.memory_space<vmem>>, vector<16xf32>,
        %get3A_632 = arith.index_cast %add3A_594 : i32 to index
        %get3A_633 = arith.constant 64 : index
        %get3A_634 = tpu.vector_load %arg9[%get3A_632, %get3A_633] {strides = array<i32>} : memref<80x128xf32, #tpu.memory_space<vmem>>, vector<16xf32>,
        %mul3A_635 = arith.mulf %get3A_631, %get3A_634 : vector<16xf32>
        %add3A_636 = arith.addf %add3A_628, %mul3A_635 : vector<16xf32>
        %get3A_637 = arith.index_cast %add3A_594 : i32 to index
        %get3A_638 = arith.constant 80 : index
        %get3A_639 = tpu.vector_load %arg8[%get3A_637, %get3A_638] {strides = array<i32>} : memref<80x128xf32, #tpu.memory_space<vmem>>, vector<16xf32>,
        %get3A_640 = arith.index_cast %add3A_594 : i32 to index
        %get3A_641 = arith.constant 80 : index
        %get3A_642 = tpu.vector_load %arg9[%get3A_640, %get3A_641] {strides = array<i32>} : memref<80x128xf32, #tpu.memory_space<vmem>>, vector<16xf32>,
        %mul3A_643 = arith.mulf %get3A_639, %get3A_642 : vector<16xf32>
        %add3A_644 = arith.addf %add3A_636, %mul3A_643 : vector<16xf32>
        %get3A_645 = arith.index_cast %add3A_594 : i32 to index
        %get3A_646 = arith.constant 96 : index
        %get3A_647 = tpu.vector_load %arg8[%get3A_645, %get3A_646] {strides = array<i32>} : memref<80x128xf32, #tpu.memory_space<vmem>>, vector<16xf32>,
        %get3A_648 = arith.index_cast %add3A_594 : i32 to index
        %get3A_649 = arith.constant 96 : index
        %get3A_650 = tpu.vector_load %arg9[%get3A_648, %get3A_649] {strides = array<i32>} : memref<80x128xf32, #tpu.memory_space<vmem>>, vector<16xf32>,
        %mul3A_651 = arith.mulf %get3A_647, %get3A_650 : vector<16xf32>
        %add3A_652 = arith.addf %add3A_644, %mul3A_651 : vector<16xf32>
        %get3A_653 = arith.index_cast %add3A_594 : i32 to index
        %get3A_654 = arith.constant 112 : index
        %get3A_655 = tpu.vector_load %arg8[%get3A_653, %get3A_654] {strides = array<i32>} : memref<80x128xf32, #tpu.memory_space<vmem>>, vector<16xf32>,
        %get3A_656 = arith.index_cast %add3A_594 : i32 to index
        %get3A_657 = arith.constant 112 : index
        %get3A_658 = tpu.vector_load %arg9[%get3A_656, %get3A_657] {strides = array<i32>} : memref<80x128xf32, #tpu.memory_space<vmem>>, vector<16xf32>,
        %mul3A_659 = arith.mulf %get3A_655, %get3A_658 : vector<16xf32>
        %add3A_660 = arith.addf %add3A_652, %mul3A_659 : vector<16xf32>
        %reduce_sum3A_661 = arith.constant true
        %reduce_sum3A_662 = vector.broadcast %reduce_sum3A_661 : i1 to vector<16xi1>
        %reduce_sum3A_663 = tpu.scan <sum>, %add3A_660 masked %reduce_sum3A_662 : vector<16xf32>, vector<16xi1> -> vector<16xf32>
        %reduce_sum3A_664 = vector.extract %reduce_sum3A_663[15] : f32 from vector<16xf32>
        %eq3A_665 = arith.constant 7 : i32
        %eq3A_666 = vector.broadcast %eq3A_665 : i32 to vector<16xi32>
        %eq3A_667 = arith.cmpi eq, %iota3A, %eq3A_666 : vector<16xi32>
        %broadcast_in_dim3A_668 = vector.broadcast %reduce_sum3A_664 : f32 to vector<16xf32>
        %select_n3A_669 = arith.select %eq3A_667, %broadcast_in_dim3A_668, %select_n3A_592 : vector<16xi1>, vector<16xf32>
        %add3A_670 = arith.constant 8 : i32
        %add3A_671 = arith.addi %mul3A_56, %add3A_670 : i32
        %broadcast_in_dim3A_672 = arith.constant 0.000000e+00 : f32
        %broadcast_in_dim3A_673 = vector.broadcast %broadcast_in_dim3A_672 : f32 to vector<16xf32>
        %get3A_674 = arith.index_cast %add3A_671 : i32 to index
        %get3A_675 = arith.constant 0 : index
        %get3A_676 = tpu.vector_load %arg8[%get3A_674, %get3A_675] {strides = array<i32>} : memref<80x128xf32, #tpu.memory_space<vmem>>, vector<16xf32>,
        %get3A_677 = arith.index_cast %add3A_671 : i32 to index
        %get3A_678 = arith.constant 0 : index
        %get3A_679 = tpu.vector_load %arg9[%get3A_677, %get3A_678] {strides = array<i32>} : memref<80x128xf32, #tpu.memory_space<vmem>>, vector<16xf32>,
        %mul3A_680 = arith.mulf %get3A_676, %get3A_679 : vector<16xf32>
        %add3A_681 = arith.addf %broadcast_in_dim3A_673, %mul3A_680 : vector<16xf32>
        %get3A_682 = arith.index_cast %add3A_671 : i32 to index
        %get3A_683 = arith.constant 16 : index
        %get3A_684 = tpu.vector_load %arg8[%get3A_682, %get3A_683] {strides = array<i32>} : memref<80x128xf32, #tpu.memory_space<vmem>>, vector<16xf32>,
        %get3A_685 = arith.index_cast %add3A_671 : i32 to index
        %get3A_686 = arith.constant 16 : index
        %get3A_687 = tpu.vector_load %arg9[%get3A_685, %get3A_686] {strides = array<i32>} : memref<80x128xf32, #tpu.memory_space<vmem>>, vector<16xf32>,
        %mul3A_688 = arith.mulf %get3A_684, %get3A_687 : vector<16xf32>
        %add3A_689 = arith.addf %add3A_681, %mul3A_688 : vector<16xf32>
        %get3A_690 = arith.index_cast %add3A_671 : i32 to index
        %get3A_691 = arith.constant 32 : index
        %get3A_692 = tpu.vector_load %arg8[%get3A_690, %get3A_691] {strides = array<i32>} : memref<80x128xf32, #tpu.memory_space<vmem>>, vector<16xf32>,
        %get3A_693 = arith.index_cast %add3A_671 : i32 to index
        %get3A_694 = arith.constant 32 : index
        %get3A_695 = tpu.vector_load %arg9[%get3A_693, %get3A_694] {strides = array<i32>} : memref<80x128xf32, #tpu.memory_space<vmem>>, vector<16xf32>,
        %mul3A_696 = arith.mulf %get3A_692, %get3A_695 : vector<16xf32>
        %add3A_697 = arith.addf %add3A_689, %mul3A_696 : vector<16xf32>
        %get3A_698 = arith.index_cast %add3A_671 : i32 to index
        %get3A_699 = arith.constant 48 : index
        %get3A_700 = tpu.vector_load %arg8[%get3A_698, %get3A_699] {strides = array<i32>} : memref<80x128xf32, #tpu.memory_space<vmem>>, vector<16xf32>,
        %get3A_701 = arith.index_cast %add3A_671 : i32 to index
        %get3A_702 = arith.constant 48 : index
        %get3A_703 = tpu.vector_load %arg9[%get3A_701, %get3A_702] {strides = array<i32>} : memref<80x128xf32, #tpu.memory_space<vmem>>, vector<16xf32>,
        %mul3A_704 = arith.mulf %get3A_700, %get3A_703 : vector<16xf32>
        %add3A_705 = arith.addf %add3A_697, %mul3A_704 : vector<16xf32>
        %get3A_706 = arith.index_cast %add3A_671 : i32 to index
        %get3A_707 = arith.constant 64 : index
        %get3A_708 = tpu.vector_load %arg8[%get3A_706, %get3A_707] {strides = array<i32>} : memref<80x128xf32, #tpu.memory_space<vmem>>, vector<16xf32>,
        %get3A_709 = arith.index_cast %add3A_671 : i32 to index
        %get3A_710 = arith.constant 64 : index
        %get3A_711 = tpu.vector_load %arg9[%get3A_709, %get3A_710] {strides = array<i32>} : memref<80x128xf32, #tpu.memory_space<vmem>>, vector<16xf32>,
        %mul3A_712 = arith.mulf %get3A_708, %get3A_711 : vector<16xf32>
        %add3A_713 = arith.addf %add3A_705, %mul3A_712 : vector<16xf32>
        %get3A_714 = arith.index_cast %add3A_671 : i32 to index
        %get3A_715 = arith.constant 80 : index
        %get3A_716 = tpu.vector_load %arg8[%get3A_714, %get3A_715] {strides = array<i32>} : memref<80x128xf32, #tpu.memory_space<vmem>>, vector<16xf32>,
        %get3A_717 = arith.index_cast %add3A_671 : i32 to index
        %get3A_718 = arith.constant 80 : index
        %get3A_719 = tpu.vector_load %arg9[%get3A_717, %get3A_718] {strides = array<i32>} : memref<80x128xf32, #tpu.memory_space<vmem>>, vector<16xf32>,
        %mul3A_720 = arith.mulf %get3A_716, %get3A_719 : vector<16xf32>
        %add3A_721 = arith.addf %add3A_713, %mul3A_720 : vector<16xf32>
        %get3A_722 = arith.index_cast %add3A_671 : i32 to index
        %get3A_723 = arith.constant 96 : index
        %get3A_724 = tpu.vector_load %arg8[%get3A_722, %get3A_723] {strides = array<i32>} : memref<80x128xf32, #tpu.memory_space<vmem>>, vector<16xf32>,
        %get3A_725 = arith.index_cast %add3A_671 : i32 to index
        %get3A_726 = arith.constant 96 : index
        %get3A_727 = tpu.vector_load %arg9[%get3A_725, %get3A_726] {strides = array<i32>} : memref<80x128xf32, #tpu.memory_space<vmem>>, vector<16xf32>,
        %mul3A_728 = arith.mulf %get3A_724, %get3A_727 : vector<16xf32>
        %add3A_729 = arith.addf %add3A_721, %mul3A_728 : vector<16xf32>
        %get3A_730 = arith.index_cast %add3A_671 : i32 to index
        %get3A_731 = arith.constant 112 : index
        %get3A_732 = tpu.vector_load %arg8[%get3A_730, %get3A_731] {strides = array<i32>} : memref<80x128xf32, #tpu.memory_space<vmem>>, vector<16xf32>,
        %get3A_733 = arith.index_cast %add3A_671 : i32 to index
        %get3A_734 = arith.constant 112 : index
        %get3A_735 = tpu.vector_load %arg9[%get3A_733, %get3A_734] {strides = array<i32>} : memref<80x128xf32, #tpu.memory_space<vmem>>, vector<16xf32>,
        %mul3A_736 = arith.mulf %get3A_732, %get3A_735 : vector<16xf32>
        %add3A_737 = arith.addf %add3A_729, %mul3A_736 : vector<16xf32>
        %reduce_sum3A_738 = arith.constant true
        %reduce_sum3A_739 = vector.broadcast %reduce_sum3A_738 : i1 to vector<16xi1>
        %reduce_sum3A_740 = tpu.scan <sum>, %add3A_737 masked %reduce_sum3A_739 : vector<16xf32>, vector<16xi1> -> vector<16xf32>
        %reduce_sum3A_741 = vector.extract %reduce_sum3A_740[15] : f32 from vector<16xf32>
        %eq3A_742 = arith.constant 8 : i32
        %eq3A_743 = vector.broadcast %eq3A_742 : i32 to vector<16xi32>
        %eq3A_744 = arith.cmpi eq, %iota3A, %eq3A_743 : vector<16xi32>
        %broadcast_in_dim3A_745 = vector.broadcast %reduce_sum3A_741 : f32 to vector<16xf32>
        %select_n3A_746 = arith.select %eq3A_744, %broadcast_in_dim3A_745, %select_n3A_669 : vector<16xi1>, vector<16xf32>
        %add3A_747 = arith.constant 9 : i32
        %add3A_748 = arith.addi %mul3A_56, %add3A_747 : i32
        %broadcast_in_dim3A_749 = arith.constant 0.000000e+00 : f32
        %broadcast_in_dim3A_750 = vector.broadcast %broadcast_in_dim3A_749 : f32 to vector<16xf32>
        %get3A_751 = arith.index_cast %add3A_748 : i32 to index
        %get3A_752 = arith.constant 0 : index
        %get3A_753 = tpu.vector_load %arg8[%get3A_751, %get3A_752] {strides = array<i32>} : memref<80x128xf32, #tpu.memory_space<vmem>>, vector<16xf32>,
        %get3A_754 = arith.index_cast %add3A_748 : i32 to index
        %get3A_755 = arith.constant 0 : index
        %get3A_756 = tpu.vector_load %arg9[%get3A_754, %get3A_755] {strides = array<i32>} : memref<80x128xf32, #tpu.memory_space<vmem>>, vector<16xf32>,
        %mul3A_757 = arith.mulf %get3A_753, %get3A_756 : vector<16xf32>
        %add3A_758 = arith.addf %broadcast_in_dim3A_750, %mul3A_757 : vector<16xf32>
        %get3A_759 = arith.index_cast %add3A_748 : i32 to index
        %get3A_760 = arith.constant 16 : index
        %get3A_761 = tpu.vector_load %arg8[%get3A_759, %get3A_760] {strides = array<i32>} : memref<80x128xf32, #tpu.memory_space<vmem>>, vector<16xf32>,
        %get3A_762 = arith.index_cast %add3A_748 : i32 to index
        %get3A_763 = arith.constant 16 : index
        %get3A_764 = tpu.vector_load %arg9[%get3A_762, %get3A_763] {strides = array<i32>} : memref<80x128xf32, #tpu.memory_space<vmem>>, vector<16xf32>,
        %mul3A_765 = arith.mulf %get3A_761, %get3A_764 : vector<16xf32>
        %add3A_766 = arith.addf %add3A_758, %mul3A_765 : vector<16xf32>
        %get3A_767 = arith.index_cast %add3A_748 : i32 to index
        %get3A_768 = arith.constant 32 : index
        %get3A_769 = tpu.vector_load %arg8[%get3A_767, %get3A_768] {strides = array<i32>} : memref<80x128xf32, #tpu.memory_space<vmem>>, vector<16xf32>,
        %get3A_770 = arith.index_cast %add3A_748 : i32 to index
        %get3A_771 = arith.constant 32 : index
        %get3A_772 = tpu.vector_load %arg9[%get3A_770, %get3A_771] {strides = array<i32>} : memref<80x128xf32, #tpu.memory_space<vmem>>, vector<16xf32>,
        %mul3A_773 = arith.mulf %get3A_769, %get3A_772 : vector<16xf32>
        %add3A_774 = arith.addf %add3A_766, %mul3A_773 : vector<16xf32>
        %get3A_775 = arith.index_cast %add3A_748 : i32 to index
        %get3A_776 = arith.constant 48 : index
        %get3A_777 = tpu.vector_load %arg8[%get3A_775, %get3A_776] {strides = array<i32>} : memref<80x128xf32, #tpu.memory_space<vmem>>, vector<16xf32>,
        %get3A_778 = arith.index_cast %add3A_748 : i32 to index
        %get3A_779 = arith.constant 48 : index
        %get3A_780 = tpu.vector_load %arg9[%get3A_778, %get3A_779] {strides = array<i32>} : memref<80x128xf32, #tpu.memory_space<vmem>>, vector<16xf32>,
        %mul3A_781 = arith.mulf %get3A_777, %get3A_780 : vector<16xf32>
        %add3A_782 = arith.addf %add3A_774, %mul3A_781 : vector<16xf32>
        %get3A_783 = arith.index_cast %add3A_748 : i32 to index
        %get3A_784 = arith.constant 64 : index
        %get3A_785 = tpu.vector_load %arg8[%get3A_783, %get3A_784] {strides = array<i32>} : memref<80x128xf32, #tpu.memory_space<vmem>>, vector<16xf32>,
        %get3A_786 = arith.index_cast %add3A_748 : i32 to index
        %get3A_787 = arith.constant 64 : index
        %get3A_788 = tpu.vector_load %arg9[%get3A_786, %get3A_787] {strides = array<i32>} : memref<80x128xf32, #tpu.memory_space<vmem>>, vector<16xf32>,
        %mul3A_789 = arith.mulf %get3A_785, %get3A_788 : vector<16xf32>
        %add3A_790 = arith.addf %add3A_782, %mul3A_789 : vector<16xf32>
        %get3A_791 = arith.index_cast %add3A_748 : i32 to index
        %get3A_792 = arith.constant 80 : index
        %get3A_793 = tpu.vector_load %arg8[%get3A_791, %get3A_792] {strides = array<i32>} : memref<80x128xf32, #tpu.memory_space<vmem>>, vector<16xf32>,
        %get3A_794 = arith.index_cast %add3A_748 : i32 to index
        %get3A_795 = arith.constant 80 : index
        %get3A_796 = tpu.vector_load %arg9[%get3A_794, %get3A_795] {strides = array<i32>} : memref<80x128xf32, #tpu.memory_space<vmem>>, vector<16xf32>,
        %mul3A_797 = arith.mulf %get3A_793, %get3A_796 : vector<16xf32>
        %add3A_798 = arith.addf %add3A_790, %mul3A_797 : vector<16xf32>
        %get3A_799 = arith.index_cast %add3A_748 : i32 to index
        %get3A_800 = arith.constant 96 : index
        %get3A_801 = tpu.vector_load %arg8[%get3A_799, %get3A_800] {strides = array<i32>} : memref<80x128xf32, #tpu.memory_space<vmem>>, vector<16xf32>,
        %get3A_802 = arith.index_cast %add3A_748 : i32 to index
        %get3A_803 = arith.constant 96 : index
        %get3A_804 = tpu.vector_load %arg9[%get3A_802, %get3A_803] {strides = array<i32>} : memref<80x128xf32, #tpu.memory_space<vmem>>, vector<16xf32>,
        %mul3A_805 = arith.mulf %get3A_801, %get3A_804 : vector<16xf32>
        %add3A_806 = arith.addf %add3A_798, %mul3A_805 : vector<16xf32>
        %get3A_807 = arith.index_cast %add3A_748 : i32 to index
        %get3A_808 = arith.constant 112 : index
        %get3A_809 = tpu.vector_load %arg8[%get3A_807, %get3A_808] {strides = array<i32>} : memref<80x128xf32, #tpu.memory_space<vmem>>, vector<16xf32>,
        %get3A_810 = arith.index_cast %add3A_748 : i32 to index
        %get3A_811 = arith.constant 112 : index
        %get3A_812 = tpu.vector_load %arg9[%get3A_810, %get3A_811] {strides = array<i32>} : memref<80x128xf32, #tpu.memory_space<vmem>>, vector<16xf32>,
        %mul3A_813 = arith.mulf %get3A_809, %get3A_812 : vector<16xf32>
        %add3A_814 = arith.addf %add3A_806, %mul3A_813 : vector<16xf32>
        %reduce_sum3A_815 = arith.constant true
        %reduce_sum3A_816 = vector.broadcast %reduce_sum3A_815 : i1 to vector<16xi1>
        %reduce_sum3A_817 = tpu.scan <sum>, %add3A_814 masked %reduce_sum3A_816 : vector<16xf32>, vector<16xi1> -> vector<16xf32>
        %reduce_sum3A_818 = vector.extract %reduce_sum3A_817[15] : f32 from vector<16xf32>
        %eq3A_819 = arith.constant 9 : i32
        %eq3A_820 = vector.broadcast %eq3A_819 : i32 to vector<16xi32>
        %eq3A_821 = arith.cmpi eq, %iota3A, %eq3A_820 : vector<16xi32>
        %broadcast_in_dim3A_822 = vector.broadcast %reduce_sum3A_818 : f32 to vector<16xf32>
        %select_n3A_823 = arith.select %eq3A_821, %broadcast_in_dim3A_822, %select_n3A_746 : vector<16xi1>, vector<16xf32>
        %add3A_824 = arith.constant 10 : i32
        %add3A_825 = arith.addi %mul3A_56, %add3A_824 : i32
        %broadcast_in_dim3A_826 = arith.constant 0.000000e+00 : f32
        %broadcast_in_dim3A_827 = vector.broadcast %broadcast_in_dim3A_826 : f32 to vector<16xf32>
        %get3A_828 = arith.index_cast %add3A_825 : i32 to index
        %get3A_829 = arith.constant 0 : index
        %get3A_830 = tpu.vector_load %arg8[%get3A_828, %get3A_829] {strides = array<i32>} : memref<80x128xf32, #tpu.memory_space<vmem>>, vector<16xf32>,
        %get3A_831 = arith.index_cast %add3A_825 : i32 to index
        %get3A_832 = arith.constant 0 : index
        %get3A_833 = tpu.vector_load %arg9[%get3A_831, %get3A_832] {strides = array<i32>} : memref<80x128xf32, #tpu.memory_space<vmem>>, vector<16xf32>,
        %mul3A_834 = arith.mulf %get3A_830, %get3A_833 : vector<16xf32>
        %add3A_835 = arith.addf %broadcast_in_dim3A_827, %mul3A_834 : vector<16xf32>
        %get3A_836 = arith.index_cast %add3A_825 : i32 to index
        %get3A_837 = arith.constant 16 : index
        %get3A_838 = tpu.vector_load %arg8[%get3A_836, %get3A_837] {strides = array<i32>} : memref<80x128xf32, #tpu.memory_space<vmem>>, vector<16xf32>,
        %get3A_839 = arith.index_cast %add3A_825 : i32 to index
        %get3A_840 = arith.constant 16 : index
        %get3A_841 = tpu.vector_load %arg9[%get3A_839, %get3A_840] {strides = array<i32>} : memref<80x128xf32, #tpu.memory_space<vmem>>, vector<16xf32>,
        %mul3A_842 = arith.mulf %get3A_838, %get3A_841 : vector<16xf32>
        %add3A_843 = arith.addf %add3A_835, %mul3A_842 : vector<16xf32>
        %get3A_844 = arith.index_cast %add3A_825 : i32 to index
        %get3A_845 = arith.constant 32 : index
        %get3A_846 = tpu.vector_load %arg8[%get3A_844, %get3A_845] {strides = array<i32>} : memref<80x128xf32, #tpu.memory_space<vmem>>, vector<16xf32>,
        %get3A_847 = arith.index_cast %add3A_825 : i32 to index
        %get3A_848 = arith.constant 32 : index
        %get3A_849 = tpu.vector_load %arg9[%get3A_847, %get3A_848] {strides = array<i32>} : memref<80x128xf32, #tpu.memory_space<vmem>>, vector<16xf32>,
        %mul3A_850 = arith.mulf %get3A_846, %get3A_849 : vector<16xf32>
        %add3A_851 = arith.addf %add3A_843, %mul3A_850 : vector<16xf32>
        %get3A_852 = arith.index_cast %add3A_825 : i32 to index
        %get3A_853 = arith.constant 48 : index
        %get3A_854 = tpu.vector_load %arg8[%get3A_852, %get3A_853] {strides = array<i32>} : memref<80x128xf32, #tpu.memory_space<vmem>>, vector<16xf32>,
        %get3A_855 = arith.index_cast %add3A_825 : i32 to index
        %get3A_856 = arith.constant 48 : index
        %get3A_857 = tpu.vector_load %arg9[%get3A_855, %get3A_856] {strides = array<i32>} : memref<80x128xf32, #tpu.memory_space<vmem>>, vector<16xf32>,
        %mul3A_858 = arith.mulf %get3A_854, %get3A_857 : vector<16xf32>
        %add3A_859 = arith.addf %add3A_851, %mul3A_858 : vector<16xf32>
        %get3A_860 = arith.index_cast %add3A_825 : i32 to index
        %get3A_861 = arith.constant 64 : index
        %get3A_862 = tpu.vector_load %arg8[%get3A_860, %get3A_861] {strides = array<i32>} : memref<80x128xf32, #tpu.memory_space<vmem>>, vector<16xf32>,
        %get3A_863 = arith.index_cast %add3A_825 : i32 to index
        %get3A_864 = arith.constant 64 : index
        %get3A_865 = tpu.vector_load %arg9[%get3A_863, %get3A_864] {strides = array<i32>} : memref<80x128xf32, #tpu.memory_space<vmem>>, vector<16xf32>,
        %mul3A_866 = arith.mulf %get3A_862, %get3A_865 : vector<16xf32>
        %add3A_867 = arith.addf %add3A_859, %mul3A_866 : vector<16xf32>
        %get3A_868 = arith.index_cast %add3A_825 : i32 to index
        %get3A_869 = arith.constant 80 : index
        %get3A_870 = tpu.vector_load %arg8[%get3A_868, %get3A_869] {strides = array<i32>} : memref<80x128xf32, #tpu.memory_space<vmem>>, vector<16xf32>,
        %get3A_871 = arith.index_cast %add3A_825 : i32 to index
        %get3A_872 = arith.constant 80 : index
        %get3A_873 = tpu.vector_load %arg9[%get3A_871, %get3A_872] {strides = array<i32>} : memref<80x128xf32, #tpu.memory_space<vmem>>, vector<16xf32>,
        %mul3A_874 = arith.mulf %get3A_870, %get3A_873 : vector<16xf32>
        %add3A_875 = arith.addf %add3A_867, %mul3A_874 : vector<16xf32>
        %get3A_876 = arith.index_cast %add3A_825 : i32 to index
        %get3A_877 = arith.constant 96 : index
        %get3A_878 = tpu.vector_load %arg8[%get3A_876, %get3A_877] {strides = array<i32>} : memref<80x128xf32, #tpu.memory_space<vmem>>, vector<16xf32>,
        %get3A_879 = arith.index_cast %add3A_825 : i32 to index
        %get3A_880 = arith.constant 96 : index
        %get3A_881 = tpu.vector_load %arg9[%get3A_879, %get3A_880] {strides = array<i32>} : memref<80x128xf32, #tpu.memory_space<vmem>>, vector<16xf32>,
        %mul3A_882 = arith.mulf %get3A_878, %get3A_881 : vector<16xf32>
        %add3A_883 = arith.addf %add3A_875, %mul3A_882 : vector<16xf32>
        %get3A_884 = arith.index_cast %add3A_825 : i32 to index
        %get3A_885 = arith.constant 112 : index
        %get3A_886 = tpu.vector_load %arg8[%get3A_884, %get3A_885] {strides = array<i32>} : memref<80x128xf32, #tpu.memory_space<vmem>>, vector<16xf32>,
        %get3A_887 = arith.index_cast %add3A_825 : i32 to index
        %get3A_888 = arith.constant 112 : index
        %get3A_889 = tpu.vector_load %arg9[%get3A_887, %get3A_888] {strides = array<i32>} : memref<80x128xf32, #tpu.memory_space<vmem>>, vector<16xf32>,
        %mul3A_890 = arith.mulf %get3A_886, %get3A_889 : vector<16xf32>
        %add3A_891 = arith.addf %add3A_883, %mul3A_890 : vector<16xf32>
        %reduce_sum3A_892 = arith.constant true
        %reduce_sum3A_893 = vector.broadcast %reduce_sum3A_892 : i1 to vector<16xi1>
        %reduce_sum3A_894 = tpu.scan <sum>, %add3A_891 masked %reduce_sum3A_893 : vector<16xf32>, vector<16xi1> -> vector<16xf32>
        %reduce_sum3A_895 = vector.extract %reduce_sum3A_894[15] : f32 from vector<16xf32>
        %eq3A_896 = arith.constant 10 : i32
        %eq3A_897 = vector.broadcast %eq3A_896 : i32 to vector<16xi32>
        %eq3A_898 = arith.cmpi eq, %iota3A, %eq3A_897 : vector<16xi32>
        %broadcast_in_dim3A_899 = vector.broadcast %reduce_sum3A_895 : f32 to vector<16xf32>
        %select_n3A_900 = arith.select %eq3A_898, %broadcast_in_dim3A_899, %select_n3A_823 : vector<16xi1>, vector<16xf32>
        %add3A_901 = arith.constant 11 : i32
        %add3A_902 = arith.addi %mul3A_56, %add3A_901 : i32
        %broadcast_in_dim3A_903 = arith.constant 0.000000e+00 : f32
        %broadcast_in_dim3A_904 = vector.broadcast %broadcast_in_dim3A_903 : f32 to vector<16xf32>
        %get3A_905 = arith.index_cast %add3A_902 : i32 to index
        %get3A_906 = arith.constant 0 : index
        %get3A_907 = tpu.vector_load %arg8[%get3A_905, %get3A_906] {strides = array<i32>} : memref<80x128xf32, #tpu.memory_space<vmem>>, vector<16xf32>,
        %get3A_908 = arith.index_cast %add3A_902 : i32 to index
        %get3A_909 = arith.constant 0 : index
        %get3A_910 = tpu.vector_load %arg9[%get3A_908, %get3A_909] {strides = array<i32>} : memref<80x128xf32, #tpu.memory_space<vmem>>, vector<16xf32>,
        %mul3A_911 = arith.mulf %get3A_907, %get3A_910 : vector<16xf32>
        %add3A_912 = arith.addf %broadcast_in_dim3A_904, %mul3A_911 : vector<16xf32>
        %get3A_913 = arith.index_cast %add3A_902 : i32 to index
        %get3A_914 = arith.constant 16 : index
        %get3A_915 = tpu.vector_load %arg8[%get3A_913, %get3A_914] {strides = array<i32>} : memref<80x128xf32, #tpu.memory_space<vmem>>, vector<16xf32>,
        %get3A_916 = arith.index_cast %add3A_902 : i32 to index
        %get3A_917 = arith.constant 16 : index
        %get3A_918 = tpu.vector_load %arg9[%get3A_916, %get3A_917] {strides = array<i32>} : memref<80x128xf32, #tpu.memory_space<vmem>>, vector<16xf32>,
        %mul3A_919 = arith.mulf %get3A_915, %get3A_918 : vector<16xf32>
        %add3A_920 = arith.addf %add3A_912, %mul3A_919 : vector<16xf32>
        %get3A_921 = arith.index_cast %add3A_902 : i32 to index
        %get3A_922 = arith.constant 32 : index
        %get3A_923 = tpu.vector_load %arg8[%get3A_921, %get3A_922] {strides = array<i32>} : memref<80x128xf32, #tpu.memory_space<vmem>>, vector<16xf32>,
        %get3A_924 = arith.index_cast %add3A_902 : i32 to index
        %get3A_925 = arith.constant 32 : index
        %get3A_926 = tpu.vector_load %arg9[%get3A_924, %get3A_925] {strides = array<i32>} : memref<80x128xf32, #tpu.memory_space<vmem>>, vector<16xf32>,
        %mul3A_927 = arith.mulf %get3A_923, %get3A_926 : vector<16xf32>
        %add3A_928 = arith.addf %add3A_920, %mul3A_927 : vector<16xf32>
        %get3A_929 = arith.index_cast %add3A_902 : i32 to index
        %get3A_930 = arith.constant 48 : index
        %get3A_931 = tpu.vector_load %arg8[%get3A_929, %get3A_930] {strides = array<i32>} : memref<80x128xf32, #tpu.memory_space<vmem>>, vector<16xf32>,
        %get3A_932 = arith.index_cast %add3A_902 : i32 to index
        %get3A_933 = arith.constant 48 : index
        %get3A_934 = tpu.vector_load %arg9[%get3A_932, %get3A_933] {strides = array<i32>} : memref<80x128xf32, #tpu.memory_space<vmem>>, vector<16xf32>,
        %mul3A_935 = arith.mulf %get3A_931, %get3A_934 : vector<16xf32>
        %add3A_936 = arith.addf %add3A_928, %mul3A_935 : vector<16xf32>
        %get3A_937 = arith.index_cast %add3A_902 : i32 to index
        %get3A_938 = arith.constant 64 : index
        %get3A_939 = tpu.vector_load %arg8[%get3A_937, %get3A_938] {strides = array<i32>} : memref<80x128xf32, #tpu.memory_space<vmem>>, vector<16xf32>,
        %get3A_940 = arith.index_cast %add3A_902 : i32 to index
        %get3A_941 = arith.constant 64 : index
        %get3A_942 = tpu.vector_load %arg9[%get3A_940, %get3A_941] {strides = array<i32>} : memref<80x128xf32, #tpu.memory_space<vmem>>, vector<16xf32>,
        %mul3A_943 = arith.mulf %get3A_939, %get3A_942 : vector<16xf32>
        %add3A_944 = arith.addf %add3A_936, %mul3A_943 : vector<16xf32>
        %get3A_945 = arith.index_cast %add3A_902 : i32 to index
        %get3A_946 = arith.constant 80 : index
        %get3A_947 = tpu.vector_load %arg8[%get3A_945, %get3A_946] {strides = array<i32>} : memref<80x128xf32, #tpu.memory_space<vmem>>, vector<16xf32>,
        %get3A_948 = arith.index_cast %add3A_902 : i32 to index
        %get3A_949 = arith.constant 80 : index
        %get3A_950 = tpu.vector_load %arg9[%get3A_948, %get3A_949] {strides = array<i32>} : memref<80x128xf32, #tpu.memory_space<vmem>>, vector<16xf32>,
        %mul3A_951 = arith.mulf %get3A_947, %get3A_950 : vector<16xf32>
        %add3A_952 = arith.addf %add3A_944, %mul3A_951 : vector<16xf32>
        %get3A_953 = arith.index_cast %add3A_902 : i32 to index
        %get3A_954 = arith.constant 96 : index
        %get3A_955 = tpu.vector_load %arg8[%get3A_953, %get3A_954] {strides = array<i32>} : memref<80x128xf32, #tpu.memory_space<vmem>>, vector<16xf32>,
        %get3A_956 = arith.index_cast %add3A_902 : i32 to index
        %get3A_957 = arith.constant 96 : index
        %get3A_958 = tpu.vector_load %arg9[%get3A_956, %get3A_957] {strides = array<i32>} : memref<80x128xf32, #tpu.memory_space<vmem>>, vector<16xf32>,
        %mul3A_959 = arith.mulf %get3A_955, %get3A_958 : vector<16xf32>
        %add3A_960 = arith.addf %add3A_952, %mul3A_959 : vector<16xf32>
        %get3A_961 = arith.index_cast %add3A_902 : i32 to index
        %get3A_962 = arith.constant 112 : index
        %get3A_963 = tpu.vector_load %arg8[%get3A_961, %get3A_962] {strides = array<i32>} : memref<80x128xf32, #tpu.memory_space<vmem>>, vector<16xf32>,
        %get3A_964 = arith.index_cast %add3A_902 : i32 to index
        %get3A_965 = arith.constant 112 : index
        %get3A_966 = tpu.vector_load %arg9[%get3A_964, %get3A_965] {strides = array<i32>} : memref<80x128xf32, #tpu.memory_space<vmem>>, vector<16xf32>,
        %mul3A_967 = arith.mulf %get3A_963, %get3A_966 : vector<16xf32>
        %add3A_968 = arith.addf %add3A_960, %mul3A_967 : vector<16xf32>
        %reduce_sum3A_969 = arith.constant true
        %reduce_sum3A_970 = vector.broadcast %reduce_sum3A_969 : i1 to vector<16xi1>
        %reduce_sum3A_971 = tpu.scan <sum>, %add3A_968 masked %reduce_sum3A_970 : vector<16xf32>, vector<16xi1> -> vector<16xf32>
        %reduce_sum3A_972 = vector.extract %reduce_sum3A_971[15] : f32 from vector<16xf32>
        %eq3A_973 = arith.constant 11 : i32
        %eq3A_974 = vector.broadcast %eq3A_973 : i32 to vector<16xi32>
        %eq3A_975 = arith.cmpi eq, %iota3A, %eq3A_974 : vector<16xi32>
        %broadcast_in_dim3A_976 = vector.broadcast %reduce_sum3A_972 : f32 to vector<16xf32>
        %select_n3A_977 = arith.select %eq3A_975, %broadcast_in_dim3A_976, %select_n3A_900 : vector<16xi1>, vector<16xf32>
        %add3A_978 = arith.constant 12 : i32
        %add3A_979 = arith.addi %mul3A_56, %add3A_978 : i32
        %broadcast_in_dim3A_980 = arith.constant 0.000000e+00 : f32
        %broadcast_in_dim3A_981 = vector.broadcast %broadcast_in_dim3A_980 : f32 to vector<16xf32>
        %get3A_982 = arith.index_cast %add3A_979 : i32 to index
        %get3A_983 = arith.constant 0 : index
        %get3A_984 = tpu.vector_load %arg8[%get3A_982, %get3A_983] {strides = array<i32>} : memref<80x128xf32, #tpu.memory_space<vmem>>, vector<16xf32>,
        %get3A_985 = arith.index_cast %add3A_979 : i32 to index
        %get3A_986 = arith.constant 0 : index
        %get3A_987 = tpu.vector_load %arg9[%get3A_985, %get3A_986] {strides = array<i32>} : memref<80x128xf32, #tpu.memory_space<vmem>>, vector<16xf32>,
        %mul3A_988 = arith.mulf %get3A_984, %get3A_987 : vector<16xf32>
        %add3A_989 = arith.addf %broadcast_in_dim3A_981, %mul3A_988 : vector<16xf32>
        %get3A_990 = arith.index_cast %add3A_979 : i32 to index
        %get3A_991 = arith.constant 16 : index
        %get3A_992 = tpu.vector_load %arg8[%get3A_990, %get3A_991] {strides = array<i32>} : memref<80x128xf32, #tpu.memory_space<vmem>>, vector<16xf32>,
        %get3A_993 = arith.index_cast %add3A_979 : i32 to index
        %get3A_994 = arith.constant 16 : index
        %get3A_995 = tpu.vector_load %arg9[%get3A_993, %get3A_994] {strides = array<i32>} : memref<80x128xf32, #tpu.memory_space<vmem>>, vector<16xf32>,
        %mul3A_996 = arith.mulf %get3A_992, %get3A_995 : vector<16xf32>
        %add3A_997 = arith.addf %add3A_989, %mul3A_996 : vector<16xf32>
        %get3A_998 = arith.index_cast %add3A_979 : i32 to index
        %get3A_999 = arith.constant 32 : index
        %get3A_1000 = tpu.vector_load %arg8[%get3A_998, %get3A_999] {strides = array<i32>} : memref<80x128xf32, #tpu.memory_space<vmem>>, vector<16xf32>,
        %get3A_1001 = arith.index_cast %add3A_979 : i32 to index
        %get3A_1002 = arith.constant 32 : index
        %get3A_1003 = tpu.vector_load %arg9[%get3A_1001, %get3A_1002] {strides = array<i32>} : memref<80x128xf32, #tpu.memory_space<vmem>>, vector<16xf32>,
        %mul3A_1004 = arith.mulf %get3A_1000, %get3A_1003 : vector<16xf32>
        %add3A_1005 = arith.addf %add3A_997, %mul3A_1004 : vector<16xf32>
        %get3A_1006 = arith.index_cast %add3A_979 : i32 to index
        %get3A_1007 = arith.constant 48 : index
        %get3A_1008 = tpu.vector_load %arg8[%get3A_1006, %get3A_1007] {strides = array<i32>} : memref<80x128xf32, #tpu.memory_space<vmem>>, vector<16xf32>,
        %get3A_1009 = arith.index_cast %add3A_979 : i32 to index
        %get3A_1010 = arith.constant 48 : index
        %get3A_1011 = tpu.vector_load %arg9[%get3A_1009, %get3A_1010] {strides = array<i32>} : memref<80x128xf32, #tpu.memory_space<vmem>>, vector<16xf32>,
        %mul3A_1012 = arith.mulf %get3A_1008, %get3A_1011 : vector<16xf32>
        %add3A_1013 = arith.addf %add3A_1005, %mul3A_1012 : vector<16xf32>
        %get3A_1014 = arith.index_cast %add3A_979 : i32 to index
        %get3A_1015 = arith.constant 64 : index
        %get3A_1016 = tpu.vector_load %arg8[%get3A_1014, %get3A_1015] {strides = array<i32>} : memref<80x128xf32, #tpu.memory_space<vmem>>, vector<16xf32>,
        %get3A_1017 = arith.index_cast %add3A_979 : i32 to index
        %get3A_1018 = arith.constant 64 : index
        %get3A_1019 = tpu.vector_load %arg9[%get3A_1017, %get3A_1018] {strides = array<i32>} : memref<80x128xf32, #tpu.memory_space<vmem>>, vector<16xf32>,
        %mul3A_1020 = arith.mulf %get3A_1016, %get3A_1019 : vector<16xf32>
        %add3A_1021 = arith.addf %add3A_1013, %mul3A_1020 : vector<16xf32>
        %get3A_1022 = arith.index_cast %add3A_979 : i32 to index
        %get3A_1023 = arith.constant 80 : index
        %get3A_1024 = tpu.vector_load %arg8[%get3A_1022, %get3A_1023] {strides = array<i32>} : memref<80x128xf32, #tpu.memory_space<vmem>>, vector<16xf32>,
        %get3A_1025 = arith.index_cast %add3A_979 : i32 to index
        %get3A_1026 = arith.constant 80 : index
        %get3A_1027 = tpu.vector_load %arg9[%get3A_1025, %get3A_1026] {strides = array<i32>} : memref<80x128xf32, #tpu.memory_space<vmem>>, vector<16xf32>,
        %mul3A_1028 = arith.mulf %get3A_1024, %get3A_1027 : vector<16xf32>
        %add3A_1029 = arith.addf %add3A_1021, %mul3A_1028 : vector<16xf32>
        %get3A_1030 = arith.index_cast %add3A_979 : i32 to index
        %get3A_1031 = arith.constant 96 : index
        %get3A_1032 = tpu.vector_load %arg8[%get3A_1030, %get3A_1031] {strides = array<i32>} : memref<80x128xf32, #tpu.memory_space<vmem>>, vector<16xf32>,
        %get3A_1033 = arith.index_cast %add3A_979 : i32 to index
        %get3A_1034 = arith.constant 96 : index
        %get3A_1035 = tpu.vector_load %arg9[%get3A_1033, %get3A_1034] {strides = array<i32>} : memref<80x128xf32, #tpu.memory_space<vmem>>, vector<16xf32>,
        %mul3A_1036 = arith.mulf %get3A_1032, %get3A_1035 : vector<16xf32>
        %add3A_1037 = arith.addf %add3A_1029, %mul3A_1036 : vector<16xf32>
        %get3A_1038 = arith.index_cast %add3A_979 : i32 to index
        %get3A_1039 = arith.constant 112 : index
        %get3A_1040 = tpu.vector_load %arg8[%get3A_1038, %get3A_1039] {strides = array<i32>} : memref<80x128xf32, #tpu.memory_space<vmem>>, vector<16xf32>,
        %get3A_1041 = arith.index_cast %add3A_979 : i32 to index
        %get3A_1042 = arith.constant 112 : index
        %get3A_1043 = tpu.vector_load %arg9[%get3A_1041, %get3A_1042] {strides = array<i32>} : memref<80x128xf32, #tpu.memory_space<vmem>>, vector<16xf32>,
        %mul3A_1044 = arith.mulf %get3A_1040, %get3A_1043 : vector<16xf32>
        %add3A_1045 = arith.addf %add3A_1037, %mul3A_1044 : vector<16xf32>
        %reduce_sum3A_1046 = arith.constant true
        %reduce_sum3A_1047 = vector.broadcast %reduce_sum3A_1046 : i1 to vector<16xi1>
        %reduce_sum3A_1048 = tpu.scan <sum>, %add3A_1045 masked %reduce_sum3A_1047 : vector<16xf32>, vector<16xi1> -> vector<16xf32>
        %reduce_sum3A_1049 = vector.extract %reduce_sum3A_1048[15] : f32 from vector<16xf32>
        %eq3A_1050 = arith.constant 12 : i32
        %eq3A_1051 = vector.broadcast %eq3A_1050 : i32 to vector<16xi32>
        %eq3A_1052 = arith.cmpi eq, %iota3A, %eq3A_1051 : vector<16xi32>
        %broadcast_in_dim3A_1053 = vector.broadcast %reduce_sum3A_1049 : f32 to vector<16xf32>
        %select_n3A_1054 = arith.select %eq3A_1052, %broadcast_in_dim3A_1053, %select_n3A_977 : vector<16xi1>, vector<16xf32>
        %add3A_1055 = arith.constant 13 : i32
        %add3A_1056 = arith.addi %mul3A_56, %add3A_1055 : i32
        %broadcast_in_dim3A_1057 = arith.constant 0.000000e+00 : f32
        %broadcast_in_dim3A_1058 = vector.broadcast %broadcast_in_dim3A_1057 : f32 to vector<16xf32>
        %get3A_1059 = arith.index_cast %add3A_1056 : i32 to index
        %get3A_1060 = arith.constant 0 : index
        %get3A_1061 = tpu.vector_load %arg8[%get3A_1059, %get3A_1060] {strides = array<i32>} : memref<80x128xf32, #tpu.memory_space<vmem>>, vector<16xf32>,
        %get3A_1062 = arith.index_cast %add3A_1056 : i32 to index
        %get3A_1063 = arith.constant 0 : index
        %get3A_1064 = tpu.vector_load %arg9[%get3A_1062, %get3A_1063] {strides = array<i32>} : memref<80x128xf32, #tpu.memory_space<vmem>>, vector<16xf32>,
        %mul3A_1065 = arith.mulf %get3A_1061, %get3A_1064 : vector<16xf32>
        %add3A_1066 = arith.addf %broadcast_in_dim3A_1058, %mul3A_1065 : vector<16xf32>
        %get3A_1067 = arith.index_cast %add3A_1056 : i32 to index
        %get3A_1068 = arith.constant 16 : index
        %get3A_1069 = tpu.vector_load %arg8[%get3A_1067, %get3A_1068] {strides = array<i32>} : memref<80x128xf32, #tpu.memory_space<vmem>>, vector<16xf32>,
        %get3A_1070 = arith.index_cast %add3A_1056 : i32 to index
        %get3A_1071 = arith.constant 16 : index
        %get3A_1072 = tpu.vector_load %arg9[%get3A_1070, %get3A_1071] {strides = array<i32>} : memref<80x128xf32, #tpu.memory_space<vmem>>, vector<16xf32>,
        %mul3A_1073 = arith.mulf %get3A_1069, %get3A_1072 : vector<16xf32>
        %add3A_1074 = arith.addf %add3A_1066, %mul3A_1073 : vector<16xf32>
        %get3A_1075 = arith.index_cast %add3A_1056 : i32 to index
        %get3A_1076 = arith.constant 32 : index
        %get3A_1077 = tpu.vector_load %arg8[%get3A_1075, %get3A_1076] {strides = array<i32>} : memref<80x128xf32, #tpu.memory_space<vmem>>, vector<16xf32>,
        %get3A_1078 = arith.index_cast %add3A_1056 : i32 to index
        %get3A_1079 = arith.constant 32 : index
        %get3A_1080 = tpu.vector_load %arg9[%get3A_1078, %get3A_1079] {strides = array<i32>} : memref<80x128xf32, #tpu.memory_space<vmem>>, vector<16xf32>,
        %mul3A_1081 = arith.mulf %get3A_1077, %get3A_1080 : vector<16xf32>
        %add3A_1082 = arith.addf %add3A_1074, %mul3A_1081 : vector<16xf32>
        %get3A_1083 = arith.index_cast %add3A_1056 : i32 to index
        %get3A_1084 = arith.constant 48 : index
        %get3A_1085 = tpu.vector_load %arg8[%get3A_1083, %get3A_1084] {strides = array<i32>} : memref<80x128xf32, #tpu.memory_space<vmem>>, vector<16xf32>,
        %get3A_1086 = arith.index_cast %add3A_1056 : i32 to index
        %get3A_1087 = arith.constant 48 : index
        %get3A_1088 = tpu.vector_load %arg9[%get3A_1086, %get3A_1087] {strides = array<i32>} : memref<80x128xf32, #tpu.memory_space<vmem>>, vector<16xf32>,
        %mul3A_1089 = arith.mulf %get3A_1085, %get3A_1088 : vector<16xf32>
        %add3A_1090 = arith.addf %add3A_1082, %mul3A_1089 : vector<16xf32>
        %get3A_1091 = arith.index_cast %add3A_1056 : i32 to index
        %get3A_1092 = arith.constant 64 : index
        %get3A_1093 = tpu.vector_load %arg8[%get3A_1091, %get3A_1092] {strides = array<i32>} : memref<80x128xf32, #tpu.memory_space<vmem>>, vector<16xf32>,
        %get3A_1094 = arith.index_cast %add3A_1056 : i32 to index
        %get3A_1095 = arith.constant 64 : index
        %get3A_1096 = tpu.vector_load %arg9[%get3A_1094, %get3A_1095] {strides = array<i32>} : memref<80x128xf32, #tpu.memory_space<vmem>>, vector<16xf32>,
        %mul3A_1097 = arith.mulf %get3A_1093, %get3A_1096 : vector<16xf32>
        %add3A_1098 = arith.addf %add3A_1090, %mul3A_1097 : vector<16xf32>
        %get3A_1099 = arith.index_cast %add3A_1056 : i32 to index
        %get3A_1100 = arith.constant 80 : index
        %get3A_1101 = tpu.vector_load %arg8[%get3A_1099, %get3A_1100] {strides = array<i32>} : memref<80x128xf32, #tpu.memory_space<vmem>>, vector<16xf32>,
        %get3A_1102 = arith.index_cast %add3A_1056 : i32 to index
        %get3A_1103 = arith.constant 80 : index
        %get3A_1104 = tpu.vector_load %arg9[%get3A_1102, %get3A_1103] {strides = array<i32>} : memref<80x128xf32, #tpu.memory_space<vmem>>, vector<16xf32>,
        %mul3A_1105 = arith.mulf %get3A_1101, %get3A_1104 : vector<16xf32>
        %add3A_1106 = arith.addf %add3A_1098, %mul3A_1105 : vector<16xf32>
        %get3A_1107 = arith.index_cast %add3A_1056 : i32 to index
        %get3A_1108 = arith.constant 96 : index
        %get3A_1109 = tpu.vector_load %arg8[%get3A_1107, %get3A_1108] {strides = array<i32>} : memref<80x128xf32, #tpu.memory_space<vmem>>, vector<16xf32>,
        %get3A_1110 = arith.index_cast %add3A_1056 : i32 to index
        %get3A_1111 = arith.constant 96 : index
        %get3A_1112 = tpu.vector_load %arg9[%get3A_1110, %get3A_1111] {strides = array<i32>} : memref<80x128xf32, #tpu.memory_space<vmem>>, vector<16xf32>,
        %mul3A_1113 = arith.mulf %get3A_1109, %get3A_1112 : vector<16xf32>
        %add3A_1114 = arith.addf %add3A_1106, %mul3A_1113 : vector<16xf32>
        %get3A_1115 = arith.index_cast %add3A_1056 : i32 to index
        %get3A_1116 = arith.constant 112 : index
        %get3A_1117 = tpu.vector_load %arg8[%get3A_1115, %get3A_1116] {strides = array<i32>} : memref<80x128xf32, #tpu.memory_space<vmem>>, vector<16xf32>,
        %get3A_1118 = arith.index_cast %add3A_1056 : i32 to index
        %get3A_1119 = arith.constant 112 : index
        %get3A_1120 = tpu.vector_load %arg9[%get3A_1118, %get3A_1119] {strides = array<i32>} : memref<80x128xf32, #tpu.memory_space<vmem>>, vector<16xf32>,
        %mul3A_1121 = arith.mulf %get3A_1117, %get3A_1120 : vector<16xf32>
        %add3A_1122 = arith.addf %add3A_1114, %mul3A_1121 : vector<16xf32>
        %reduce_sum3A_1123 = arith.constant true
        %reduce_sum3A_1124 = vector.broadcast %reduce_sum3A_1123 : i1 to vector<16xi1>
        %reduce_sum3A_1125 = tpu.scan <sum>, %add3A_1122 masked %reduce_sum3A_1124 : vector<16xf32>, vector<16xi1> -> vector<16xf32>
        %reduce_sum3A_1126 = vector.extract %reduce_sum3A_1125[15] : f32 from vector<16xf32>
        %eq3A_1127 = arith.constant 13 : i32
        %eq3A_1128 = vector.broadcast %eq3A_1127 : i32 to vector<16xi32>
        %eq3A_1129 = arith.cmpi eq, %iota3A, %eq3A_1128 : vector<16xi32>
        %broadcast_in_dim3A_1130 = vector.broadcast %reduce_sum3A_1126 : f32 to vector<16xf32>
        %select_n3A_1131 = arith.select %eq3A_1129, %broadcast_in_dim3A_1130, %select_n3A_1054 : vector<16xi1>, vector<16xf32>
        %add3A_1132 = arith.constant 14 : i32
        %add3A_1133 = arith.addi %mul3A_56, %add3A_1132 : i32
        %broadcast_in_dim3A_1134 = arith.constant 0.000000e+00 : f32
        %broadcast_in_dim3A_1135 = vector.broadcast %broadcast_in_dim3A_1134 : f32 to vector<16xf32>
        %get3A_1136 = arith.index_cast %add3A_1133 : i32 to index
        %get3A_1137 = arith.constant 0 : index
        %get3A_1138 = tpu.vector_load %arg8[%get3A_1136, %get3A_1137] {strides = array<i32>} : memref<80x128xf32, #tpu.memory_space<vmem>>, vector<16xf32>,
        %get3A_1139 = arith.index_cast %add3A_1133 : i32 to index
        %get3A_1140 = arith.constant 0 : index
        %get3A_1141 = tpu.vector_load %arg9[%get3A_1139, %get3A_1140] {strides = array<i32>} : memref<80x128xf32, #tpu.memory_space<vmem>>, vector<16xf32>,
        %mul3A_1142 = arith.mulf %get3A_1138, %get3A_1141 : vector<16xf32>
        %add3A_1143 = arith.addf %broadcast_in_dim3A_1135, %mul3A_1142 : vector<16xf32>
        %get3A_1144 = arith.index_cast %add3A_1133 : i32 to index
        %get3A_1145 = arith.constant 16 : index
        %get3A_1146 = tpu.vector_load %arg8[%get3A_1144, %get3A_1145] {strides = array<i32>} : memref<80x128xf32, #tpu.memory_space<vmem>>, vector<16xf32>,
        %get3A_1147 = arith.index_cast %add3A_1133 : i32 to index
        %get3A_1148 = arith.constant 16 : index
        %get3A_1149 = tpu.vector_load %arg9[%get3A_1147, %get3A_1148] {strides = array<i32>} : memref<80x128xf32, #tpu.memory_space<vmem>>, vector<16xf32>,
        %mul3A_1150 = arith.mulf %get3A_1146, %get3A_1149 : vector<16xf32>
        %add3A_1151 = arith.addf %add3A_1143, %mul3A_1150 : vector<16xf32>
        %get3A_1152 = arith.index_cast %add3A_1133 : i32 to index
        %get3A_1153 = arith.constant 32 : index
        %get3A_1154 = tpu.vector_load %arg8[%get3A_1152, %get3A_1153] {strides = array<i32>} : memref<80x128xf32, #tpu.memory_space<vmem>>, vector<16xf32>,
        %get3A_1155 = arith.index_cast %add3A_1133 : i32 to index
        %get3A_1156 = arith.constant 32 : index
        %get3A_1157 = tpu.vector_load %arg9[%get3A_1155, %get3A_1156] {strides = array<i32>} : memref<80x128xf32, #tpu.memory_space<vmem>>, vector<16xf32>,
        %mul3A_1158 = arith.mulf %get3A_1154, %get3A_1157 : vector<16xf32>
        %add3A_1159 = arith.addf %add3A_1151, %mul3A_1158 : vector<16xf32>
        %get3A_1160 = arith.index_cast %add3A_1133 : i32 to index
        %get3A_1161 = arith.constant 48 : index
        %get3A_1162 = tpu.vector_load %arg8[%get3A_1160, %get3A_1161] {strides = array<i32>} : memref<80x128xf32, #tpu.memory_space<vmem>>, vector<16xf32>,
        %get3A_1163 = arith.index_cast %add3A_1133 : i32 to index
        %get3A_1164 = arith.constant 48 : index
        %get3A_1165 = tpu.vector_load %arg9[%get3A_1163, %get3A_1164] {strides = array<i32>} : memref<80x128xf32, #tpu.memory_space<vmem>>, vector<16xf32>,
        %mul3A_1166 = arith.mulf %get3A_1162, %get3A_1165 : vector<16xf32>
        %add3A_1167 = arith.addf %add3A_1159, %mul3A_1166 : vector<16xf32>
        %get3A_1168 = arith.index_cast %add3A_1133 : i32 to index
        %get3A_1169 = arith.constant 64 : index
        %get3A_1170 = tpu.vector_load %arg8[%get3A_1168, %get3A_1169] {strides = array<i32>} : memref<80x128xf32, #tpu.memory_space<vmem>>, vector<16xf32>,
        %get3A_1171 = arith.index_cast %add3A_1133 : i32 to index
        %get3A_1172 = arith.constant 64 : index
        %get3A_1173 = tpu.vector_load %arg9[%get3A_1171, %get3A_1172] {strides = array<i32>} : memref<80x128xf32, #tpu.memory_space<vmem>>, vector<16xf32>,
        %mul3A_1174 = arith.mulf %get3A_1170, %get3A_1173 : vector<16xf32>
        %add3A_1175 = arith.addf %add3A_1167, %mul3A_1174 : vector<16xf32>
        %get3A_1176 = arith.index_cast %add3A_1133 : i32 to index
        %get3A_1177 = arith.constant 80 : index
        %get3A_1178 = tpu.vector_load %arg8[%get3A_1176, %get3A_1177] {strides = array<i32>} : memref<80x128xf32, #tpu.memory_space<vmem>>, vector<16xf32>,
        %get3A_1179 = arith.index_cast %add3A_1133 : i32 to index
        %get3A_1180 = arith.constant 80 : index
        %get3A_1181 = tpu.vector_load %arg9[%get3A_1179, %get3A_1180] {strides = array<i32>} : memref<80x128xf32, #tpu.memory_space<vmem>>, vector<16xf32>,
        %mul3A_1182 = arith.mulf %get3A_1178, %get3A_1181 : vector<16xf32>
        %add3A_1183 = arith.addf %add3A_1175, %mul3A_1182 : vector<16xf32>
        %get3A_1184 = arith.index_cast %add3A_1133 : i32 to index
        %get3A_1185 = arith.constant 96 : index
        %get3A_1186 = tpu.vector_load %arg8[%get3A_1184, %get3A_1185] {strides = array<i32>} : memref<80x128xf32, #tpu.memory_space<vmem>>, vector<16xf32>,
        %get3A_1187 = arith.index_cast %add3A_1133 : i32 to index
        %get3A_1188 = arith.constant 96 : index
        %get3A_1189 = tpu.vector_load %arg9[%get3A_1187, %get3A_1188] {strides = array<i32>} : memref<80x128xf32, #tpu.memory_space<vmem>>, vector<16xf32>,
        %mul3A_1190 = arith.mulf %get3A_1186, %get3A_1189 : vector<16xf32>
        %add3A_1191 = arith.addf %add3A_1183, %mul3A_1190 : vector<16xf32>
        %get3A_1192 = arith.index_cast %add3A_1133 : i32 to index
        %get3A_1193 = arith.constant 112 : index
        %get3A_1194 = tpu.vector_load %arg8[%get3A_1192, %get3A_1193] {strides = array<i32>} : memref<80x128xf32, #tpu.memory_space<vmem>>, vector<16xf32>,
        %get3A_1195 = arith.index_cast %add3A_1133 : i32 to index
        %get3A_1196 = arith.constant 112 : index
        %get3A_1197 = tpu.vector_load %arg9[%get3A_1195, %get3A_1196] {strides = array<i32>} : memref<80x128xf32, #tpu.memory_space<vmem>>, vector<16xf32>,
        %mul3A_1198 = arith.mulf %get3A_1194, %get3A_1197 : vector<16xf32>
        %add3A_1199 = arith.addf %add3A_1191, %mul3A_1198 : vector<16xf32>
        %reduce_sum3A_1200 = arith.constant true
        %reduce_sum3A_1201 = vector.broadcast %reduce_sum3A_1200 : i1 to vector<16xi1>
        %reduce_sum3A_1202 = tpu.scan <sum>, %add3A_1199 masked %reduce_sum3A_1201 : vector<16xf32>, vector<16xi1> -> vector<16xf32>
        %reduce_sum3A_1203 = vector.extract %reduce_sum3A_1202[15] : f32 from vector<16xf32>
        %eq3A_1204 = arith.constant 14 : i32
        %eq3A_1205 = vector.broadcast %eq3A_1204 : i32 to vector<16xi32>
        %eq3A_1206 = arith.cmpi eq, %iota3A, %eq3A_1205 : vector<16xi32>
        %broadcast_in_dim3A_1207 = vector.broadcast %reduce_sum3A_1203 : f32 to vector<16xf32>
        %select_n3A_1208 = arith.select %eq3A_1206, %broadcast_in_dim3A_1207, %select_n3A_1131 : vector<16xi1>, vector<16xf32>
        %add3A_1209 = arith.constant 15 : i32
        %add3A_1210 = arith.addi %mul3A_56, %add3A_1209 : i32
        %broadcast_in_dim3A_1211 = arith.constant 0.000000e+00 : f32
        %broadcast_in_dim3A_1212 = vector.broadcast %broadcast_in_dim3A_1211 : f32 to vector<16xf32>
        %get3A_1213 = arith.index_cast %add3A_1210 : i32 to index
        %get3A_1214 = arith.constant 0 : index
        %get3A_1215 = tpu.vector_load %arg8[%get3A_1213, %get3A_1214] {strides = array<i32>} : memref<80x128xf32, #tpu.memory_space<vmem>>, vector<16xf32>,
        %get3A_1216 = arith.index_cast %add3A_1210 : i32 to index
        %get3A_1217 = arith.constant 0 : index
        %get3A_1218 = tpu.vector_load %arg9[%get3A_1216, %get3A_1217] {strides = array<i32>} : memref<80x128xf32, #tpu.memory_space<vmem>>, vector<16xf32>,
        %mul3A_1219 = arith.mulf %get3A_1215, %get3A_1218 : vector<16xf32>
        %add3A_1220 = arith.addf %broadcast_in_dim3A_1212, %mul3A_1219 : vector<16xf32>
        %get3A_1221 = arith.index_cast %add3A_1210 : i32 to index
        %get3A_1222 = arith.constant 16 : index
        %get3A_1223 = tpu.vector_load %arg8[%get3A_1221, %get3A_1222] {strides = array<i32>} : memref<80x128xf32, #tpu.memory_space<vmem>>, vector<16xf32>,
        %get3A_1224 = arith.index_cast %add3A_1210 : i32 to index
        %get3A_1225 = arith.constant 16 : index
        %get3A_1226 = tpu.vector_load %arg9[%get3A_1224, %get3A_1225] {strides = array<i32>} : memref<80x128xf32, #tpu.memory_space<vmem>>, vector<16xf32>,
        %mul3A_1227 = arith.mulf %get3A_1223, %get3A_1226 : vector<16xf32>
        %add3A_1228 = arith.addf %add3A_1220, %mul3A_1227 : vector<16xf32>
        %get3A_1229 = arith.index_cast %add3A_1210 : i32 to index
        %get3A_1230 = arith.constant 32 : index
        %get3A_1231 = tpu.vector_load %arg8[%get3A_1229, %get3A_1230] {strides = array<i32>} : memref<80x128xf32, #tpu.memory_space<vmem>>, vector<16xf32>,
        %get3A_1232 = arith.index_cast %add3A_1210 : i32 to index
        %get3A_1233 = arith.constant 32 : index
        %get3A_1234 = tpu.vector_load %arg9[%get3A_1232, %get3A_1233] {strides = array<i32>} : memref<80x128xf32, #tpu.memory_space<vmem>>, vector<16xf32>,
        %mul3A_1235 = arith.mulf %get3A_1231, %get3A_1234 : vector<16xf32>
        %add3A_1236 = arith.addf %add3A_1228, %mul3A_1235 : vector<16xf32>
        %get3A_1237 = arith.index_cast %add3A_1210 : i32 to index
        %get3A_1238 = arith.constant 48 : index
        %get3A_1239 = tpu.vector_load %arg8[%get3A_1237, %get3A_1238] {strides = array<i32>} : memref<80x128xf32, #tpu.memory_space<vmem>>, vector<16xf32>,
        %get3A_1240 = arith.index_cast %add3A_1210 : i32 to index
        %get3A_1241 = arith.constant 48 : index
        %get3A_1242 = tpu.vector_load %arg9[%get3A_1240, %get3A_1241] {strides = array<i32>} : memref<80x128xf32, #tpu.memory_space<vmem>>, vector<16xf32>,
        %mul3A_1243 = arith.mulf %get3A_1239, %get3A_1242 : vector<16xf32>
        %add3A_1244 = arith.addf %add3A_1236, %mul3A_1243 : vector<16xf32>
        %get3A_1245 = arith.index_cast %add3A_1210 : i32 to index
        %get3A_1246 = arith.constant 64 : index
        %get3A_1247 = tpu.vector_load %arg8[%get3A_1245, %get3A_1246] {strides = array<i32>} : memref<80x128xf32, #tpu.memory_space<vmem>>, vector<16xf32>,
        %get3A_1248 = arith.index_cast %add3A_1210 : i32 to index
        %get3A_1249 = arith.constant 64 : index
        %get3A_1250 = tpu.vector_load %arg9[%get3A_1248, %get3A_1249] {strides = array<i32>} : memref<80x128xf32, #tpu.memory_space<vmem>>, vector<16xf32>,
        %mul3A_1251 = arith.mulf %get3A_1247, %get3A_1250 : vector<16xf32>
        %add3A_1252 = arith.addf %add3A_1244, %mul3A_1251 : vector<16xf32>
        %get3A_1253 = arith.index_cast %add3A_1210 : i32 to index
        %get3A_1254 = arith.constant 80 : index
        %get3A_1255 = tpu.vector_load %arg8[%get3A_1253, %get3A_1254] {strides = array<i32>} : memref<80x128xf32, #tpu.memory_space<vmem>>, vector<16xf32>,
        %get3A_1256 = arith.index_cast %add3A_1210 : i32 to index
        %get3A_1257 = arith.constant 80 : index
        %get3A_1258 = tpu.vector_load %arg9[%get3A_1256, %get3A_1257] {strides = array<i32>} : memref<80x128xf32, #tpu.memory_space<vmem>>, vector<16xf32>,
        %mul3A_1259 = arith.mulf %get3A_1255, %get3A_1258 : vector<16xf32>
        %add3A_1260 = arith.addf %add3A_1252, %mul3A_1259 : vector<16xf32>
        %get3A_1261 = arith.index_cast %add3A_1210 : i32 to index
        %get3A_1262 = arith.constant 96 : index
        %get3A_1263 = tpu.vector_load %arg8[%get3A_1261, %get3A_1262] {strides = array<i32>} : memref<80x128xf32, #tpu.memory_space<vmem>>, vector<16xf32>,
        %get3A_1264 = arith.index_cast %add3A_1210 : i32 to index
        %get3A_1265 = arith.constant 96 : index
        %get3A_1266 = tpu.vector_load %arg9[%get3A_1264, %get3A_1265] {strides = array<i32>} : memref<80x128xf32, #tpu.memory_space<vmem>>, vector<16xf32>,
        %mul3A_1267 = arith.mulf %get3A_1263, %get3A_1266 : vector<16xf32>
        %add3A_1268 = arith.addf %add3A_1260, %mul3A_1267 : vector<16xf32>
        %get3A_1269 = arith.index_cast %add3A_1210 : i32 to index
        %get3A_1270 = arith.constant 112 : index
        %get3A_1271 = tpu.vector_load %arg8[%get3A_1269, %get3A_1270] {strides = array<i32>} : memref<80x128xf32, #tpu.memory_space<vmem>>, vector<16xf32>,
        %get3A_1272 = arith.index_cast %add3A_1210 : i32 to index
        %get3A_1273 = arith.constant 112 : index
        %get3A_1274 = tpu.vector_load %arg9[%get3A_1272, %get3A_1273] {strides = array<i32>} : memref<80x128xf32, #tpu.memory_space<vmem>>, vector<16xf32>,
        %mul3A_1275 = arith.mulf %get3A_1271, %get3A_1274 : vector<16xf32>
        %add3A_1276 = arith.addf %add3A_1268, %mul3A_1275 : vector<16xf32>
        %reduce_sum3A_1277 = arith.constant true
        %reduce_sum3A_1278 = vector.broadcast %reduce_sum3A_1277 : i1 to vector<16xi1>
        %reduce_sum3A_1279 = tpu.scan <sum>, %add3A_1276 masked %reduce_sum3A_1278 : vector<16xf32>, vector<16xi1> -> vector<16xf32>
        %reduce_sum3A_1280 = vector.extract %reduce_sum3A_1279[15] : f32 from vector<16xf32>
        %eq3A_1281 = arith.constant 15 : i32
        %eq3A_1282 = vector.broadcast %eq3A_1281 : i32 to vector<16xi32>
        %eq3A_1283 = arith.cmpi eq, %iota3A, %eq3A_1282 : vector<16xi32>
        %broadcast_in_dim3A_1284 = vector.broadcast %reduce_sum3A_1280 : f32 to vector<16xf32>
        %select_n3A_1285 = arith.select %eq3A_1283, %broadcast_in_dim3A_1284, %select_n3A_1208 : vector<16xi1>, vector<16xf32>
        %swap3A = arith.index_cast %mul3A_56 : i32 to index
        %swap3A_1286 = tpu.vector_load %arg10[%swap3A] {strides = array<i32>} : memref<80xf32, #tpu.memory_space<vmem>>, vector<16xf32>,
        tpu.vector_store %arg10[%swap3A], %select_n3A_1285 {strides = array<i32>} : memref<80xf32, #tpu.memory_space<vmem>>, vector<16xf32>,
        %scan3A_1287 = arith.constant 0 : i32
        scf.yield %scan3A_1287 : i32
      }
      %scan3A_45 = arith.constant 5 : i32
      %add3A_46 = arith.constant 320000 : i32
      %add3A_47 = arith.addi %add3A_46, %mul3A_10 : i32
      %mul3A_48 = arith.constant 80 : i32
      %mul3A_49 = arith.muli %scan3A_18, %mul3A_48 : i32
      %add3A_50 = arith.addi %add3A_47, %mul3A_49 : i32
      %multiple_of3A_51 = tpu.assume_multiple %add3A_50, 8 : i32
      "tpu.region"() ({
        %run_scoped3A = tpu.sem_alloc : memref<!tpu.dma_semaphore, #tpu.memory_space<semaphore_mem>>
        %dma_start3A_53 = tpu.memref_slice %arg5[%multiple_of3A_51] : memref<640000xf32, #tpu.memory_space<hbm>> -> memref<80xf32, #tpu.memory_space<hbm>>
        %dma_start3A_54 = tpu.memref_slice %arg5[%multiple_of3A_51] : memref<640000xf32, #tpu.memory_space<hbm>> -> memref<80xf32, #tpu.memory_space<hbm>>
        tpu.enqueue_dma source(%arg10 : memref<80xf32, #tpu.memory_space<vmem>>) target(%dma_start3A_54 : memref<80xf32, #tpu.memory_space<hbm>>) target_semaphore(%run_scoped3A : memref<!tpu.dma_semaphore, #tpu.memory_space<semaphore_mem>>)
        %dma_wait3A_55 = tpu.memref_slice %arg5[%multiple_of3A_51] : memref<640000xf32, #tpu.memory_space<hbm>> -> memref<80xf32, #tpu.memory_space<hbm>>
        %dma_wait3A_56 = tpu.memref_slice %arg5[%multiple_of3A_51] : memref<640000xf32, #tpu.memory_space<hbm>> -> memref<80xf32, #tpu.memory_space<hbm>>
        tpu.wait_dma2 semaphore(%run_scoped3A : memref<!tpu.dma_semaphore, #tpu.memory_space<semaphore_mem>>) src(%arg10 : memref<80xf32, #tpu.memory_space<vmem>>) dst(%dma_wait3A_56 : memref<80xf32, #tpu.memory_space<hbm>>)
        tpu.yield
      }) : () -> ()
      %scan3A_52 = arith.constant 0 : i32
      scf.yield %scan3A_52 : i32
    }
    %scan3A_17 = arith.constant 125 : i32
    return
  }
}

module attributes {stable_mosaic.version = 14 : i64} {
  func.func @body(%arg0: memref<5000x128xf32, #tpu.memory_space<vmem>>, %arg1: memref<1x1xf32, #tpu.memory_space<vmem>>) attributes {dimension_semantics = [], scalar_prefetch = 0 : i64, scratch_operands = 0 : i64, tpu.core_type = #tpu.core_type<tc>} {
    %get3A = arith.constant 0 : index
    %get3A_0 = arith.constant 0 : index
    %get3A_1 = vector.load %arg0[%get3A, %get3A_0] : memref<5000x128xf32, #tpu.memory_space<vmem>>, vector<5000x128xf32>
    %iota3A = tpu.iota {dimensions = array<i32: 0>} : vector<5000x128xi32>
    %lt3A = arith.constant 2500 : i32
    %lt3A_2 = vector.broadcast %lt3A : i32 to vector<5000x128xi32>
    %lt3A_3 = arith.cmpi slt, %iota3A, %lt3A_2 : vector<5000x128xi32>
    %jit3A = arith.constant 1.000000e+00 : f32
    %jit3A_4 = arith.constant 0.000000e+00 : f32
    %broadcast_in_dim3A = vector.broadcast %jit3A : f32 to vector<5000x128xf32>
    %broadcast_in_dim3A_5 = vector.broadcast %jit3A_4 : f32 to vector<5000x128xf32>
    %select_n3A = arith.select %lt3A_3, %broadcast_in_dim3A, %broadcast_in_dim3A_5 : vector<5000x128xi1>, vector<5000x128xf32>
    %max3A = arith.constant 0.000000e+00 : f32
    %max3A_6 = vector.broadcast %max3A : f32 to vector<5000x128xf32>
    %max3A_7 = arith.maximumf %get3A_1, %max3A_6 : vector<5000x128xf32>
    %mul3A = arith.mulf %get3A_1, %select_n3A : vector<5000x128xf32>
    %sub3A = arith.subf %max3A_7, %mul3A : vector<5000x128xf32>
    %abs3A = math.absf %get3A_1 : vector<5000x128xf32>
    %neg3A = arith.constant 0.000000e+00 : f32
    %neg3A_8 = vector.broadcast %neg3A : f32 to vector<5000x128xf32>
    %neg3A_9 = arith.subf %neg3A_8, %abs3A : vector<5000x128xf32>
    %exp3A = math.exp %neg3A_9 : vector<5000x128xf32>
    %log1p3A = math.log1p %exp3A : vector<5000x128xf32>
    %add3A = arith.addf %sub3A, %log1p3A : vector<5000x128xf32>
    %reduce_sum3A = vector.shape_cast %add3A : vector<5000x128xf32> to vector<1x5000x128xf32>
    %reduce_sum3A_10 = arith.constant dense<0.000000e+00> : vector<1xf32>
    %reduce_sum3A_11 = vector.multi_reduction <add>, %reduce_sum3A, %reduce_sum3A_10 [1, 2] : vector<1x5000x128xf32> to vector<1xf32>
    %reduce_sum3A_12 = vector.shape_cast %reduce_sum3A_11 : vector<1xf32> to vector<1x1x1xf32>
    %reduce_sum3A_13 = vector.extract %reduce_sum3A_12[0, 0, 0] : f32 from vector<1x1x1xf32>
    %div3A = arith.constant 6.400000e+05 : f32
    %div3A_14 = arith.divf %reduce_sum3A_13, %div3A : f32
    %reshape3A = vector.broadcast %div3A_14 : f32 to vector<1x1xf32>
    %swap3A = arith.constant 0 : index
    %swap3A_15 = arith.constant 0 : index
    %swap3A_16 = vector.load %arg1[%swap3A, %swap3A_15] : memref<1x1xf32, #tpu.memory_space<vmem>>, vector<1x1xf32>
    tpu.vector_store %arg1[%swap3A, %swap3A_15], %reshape3A {strides = array<i32>} : memref<1x1xf32, #tpu.memory_space<vmem>>, vector<1x1xf32>,
    return
  }
}

</mosaic_0001>

<sc_bundles>
// kernel: kernel.4.cloned.1.call-start
scs
__scs_entry_jumppad:
0x0: {  	(pc) =	sbr.rel $0x88, $3  }
0x1: {  	(tag) =	ssettag $0x0;
	lr =	simm.s32 $0x1  }
0x2: {  	[smem:$0x3F9E] =	sst lr;
	_ =	strace $0xD0000000  }
0x3: {  	_ = 	snop  }
0x4: {  	_ = 	snop  }
0x5: {  	_ = 	snop  }
0x6: {  	_ = 	snop  }
0x7: {  	_ = 	snop  }
__scs_overlays_trampoline_lowered:
0x8: {  	[smem:$0x3FAD] =	sst s0  }
0x9: {  	[smem:$0x3FAE] =	sst s1  }
0xa: {  	[smem:$0x3FAF] =	sst s2  }
0xb: {  	[smem:$0x3FB0] =	sst s3  }
0xc: {  	[smem:$0x3FB1] =	sst s4  }
0xd: {  	[smem:$0x3FB2] =	sst s5  }
0xe: {  	[smem:$0x3FB3] =	sst s6  }
0xf: {  	[smem:$0x3FB4] =	sst s7  }
0x10: {  	[smem:$0x3FB5] =	sst s8  }
0x11: {  	[smem:$0x3FB6] =	sst s9;
	s0 =	simm.s32 @!p0 $0x0  }
0x12: {  	s1 =	sld [smem:$0x3F9C];
	s0 =	simm.s32 @p0 $0x1  }
0x13: {  	[smem:$0x3FB7] =	sst s0;
	s0 =	simm.s32 @!p1 $0x0  }
0x14: {  	s2 =	sld [smem:$0x3F9B];
	s0 =	simm.s32 @p1 $0x1  }
0x15: {  	[smem:$0x3FB8] =	sst s0;
	s0 =	simm.s32 @!p2 $0x0  }
0x16: {  	s3 =	sld [smem:$0x3FDB];
	s0 =	simm.s32 @p2 $0x1  }
0x17: {  	s4 =	simm.s32 $0x1BF5;
	[smem:$0x3FBA] =	sst s0  }
0x18: {  	s0 =	sld [smem:$0x3F9D];
	_ =	swait.ge [sflag:s4], $0x0  }
0x19: {  	s7 =	sld [smem:$0x3F9E]  }
0x1a: {  	s8 =	sadd.s32 $0xFFFFE003, lr  }
0x1b: {  	s9 =	sadd.s32 $0xFFFFFEF7, lr;
	s5 =	simm.s32 $0xFFFFFFFF;
	p2 =	slt.u32 s8, $0xFFFFF086  }
0x1c: {  	p1 =	slt.u32 s9, $0xF7A;
	s5 =	simm.s32 @!p2 $0x0  }
0x1d: {  	s5 =	simm.s32 @p1 $0x1;
	p0 =	seq.s32 s7, s2  }
0x1e: {  	s7 =	smul.u32 @!p0 $0xF7A, s2;
	p2 =	seq.s32 @!p0 s5, $0x0  }
0x1f: {  	s9 =	smul.u32 $0xF7A, s1;
	s8 =	simm.s32 @!p0 $0x1BF5;
	p2 =	por !p2, p0  }
0x20: {  	[sflag:s8] =	ssyncset.s32 @!p0 $0xFFFFF086;
	s6 =	sadd.s32 @!p0 s3, s7;
	s7 =	simm.s32 @!p0 $0x108  }
0x21: {  	s3 =	sadd.s32 s3, s9;
	s6 =	sadd.s32 @!p0 $0x88, s6;
	s7 =	simm.s32 @p2 $0x1082  }
0x22: {  	[simem:s7], [sflag:s8] =	dma.local @!p0 [hbm:s6], $0xF7A  }
0x23: {  	s9 =	sor.u32 $0xD0000000, s2;
	s6 =	simm.s32 $0x108;
	_ =	swait.ge @!p0 [sflag:s8], $0x0  }
0x24: {  	s3 =	sadd.s32 $0x88, s3;
	s6 =	simm.s32 @!p1 $0x1082;
	[sflag:s4] =	ssyncset.s32 $0xFFFFF086  }
0x25: {  	[simem:s6], [sflag:s4] =	dma.local [hbm:s3], $0xF7A  }
0x26: {  	[smem:$0x3F9E] =	sst s1;
	(tag) =	ssettag s2;
	_ =	strace s9  }
0x27: {  	s1 =	sld [smem:$0x3FAE]  }
0x28: {  	s2 =	sld [smem:$0x3FAF]  }
0x29: {  	s4 =	sld [smem:$0x3FB1]  }
0x2a: {  	p0 =	seq.s32 s5, $0x0;
	s5 =	sld [smem:$0x3FB2]  }
0x2b: {  	s6 =	sld [smem:$0x3FB3]  }
0x2c: {  	s7 =	sld [smem:$0x3FB4]  }
0x2d: {  	s3 =	simm.s32 $0x108;
	s8 =	sld [smem:$0x3FB5]  }
0x2e: {  	s3 =	simm.s32 @!p0 $0x1082;
	s9 =	sld [smem:$0x3FB6]  }
0x2f: {  	lr =	sadd.s32 s0, s3;
	s0 =	sld [smem:$0x3FAD]  }
0x30: {  	s3 =	sld [smem:$0x3FB0]  }
0x31: {  	[smem:$0x3FB9] =	sst s10  }
0x32: {  	s10 =	sld [smem:$0x3FB7];
	_ =	sdelay $0x3  }
0x33: {  	p0 =	seq.s32 s10, $0x1;
	s10 =	sld [smem:$0x3FB9];
	_ =	sdelay $0x3  }
0x34: {  	[smem:$0x3FB9] =	sst s10  }
0x35: {  	s10 =	sld [smem:$0x3FB8];
	_ =	sdelay $0x3  }
0x36: {  	p1 =	seq.s32 s10, $0x1;
	s10 =	sld [smem:$0x3FB9];
	_ =	sdelay $0x3  }
0x37: {  	[smem:$0x3FB9] =	sst s10  }
0x38: {  	s10 =	sld [smem:$0x3FBA]  }
0x39: {  	_ = 	snop;
	(pc) =	sbr.ind lr, $3  }
0x3a: {  	_ = 	snop  }
0x3b: {  	_ = 	snop  }
0x3c: {  	p2 =	seq.s32 s10, $0x1;
	s10 =	sld [smem:$0x3FB9]  }
0x3d: {  	_ =	shalt  }
0x3e: {  	_ =	shalt  }
0x3f: {  	_ =	shalt  }
0x40: {  	_ =	shalt  }
0x41: {  	_ =	shalt  }
0x42: {  	_ =	shalt  }
0x43: {  	_ =	shalt  }
0x44: {  	_ =	shalt  }
0x45: {  	_ =	shalt  }
0x46: {  	_ =	shalt  }
0x47: {  	_ =	shalt  }
0x48: {  	_ =	shalt  }
0x49: {  	_ =	shalt  }
0x4a: {  	_ =	shalt  }
0x4b: {  	_ =	shalt  }
0x4c: {  	_ =	shalt  }
0x4d: {  	_ =	shalt  }
0x4e: {  	_ =	shalt  }
0x4f: {  	_ =	shalt  }
0x50: {  	_ =	shalt  }
0x51: {  	_ =	shalt  }
0x52: {  	_ =	shalt  }
0x53: {  	_ =	shalt  }
0x54: {  	_ =	shalt  }
0x55: {  	_ =	shalt  }
0x56: {  	_ =	shalt  }
0x57: {  	_ =	shalt  }
0x58: {  	_ =	shalt  }
0x59: {  	_ =	shalt  }
0x5a: {  	_ =	shalt  }
0x5b: {  	_ =	shalt  }
0x5c: {  	_ =	shalt  }
0x5d: {  	_ =	shalt  }
0x5e: {  	_ =	shalt  }
0x5f: {  	_ =	shalt  }
0x60: {  	_ =	shalt  }
0x61: {  	_ =	shalt  }
0x62: {  	_ =	shalt  }
0x63: {  	_ =	shalt  }
0x64: {  	_ =	shalt  }
0x65: {  	_ =	shalt  }
0x66: {  	_ =	shalt  }
0x67: {  	_ =	shalt  }
0x68: {  	_ =	shalt  }
0x69: {  	_ =	shalt  }
0x6a: {  	_ =	shalt  }
0x6b: {  	_ =	shalt  }
0x6c: {  	_ =	shalt  }
0x6d: {  	_ =	shalt  }
0x6e: {  	_ =	shalt  }
0x6f: {  	_ =	shalt  }
0x70: {  	_ =	shalt  }
0x71: {  	_ =	shalt  }
0x72: {  	_ =	shalt  }
0x73: {  	_ =	shalt  }
0x74: {  	_ =	shalt  }
0x75: {  	_ =	shalt  }
0x76: {  	_ =	shalt  }
0x77: {  	_ =	shalt  }
0x78: {  	_ =	shalt  }
0x79: {  	_ =	shalt  }
0x7a: {  	_ =	shalt  }
0x7b: {  	_ =	shalt  }
0x7c: {  	_ =	shalt  }
0x7d: {  	_ =	shalt  }
0x7e: {  	_ =	shalt  }
0x7f: {  	_ =	shalt  }
0x80: {  	_ =	shalt  }
0x81: {  	_ =	shalt  }
0x82: {  	_ =	shalt  }
0x83: {  	_ =	shalt  }
0x84: {  	_ =	shalt  }
0x85: {  	_ =	shalt  }
0x86: {  	_ =	shalt  }
0x87: {  	_ =	shalt  }
.Lfunc_end0:
.L_simem_size_0:
called_computation_lowered:
.L_overlay_start_0:
0x88: {  	s2 =	sld [smem:$0x3FD9]  }
0x89: {  	s3 =	sld [smem:$0x3FFE];
	_ =	sdelay $0x1  }
0x8a: {  	s1 =	srdreg.scid  }
0x8b: {  	s0 =	sand.u32 $0x1, s1  }
0x8c: {  	s17 =	sshll.u32 s0, $0xA;
	s2 =	sadd.s32 s3, s2  }
0x8d: {  	s2 =	sadd.s32 s2, s17  }
0x8e: {  	[smem:$0x3FC5] =	sst s2  }
0x8f: {  	_ = 	snop  }
0x90: {  	s2 =	sld [smem:$0x3FC9];
	(tm) =	ssettm $0x1  }
0x91: {  	s18 =	sld [smem:$0x3FFB];
	_ =	sdelay $0x3  }
0x92: {  	_ =	strace s18  }
0x93: {  	s3 =	sld [smem:$0x3FFC];
	_ =	sdelay $0x3  }
0x94: {  	_ =	strace s3  }
0x95: {  	s3 =	sld [smem:$0x3FFD];
	_ =	sdelay $0x3  }
0x96: {  	_ =	strace s3  }
0x97: {  	_ =	strace $0x8FFFFFFF  }
0x98: {  	s19 =	sld [smem:$0x3FDB];
	_ =	sdelay $0x1  }
0x99: {  	s4 =	simm.s32 $_scs_section_size  }
0x9a: {  	s5 =	simm.s32 $_size__tile_overlayer_lowered;
	s6 =	simm.s32 $_tile_overlayer_lowered  }
0x9b: {  	s22 =	simm.s32 $0x1BFF;
	s21 =	sshll.u32 s6, $0x1;
	s3 =	sadd.s32 s4, s19  }
0x9c: {  	s7 =	simm.s32 $0x0;
	s20 =	sshll.u32 s5, $0x1;
	s5 =	sadd.s32 s21, s3  }
0x9d: {  	[timem:s7], [sflag:s22] =	dma.local [hbm:s5], s20  }
0x9e: {  	_ =	swait.ge [sflag:s22], s20  }
0x9f: {  	s4 =	ssub.s32 $0x0, s20;
	[sflag:s22] =	ssyncset.done $0x0  }
0xa0: {  	[sflag:s22] =	ssyncadd.s32 s4;
	_ =	sdelay $0x1  }
0xa1: {  	s23 =	simm.s32 $0x1B8B  }
0xa2: {  	_ =	swait.ge [sflag:s23], $0x1  }
0xa3: {  	[sflag:s23] =	ssyncset.done $0x0  }
0xa4: {  	s25 =	simm.s32 $0x1B8E;
	s24 =	sld [smem:$0x3FFE];
	[sflag:s23] =	ssyncadd.s32 $0xFFFFFFFF  }
0xa5: {  	s26 =	simm.s32 $execute0_lowered;
	[smem:$0x3FD2] =	sst s25  }
0xa6: {  	s5 =	sshll.u32 s26, $0x1;
	_ =	strace $0x80000046;
	[dreg:$0x1] =	wrdreg $0xFFFFFFFF  }
0xa7: {  	s28 =	simm.s32 $_size_execute0_lowered;
	s3 =	sadd.s32 s3, s5;
	[dreg:$0x0] =	wrdreg $0x0  }
0xa8: {  	s5 =	sshll.u32 s28, $0x1;
	[dreg:$0x2] =	wrdreg s3  }
0xa9: {  	[dreg:$0x3] =	wrdreg s5  }
0xaa: {  	[dreg:$0x4] =	wrdreg $0xC0  }
0xab: {  	_ =	task [dreg:s7], $0x5FFFF  }
0xac: {  	[dreg:$0x1] =	wrdreg $0xFFFFFFFF  }
0xad: {  	[dreg:$0x0] =	wrdreg $0x60  }
0xae: {  	[dreg:$0x2] =	wrdreg s2  }
0xaf: {  	[dreg:$0x3] =	wrdreg s24  }
0xb0: {  	[dreg:$0x4] =	wrdreg $0x9  }
0xb1: {  	_ =	task.clear_ibuf [dreg:s7], $0x5FFFF;
	_ =	strace $0x90000046  }
0xb2: {  	s29 =	simm.s32 $0x9;
	_ =	strace $0x80000048  }
0xb3: {  	_ =	swait.ge [sflag:s29], $0x1  }
0xb4: {  	[sflag:s29] =	ssyncadd.s32 $0xFFFFFFFF  }
0xb5: {  	_ =	strace $0x90000048  }
0xb6: {  	_ =	sfence  }
0xb7: {  	s30 =	sld [smem:$0x0];
	_ =	sdelay $0x2  }
0xb8: {  	s31 =	sshll.u32 s1, $0xD;
	s1 =	sshrl.u32 s1, $0x2  }
0xb9: {  	s3 =	sand.u32 $0x4000, s31;
	s1 =	sadd.s32 s1, s30  }
0xba: {  	s0 =	sor.u32 s3, s0;
	s1 =	sshll.u32 s1, $0x11  }
0xbb: {  	s0 =	sor.u32 s1, s0  }
0xbc: {  	s0 =	sadd.s32 $0x8F2B, s0  }
0xbd: {  	[sflag:s0] =	ssyncadd.remote.s32 $0x1  }
0xbe: {  	_ =	sfence.sel $0xFFFF  }
0xbf: {  	[dreg:$0x0] =	wrdreg $0xFFFFFFFF;
	(pc) =	sbr.abs _section_cstart, $3  }
0xc0: {  	[dreg:$0x1] =	wrdreg $0xFFFFFFFF  }
0xc1: {  	_ =	task.clear_ibuf [dreg:s7], $0x2FFFF;
	_ =	strace $0x9FFFFFFF  }
0xc2: {  	(tm) =	ssettm $0x7FFFFFFF  }
0xc3: {  	_ =	shalt  }
tec
execute0_lowered:
.L_overlay_start_1:
0x0: {  	(tag) =	ssettag $0x1  }
0x1: {  	s2 =	rddreg [dreg:$0x0]  }
0x2: {  	s7 =	rddreg [dreg:$0x1]  }
0x3: {  	s0 =	rddreg [dreg:$0x2];
	s4 =	srdreg.scid  }
0x4: {  	s1 =	stileid.u32;
	s3 =	simm.s32 $0x0;
	s10 =	simm.s32 $0x2  }
0x5: {  	s11 =	simm.s32 $0x80;
	s12 =	simm.s32 $0x50;
	s13 =	simm.s32 $0x100  }
0x6: {  	s14 =	simm.s32 $0x2900;
	s15 =	simm.s32 $0x1;
	s16 =	simm.s32 $0x5100  }
0x7: {  	vm0 =	vmmov $0x1;
	vm1 =	vmmov $0x3;
	vm2 =	vmmov $0x7;
	s17 =	simm.s32 $0x0;
	s4 =	sand.u32 $0x1, s4;
	s5 =	sshll.u32 s1, $0x1  }
0x8: {  	vm3 =	vmmov $0xf;
	vm4 =	vmmov $0x1f;
	vm5 =	vmmov $0x3f;
	[smem:$0x7FF] =	sst s3;
	s5 =	sor.u32 s4, s5;
	s8 =	ssub.s32 $0x2, s4  }
0x9: {  	vm6 =	vmmov $0x7f;
	vm7 =	vmmov $0xff;
	vm8 =	vmmov $0x1ff;
	s6 =	sadd.s32 $0x14200, s7;
	s4 =	smul.u32 $0x2710, s5;
	s9 =	sshrl.u32 s8, $0x1  }
0xa: {  	vm9 =	vmmov $0x3ff;
	vm10 =	vmmov $0x7ff;
	vm11 =	vmmov $0xfff;
	_ =	strace $0x80000047;
	s5 =	sadd.s32 $0x800, s7;
	s9 =	ssub.s32 s8, s9  }
0xb: {  	vm12 =	vmmov $0x1fff;
	vm13 =	vmmov $0x3fff;
	vm14 =	vmmov $0x7fff;
	s7 =	sadd.s32 $0x27C00, s7;
	s8 =	sadd.s32 $0x4E200, s4;
	s9 =	smax.u32 s9, $0x1  }
.LBB2_1:
0xc: {  	s19 =	simm.s32 $0x0  }
.LBB2_2:
0xd: {  	s21 =	smul.u32 $0x50, s19;
	_ =	sdelay $0x1  }
0xe: {  	s18 =	sadd.s32 s4, s21  }
0xf: {  	s18 =	sshrl.u32 s18, $0x3  }
0x10: {  	s20 =	simm.s32 $0x0;
	s22 =	sadd.s32 s5, s18  }
0x11: {  	[tilespmem:s20], [sflag:$0x2] =	stream.linear.gather [hbm4b:s22+s20], $0x50, $0x38;
	[tilespmem:$0x5180] =	vst v63  }
0x12: {  	s21 =	sadd.s32 s21, s8;
	_ =	swait.ge [sflag:s10], $0x50  }
0x13: {  	s21 =	sshrl.u32 s21, $0x3;
	[sflag:s10] =	ssyncset.done $0x0  }
0x14: {  	s21 =	sadd.s32 s5, s21;
	[sflag:s10] =	ssyncadd.s32 $0xFFFFFFB0  }
0x15: {  	[tilespmem:s11], [sflag:$0x2] =	stream.linear.gather [hbm4b:s21+s20], $0x50, $0x38;
	[tilespmem:$0x5180] =	vst v63  }
0x16: {  	_ =	swait.ge [sflag:s10], $0x50  }
0x17: {  	[sflag:s10] =	ssyncset.done $0x0  }
0x18: {  	[sflag:s10] =	ssyncadd.s32 $0xFFFFFFB0  }
0x19: {  	[tilespmem:s13], [sflag:$0x1] =	stream.indirect.gather [hbm4b:s2+s12], $0x80, s20, s12, $0xb8;
	[tilespmem:$0x5180] =	vst v63  }
0x1a: {  	_ = 	snop  }
0x1b: {  	[tilespmem:s14], [sflag:$0x1] =	stream.indirect.gather [hbm4b:s2+s12], $0x80, s11, s12, $0xb8;
	[tilespmem:$0x5180] =	vst v63  }
0x1c: {  	_ =	swait.ge [sflag:s15], $0x2800  }
0x1d: {  	[sflag:s15] =	ssyncset.done $0x0  }
0x1e: {  	[sflag:s15] =	ssyncadd.s32 $0xFFFFD800  }
0x1f: {  	_ =	swait.ge [sflag:s15], $0x2800  }
0x20: {  	[sflag:s15] =	ssyncset.done $0x0  }
0x21: {  	s21 =	simm.s32 $0x0;
	[sflag:s15] =	ssyncadd.s32 $0xFFFFD800  }
0x22: {  	v0 =	vld [tilespmem:s21+$0x8D0];
	_ =	sdelay $0x4  }
0x23: {  	[tilespmem:$0x1F860] =	vst v0;
	v0 =	vld [tilespmem:s21+$0x30D0];
	_ =	sdelay $0x4  }
0x24: {  	[tilespmem:$0x1F870] =	vst v0;
	v0 =	vld [tilespmem:s21+$0x8C0];
	_ =	sdelay $0x4  }
0x25: {  	[tilespmem:$0x1F880] =	vst v0;
	v0 =	vld [tilespmem:s21+$0x30C0];
	_ =	sdelay $0x4  }
0x26: {  	[tilespmem:$0x1F890] =	vst v0;
	v0 =	vld [tilespmem:s21+$0x2F70];
	_ =	sdelay $0x4  }
0x27: {  	[tilespmem:$0x1F980] =	vst v0;
	v0 =	vld [tilespmem:s21+$0x7E0];
	_ =	sdelay $0x4  }
0x28: {  	[tilespmem:$0x1F8A0] =	vst v0;
	v0 =	vld [tilespmem:s21+$0x850];
	_ =	sdelay $0x4  }
0x29: {  	[tilespmem:$0x1F990] =	vst v0;
	v0 =	vld [tilespmem:s21+$0x8B0];
	_ =	sdelay $0x4  }
0x2a: {  	[tilespmem:$0x1F9C0] =	vst v0;
	v0 =	vld [tilespmem:s21+$0x30B0];
	_ =	sdelay $0x4  }
0x2b: {  	[tilespmem:$0x1F9D0] =	vst v0;
	v0 =	vld [tilespmem:s21+$0x6F0];
	_ =	sdelay $0x4  }
0x2c: {  	[tilespmem:$0x1F9A0] =	vst v0;
	v0 =	vld [tilespmem:s21+$0x2EF0];
	_ =	sdelay $0x4  }
0x2d: {  	[tilespmem:$0x1F9B0] =	vst v0;
	v0 =	vld [tilespmem:s21+$0x760];
	_ =	sdelay $0x4  }
0x2e: {  	[tilespmem:$0x1F9F0] =	vst v0;
	v0 =	vld [tilespmem:s21+$0x2F60];
	_ =	sdelay $0x4  }
0x2f: {  	[tilespmem:$0x1FA00] =	vst v0;
	v0 =	vld [tilespmem:s21+$0x7D0];
	_ =	sdelay $0x4  }
0x30: {  	[tilespmem:$0x1F8B0] =	vst v0;
	v0 =	vld [tilespmem:s21+$0x2FD0];
	_ =	sdelay $0x4  }
0x31: {  	[tilespmem:$0x1F8C0] =	vst v0;
	v0 =	vld [tilespmem:s21+$0x8A0];
	_ =	sdelay $0x4  }
0x32: {  	[tilespmem:$0x1FA20] =	vst v0;
	v0 =	vld [tilespmem:s21+$0x830];
	_ =	sdelay $0x4  }
0x33: {  	[tilespmem:$0x1FA60] =	vst v0;
	v0 =	vld [tilespmem:s21+$0x890];
	_ =	sdelay $0x4  }
0x34: {  	[tilespmem:$0x1FA70] =	vst v0;
	v0 =	vld [tilespmem:s21+$0x3090];
	_ =	sdelay $0x4  }
0x35: {  	[tilespmem:$0x1FA80] =	vst v0;
	v0 =	vld [tilespmem:s21+$0x5F0];
	_ =	sdelay $0x4  }
0x36: {  	[tilespmem:$0x1FA90] =	vst v0;
	v0 =	vld [tilespmem:s21+$0x2DF0];
	_ =	sdelay $0x4  }
0x37: {  	[tilespmem:$0x1FAA0] =	vst v0;
	v0 =	vld [tilespmem:s21+$0x660];
	_ =	sdelay $0x4  }
0x38: {  	[tilespmem:$0x1F8D0] =	vst v0;
	v0 =	vld [tilespmem:s21+$0x6D0];
	_ =	sdelay $0x4  }
0x39: {  	[tilespmem:$0x1FAB0] =	vst v0;
	v0 =	vld [tilespmem:s21+$0x2ED0];
	_ =	sdelay $0x4  }
0x3a: {  	[tilespmem:$0x1FAC0] =	vst v0;
	v0 =	vld [tilespmem:s21+$0x740];
	_ =	sdelay $0x4  }
0x3b: {  	[tilespmem:$0x1FAD0] =	vst v0;
	v0 =	vld [tilespmem:s21+$0x2F40];
	_ =	sdelay $0x4  }
0x3c: {  	[tilespmem:$0x1FAE0] =	vst v0;
	v0 =	vld [tilespmem:s21+$0x7B0];
	_ =	sdelay $0x4  }
0x3d: {  	[tilespmem:$0x1FAF0] =	vst v0;
	v0 =	vld [tilespmem:s21+$0x2FB0];
	_ =	sdelay $0x4  }
0x3e: {  	[tilespmem:$0x1FB00] =	vst v0;
	v0 =	vld [tilespmem:s21+$0x5E0];
	_ =	sdelay $0x4  }
0x3f: {  	[tilespmem:$0x1FB30] =	vst v0;
	v0 =	vld [tilespmem:s21+$0x650];
	_ =	sdelay $0x4  }
0x40: {  	[tilespmem:$0x1F8E0] =	vst v0;
	v0 =	vld [tilespmem:s21+$0x2E50];
	_ =	sdelay $0x4  }
0x41: {  	[tilespmem:$0x1F8F0] =	vst v0;
	v0 =	vld [tilespmem:s21+$0x7A0];
	_ =	sdelay $0x4  }
0x42: {  	[tilespmem:$0x1FB40] =	vst v0;
	v0 =	vld [tilespmem:s21+$0x2FA0];
	_ =	sdelay $0x4  }
0x43: {  	[tilespmem:$0x1FB50] =	vst v0;
	v0 =	vld [tilespmem:s21+$0x640];
	_ =	sdelay $0x4  }
0x44: {  	[tilespmem:$0x1FB60] =	vst v0;
	v0 =	vld [tilespmem:s21+$0x2E40];
	_ =	sdelay $0x4  }
0x45: {  	[tilespmem:$0x1FB70] =	vst v0;
	v0 =	vld [tilespmem:s21+$0x6B0];
	_ =	sdelay $0x4  }
0x46: {  	[tilespmem:$0x1FB80] =	vst v0;
	v0 =	vld [tilespmem:s21+$0x790];
	_ =	sdelay $0x4  }
0x47: {  	[tilespmem:$0x1FB90] =	vst v0;
	v0 =	vld [tilespmem:s21+$0x4E0];
	_ =	sdelay $0x4  }
0x48: {  	[tilespmem:$0x1F900] =	vst v0;
	v0 =	vld [tilespmem:s21+$0x5C0];
	_ =	sdelay $0x4  }
0x49: {  	[tilespmem:$0x1FBB0] =	vst v0;
	v0 =	vld [tilespmem:s21+$0x2DC0];
	_ =	sdelay $0x4  }
0x4a: {  	[tilespmem:$0x1FBC0] =	vst v0;
	v0 =	vld [tilespmem:s21+$0x630];
	_ =	sdelay $0x4  }
0x4b: {  	[tilespmem:$0x1FBF0] =	vst v0;
	v0 =	vld [tilespmem:s21+$0x2E30];
	_ =	sdelay $0x4  }
0x4c: {  	[tilespmem:$0x1FC00] =	vst v0;
	v0 =	vld [tilespmem:s21+$0x6A0];
	_ =	sdelay $0x4  }
0x4d: {  	[tilespmem:$0x1FBD0] =	vst v0;
	v0 =	vld [tilespmem:s21+$0x2EA0];
	_ =	sdelay $0x4  }
0x4e: {  	[tilespmem:$0x1FBE0] =	vst v0;
	v0 =	vld [tilespmem:s21+$0x460];
	_ =	sdelay $0x4  }
0x4f: {  	[tilespmem:$0x1FC10] =	vst v0;
	v0 =	vld [tilespmem:s21+$0x2C60];
	_ =	sdelay $0x4  }
0x50: {  	[tilespmem:$0x1FC20] =	vst v0;
	v0 =	vld [tilespmem:s21+$0x4D0];
	_ =	sdelay $0x4  }
0x51: {  	[tilespmem:$0x1F910] =	vst v0;
	v0 =	vld [tilespmem:s21+$0x2CD0];
	_ =	sdelay $0x4  }
0x52: {  	[tilespmem:$0x1F920] =	vst v0;
	v0 =	vld [tilespmem:s21+$0x540];
	_ =	sdelay $0x4  }
0x53: {  	[tilespmem:$0x1FC40] =	vst v0;
	v0 =	vld [tilespmem:s21+$0x2D40];
	_ =	sdelay $0x4  }
0x54: {  	[tilespmem:$0x1FC50] =	vst v0;
	v0 =	vld [tilespmem:s21+$0x5B0];
	_ =	sdelay $0x4  }
0x55: {  	[tilespmem:$0x1FC60] =	vst v0;
	v0 =	vld [tilespmem:s21+$0x2DB0];
	_ =	sdelay $0x4  }
0x56: {  	[tilespmem:$0x1FC70] =	vst v0;
	v0 =	vld [tilespmem:s21+$0x620];
	_ =	sdelay $0x4  }
0x57: {  	[tilespmem:$0x1FC80] =	vst v0;
	v0 =	vld [tilespmem:s21+$0x2E20];
	_ =	sdelay $0x4  }
0x58: {  	[tilespmem:$0x1FC90] =	vst v0;
	v0 =	vld [tilespmem:s21+$0x3E0];
	_ =	sdelay $0x4  }
0x59: {  	[tilespmem:$0x1FCB0] =	vst v0;
	v0 =	vld [tilespmem:s21+$0x2BE0];
	_ =	sdelay $0x4  }
0x5a: {  	[tilespmem:$0x1FCC0] =	vst v0;
	v0 =	vld [tilespmem:s21+$0x450];
	_ =	sdelay $0x4  }
0x5b: {  	[tilespmem:$0x1FCD0] =	vst v0;
	v0 =	vld [tilespmem:s21+$0x2C50];
	_ =	sdelay $0x4  }
0x5c: {  	[tilespmem:$0x1FCE0] =	vst v0;
	v0 =	vld [tilespmem:s21+$0x4C0];
	_ =	sdelay $0x4  }
0x5d: {  	[tilespmem:$0x1FD10] =	vst v0;
	v0 =	vld [tilespmem:s21+$0x2CC0];
	_ =	sdelay $0x4  }
0x5e: {  	[tilespmem:$0x1FD20] =	vst v0;
	v0 =	vld [tilespmem:s21+$0x530];
	_ =	sdelay $0x4  }
0x5f: {  	[tilespmem:$0x1FD40] =	vst v0;
	v0 =	vld [tilespmem:s21+$0x2D30];
	_ =	sdelay $0x4  }
0x60: {  	[tilespmem:$0x1FD50] =	vst v0;
	v0 =	vld [tilespmem:s21+$0x5A0];
	_ =	sdelay $0x4  }
0x61: {  	[tilespmem:$0x1FCF0] =	vst v0;
	v0 =	vld [tilespmem:s21+$0x2DA0];
	_ =	sdelay $0x4  }
0x62: {  	[tilespmem:$0x1FD00] =	vst v0;
	v0 =	vld [tilespmem:s21+$0x610];
	_ =	sdelay $0x4  }
0x63: {  	[tilespmem:$0x1FD60] =	vst v0;
	v0 =	vld [tilespmem:s21+$0x2E10];
	_ =	sdelay $0x4  }
0x64: {  	[tilespmem:$0x1FD70] =	vst v0;
	v0 =	vld [tilespmem:s21+$0x2F0];
	_ =	sdelay $0x4  }
0x65: {  	[tilespmem:$0x1FD80] =	vst v0;
	v0 =	vld [tilespmem:s21+$0x2AF0];
	_ =	sdelay $0x4  }
0x66: {  	[tilespmem:$0x1FD90] =	vst v0;
	v0 =	vld [tilespmem:s21+$0x360];
	_ =	sdelay $0x4  }
0x67: {  	[tilespmem:$0x1F930] =	vst v0;
	v0 =	vld [tilespmem:s21+$0x3D0];
	_ =	sdelay $0x4  }
0x68: {  	[tilespmem:$0x1FDA0] =	vst v0;
	v0 =	vld [tilespmem:s21+$0x2BD0];
	_ =	sdelay $0x4  }
0x69: {  	[tilespmem:$0x1FDB0] =	vst v0;
	v0 =	vld [tilespmem:s21+$0x440];
	_ =	sdelay $0x4  }
0x6a: {  	[tilespmem:$0x1FDC0] =	vst v0;
	v0 =	vld [tilespmem:s21+$0x2C40];
	_ =	sdelay $0x4  }
0x6b: {  	[tilespmem:$0x1FDD0] =	vst v0;
	v0 =	vld [tilespmem:s21+$0x4B0];
	_ =	sdelay $0x4  }
0x6c: {  	[tilespmem:$0x1FE40] =	vst v0;
	v0 =	vld [tilespmem:s21+$0x2CB0];
	_ =	sdelay $0x4  }
0x6d: {  	[tilespmem:$0x1FE50] =	vst v0;
	v0 =	vld [tilespmem:s21+$0x520];
	_ =	sdelay $0x4  }
0x6e: {  	[tilespmem:$0x1FE00] =	vst v0;
	v0 =	vld [tilespmem:s21+$0x2D20];
	_ =	sdelay $0x4  }
0x6f: {  	[tilespmem:$0x1FE10] =	vst v0;
	v0 =	vld [tilespmem:s21+$0x600];
	_ =	sdelay $0x4  }
0x70: {  	[tilespmem:$0x1FDE0] =	vst v0;
	v0 =	vld [tilespmem:s21+$0x2E00];
	_ =	sdelay $0x4  }
0x71: {  	[tilespmem:$0x1FDF0] =	vst v0;
	v0 =	vld [tilespmem:s21+$0x270];
	_ =	sdelay $0x4  }
0x72: {  	[tilespmem:$0x1FE20] =	vst v0;
	v0 =	vld [tilespmem:s21+$0x2A70];
	_ =	sdelay $0x4  }
0x73: {  	[tilespmem:$0x1FE30] =	vst v0;
	v0 =	vld [tilespmem:s21+$0x2E0];
	_ =	sdelay $0x4  }
0x74: {  	[tilespmem:$0x1FE60] =	vst v0;
	v0 =	vld [tilespmem:s21+$0x2AE0];
	_ =	sdelay $0x4  }
0x75: {  	[tilespmem:$0x1FE70] =	vst v0;
	v0 =	vld [tilespmem:s21+$0x350];
	_ =	sdelay $0x4  }
0x76: {  	[tilespmem:$0x1F940] =	vst v0;
	v0 =	vld [tilespmem:s21+$0x2B50];
	_ =	sdelay $0x4  }
0x77: {  	[tilespmem:$0x1F950] =	vst v0;
	v0 =	vld [tilespmem:s21+$0x3C0];
	_ =	sdelay $0x4  }
0x78: {  	[tilespmem:$0x1FE80] =	vst v0;
	v0 =	vld [tilespmem:s21+$0x2BC0];
	_ =	sdelay $0x4  }
0x79: {  	[tilespmem:$0x1FE90] =	vst v0;
	v0 =	vld [tilespmem:s21+$0x430];
	_ =	sdelay $0x4  }
0x7a: {  	[tilespmem:$0x1FEA0] =	vst v0;
	v0 =	vld [tilespmem:s21+$0x2C30];
	_ =	sdelay $0x4  }
0x7b: {  	[tilespmem:$0x1FEB0] =	vst v0;
	v0 =	vld [tilespmem:s21+$0x4A0];
	_ =	sdelay $0x4  }
0x7c: {  	[tilespmem:$0x1FEC0] =	vst v0;
	v0 =	vld [tilespmem:s21+$0x2CA0];
	_ =	sdelay $0x4  }
0x7d: {  	[tilespmem:$0x1FED0] =	vst v0;
	v0 =	vld [tilespmem:s21+$0x170];
	_ =	sdelay $0x4  }
0x7e: {  	[tilespmem:$0x1FEE0] =	vst v0;
	v0 =	vld [tilespmem:s21+$0x2970];
	_ =	sdelay $0x4  }
0x7f: {  	[tilespmem:$0x1FEF0] =	vst v0;
	v0 =	vld [tilespmem:s21+$0x260];
	_ =	sdelay $0x4  }
0x80: {  	[tilespmem:$0x1FF20] =	vst v0;
	v0 =	vld [tilespmem:s21+$0x2A60]  }
0x81: {  	v2 =	vld [tilespmem:s21+$0x870]  }
0x82: {  	v3 =	vld [tilespmem:s21+$0x3070]  }
0x83: {  	v1 =	vld [tilespmem:s21+$0x860]  }
0x84: {  	v4 =	vld [tilespmem:s21+$0x3060]  }
0x85: {  	[tilespmem:$0x1FF30] =	vst v0;
	v0 =	vld [tilespmem:s21+$0x2D0]  }
0x86: {  	v15 =	vld [tilespmem:s21+$0x770]  }
0x87: {  	v57 =	vld [tilespmem:s21+$0x3050]  }
0x88: {  	v50 =	vld [tilespmem:s21+$0x840]  }
0x89: {  	v41 =	vld [tilespmem:s21+$0x3040]  }
0x8a: {  	[tilespmem:$0x1FF40] =	vst v0;
	v0 =	vld [tilespmem:s21+$0x2AD0]  }
0x8b: {  	v56 =	vld [tilespmem:s21+$0x30A0]  }
0x8c: {  	v60 =	vld [tilespmem:s21+$0x6E0]  }
0x8d: {  	v48 =	vld [tilespmem:s21+$0x2EE0]  }
0x8e: {  	v51 =	vld [tilespmem:s21+$0x750]  }
0x8f: {  	[tilespmem:$0x1FF50] =	vst v0;
	v0 =	vld [tilespmem:s21+$0x340]  }
0x90: {  	v42 =	vld [tilespmem:s21+$0x2F50]  }
0x91: {  	v47 =	vld [tilespmem:s21+$0x7C0]  }
0x92: {  	v40 =	vld [tilespmem:s21+$0x2FC0]  }
0x93: {  	v61 =	vld [tilespmem:s21+$0x3030]  }
0x94: {  	[tilespmem:$0x1F960] =	vst v0;
	v0 =	vld [tilespmem:s21+$0x2B40]  }
0x95: {  	v29 =	vld [tilespmem:s21+$0x820]  }
0x96: {  	v26 =	vld [tilespmem:s21+$0x3020]  }
0x97: {  	v25 =	vld [tilespmem:s21+$0x880]  }
0x98: {  	v24 =	vld [tilespmem:s21+$0x3080]  }
0x99: {  	[tilespmem:$0x1F970] =	vst v0;
	v0 =	vld [tilespmem:s21+$0x3B0]  }
0x9a: {  	v46 =	vld [tilespmem:s21+$0x570]  }
0x9b: {  	v45 =	vld [tilespmem:s21+$0x2D70]  }
0x9c: {  	v62 =	vld [tilespmem:s21+$0x2DE0]  }
0x9d: {  	v39 =	vld [tilespmem:s21+$0x6C0]  }
0x9e: {  	[tilespmem:$0x1FF60] =	vst v0;
	v0 =	vld [tilespmem:s21+$0x2BB0]  }
0x9f: {  	v38 =	vld [tilespmem:s21+$0x2EC0]  }
0xa0: {  	v63 =	vld [tilespmem:s21+$0x730]  }
0xa1: {  	v49 =	vld [tilespmem:s21+$0x2F30]  }
0xa2: {  	v19 =	vld [tilespmem:s21+$0x810]  }
0xa3: {  	[tilespmem:$0x1FF70] =	vst v0;
	v0 =	vld [tilespmem:s21+$0x420]  }
0xa4: {  	v18 =	vld [tilespmem:s21+$0x3010]  }
0xa5: {  	v36 =	vld [tilespmem:s21+$0x560]  }
0xa6: {  	v34 =	vld [tilespmem:s21+$0x2D60]  }
0xa7: {  	v52 =	vld [tilespmem:s21+$0x5D0]  }
0xa8: {  	[tilespmem:$0x1FF00] =	vst v0;
	v0 =	vld [tilespmem:s21+$0x2C20]  }
0xa9: {  	v44 =	vld [tilespmem:s21+$0x2DD0]  }
0xaa: {  	v53 =	vld [tilespmem:s21+$0x2EB0]  }
0xab: {  	v31 =	vld [tilespmem:s21+$0x720]  }
0xac: {  	v30 =	vld [tilespmem:s21+$0x2F20]  }
0xad: {  	[tilespmem:$0x1FF10] =	vst v0;
	v0 =	vld [tilespmem:s21+$0x490]  }
0xae: {  	v58 =	vld [tilespmem:s21+$0x2F90]  }
0xaf: {  	v8 =	vld [tilespmem:s21+$0x800]  }
0xb0: {  	v7 =	vld [tilespmem:s21+$0x3000]  }
0xb1: {  	v54 =	vld [tilespmem:s21+$0x470]  }
0xb2: {  	[tilespmem:$0x1FF80] =	vst v0;
	v0 =	vld [tilespmem:s21+$0x2C90]  }
0xb3: {  	v43 =	vld [tilespmem:s21+$0x2C70]  }
0xb4: {  	v37 =	vld [tilespmem:s21+$0x550]  }
0xb5: {  	v35 =	vld [tilespmem:s21+$0x2D50]  }
0xb6: {  	v17 =	vld [tilespmem:s21+$0x710]  }
0xb7: {  	[tilespmem:$0x1FF90] =	vst v0;
	v0 =	vld [tilespmem:s21+$0x160]  }
0xb8: {  	v16 =	vld [tilespmem:s21+$0x2F10]  }
0xb9: {  	v33 =	vld [tilespmem:s21+$0x780]  }
0xba: {  	v32 =	vld [tilespmem:s21+$0x2F80]  }
0xbb: {  	v59 =	vld [tilespmem:s21+$0x3F0]  }
0xbc: {  	[tilespmem:$0x1FFA0] =	vst v0;
	v0 =	vld [tilespmem:s21+$0x2960]  }
0xbd: {  	v55 =	vld [tilespmem:s21+$0x2BF0]  }
0xbe: {  	v23 =	vld [tilespmem:s21+$0x690]  }
0xbf: {  	v22 =	vld [tilespmem:s21+$0x2E90]  }
0xc0: {  	v6 =	vld [tilespmem:s21+$0x700]  }
0xc1: {  	[tilespmem:$0x1FFB0] =	vst v0;
	v0 =	vld [tilespmem:s21+$0x250]  }
0xc2: {  	v5 =	vld [tilespmem:s21+$0x2F00]  }
0xc3: {  	v12 =	vld [tilespmem:s21+$0x680]  }
0xc4: {  	v11 =	vld [tilespmem:s21+$0x2E80];
	v7 =	vmul.f32 v7, v8  }
0xc5: {  	v2 =	vmul.f32 v3, v2;
	v3 =	vld [tilespmem:s21+$0x2C0]  }
0xc6: {  	v18 =	vmul.f32 v18, v19;
	v7 =	vadd.f32 $0.0e+00, v7;
	[tilespmem:$0x1FFC0] =	vst v0;
	v0 =	vld [tilespmem:s21+$0x2A50]  }
0xc7: {  	v24 =	vmul.f32 v24, v25;
	v25 =	vld [tilespmem:$0x1FA70]  }
0xc8: {  	v7 =	vadd.f32 v18, v7;
	v18 =	vmul.f32 v26, v29;
	v26 =	vld [tilespmem:$0x1FA80]  }
0xc9: {  	v21 =	vld [tilespmem:s21+$0x590]  }
0xca: {  	v8 =	vld [tilespmem:$0x1FA20]  }
0xcb: {  	[tilespmem:$0x1FFD0] =	vst v0;
	v0 =	vld [tilespmem:$0x1F980]  }
0xcc: {  	[tilespmem:$0x1FFE0] =	vst v3;
	v3 =	vld [tilespmem:$0x1F9A0]  }
0xcd: {  	v26 =	vmul.f32 v26, v25;
	v25 =	vld [tilespmem:$0x1FA90]  }
0xce: {  	v29 =	vld [tilespmem:$0x1FAA0]  }
0xcf: {  	v1 =	vmul.f32 v4, v1;
	v19 =	vld [tilespmem:$0x1FA60]  }
0xd0: {  	v8 =	vmul.f32 v56, v8;
	v4 =	vmul.f32 v0, v15;
	v15 =	vld [tilespmem:$0x1F9B0]  }
0xd1: {  	v0 =	vld [tilespmem:$0x1F990]  }
0xd2: {  	[tilespmem:$0x1FA30] =	vst v8;
	v8 =	vld [tilespmem:s21+$0x2B30]  }
0xd3: {  	v56 =	vmul.f32 v29, v25;
	v25 =	vld [tilespmem:$0x1FAB0]  }
0xd4: {  	v29 =	vld [tilespmem:$0x1FAC0]  }
0xd5: {  	v15 =	vmul.f32 v15, v3;
	v3 =	vld [tilespmem:$0x1F9C0]  }
0xd6: {  	v24 =	vadd.f32 $0.0e+00, v24;
	v0 =	vmul.f32 v57, v0;
	v57 =	vld [tilespmem:$0x1F9D0]  }
0xd7: {  	v20 =	vld [tilespmem:s21+$0x2D90];
	v5 =	vmul.f32 v5, v6  }
0xd8: {  	v7 =	vadd.f32 v18, v7;
	v19 =	vmul.f32 v61, v19;
	v6 =	vadd.f32 v26, v24;
	v24 =	vld [tilespmem:$0x1FB40]  }
0xd9: {  	v26 =	vld [tilespmem:$0x1FB50]  }
0xda: {  	v28 =	vld [tilespmem:s21+$0x510];
	v41 =	vmul.f32 v41, v50;
	[tilespmem:$0x1FA40] =	vst v8;
	v8 =	vmul.f32 v48, v60;
	v7 =	vadd.f32 v19, v7  }
0xdb: {  	v60 =	vmul.f32 v29, v25;
	v25 =	vld [tilespmem:$0x1FAD0];
	v3 =	vmul.f32 v57, v3  }
0xdc: {  	v7 =	vadd.f32 v41, v7;
	v29 =	vld [tilespmem:$0x1FAE0]  }
0xdd: {  	v17 =	vmul.f32 v16, v17;
	v5 =	vadd.f32 $0.0e+00, v5;
	v19 =	vmul.f32 v49, v63;
	[tilespmem:$0x1F9E0] =	vst v3;
	v3 =	vld [tilespmem:s21+$0x2AC0]  }
0xde: {  	v49 =	vmul.f32 v34, v36;
	v34 =	vmul.f32 v26, v24;
	v26 =	vld [tilespmem:$0x1FB60];
	v0 =	vadd.f32 v0, v7  }
0xdf: {  	v5 =	vadd.f32 v17, v5;
	v17 =	vmul.f32 v30, v31;
	v31 =	vld [tilespmem:$0x1FB70]  }
0xe0: {  	v0 =	vadd.f32 v1, v0;
	v1 =	vld [tilespmem:s21+$0x2B20]  }
0xe1: {  	v57 =	vld [tilespmem:$0x1FA00]  }
0xe2: {  	v5 =	vadd.f32 v17, v5;
	[tilespmem:$0x1FFF0] =	vst v3;
	v3 =	vld [tilespmem:$0x1F9F0]  }
0xe3: {  	v17 =	vld [tilespmem:$0x1FBB0]  }
0xe4: {  	v36 =	vmul.f32 v44, v52;
	v5 =	vadd.f32 v19, v5;
	v19 =	vld [tilespmem:$0x1FBC0];
	v7 =	vmul.f32 v11, v12  }
0xe5: {  	v52 =	vmul.f32 v43, v54;
	v44 =	vmul.f32 v31, v26;
	v31 =	vld [tilespmem:$0x1FC00]  }
0xe6: {  	v7 =	vadd.f32 $0.0e+00, v7;
	v43 =	vadd.f32 v2, v0;
	v2 =	vld [tilespmem:$0x1FBE0];
	[tilespmem:$0x1FBA0] =	vst v1;
	v1 =	vmul.f32 v22, v23  }
0xe7: {  	v3 =	vmul.f32 v57, v3;
	v57 =	vld [tilespmem:s21+$0x330]  }
0xe8: {  	v0 =	vadd.f32 v1, v7;
	v1 =	vld [tilespmem:$0x1FBD0]  }
0xe9: {  	v7 =	vld [tilespmem:$0x1FBF0]  }
0xea: {  	v27 =	vld [tilespmem:s21+$0x2D10]  }
0xeb: {  	v10 =	vld [tilespmem:s21+$0x580];
	v19 =	vmul.f32 v19, v17  }
0xec: {  	v9 =	vld [tilespmem:s21+$0x2D80];
	v17 =	vmul.f32 v32, v33;
	[tilespmem:$0x1FA10] =	vst v57;
	v57 =	vmul.f32 v29, v25  }
0xed: {  	v14 =	vld [tilespmem:s21+$0x500];
	v48 =	vmul.f32 v42, v51;
	v1 =	vmul.f32 v2, v1  }
0xee: {  	v61 =	vmul.f32 v31, v7;
	v7 =	vadd.f32 $0.0e+00, v17;
	v17 =	vld [tilespmem:$0x1FC10];
	v2 =	vadd.f32 v57, v5  }
0xef: {  	v31 =	vld [tilespmem:$0x1FC20]  }
0xf0: {  	v0 =	vadd.f32 v1, v0;
	v1 =	vadd.f32 v48, v2;
	v2 =	vld [tilespmem:s21+$0x140]  }
0xf1: {  	v11 =	vld [tilespmem:$0x1FB90]  }
0xf2: {  	v13 =	vld [tilespmem:s21+$0x2D00]  }
0xf3: {  	[tilespmem:$0x1FB20] =	vst v6;
	v6 =	vld [tilespmem:$0x1FB30]  }
0xf4: {  	v54 =	vmul.f32 v31, v17;
	v17 =	vld [tilespmem:$0x1FC50]  }
0xf5: {  	[tilespmem:$0x1FC30] =	vst v2;
	v2 =	vld [tilespmem:$0x1FC40]  }
0xf6: {  	v50 =	vld [tilespmem:s21+$0x3A0];
	v11 =	vmul.f32 v58, v11  }
0xf7: {  	v40 =	vmul.f32 v40, v47;
	v47 =	vld [tilespmem:s21+$0x2C10];
	v1 =	vadd.f32 v3, v1  }
0xf8: {  	v6 =	vmul.f32 v62, v6;
	v62 =	vadd.f32 v11, v7;
	v7 =	vld [tilespmem:$0x1FC60]  }
0xf9: {  	v57 =	vadd.f32 v4, v1;
	v1 =	vld [tilespmem:$0x1FCD0]  }
0xfa: {  	v48 =	vmul.f32 v17, v2;
	v2 =	vmul.f32 v9, v10;
	v9 =	vld [tilespmem:$0x1FC70]  }
0xfb: {  	v4 =	vld [tilespmem:$0x1FCE0]  }
0xfc: {  	v11 =	vld [tilespmem:$0x1FC90]  }
0xfd: {  	v3 =	vld [tilespmem:$0x1FC80]  }
0xfe: {  	v38 =	vmul.f32 v38, v39;
	v16 =	vld [tilespmem:s21+$0x240];
	v39 =	vmul.f32 v55, v59  }
0xff: {  	v59 =	vld [tilespmem:s21+$0x2940];
	v2 =	vadd.f32 $0.0e+00, v2;
	v7 =	vmul.f32 v9, v7;
	v9 =	vmul.f32 v20, v21  }
0x100: {  	v58 =	vmul.f32 v4, v1;
	v4 =	vld [tilespmem:$0x1FD00]  }
0x101: {  	v1 =	vadd.f32 v9, v2;
	v2 =	vld [tilespmem:$0x1FCF0]  }
0x102: {  	v55 =	vld [tilespmem:s21+$0x2A30];
	v3 =	vmul.f32 v11, v3  }
0x103: {  	v11 =	vld [tilespmem:$0x1FCC0]  }
0x104: {  	[tilespmem:$0x1FCA0] =	vst v3;
	v3 =	vld [tilespmem:$0x1FCB0]  }
0x105: {  	v9 =	vld [tilespmem:$0x1FD20]  }
0x106: {  	v2 =	vmul.f32 v4, v2;
	v4 =	vld [tilespmem:$0x1FD10]  }
0x107: {  	[tilespmem:$0x1FA50] =	vst v40;
	v40 =	vld [tilespmem:s21+$0x410]  }
0x108: {  	v30 =	vld [tilespmem:s21+$0x2B0]  }
0x109: {  	v18 =	vmul.f32 v45, v46;
	v46 =	vld [tilespmem:s21+$0x150]  }
0x10a: {  	v51 =	vld [tilespmem:s21+$0x2BA0]  }
0x10b: {  	v3 =	vmul.f32 v11, v3;
	v11 =	vld [tilespmem:$0x1FD70];
	v4 =	vmul.f32 v9, v4  }
0x10c: {  	v9 =	vld [tilespmem:$0x1FD50]  }
0x10d: {  	[tilespmem:$0x1FD30] =	vst v4;
	v4 =	vld [tilespmem:$0x1FD40]  }
0x10e: {  	v1 =	vadd.f32 v2, v1;
	v2 =	vld [tilespmem:$0x1FD60]  }
0x10f: {  	v42 =	vld [tilespmem:s21+$0x480]  }
0x110: {  	v26 =	vld [tilespmem:$0x1FB80]  }
0x111: {  	v63 =	vld [tilespmem:s21+$0x320]  }
0x112: {  	v24 =	vld [tilespmem:s21+$0x2A40];
	v4 =	vmul.f32 v9, v4  }
0x113: {  	v9 =	vmul.f32 v13, v14;
	v13 =	vmul.f32 v11, v2;
	v2 =	vld [tilespmem:$0x1FD80]  }
0x114: {  	v11 =	vld [tilespmem:$0x1FD90]  }
0x115: {  	v45 =	vmul.f32 v53, v26;
	v26 =	vld [tilespmem:s21+$0x2AB0]  }
0x116: {  	v53 =	vld [tilespmem:s21+$0x2C00]  }
0x117: {  	v22 =	vld [tilespmem:s21+$0x390]  }
0x118: {  	v23 =	vld [tilespmem:s21+$0x2B90]  }
0x119: {  	v12 =	vmul.f32 v35, v37;
	v37 =	vmul.f32 v11, v2;
	v2 =	vld [tilespmem:$0x1FDA0]  }
0x11a: {  	v11 =	vld [tilespmem:$0x1FDB0]  }
0x11b: {  	v16 =	vmul.f32 v24, v16;
	v24 =	vmul.f32 v26, v30;
	v26 =	vld [tilespmem:s21+$0x2910];
	v0 =	vadd.f32 v45, v0  }
0x11c: {  	v32 =	vld [tilespmem:s21+$0x2A0]  }
0x11d: {  	v22 =	vmul.f32 v23, v22;
	v23 =	vld [tilespmem:s21+$0x2920];
	v0 =	vadd.f32 v38, v0  }
0x11e: {  	v14 =	vld [tilespmem:$0x1FDD0]  }
0x11f: {  	v0 =	vadd.f32 v60, v0;
	v60 =	vmul.f32 v11, v2;
	v11 =	vld [tilespmem:$0x1FDC0]  }
0x120: {  	v45 =	vld [tilespmem:s21+$0x2B10]  }
0x121: {  	v31 =	vld [tilespmem:s21+$0x2AA0]  }
0x122: {  	v25 =	vld [tilespmem:$0x1FAF0]  }
0x123: {  	v20 =	vld [tilespmem:$0x1FDF0]  }
0x124: {  	v14 =	vmul.f32 v14, v11;
	v11 =	vld [tilespmem:$0x1FDE0]  }
0x125: {  	v29 =	vld [tilespmem:$0x1FB00]  }
0x126: {  	v5 =	vld [tilespmem:s21+$0x400];
	v1 =	vadd.f32 v7, v1  }
0x127: {  	v0 =	vadd.f32 v8, v0;
	v8 =	vld [tilespmem:s21+$0x380]  }
0x128: {  	v19 =	vadd.f32 v19, v1;
	v1 =	vld [tilespmem:$0x1FE20]  }
0x129: {  	v11 =	vmul.f32 v20, v11;
	v20 =	vld [tilespmem:$0x1FE30]  }
0x12a: {  	v25 =	vmul.f32 v29, v25;
	v29 =	vld [tilespmem:s21+$0x2950]  }
0x12b: {  	v33 =	vadd.f32 v15, v0;
	v15 =	vld [tilespmem:$0x1FE10];
	v7 =	vadd.f32 $0.0e+00, v9;
	v2 =	vmul.f32 v27, v28  }
0x12c: {  	v9 =	vld [tilespmem:s21+$0x2B80]  }
0x12d: {  	v19 =	vadd.f32 v36, v19;
	v7 =	vadd.f32 v2, v7;
	v2 =	vld [tilespmem:$0x1FE00]  }
0x12e: {  	v38 =	vmul.f32 v20, v1;
	v1 =	vld [tilespmem:$0x1FE40]  }
0x12f: {  	v6 =	vadd.f32 v6, v19;
	v20 =	vld [tilespmem:$0x1FE50]  }
0x130: {  	v0 =	vld [tilespmem:s21+$0x130]  }
0x131: {  	v9 =	vmul.f32 v9, v8;
	v8 =	vadd.f32 v56, v6;
	v6 =	vld [tilespmem:$0x1FEE0]  }
0x132: {  	v28 =	vld [tilespmem:$0x1FEF0];
	v15 =	vmul.f32 v15, v2  }
0x133: {  	v21 =	vld [tilespmem:$0x1FE70]  }
0x134: {  	v5 =	vmul.f32 v53, v5;
	v15 =	vadd.f32 v15, v7;
	v35 =	vmul.f32 v20, v1;
	v1 =	vld [tilespmem:$0x1FE60]  }
0x135: {  	[tilespmem:$0x1FB10] =	vst v25;
	v25 =	vld [tilespmem:s21+$0x2C80]  }
0x136: {  	v5 =	vadd.f32 $0.0e+00, v5;
	v27 =	vld [tilespmem:$0x1FE90];
	v4 =	vadd.f32 v4, v15;
	v15 =	vmul.f32 v47, v40  }
0x137: {  	v41 =	vmul.f32 v28, v6;
	v6 =	vld [tilespmem:$0x1FF00]  }
0x138: {  	v5 =	vadd.f32 v15, v5;
	v15 =	vld [tilespmem:$0x1FF10]  }
0x139: {  	v1 =	vmul.f32 v21, v1;
	v21 =	vld [tilespmem:$0x1FE80]  }
0x13a: {  	v53 =	vld [tilespmem:s21+$0x2A90]  }
0x13b: {  	v25 =	vmul.f32 v25, v42;
	v42 =	vld [tilespmem:s21+$0x2A10];
	v20 =	vadd.f32 $0.0e+00, v11  }
0x13c: {  	v10 =	vld [tilespmem:s21+$0x230]  }
0x13d: {  	v4 =	vadd.f32 v48, v4;
	v36 =	vadd.f32 v13, v20;
	v20 =	vld [tilespmem:$0x1FEA0]  }
0x13e: {  	v48 =	vadd.f32 $0.0e+00, v9;
	v6 =	vmul.f32 v15, v6;
	v27 =	vmul.f32 v27, v21;
	v21 =	vld [tilespmem:$0x1FEB0]  }
0x13f: {  	v56 =	vld [tilespmem:$0x1FF70]  }
0x140: {  	v5 =	vadd.f32 v6, v5;
	v6 =	vadd.f32 v22, v48;
	v48 =	vld [tilespmem:$0x1FF60]  }
0x141: {  	v17 =	vld [tilespmem:s21+$0x310]  }
0x142: {  	v19 =	vld [tilespmem:$0x1FEC0]  }
0x143: {  	v28 =	vld [tilespmem:$0x1FF50];
	v21 =	vmul.f32 v21, v20  }
0x144: {  	v2 =	vld [tilespmem:s21+$0x2930]  }
0x145: {  	v48 =	vmul.f32 v56, v48;
	v56 =	vadd.f32 v21, v5;
	v5 =	vld [tilespmem:$0x1FF80]  }
0x146: {  	v21 =	vld [tilespmem:$0x1FF90]  }
0x147: {  	v7 =	vld [tilespmem:s21+$0x2A20]  }
0x148: {  	v47 =	vld [tilespmem:s21+$0x280];
	v12 =	vadd.f32 v12, v4  }
0x149: {  	v9 =	vld [tilespmem:$0x1FF30];
	v22 =	vmul.f32 v51, v50  }
0x14a: {  	v4 =	vld [tilespmem:$0x1FF20];
	v12 =	vadd.f32 v49, v12  }
0x14b: {  	v6 =	vadd.f32 v22, v6;
	v22 =	vmul.f32 v21, v5;
	v5 =	vld [tilespmem:$0x1FFA0]  }
0x14c: {  	v21 =	vadd.f32 v18, v12;
	v12 =	vld [tilespmem:$0x1FFB0]  }
0x14d: {  	v49 =	vadd.f32 $0.0e+00, v25;
	v25 =	vld [tilespmem:$0x1FFF0]  }
0x14e: {  	v15 =	vld [tilespmem:s21+$0x120]  }
0x14f: {  	v11 =	vld [tilespmem:s21+$0x220]  }
0x150: {  	v18 =	vadd.f32 v14, v56;
	v14 =	vld [tilespmem:$0x1FFD0]  }
0x151: {  	v5 =	vmul.f32 v12, v5;
	v12 =	vld [tilespmem:$0x1FFC0]  }
0x152: {  	v4 =	vmul.f32 v9, v4;
	v9 =	vld [tilespmem:$0x1FF40]  }
0x153: {  	v50 =	vld [tilespmem:s21+$0x2A80]  }
0x154: {  	v20 =	vld [tilespmem:$0x1FED0]  }
0x155: {  	v51 =	vld [tilespmem:s21+$0x200]  }
0x156: {  	v14 =	vmul.f32 v14, v12;
	v12 =	vld [tilespmem:$0x1FFE0]  }
0x157: {  	v13 =	vld [tilespmem:s21+$0x290]  }
0x158: {  	v9 =	vmul.f32 v28, v9;
	v28 =	vld [tilespmem:s21+$0x210]  }
0x159: {  	v40 =	vmul.f32 v20, v19;
	v19 =	vld [tilespmem:s21+$0x300]  }
0x15a: {  	v48 =	vadd.f32 v48, v6;
	v56 =	vld [tilespmem:s21+$0x2A00]  }
0x15b: {  	v20 =	vld [tilespmem:s21+$0x2B00];
	v25 =	vmul.f32 v25, v12;
	v12 =	vmul.f32 v29, v46;
	v29 =	vadd.f32 v58, v18  }
0x15c: {  	v6 =	vadd.f32 v22, v49;
	v49 =	vmul.f32 v50, v47;
	v58 =	vadd.f32 v27, v48;
	v27 =	vld [tilespmem:s21+$0x2900]  }
0x15d: {  	(xrf2) =	vadd.scan.msk.f32 $0xffff, v43;
	v18 =	vmul.f32 v55, v10;
	v10 =	vadd.f32 v54, v29;
	v29 =	vld [tilespmem:s21+$0x100]  }
0x15e: {  	v30 =	vmul.f32 v31, v32;
	(xrf2) =	vadd.scan.msk.f32 $0xffff, v57;
	v22 =	vld [tilespmem:s21+$0x110];
	v49 =	vadd.f32 $0.0e+00, v49;
	v48 =	vmul.f32 v53, v13  }
0x15f: {  	s22 =	simm.s32 $0x1;
	(xrf2) =	vadd.scan.msk.f32 $0xffff, v33;
	v46 =	vmul.f32 v56, v51;
	v13 =	vld [tilespmem:s21+$0x180];
	v47 =	vadd.f32 v60, v58;
	v10 =	vadd.f32 v52, v10  }
.LBB2_3:
0x160: {  	v48 =	vadd.f32 v48, v49  }
0x161: {  	v31 =	vadd.f32 v3, v47;
	v19 =	vmul.f32 v20, v19  }
0x162: {  	v17 =	vmul.f32 v45, v17;
	v20 =	vmul.f32 v27, v29;
	v29 =	vadd.f32 v30, v48  }
0x163: {  	v30 =	vadd.f32 v39, v31;
	v31 =	vmul.f32 v7, v11;
	v11 =	vadd.f32 $0.0e+00, v19  }
0x164: {  	v19 =	vadd.f32 $0.0e+00, v20;
	v20 =	vmul.f32 v26, v22;
	v24 =	vadd.f32 v24, v29  }
0x165: {  	v46 =	vadd.f32 $0.0e+00, v46;
	v11 =	vadd.f32 v17, v11  }
0x166: {  	v28 =	vmul.f32 v42, v28;
	v17 =	vadd.f32 v20, v19;
	v20 =	vadd.f32 v25, v24  }
0x167: {  	v43 =	vld [tilespmem:s21+$0x2980]  }
0x168: {  	v58 =	vld [tilespmem:s21+$0x190];
	v28 =	vadd.f32 v28, v46;
	v9 =	vadd.f32 v9, v20  }
0x169: {  	v27 =	vld [tilespmem:s21+$0x2990]  }
0x16a: {  	v26 =	vld [tilespmem:s21+$0x1B0];
	v28 =	vadd.f32 v31, v28;
	v1 =	vadd.f32 v1, v9  }
0x16b: {  	v15 =	vmul.f32 v23, v15;
	v19 =	vld [tilespmem:s21+$0x29B0]  }
0x16c: {  	v18 =	vadd.f32 v18, v28;
	v20 =	vadd.f32 v37, v1;
	v1 =	vld [tilespmem:$0x1FBA0]  }
0x16d: {  	(xrf2) =	vadd.scan.msk.f32 $0xffff, v8;
	v8 =	vld [tilespmem:s21+$0x1A0];
	v2 =	vmul.f32 v2, v0;
	v15 =	vadd.f32 v15, v17  }
0x16e: {  	v22 =	vld [tilespmem:s21+$0x29A0];
	v16 =	vadd.f32 v16, v18  }
0x16f: {  	v13 =	vmul.f32 v43, v13;
	v2 =	vadd.f32 v2, v15;
	v15 =	vld [tilespmem:$0x1FC30]  }
0x170: {  	v3, _, _ =	vpop (xrf2);
	(xrf2) =	vadd.scan.msk.f32 $0xffff, v21;
	v23 =	vld [tilespmem:s21+$0x1C0];
	v21 =	vmul.f32 v27, v58;
	v14 =	vadd.f32 v14, v16  }
0x171: {  	v13 =	vadd.f32 $0.0e+00, v13;
	v17 =	vld [tilespmem:s21+$0x29C0];
	v9 =	vmul.f32 v19, v26;
	v19 =	vmul.f32 v1, v63  }
0x172: {  	v4 =	vadd.f32 v4, v14;
	v14 =	vld [tilespmem:$0x1FA10]  }
0x173: {  	v7, _, _ =	vpop (xrf2);
	(xrf2) =	vadd.scan.msk.f32 $0xffff, v10;
	v10 =	vadd.f32 v21, v13;
	v8 =	vmul.f32 v22, v8;
	v11 =	vadd.f32 v19, v11;
	v19 =	vld [tilespmem:$0x1FA40]  }
0x174: {  	v13 =	vld [tilespmem:s21+$0x1D0];
	v15 =	vmul.f32 v59, v15  }
0x175: {  	v18 =	vld [tilespmem:s21+$0x29D0];
	v8 =	vadd.f32 v8, v10  }
0x176: {  	v10 =	vld [tilespmem:s21+$0x1E0];
	v2 =	vadd.f32 v15, v2  }
0x177: {  	v8 =	vadd.f32 v9, v8;
	v9 =	vmul.f32 v17, v23;
	v15 =	vld [tilespmem:s21+$0x29E0]  }
0x178: {  	v17 =	vld [tilespmem:s21+$0x1F0];
	v2 =	vadd.f32 v12, v2;
	v14 =	vmul.f32 v19, v14  }
0x179: {  	v8 =	vadd.f32 v9, v8;
	v12 =	vld [tilespmem:s21+$0x29F0]  }
0x17a: {  	v9 =	vmul.f32 v18, v13;
	v2 =	vadd.f32 v5, v2;
	v5 =	vadd.f32 v14, v11;
	v11 =	vld [tilespmem:$0x1F960]  }
0x17b: {  	v14 =	vld [tilespmem:$0x1F970]  }
0x17c: {  	v8 =	vadd.f32 v9, v8;
	v9 =	vmul.f32 v15, v10  }
0x17d: {  	v0, _, _ =	vpop (xrf2);
	(xrf2) =	vadd.scan.msk.f32 $0xffff, v30;
	v4 =	vadd.f32 v38, v4  }
0x17e: {  	v1, _, _ =	vpop (xrf2);
	(xrf2) =	vadd.scan.msk.f32 $0xffff, v20;
	v2 =	vadd.f32 v41, v2;
	v8 =	vadd.f32 v9, v8;
	v9 =	vmul.f32 v12, v17  }
0x17f: {  	v16, _, _ =	vpop (xrf2);
	(xrf2) =	vadd.scan.msk.f32 $0xffff, v4  }
0x180: {  	v15, _, _ =	vpop (xrf2);
	(xrf2) =	vadd.scan.msk.f32 $0xffff, v2;
	v2 =	vadd.f32 v9, v8;
	v8 =	vld [tilespmem:$0x1FD30];
	v11 =	vmul.f32 v14, v11  }
0x181: {  	v6 =	vadd.f32 v40, v6  }
0x182: {  	v4 =	vadd.f32 v11, v5;
	v5 =	vld [tilespmem:$0x1F940]  }
0x183: {  	v6 =	vadd.f32 v35, v6;
	v11 =	vld [tilespmem:$0x1F950]  }
0x184: {  	v9 =	vld [tilespmem:$0x1F920]  }
0x185: {  	v6 =	vadd.f32 v8, v6;
	v8 =	vld [tilespmem:$0x1F910]  }
0x186: {  	v13 =	vld [tilespmem:s21+$0x2B60]  }
0x187: {  	v10 =	vld [tilespmem:s21+$0x2B70]  }
0x188: {  	v17 =	vld [tilespmem:$0x1FCA0];
	v5 =	vmul.f32 v11, v5  }
0x189: {  	v14 =	vld [tilespmem:s21+$0x370]  }
0x18a: {  	v8 =	vmul.f32 v9, v8;
	v4 =	vadd.f32 v5, v4;
	v5 =	vld [tilespmem:$0x1F930]  }
0x18b: {  	v11 =	vld [tilespmem:s21+$0x2CE0]  }
0x18c: {  	v6 =	vadd.f32 v8, v6;
	v8 =	vld [tilespmem:$0x1F900];
	_ =	sdelay $0x1  }
0x18d: {  	v12 =	vld [tilespmem:s21+$0x4F0]  }
0x18e: {  	v5 =	vmul.f32 v13, v5;
	v13 =	vld [tilespmem:s21+$0x2CF0]  }
0x18f: {  	v17 =	vadd.f32 v17, v36;
	v9 =	vld [tilespmem:s21+$0x2E60]  }
0x190: {  	v8 =	vmul.f32 v11, v8;
	v11 =	vld [tilespmem:s21+$0x2E70];
	v4 =	vadd.f32 v5, v4;
	v5 =	vmul.f32 v10, v14  }
0x191: {  	v18, _, _ =	vpop (xrf2);
	(xrf2) =	vadd.scan.msk.f32 $0xffff, v2;
	v14 =	vld [tilespmem:s21+$0x670]  }
0x192: {  	v10 =	vadd.f32 v61, v17;
	v2 =	vadd.f32 v5, v4;
	v5 =	vld [tilespmem:$0x1F8E0]  }
0x193: {  	v6 =	vadd.f32 v8, v6;
	v8 =	vmul.f32 v13, v12;
	v12 =	vld [tilespmem:$0x1FB10]  }
0x194: {  	v4 =	vadd.f32 v44, v10;
	v10 =	vld [tilespmem:$0x1F8F0]  }
0x195: {  	v19, _, _ =	vpop (xrf2);
	(xrf2) =	vadd.scan.msk.f32 $0xffff, v2;
	v2 =	vadd.f32 v8, v6;
	v6 =	vld [tilespmem:$0x1FA50]  }
0x196: {  	v17 =	vadd.f32 v34, v62;
	_ =	sdelay $0x1  }
0x197: {  	v12 =	vadd.f32 v12, v17  }
0x198: {  	v8 =	vld [tilespmem:$0x1F8B0];
	v5 =	vmul.f32 v10, v5  }
0x199: {  	v6 =	vadd.f32 v6, v12;
	v12 =	vld [tilespmem:$0x1F8C0]  }
0x19a: {  	v4 =	vadd.f32 v5, v4;
	v5 =	vld [tilespmem:$0x1F8D0];
	_ =	sdelay $0x2  }
0x19b: {  	v20 =	vld [tilespmem:$0x1FB20]  }
0x19c: {  	v17 =	vld [tilespmem:$0x1FA30];
	v8 =	vmul.f32 v12, v8  }
0x19d: {  	v10 =	vld [tilespmem:s21+$0x2FE0];
	v5 =	vmul.f32 v9, v5  }
0x19e: {  	v6 =	vadd.f32 v8, v6;
	v8 =	vld [tilespmem:$0x1F8A0]  }
0x19f: {  	v4 =	vadd.f32 v5, v4;
	v5 =	vmul.f32 v11, v14;
	v11 =	vld [tilespmem:$0x1F880]  }
0x1a0: {  	v14 =	vld [tilespmem:$0x1F890]  }
0x1a1: {  	v17 =	vadd.f32 v17, v20;
	v20, _, _ =	vpop (xrf2);
	(xrf2) =	vadd.scan.msk.f32 $0xffff, v2;
	v2 =	vadd.f32 v5, v4;
	v4 =	vld [tilespmem:$0x1F860]  }
0x1a2: {  	v5 =	vld [tilespmem:$0x1F870]  }
0x1a3: {  	v8 =	vmul.f32 v10, v8;
	v10 =	vld [tilespmem:$0x1F9E0]  }
0x1a4: {  	v13 =	vld [tilespmem:s21+$0x7F0]  }
0x1a5: {  	v9 =	vld [tilespmem:s21+$0x2FF0]  }
0x1a6: {  	v12 =	vld [tilespmem:s21+$0x8E0]  }
0x1a7: {  	v11 =	vmul.f32 v14, v11;
	v14 =	vld [tilespmem:s21+$0x30E0]  }
0x1a8: {  	v4 =	vmul.f32 v5, v4;
	v5 =	vld [tilespmem:s21+$0x30F0];
	v10 =	vadd.f32 v10, v17  }
0x1a9: {  	v17 =	vld [tilespmem:s21+$0x8F0]  }
0x1aa: {  	v13 =	vmul.f32 v9, v13;
	v6 =	vadd.f32 v8, v6;
	v9 =	vadd.f32 v11, v10  }
0x1ab: {  	v21, _, _ =	vpop (xrf2);
	(xrf2) =	vadd.scan.msk.f32 $0xffff, v2  }
0x1ac: {  	v2 =	vadd.f32 v13, v6;
	v6 =	vmul.f32 v14, v12;
	v8, _, _ =	vpop (xrf2);
	v4 =	vadd.f32 v4, v9  }
0x1ad: {  	v11 =	vbroadcast v8, $0xF;
	v9 =	vbroadcast v21, $0xF  }
0x1ae: {  	(xrf2) =	vadd.scan.msk.f32 $0xffff, v2;
	v10 =	vbroadcast v20, $0xF;
	v5 =	vmul.f32 v5, v17;
	v4 =	vadd.f32 v6, v4  }
0x1af: {  	v8, _, _ =	vpop (xrf2);
	v2 =	vsel vm0, v9, v11;
	v6 =	vbroadcast v19, $0xF  }
0x1b0: {  	v9 =	vbroadcast v8, $0xF;
	v2 =	vsel vm1, v2, v10;
	v4 =	vadd.f32 v5, v4  }
0x1b1: {  	v2 =	vsel vm2, v2, v6;
	v5 =	vbroadcast v18, $0xF  }
0x1b2: {  	v8, _, _ =	vpop (xrf2);
	v6 =	vbroadcast v15, $0xF;
	v2 =	vsel vm3, v2, v9;
	(xrf2) =	vadd.scan.msk.f32 $0xffff, v4  }
0x1b3: {  	v8 =	vbroadcast v8, $0xF;
	v2 =	vsel vm4, v2, v5  }
0x1b4: {  	v5 =	vbroadcast v16, $0xF;
	v2 =	vsel vm5, v2, v6  }
0x1b5: {  	v1 =	vbroadcast v1, $0xF;
	v2 =	vsel vm6, v2, v8;
	v4, _, _ =	vpop (xrf2)  }
0x1b6: {  	v2 =	vsel vm7, v2, v5;
	v5 =	vbroadcast v4, $0xF  }
0x1b7: {  	v0 =	vbroadcast v0, $0xF;
	v1 =	vsel vm8, v2, v1  }
0x1b8: {  	v4, _, _ =	vpop (xrf2);
	v2 =	vbroadcast v7, $0xF;
	v1 =	vsel vm9, v1, v5  }
0x1b9: {  	v4 =	vbroadcast v4, $0xF;
	v0 =	vsel vm10, v1, v0  }
0x1ba: {  	v0 =	vsel vm11, v0, v2;
	v2 =	vbroadcast v3, $0xF  }
0x1bb: {  	v0 =	vsel vm12, v0, v4  }
0x1bc: {  	s31 =	sshll.u32 s20, $0x4;
	v0 =	vsel vm13, v0, v2;
	v1, _, _ =	vpop (xrf2)  }
0x1bd: {  	s23 =	sand.u32 $0x3FFFFFF0, s31;
	v0 =	vsel vm14, v0, v1  }
0x1be: {  	s21 =	sshll.u32 s22, $0xB;
	[tilespmem:s23+$0x5100] =	vst v0  }
0x1bf: {  	v0 =	vld [tilespmem:s21+$0x8D0];
	_ =	sdelay $0x4  }
0x1c0: {  	[tilespmem:$0x1F860] =	vst v0;
	v0 =	vld [tilespmem:s21+$0x30D0];
	_ =	sdelay $0x4  }
0x1c1: {  	[tilespmem:$0x1F870] =	vst v0;
	v0 =	vld [tilespmem:s21+$0x8C0];
	_ =	sdelay $0x4  }
0x1c2: {  	[tilespmem:$0x1F880] =	vst v0;
	v0 =	vld [tilespmem:s21+$0x30C0];
	_ =	sdelay $0x4  }
0x1c3: {  	[tilespmem:$0x1F890] =	vst v0;
	v0 =	vld [tilespmem:s21+$0x7E0];
	_ =	sdelay $0x4  }
0x1c4: {  	[tilespmem:$0x1F8A0] =	vst v0;
	v0 =	vld [tilespmem:s21+$0x7D0];
	_ =	sdelay $0x4  }
0x1c5: {  	[tilespmem:$0x1F8B0] =	vst v0;
	v0 =	vld [tilespmem:s21+$0x2FD0];
	_ =	sdelay $0x4  }
0x1c6: {  	[tilespmem:$0x1F8C0] =	vst v0;
	v0 =	vld [tilespmem:s21+$0x2F50];
	_ =	sdelay $0x4  }
0x1c7: {  	[tilespmem:$0x1F1F0] =	vst v0;
	v0 =	vld [tilespmem:s21+$0x7C0];
	_ =	sdelay $0x4  }
0x1c8: {  	[tilespmem:$0x1F200] =	vst v0;
	v0 =	vld [tilespmem:s21+$0x2FC0];
	_ =	sdelay $0x1  }
0x1c9: {  	v2 =	vld [tilespmem:s21+$0x3E0];
	_ =	sdelay $0x2  }
0x1ca: {  	[tilespmem:$0x1F210] =	vst v0;
	v0 =	vld [tilespmem:s21+$0x830];
	_ =	sdelay $0x1  }
0x1cb: {  	[tilespmem:$0x1F580] =	vst v2;
	v2 =	vld [tilespmem:s21+$0x2BE0];
	_ =	sdelay $0x2  }
0x1cc: {  	[tilespmem:$0x1F220] =	vst v0;
	v0 =	vld [tilespmem:s21+$0x3030];
	_ =	sdelay $0x1  }
0x1cd: {  	[tilespmem:$0x1F590] =	vst v2;
	v2 =	vld [tilespmem:s21+$0x450];
	_ =	sdelay $0x2  }
0x1ce: {  	[tilespmem:$0x1F230] =	vst v0;
	v0 =	vld [tilespmem:s21+$0x3090];
	_ =	sdelay $0x1  }
0x1cf: {  	[tilespmem:$0x1F5A0] =	vst v2;
	v2 =	vld [tilespmem:s21+$0x2C50];
	_ =	sdelay $0x2  }
0x1d0: {  	[tilespmem:$0x1F280] =	vst v0;
	v0 =	vld [tilespmem:s21+$0x2DF0];
	_ =	sdelay $0x1  }
0x1d1: {  	[tilespmem:$0x1F5B0] =	vst v2;
	v2 =	vld [tilespmem:s21+$0x4C0];
	_ =	sdelay $0x2  }
0x1d2: {  	[tilespmem:$0x1F290] =	vst v0;
	v0 =	vld [tilespmem:s21+$0x660];
	_ =	sdelay $0x1  }
0x1d3: {  	[tilespmem:$0x1F5D0] =	vst v2;
	v2 =	vld [tilespmem:s21+$0x2CC0];
	_ =	sdelay $0x2  }
0x1d4: {  	[tilespmem:$0x1F8D0] =	vst v0;
	v0 =	vld [tilespmem:s21+$0x6D0];
	_ =	sdelay $0x1  }
0x1d5: {  	[tilespmem:$0x1F5E0] =	vst v2;
	v2 =	vld [tilespmem:s21+$0x530];
	_ =	sdelay $0x2  }
0x1d6: {  	[tilespmem:$0x1F2A0] =	vst v0;
	v0 =	vld [tilespmem:s21+$0x2ED0];
	_ =	sdelay $0x1  }
0x1d7: {  	[tilespmem:$0x1F5F0] =	vst v2;
	v2 =	vld [tilespmem:s21+$0x2D30];
	_ =	sdelay $0x2  }
0x1d8: {  	[tilespmem:$0x1F2B0] =	vst v0;
	v0 =	vld [tilespmem:s21+$0x740];
	_ =	sdelay $0x1  }
0x1d9: {  	[tilespmem:$0x1F600] =	vst v2;
	v2 =	vld [tilespmem:s21+$0x5A0];
	_ =	sdelay $0x2  }
0x1da: {  	[tilespmem:$0x1F2C0] =	vst v0;
	v0 =	vld [tilespmem:s21+$0x2F40];
	_ =	sdelay $0x1  }
0x1db: {  	[tilespmem:$0x1F5C0] =	vst v2;
	v2 =	vld [tilespmem:s21+$0x610];
	_ =	sdelay $0x2  }
0x1dc: {  	[tilespmem:$0x1F2D0] =	vst v0;
	v0 =	vld [tilespmem:s21+$0x7B0];
	_ =	sdelay $0x1  }
0x1dd: {  	[tilespmem:$0x1F610] =	vst v2;
	v2 =	vld [tilespmem:s21+$0x2E10];
	_ =	sdelay $0x2  }
0x1de: {  	[tilespmem:$0x1F2E0] =	vst v0;
	v0 =	vld [tilespmem:s21+$0x2FB0];
	_ =	sdelay $0x1  }
0x1df: {  	[tilespmem:$0x1F620] =	vst v2;
	v2 =	vld [tilespmem:s21+$0x2F0];
	_ =	sdelay $0x2  }
0x1e0: {  	[tilespmem:$0x1F2F0] =	vst v0;
	v0 =	vld [tilespmem:s21+$0x820];
	_ =	sdelay $0x1  }
0x1e1: {  	[tilespmem:$0x1F630] =	vst v2;
	v2 =	vld [tilespmem:s21+$0x360];
	_ =	sdelay $0x2  }
0x1e2: {  	[tilespmem:$0x1F260] =	vst v0;
	v0 =	vld [tilespmem:s21+$0x3020];
	_ =	sdelay $0x1  }
0x1e3: {  	[tilespmem:$0x1F930] =	vst v2;
	v2 =	vld [tilespmem:s21+$0x3D0];
	_ =	sdelay $0x2  }
0x1e4: {  	[tilespmem:$0x1F270] =	vst v0;
	v0 =	vld [tilespmem:s21+$0x880];
	_ =	sdelay $0x1  }
0x1e5: {  	[tilespmem:$0x1F640] =	vst v2;
	v2 =	vld [tilespmem:s21+$0x2BD0];
	_ =	sdelay $0x2  }
0x1e6: {  	[tilespmem:$0x1F240] =	vst v0;
	v0 =	vld [tilespmem:s21+$0x3080];
	_ =	sdelay $0x1  }
0x1e7: {  	[tilespmem:$0x1F650] =	vst v2;
	v2 =	vld [tilespmem:s21+$0x440];
	_ =	sdelay $0x2  }
0x1e8: {  	[tilespmem:$0x1F250] =	vst v0;
	v0 =	vld [tilespmem:s21+$0x570];
	_ =	sdelay $0x1  }
0x1e9: {  	[tilespmem:$0x1F660] =	vst v2;
	v2 =	vld [tilespmem:s21+$0x2C40];
	_ =	sdelay $0x2  }
0x1ea: {  	[tilespmem:$0x1F300] =	vst v0;
	v0 =	vld [tilespmem:s21+$0x2D70];
	_ =	sdelay $0x1  }
0x1eb: {  	[tilespmem:$0x1F670] =	vst v2;
	v2 =	vld [tilespmem:s21+$0x4B0];
	_ =	sdelay $0x2  }
0x1ec: {  	[tilespmem:$0x1F310] =	vst v0;
	v0 =	vld [tilespmem:s21+$0x5E0];
	_ =	sdelay $0x1  }
0x1ed: {  	[tilespmem:$0x1F6B0] =	vst v2;
	v2 =	vld [tilespmem:s21+$0x2CB0];
	_ =	sdelay $0x2  }
0x1ee: {  	[tilespmem:$0x1F320] =	vst v0;
	v0 =	vld [tilespmem:s21+$0x2DE0];
	_ =	sdelay $0x1  }
0x1ef: {  	[tilespmem:$0x1F6C0] =	vst v2;
	v2 =	vld [tilespmem:s21+$0x520];
	_ =	sdelay $0x2  }
0x1f0: {  	[tilespmem:$0x1F330] =	vst v0;
	v0 =	vld [tilespmem:s21+$0x650];
	_ =	sdelay $0x1  }
0x1f1: {  	[tilespmem:$0x1F680] =	vst v2;
	v2 =	vld [tilespmem:s21+$0x2D20];
	_ =	sdelay $0x2  }
0x1f2: {  	[tilespmem:$0x1F8E0] =	vst v0;
	v0 =	vld [tilespmem:s21+$0x2E50];
	_ =	sdelay $0x1  }
0x1f3: {  	[tilespmem:$0x1F690] =	vst v2;
	v2 =	vld [tilespmem:s21+$0x270];
	_ =	sdelay $0x2  }
0x1f4: {  	[tilespmem:$0x1F8F0] =	vst v0;
	v0 =	vld [tilespmem:s21+$0x6C0];
	_ =	sdelay $0x1  }
0x1f5: {  	[tilespmem:$0x1F6A0] =	vst v2;
	v2 =	vld [tilespmem:s21+$0x2E0];
	_ =	sdelay $0x2  }
0x1f6: {  	[tilespmem:$0x1F340] =	vst v0;
	v0 =	vld [tilespmem:s21+$0x2EC0];
	_ =	sdelay $0x1  }
0x1f7: {  	[tilespmem:$0x1F6D0] =	vst v2;
	v2 =	vld [tilespmem:s21+$0x2AE0];
	_ =	sdelay $0x2  }
0x1f8: {  	[tilespmem:$0x1F350] =	vst v0;
	v0 =	vld [tilespmem:s21+$0x730];
	_ =	sdelay $0x1  }
0x1f9: {  	[tilespmem:$0x1F6E0] =	vst v2;
	v2 =	vld [tilespmem:s21+$0x350];
	_ =	sdelay $0x2  }
0x1fa: {  	[tilespmem:$0x1F360] =	vst v0;
	v0 =	vld [tilespmem:s21+$0x2F30];
	_ =	sdelay $0x1  }
0x1fb: {  	[tilespmem:$0x1F940] =	vst v2;
	v2 =	vld [tilespmem:s21+$0x2B50];
	_ =	sdelay $0x2  }
0x1fc: {  	[tilespmem:$0x1F370] =	vst v0;
	v0 =	vld [tilespmem:s21+$0x7A0];
	_ =	sdelay $0x1  }
0x1fd: {  	[tilespmem:$0x1F950] =	vst v2;
	v2 =	vld [tilespmem:s21+$0x3C0];
	_ =	sdelay $0x2  }
0x1fe: {  	[tilespmem:$0x1F3A0] =	vst v0;
	v0 =	vld [tilespmem:s21+$0x2FA0];
	_ =	sdelay $0x1  }
0x1ff: {  	[tilespmem:$0x1F6F0] =	vst v2;
	v2 =	vld [tilespmem:s21+$0x430];
	_ =	sdelay $0x2  }
0x200: {  	[tilespmem:$0x1F3B0] =	vst v0;
	v0 =	vld [tilespmem:s21+$0x560];
	_ =	sdelay $0x1  }
0x201: {  	[tilespmem:$0x1F700] =	vst v2;
	v2 =	vld [tilespmem:s21+$0x4A0];
	_ =	sdelay $0x2  }
0x202: {  	[tilespmem:$0x1F380] =	vst v0;
	v0 =	vld [tilespmem:s21+$0x2D60];
	_ =	sdelay $0x1  }
0x203: {  	[tilespmem:$0x1F710] =	vst v2;
	v2 =	vld [tilespmem:s21+$0x2CA0];
	_ =	sdelay $0x2  }
0x204: {  	[tilespmem:$0x1F390] =	vst v0;
	v0 =	vld [tilespmem:s21+$0x5D0];
	_ =	sdelay $0x1  }
0x205: {  	[tilespmem:$0x1F720] =	vst v2;
	v2 =	vld [tilespmem:s21+$0x170];
	_ =	sdelay $0x2  }
0x206: {  	[tilespmem:$0x1F3C0] =	vst v0;
	v0 =	vld [tilespmem:s21+$0x2DD0];
	_ =	sdelay $0x1  }
0x207: {  	[tilespmem:$0x1F730] =	vst v2;
	v2 =	vld [tilespmem:s21+$0x260];
	_ =	sdelay $0x2  }
0x208: {  	[tilespmem:$0x1F3D0] =	vst v0;
	v0 =	vld [tilespmem:s21+$0x640];
	_ =	sdelay $0x1  }
0x209: {  	[tilespmem:$0x1F740] =	vst v2;
	v2 =	vld [tilespmem:s21+$0x2A60];
	_ =	sdelay $0x2  }
0x20a: {  	[tilespmem:$0x1F3F0] =	vst v0;
	v0 =	vld [tilespmem:s21+$0x2E40];
	_ =	sdelay $0x1  }
0x20b: {  	[tilespmem:$0x1F750] =	vst v2;
	v2 =	vld [tilespmem:s21+$0x2D0];
	_ =	sdelay $0x2  }
0x20c: {  	[tilespmem:$0x1F400] =	vst v0;
	v0 =	vld [tilespmem:s21+$0x6B0];
	_ =	sdelay $0x1  }
0x20d: {  	[tilespmem:$0x1F760] =	vst v2;
	v2 =	vld [tilespmem:s21+$0x2AD0];
	_ =	sdelay $0x2  }
0x20e: {  	[tilespmem:$0x1F410] =	vst v0;
	v0 =	vld [tilespmem:s21+$0x2EB0];
	_ =	sdelay $0x1  }
0x20f: {  	[tilespmem:$0x1F770] =	vst v2;
	v2 =	vld [tilespmem:s21+$0x340];
	_ =	sdelay $0x2  }
0x210: {  	[tilespmem:$0x1F420] =	vst v0;
	v0 =	vld [tilespmem:s21+$0x720];
	_ =	sdelay $0x1  }
0x211: {  	[tilespmem:$0x1F960] =	vst v2;
	v2 =	vld [tilespmem:s21+$0x2B40];
	_ =	sdelay $0x2  }
0x212: {  	[tilespmem:$0x1F3E0] =	vst v0;
	v0 =	vld [tilespmem:s21+$0x790];
	_ =	sdelay $0x1  }
0x213: {  	[tilespmem:$0x1F970] =	vst v2;
	v2 =	vld [tilespmem:s21+$0x3B0];
	_ =	sdelay $0x2  }
0x214: {  	[tilespmem:$0x1F430] =	vst v0;
	v0 =	vld [tilespmem:s21+$0x2F90];
	_ =	sdelay $0x1  }
0x215: {  	[tilespmem:$0x1F780] =	vst v2;
	v2 =	vld [tilespmem:s21+$0x2BB0];
	_ =	sdelay $0x2  }
0x216: {  	[tilespmem:$0x1F440] =	vst v0;
	v0 =	vld [tilespmem:s21+$0x470];
	_ =	sdelay $0x1  }
0x217: {  	[tilespmem:$0x1F790] =	vst v2;
	v2 =	vld [tilespmem:s21+$0x490];
	_ =	sdelay $0x2  }
0x218: {  	[tilespmem:$0x1F450] =	vst v0;
	v0 =	vld [tilespmem:s21+$0x2C70];
	_ =	sdelay $0x1  }
0x219: {  	[tilespmem:$0x1F7A0] =	vst v2;
	v2 =	vld [tilespmem:s21+$0x2C90];
	_ =	sdelay $0x2  }
0x21a: {  	[tilespmem:$0x1F460] =	vst v0;
	v0 =	vld [tilespmem:s21+$0x4E0];
	_ =	sdelay $0x1  }
0x21b: {  	[tilespmem:$0x1F7B0] =	vst v2;
	v2 =	vld [tilespmem:s21+$0x160];
	_ =	sdelay $0x2  }
0x21c: {  	[tilespmem:$0x1F900] =	vst v0;
	v0 =	vld [tilespmem:s21+$0x550];
	_ =	sdelay $0x1  }
0x21d: {  	[tilespmem:$0x1F7C0] =	vst v2;
	v2 =	vld [tilespmem:s21+$0x2960];
	_ =	sdelay $0x2  }
0x21e: {  	[tilespmem:$0x1F470] =	vst v0;
	v0 =	vld [tilespmem:s21+$0x2D50];
	_ =	sdelay $0x1  }
0x21f: {  	[tilespmem:$0x1F7D0] =	vst v2;
	v2 =	vld [tilespmem:s21+$0x250];
	_ =	sdelay $0x2  }
0x220: {  	[tilespmem:$0x1F480] =	vst v0;
	v0 =	vld [tilespmem:s21+$0x5C0];
	_ =	sdelay $0x1  }
0x221: {  	[tilespmem:$0x1F7E0] =	vst v2;
	v2 =	vld [tilespmem:s21+$0x2A50];
	_ =	sdelay $0x2  }
0x222: {  	[tilespmem:$0x1F490] =	vst v0;
	v0 =	vld [tilespmem:s21+$0x2DC0];
	_ =	sdelay $0x1  }
0x223: {  	[tilespmem:$0x1F7F0] =	vst v2;
	v2 =	vld [tilespmem:s21+$0x2C0]  }
0x224: {  	v11 =	vld [tilespmem:s21+$0x8B0]  }
0x225: {  	v14 =	vld [tilespmem:s21+$0x30B0]  }
0x226: {  	[tilespmem:$0x1F4A0] =	vst v0;
	v0 =	vld [tilespmem:s21+$0x630]  }
0x227: {  	v27 =	vld [tilespmem:s21+$0x8A0]  }
0x228: {  	[tilespmem:$0x1F800] =	vst v2;
	v2 =	vld [tilespmem:s21+$0x2AC0]  }
0x229: {  	v53 =	vld [tilespmem:s21+$0x30A0]  }
0x22a: {  	v1 =	vld [tilespmem:s21+$0x800]  }
0x22b: {  	[tilespmem:$0x1F4E0] =	vst v0;
	v0 =	vld [tilespmem:s21+$0x2E30]  }
0x22c: {  	v4 =	vld [tilespmem:s21+$0x3000]  }
0x22d: {  	[tilespmem:$0x1F810] =	vst v2;
	v2 =	vmul.f32 v14, v11  }
0x22e: {  	v6 =	vld [tilespmem:s21+$0x860]  }
0x22f: {  	[tilespmem:$0x1F9E0] =	vst v2;
	v2 =	vld [tilespmem:s21+$0x330]  }
0x230: {  	[tilespmem:$0x1F4F0] =	vst v0;
	v0 =	vld [tilespmem:s21+$0x6A0]  }
0x231: {  	v7 =	vld [tilespmem:s21+$0x3060];
	v4 =	vmul.f32 v4, v1;
	v1 =	vmul.f32 v53, v27  }
0x232: {  	v56 =	vld [tilespmem:s21+$0x750]  }
0x233: {  	[tilespmem:$0x1FA30] =	vst v1;
	v1 =	vld [tilespmem:$0x1F1F0]  }
0x234: {  	[tilespmem:$0x1FA10] =	vst v2;
	v2 =	vld [tilespmem:s21+$0x2B30]  }
0x235: {  	[tilespmem:$0x1F4B0] =	vst v0;
	v0 =	vld [tilespmem:s21+$0x2EA0];
	_ =	sdelay $0x2  }
0x236: {  	v43 =	vmul.f32 v7, v6;
	v6 =	vmul.f32 v1, v56;
	v1 =	vld [tilespmem:$0x1F200]  }
0x237: {  	[tilespmem:$0x1FA40] =	vst v2;
	v2 =	vld [tilespmem:$0x1F210]  }
0x238: {  	[tilespmem:$0x1F4C0] =	vst v0;
	v0 =	vld [tilespmem:s21+$0x3F0];
	_ =	sdelay $0x1  }
0x239: {  	v3 =	vld [tilespmem:s21+$0x870]  }
0x23a: {  	v5 =	vld [tilespmem:s21+$0x3070]  }
0x23b: {  	v1 =	vmul.f32 v2, v1;
	v2 =	vld [tilespmem:$0x1F230]  }
0x23c: {  	[tilespmem:$0x1F4D0] =	vst v0;
	v0 =	vld [tilespmem:s21+$0x460]  }
0x23d: {  	[tilespmem:$0x1FA50] =	vst v1;
	v1 =	vld [tilespmem:$0x1F220];
	_ =	sdelay $0x1  }
0x23e: {  	v30 =	vld [tilespmem:s21+$0x810]  }
0x23f: {  	v29 =	vld [tilespmem:s21+$0x3010]  }
0x240: {  	[tilespmem:$0x1F500] =	vst v0;
	v0 =	vld [tilespmem:s21+$0x2C60]  }
0x241: {  	v50 =	vmul.f32 v5, v3;
	v3 =	vmul.f32 v2, v1;
	v1 =	vld [tilespmem:$0x1F240]  }
0x242: {  	v2 =	vld [tilespmem:$0x1F250];
	_ =	sdelay $0x1  }
0x243: {  	v32 =	vld [tilespmem:s21+$0x6E0]  }
0x244: {  	[tilespmem:$0x1F510] =	vst v0;
	v0 =	vld [tilespmem:s21+$0x4D0]  }
0x245: {  	v54 =	vld [tilespmem:s21+$0x2EE0]  }
0x246: {  	v29 =	vmul.f32 v29, v30;
	v30 =	vmul.f32 v2, v1;
	v1 =	vld [tilespmem:$0x1F260]  }
0x247: {  	v2 =	vld [tilespmem:$0x1F270];
	_ =	sdelay $0x1  }
0x248: {  	[tilespmem:$0x1F910] =	vst v0;
	v0 =	vld [tilespmem:s21+$0x2CD0];
	_ =	sdelay $0x1  }
0x249: {  	v60 =	vld [tilespmem:s21+$0x890]  }
0x24a: {  	v11 =	vmul.f32 v54, v32;
	v54 =	vmul.f32 v2, v1;
	v1 =	vld [tilespmem:$0x1F280];
	_ =	sdelay $0x1  }
0x24b: {  	[tilespmem:$0x1F920] =	vst v0;
	v0 =	vld [tilespmem:s21+$0x540];
	_ =	sdelay $0x1  }
0x24c: {  	v62 =	vld [tilespmem:s21+$0x5F0]  }
0x24d: {  	v2 =	vmul.f32 v1, v60;
	v1 =	vld [tilespmem:$0x1F290];
	_ =	sdelay $0x1  }
0x24e: {  	[tilespmem:$0x1F520] =	vst v0;
	v0 =	vld [tilespmem:s21+$0x2D40]  }
0x24f: {  	v53 =	vadd.f32 $0.0e+00, v4  }
0x250: {  	v4 =	vld [tilespmem:$0x1F2B0]  }
0x251: {  	v29 =	vadd.f32 v29, v53;
	v53 =	vmul.f32 v1, v62;
	v1 =	vld [tilespmem:$0x1F2A0];
	_ =	sdelay $0x1  }
0x252: {  	[tilespmem:$0x1F530] =	vst v0;
	v0 =	vld [tilespmem:s21+$0x5B0];
	_ =	sdelay $0x2  }
0x253: {  	v7 =	vmul.f32 v4, v1;
	v1 =	vld [tilespmem:$0x1F2C0]  }
0x254: {  	v4 =	vld [tilespmem:$0x1F2D0]  }
0x255: {  	[tilespmem:$0x1F540] =	vst v0;
	v0 =	vld [tilespmem:s21+$0x2DB0]  }
0x256: {  	v8 =	vld [tilespmem:s21+$0x770]  }
0x257: {  	v9 =	vld [tilespmem:s21+$0x2F70]  }
0x258: {  	v5 =	vld [tilespmem:$0x1F2F0]  }
0x259: {  	v4 =	vmul.f32 v4, v1;
	v1 =	vld [tilespmem:$0x1F2E0]  }
0x25a: {  	[tilespmem:$0x1F550] =	vst v0;
	v0 =	vld [tilespmem:s21+$0x620];
	_ =	sdelay $0x2  }
0x25b: {  	v44 =	vmul.f32 v9, v8;
	v8 =	vld [tilespmem:$0x1F310]  }
0x25c: {  	v30 =	vadd.f32 $0.0e+00, v30;
	v1 =	vmul.f32 v5, v1;
	v5 =	vld [tilespmem:$0x1F300]  }
0x25d: {  	[tilespmem:$0x1F560] =	vst v0;
	v0 =	vld [tilespmem:s21+$0x2E20]  }
0x25e: {  	v2 =	vadd.f32 v2, v30  }
0x25f: {  	v57 =	vld [tilespmem:s21+$0x700]  }
0x260: {  	[tilespmem:$0x1FB20] =	vst v2;
	v2 =	vld [tilespmem:$0x1F320]  }
0x261: {  	[tilespmem:$0x1FB10] =	vst v1;
	v1 =	vadd.f32 v54, v29;
	v54 =	vmul.f32 v8, v5;
	v5 =	vld [tilespmem:$0x1F330]  }
0x262: {  	[tilespmem:$0x1F570] =	vst v0;
	v0 =	vld [tilespmem:s21+$0x2F00];
	_ =	sdelay $0x4  }
0x263: {  	v0 =	vmul.f32 v0, v57;
	v57 =	vmul.f32 v5, v2;
	v2 =	vld [tilespmem:$0x1F340]  }
0x264: {  	v5 =	vld [tilespmem:$0x1F350]  }
0x265: {  	v48 =	vld [tilespmem:s21+$0x710]  }
0x266: {  	v19 =	vld [tilespmem:s21+$0x2F10]  }
0x267: {  	v1 =	vadd.f32 v3, v1;
	v3 =	vld [tilespmem:$0x1F360]  }
0x268: {  	v8 =	vld [tilespmem:$0x1F370]  }
0x269: {  	v5 =	vmul.f32 v5, v2;
	v2 =	vld [tilespmem:s21+$0x240];
	_ =	sdelay $0x4  }
0x26a: {  	[tilespmem:$0x1F820] =	vst v2;
	v2 =	vadd.f32 $0.0e+00, v0;
	v0 =	vmul.f32 v19, v48;
	v19 =	vmul.f32 v8, v3;
	v3 =	vld [tilespmem:$0x1F380]  }
0x26b: {  	v8 =	vld [tilespmem:$0x1F390];
	_ =	sdelay $0x3  }
0x26c: {  	v10 =	vld [tilespmem:s21+$0x850]  }
0x26d: {  	v48 =	vmul.f32 v8, v3;
	v3 =	vld [tilespmem:$0x1F3A0]  }
0x26e: {  	v8 =	vld [tilespmem:$0x1F3B0]  }
0x26f: {  	v13 =	vld [tilespmem:s21+$0x3050]  }
0x270: {  	v16 =	vld [tilespmem:s21+$0x6F0]  }
0x271: {  	v21 =	vld [tilespmem:s21+$0x2EF0]  }
0x272: {  	v18 =	vld [tilespmem:s21+$0x760]  }
0x273: {  	v22 =	vld [tilespmem:s21+$0x2F60];
	v3 =	vmul.f32 v8, v3  }
0x274: {  	v24 =	vld [tilespmem:s21+$0x840]  }
0x275: {  	[tilespmem:$0x1F840] =	vst v3;
	v3 =	vld [tilespmem:s21+$0x2B0]  }
0x276: {  	v42 =	vld [tilespmem:s21+$0x3040]  }
0x277: {  	v59 =	vld [tilespmem:s21+$0x2F20]  }
0x278: {  	v34 =	vld [tilespmem:s21+$0x780]  }
0x279: {  	v8 =	vld [tilespmem:$0x1F3D0]  }
0x27a: {  	[tilespmem:$0x1F830] =	vst v3;
	v3 =	vld [tilespmem:$0x1F3C0]  }
0x27b: {  	v33 =	vld [tilespmem:s21+$0x2F80]  }
0x27c: {  	v39 =	vld [tilespmem:s21+$0x2BF0]  }
0x27d: {  	v46 =	vld [tilespmem:s21+$0x690]  }
0x27e: {  	v58 =	vmul.f32 v13, v10;
	v10 =	vld [tilespmem:$0x1F400]  }
0x27f: {  	v8 =	vmul.f32 v8, v3;
	v3 =	vld [tilespmem:$0x1F3F0]  }
0x280: {  	v47 =	vld [tilespmem:s21+$0x2E90]  }
0x281: {  	v45 =	vld [tilespmem:s21+$0x2DA0]  }
0x282: {  	v0 =	vadd.f32 v0, v2;
	v2 =	vld [tilespmem:$0x1F3E0]  }
0x283: {  	v63 =	vld [tilespmem:s21+$0x680]  }
0x284: {  	v9 =	vmul.f32 v22, v18;
	v18 =	vmul.f32 v10, v3;
	v3 =	vld [tilespmem:$0x1F410]  }
0x285: {  	v10 =	vld [tilespmem:$0x1F420]  }
0x286: {  	v31 =	vld [tilespmem:s21+$0x2E80]  }
0x287: {  	v37 =	vld [tilespmem:s21+$0x2AF0];
	v2 =	vmul.f32 v59, v2  }
0x288: {  	v23 =	vld [tilespmem:s21+$0x590]  }
0x289: {  	v0 =	vadd.f32 v2, v0;
	v2 =	vld [tilespmem:$0x1F430]  }
0x28a: {  	v3 =	vmul.f32 v10, v3;
	v10 =	vld [tilespmem:$0x1F440]  }
0x28b: {  	v17 =	vld [tilespmem:s21+$0x2D90]  }
0x28c: {  	v35 =	vld [tilespmem:s21+$0x600]  }
0x28d: {  	v28 =	vld [tilespmem:s21+$0x2E00]  }
0x28e: {  	v38 =	vld [tilespmem:s21+$0x2A70]  }
0x28f: {  	v2 =	vmul.f32 v10, v2;
	v10 =	vld [tilespmem:s21+$0x2B20]  }
0x290: {  	v36 =	vld [tilespmem:s21+$0x2BC0]  }
0x291: {  	v40 =	vld [tilespmem:s21+$0x2C30]  }
0x292: {  	v20 =	vld [tilespmem:s21+$0x510]  }
0x293: {  	v49 =	vmul.f32 v21, v16;
	v16 =	vld [tilespmem:$0x1F460]  }
0x294: {  	[tilespmem:$0x1FBA0] =	vst v10;
	v10 =	vld [tilespmem:$0x1F450]  }
0x295: {  	v15 =	vld [tilespmem:s21+$0x2D10]  }
0x296: {  	v12 =	vld [tilespmem:s21+$0x580]  }
0x297: {  	v52 =	vld [tilespmem:s21+$0x2D80]  }
0x298: {  	v41 =	vld [tilespmem:s21+$0x2970]  }
0x299: {  	v26 =	vld [tilespmem:s21+$0x420];
	v10 =	vmul.f32 v16, v10  }
0x29a: {  	v16 =	vld [tilespmem:$0x1F480]  }
0x29b: {  	[tilespmem:$0x1F850] =	vst v10;
	v10 =	vld [tilespmem:$0x1F470]  }
0x29c: {  	v25 =	vld [tilespmem:s21+$0x2C20];
	v61 =	vmul.f32 v42, v24  }
0x29d: {  	v51 =	vld [tilespmem:s21+$0x500]  }
0x29e: {  	v55 =	vld [tilespmem:s21+$0x2D00];
	v1 =	vadd.f32 v61, v1  }
0x29f: {  	v0 =	vadd.f32 v19, v0;
	v19 =	vld [tilespmem:$0x1F4A0]  }
0x2a0: {  	v63 =	vmul.f32 v31, v63;
	v1 =	vadd.f32 v58, v1;
	v31 =	vmul.f32 v16, v10;
	v16 =	vld [tilespmem:$0x1F490]  }
0x2a1: {  	v42 =	vld [tilespmem:s21+$0x3A0]  }
0x2a2: {  	v22 =	vld [tilespmem:s21+$0x2BA0];
	v1 =	vadd.f32 v43, v1  }
0x2a3: {  	v13 =	vld [tilespmem:s21+$0x410]  }
0x2a4: {  	v47 =	vmul.f32 v47, v46;
	v46 =	vadd.f32 v50, v1;
	v50 =	vld [tilespmem:$0x1F4C0]  }
0x2a5: {  	v19 =	vmul.f32 v19, v16;
	v16 =	vld [tilespmem:$0x1F4B0]  }
0x2a6: {  	v21 =	vld [tilespmem:s21+$0x480]  }
0x2a7: {  	v56 =	vld [tilespmem:s21+$0x2C10]  }
0x2a8: {  	v27 =	vld [tilespmem:s21+$0x150];
	v59 =	vadd.f32 $0.0e+00, v63  }
0x2a9: {  	v24 =	vld [tilespmem:s21+$0x2AB0];
	v0 =	vadd.f32 v4, v0  }
0x2aa: {  	v33 =	vmul.f32 v33, v34;
	v34 =	vld [tilespmem:s21+$0x400];
	v1 =	vadd.f32 v47, v59;
	v32 =	vmul.f32 v50, v16  }
0x2ab: {  	v25 =	vmul.f32 v25, v26;
	v26 =	vld [tilespmem:s21+$0x280];
	v0 =	vadd.f32 v6, v0  }
0x2ac: {  	v13 =	vmul.f32 v56, v13;
	v56 =	vld [tilespmem:s21+$0x200];
	v1 =	vadd.f32 v32, v1  }
0x2ad: {  	v61 =	vld [tilespmem:$0x1F500];
	v0 =	vadd.f32 v9, v0  }
0x2ae: {  	v62 =	vld [tilespmem:$0x1F510];
	v1 =	vadd.f32 v3, v1  }
0x2af: {  	v44 =	vadd.f32 v44, v0;
	v0 =	vld [tilespmem:$0x1F5A0]  }
0x2b0: {  	v1 =	vadd.f32 v5, v1;
	v5 =	vld [tilespmem:$0x1F5B0]  }
0x2b1: {  	v58 =	vld [tilespmem:$0x1F4F0]  }
0x2b2: {  	v16 =	vld [tilespmem:$0x1F4E0]  }
0x2b3: {  	v14 =	vld [tilespmem:s21+$0x320]  }
0x2b4: {  	v60 =	vld [tilespmem:s21+$0x2C80]  }
0x2b5: {  	v43 =	vadd.f32 $0.0e+00, v33;
	v50 =	vmul.f32 v62, v61;
	v61 =	vmul.f32 v5, v0;
	v5 =	vld [tilespmem:$0x1F5C0]  }
0x2b6: {  	v12 =	vmul.f32 v52, v12;
	v52 =	vld [tilespmem:$0x1F550]  }
0x2b7: {  	v16 =	vmul.f32 v58, v16;
	v58 =	vadd.f32 v2, v43;
	v2 =	vld [tilespmem:$0x1F540]  }
0x2b8: {  	v30 =	vld [tilespmem:s21+$0x2950];
	v9 =	vadd.f32 $0.0e+00, v12;
	v12 =	vmul.f32 v17, v23  }
0x2b9: {  	v29 =	vld [tilespmem:s21+$0x2A40]  }
0x2ba: {  	v33 =	vld [tilespmem:s21+$0x2A30];
	v0 =	vadd.f32 v12, v9;
	v5 =	vmul.f32 v45, v5  }
0x2bb: {  	v23 =	vld [tilespmem:$0x1F640];
	v1 =	vadd.f32 v7, v1  }
0x2bc: {  	v7 =	vmul.f32 v55, v51;
	v55 =	vld [tilespmem:$0x1F650];
	v2 =	vmul.f32 v52, v2;
	v0 =	vadd.f32 v5, v0  }
0x2bd: {  	v1 =	vadd.f32 v11, v1;
	v11 =	vmul.f32 v15, v20;
	v20 =	vld [tilespmem:$0x1F670]  }
0x2be: {  	v15 =	vadd.f32 v2, v0;
	v2 =	vld [tilespmem:$0x1F660]  }
0x2bf: {  	v63 =	vld [tilespmem:s21+$0x2B90]  }
0x2c0: {  	v59 =	vld [tilespmem:s21+$0x140]  }
0x2c1: {  	v47 =	vld [tilespmem:$0x1F530];
	v7 =	vadd.f32 $0.0e+00, v7  }
0x2c2: {  	v62 =	vadd.f32 v49, v1;
	v1 =	vld [tilespmem:$0x1F680];
	v51 =	vmul.f32 v55, v23  }
0x2c3: {  	v55 =	vmul.f32 v20, v2;
	v20 =	vmul.f32 v28, v35;
	v28 =	vadd.f32 v11, v7;
	v7 =	vld [tilespmem:$0x1F690]  }
0x2c4: {  	v4 =	vld [tilespmem:$0x1F4D0]  }
0x2c5: {  	v9 =	vld [tilespmem:$0x1F5D0]  }
0x2c6: {  	v12 =	vld [tilespmem:$0x1F5E0]  }
0x2c7: {  	[tilespmem:$0x1FC30] =	vst v59;
	v59 =	vld [tilespmem:s21+$0x2940]  }
0x2c8: {  	v49 =	vmul.f32 v7, v1;
	v1 =	vld [tilespmem:$0x1F6A0]  }
0x2c9: {  	v6 =	vld [tilespmem:$0x1F520]  }
0x2ca: {  	v39 =	vmul.f32 v39, v4;
	v4 =	vld [tilespmem:s21+$0x2C00]  }
0x2cb: {  	v9 =	vmul.f32 v12, v9;
	v12 =	vld [tilespmem:$0x1F600]  }
0x2cc: {  	v7 =	vld [tilespmem:$0x1F6C0]  }
0x2cd: {  	v38 =	vmul.f32 v38, v1;
	v1 =	vld [tilespmem:$0x1F6B0]  }
0x2ce: {  	[tilespmem:$0x1FD30] =	vst v9;
	v9 =	vld [tilespmem:$0x1F5F0]  }
0x2cf: {  	v17 =	vld [tilespmem:$0x1F570]  }
0x2d0: {  	v5 =	vld [tilespmem:$0x1F610]  }
0x2d1: {  	v4 =	vmul.f32 v4, v34;
	v15 =	vadd.f32 v19, v15;
	v19 =	vadd.f32 $0.0e+00, v20;
	v20 =	vld [tilespmem:$0x1F6E0]  }
0x2d2: {  	v35 =	vmul.f32 v7, v1;
	v1 =	vld [tilespmem:$0x1F6D0]  }
0x2d3: {  	v4 =	vadd.f32 $0.0e+00, v4;
	v9 =	vmul.f32 v12, v9;
	v12 =	vld [tilespmem:$0x1F620]  }
0x2d4: {  	v6 =	vmul.f32 v47, v6;
	v47 =	vld [tilespmem:s21+$0x230]  }
0x2d5: {  	v34 =	vld [tilespmem:s21+$0x2A90];
	v13 =	vadd.f32 v13, v4  }
0x2d6: {  	v4 =	vld [tilespmem:$0x1F740]  }
0x2d7: {  	v13 =	vadd.f32 v25, v13;
	v25 =	vld [tilespmem:$0x1F810];
	v1 =	vmul.f32 v20, v1;
	v20 =	vadd.f32 v49, v28  }
0x2d8: {  	v5 =	vmul.f32 v12, v5;
	v12 =	vld [tilespmem:$0x1F630]  }
0x2d9: {  	v10 =	vld [tilespmem:s21+$0x390];
	v9 =	vadd.f32 v9, v20  }
0x2da: {  	v23 =	vld [tilespmem:s21+$0x2B80]  }
0x2db: {  	v6 =	vadd.f32 v6, v9;
	v9 =	vld [tilespmem:$0x1F730]  }
0x2dc: {  	v8 =	vadd.f32 v8, v15;
	v15 =	vld [tilespmem:$0x1F6F0]  }
0x2dd: {  	v37 =	vmul.f32 v37, v12;
	v12 =	vld [tilespmem:s21+$0x380]  }
0x2de: {  	v10 =	vmul.f32 v63, v10;
	v63 =	vmov v14;
	v14 =	vld [tilespmem:$0x1F770]  }
0x2df: {  	v3 =	vld [tilespmem:$0x1F560]  }
0x2e0: {  	v41 =	vmul.f32 v41, v9;
	v9 =	vld [tilespmem:$0x1F750]  }
0x2e1: {  	v32 =	vld [tilespmem:s21+$0x290]  }
0x2e2: {  	v12 =	vmul.f32 v23, v12;
	v49 =	vmul.f32 v36, v15;
	v36 =	vadd.f32 v5, v19;
	v5 =	vld [tilespmem:$0x1F700]  }
0x2e3: {  	v43 =	vld [tilespmem:s21+$0x2AA0]  }
0x2e4: {  	v3 =	vmul.f32 v17, v3;
	v17 =	vld [tilespmem:$0x1F590];
	v12 =	vadd.f32 $0.0e+00, v12  }
0x2e5: {  	v4 =	vmul.f32 v9, v4;
	v9 =	vld [tilespmem:$0x1F760]  }
0x2e6: {  	[tilespmem:$0x1FCA0] =	vst v3;
	v3 =	vld [tilespmem:$0x1F580];
	v10 =	vadd.f32 v10, v12;
	v12 =	vmul.f32 v22, v42  }
0x2e7: {  	v22 =	vld [tilespmem:$0x1F790];
	v5 =	vmul.f32 v40, v5  }
0x2e8: {  	v10 =	vadd.f32 v12, v10;
	v12 =	vld [tilespmem:$0x1F7B0]  }
0x2e9: {  	v13 =	vadd.f32 v5, v13;
	v5 =	vld [tilespmem:$0x1F7A0]  }
0x2ea: {  	v9 =	vmul.f32 v14, v9;
	v14 =	vld [tilespmem:$0x1F780]  }
0x2eb: {  	v52 =	vld [tilespmem:s21+$0x2A0];
	v6 =	vadd.f32 v31, v6  }
0x2ec: {  	v3 =	vmul.f32 v17, v3;
	v17 =	vld [tilespmem:s21+$0x310]  }
0x2ed: {  	v45 =	vld [tilespmem:s21+$0x2B10];
	v6 =	vadd.f32 v48, v6  }
0x2ee: {  	v48 =	vmul.f32 v12, v5;
	v5 =	vld [tilespmem:$0x1F7C0]  }
0x2ef: {  	v22 =	vmul.f32 v22, v14;
	v14 =	vmul.f32 v60, v21;
	v21 =	vadd.f32 v54, v6;
	v6 =	vld [tilespmem:$0x1F7D0]  }
0x2f0: {  	v0 =	vld [tilespmem:s21+$0x130]  }
0x2f1: {  	v2 =	vld [tilespmem:s21+$0x2930]  }
0x2f2: {  	v11 =	vld [tilespmem:s21+$0x220]  }
0x2f3: {  	v12 =	vld [tilespmem:$0x1F7E0]  }
0x2f4: {  	v5 =	vmul.f32 v6, v5;
	v6 =	vadd.f32 v55, v13;
	v13 =	vadd.f32 $0.0e+00, v14;
	v14 =	vld [tilespmem:$0x1F7F0]  }
0x2f5: {  	v8 =	vadd.f32 v57, v8;
	v57 =	vld [tilespmem:s21+$0x2A00]  }
0x2f6: {  	v23 =	vld [tilespmem:s21+$0x2920]  }
0x2f7: {  	v7 =	vld [tilespmem:s21+$0x2A20]  }
0x2f8: {  	v42 =	vld [tilespmem:s21+$0x2A10]  }
0x2f9: {  	v14 =	vmul.f32 v14, v12;
	v12 =	vld [tilespmem:$0x1F800]  }
0x2fa: {  	v15 =	vld [tilespmem:$0x1F710]  }
0x2fb: {  	v20 =	vld [tilespmem:$0x1F720]  }
0x2fc: {  	v19 =	vld [tilespmem:s21+$0x300]  }
0x2fd: {  	v28 =	vld [tilespmem:s21+$0x210]  }
0x2fe: {  	v31 =	vld [tilespmem:s21+$0x2A80];
	v10 =	vadd.f32 v22, v10;
	v25 =	vmul.f32 v25, v12  }
0x2ff: {  	v12 =	vmul.f32 v30, v27;
	v30 =	vadd.f32 v61, v6;
	v6 =	vadd.f32 v48, v13;
	v13 =	vld [tilespmem:$0x1F820]  }
0x300: {  	v40 =	vmul.f32 v20, v15;
	v20 =	vld [tilespmem:s21+$0x2B00]  }
0x301: {  	v15 =	vld [tilespmem:s21+$0x120];
	v10 =	vadd.f32 v49, v10  }
0x302: {  	(xrf2) =	vadd.scan.msk.f32 $0xffff, v46;
	v22 =	vld [tilespmem:s21+$0x110]  }
0x303: {  	(xrf2) =	vadd.scan.msk.f32 $0xffff, v44;
	v44 =	vmov v18;
	v18 =	vmul.f32 v33, v47;
	v47 =	vadd.f32 v51, v10;
	v10 =	vld [tilespmem:$0x1F850]  }
0x304: {  	p0 =	sne.s32 s22, $0x4;
	v61 =	vmov v16;
	v16 =	vmul.f32 v29, v13;
	v13 =	vmul.f32 v31, v26;
	v26 =	vld [tilespmem:$0x1F830]  }
.Ltmp0:
0x305: {  	v27 =	vld [tilespmem:s21+$0x2900];
	(pc) =	sbr.rel @p0 .LBB2_3-.Ltmp0, $4  }
0x306: {  	v48 =	vmul.f32 v34, v32;
	v34 =	vld [tilespmem:$0x1F840]  }
0x307: {  	v29 =	vld [tilespmem:s21+$0x100];
	v31 =	vadd.f32 v50, v30  }
0x308: {  	(xrf2) =	vadd.scan.msk.f32 $0xffff, v62;
	v8 =	vadd.f32 v53, v8;
	v46 =	vmul.f32 v57, v56;
	v49 =	vadd.f32 $0.0e+00, v13;
	v13 =	vld [tilespmem:s21+$0x180]  }
0x309: {  	s20 =	smov.u32 s22;
	s22 =	sadd.s32 $0x1, s22;
	v62 =	vmovc v58;
	v30 =	vmul.f32 v43, v52;
	v10 =	vadd.f32 v10, v31;
	v24 =	vmul.f32 v24, v26;
	v26 =	vld [tilespmem:s21+$0x2910]  }
0x30a: {  	v32 =	vld [tilespmem:s21+$0x2980]  }
0x30b: {  	v33 =	vld [tilespmem:s21+$0x190]  }
0x30c: {  	v28 =	vmul.f32 v42, v28;
	v42 =	vld [tilespmem:s21+$0x2990]  }
0x30d: {  	v17 =	vmul.f32 v45, v17;
	v45 =	vld [tilespmem:s21+$0x1A0]  }
0x30e: {  	v3 =	vadd.f32 v3, v47;
	v47 =	vld [tilespmem:s21+$0x29A0]  }
0x30f: {  	v31 =	vadd.f32 v48, v49;
	v48 =	vld [tilespmem:s21+$0x1B0]  }
0x310: {  	v51 =	vld [tilespmem:s21+$0x29B0]  }
0x311: {  	v53 =	vld [tilespmem:s21+$0x1C0]  }
0x312: {  	v55 =	vld [tilespmem:s21+$0x29C0]  }
0x313: {  	v56 =	vld [tilespmem:s21+$0x1D0]  }
0x314: {  	v57 =	vld [tilespmem:$0x1FC30]  }
0x315: {  	v58 =	vadd.f32 $0.0e+00, v46;
	v15 =	vmul.f32 v23, v15;
	v23 =	vld [tilespmem:$0x1FA40];
	(xrf2) =	vadd.scan.msk.f32 $0xffff, v8  }
0x316: {  	(xrf2) =	vadd.scan.msk.f32 $0xffff, v21;
	v21 =	vld [tilespmem:$0x1FA30]  }
0x317: {  	v19 =	vmul.f32 v20, v19;
	v20 =	vadd.f32 v28, v58;
	v58 =	vld [tilespmem:s21+$0x29D0]  }
0x318: {  	v28 =	vld [tilespmem:$0x1F970]  }
0x319: {  	v27 =	vmul.f32 v27, v29;
	v29 =	vld [tilespmem:s21+$0x370]  }
0x31a: {  	v6 =	vadd.f32 v40, v6;
	v60 =	vadd.f32 v30, v31;
	v31 =	vld [tilespmem:s21+$0x2B70]  }
0x31b: {  	v3 =	vadd.f32 v39, v3;
	v39 =	vld [tilespmem:s21+$0x4F0]  }
0x31c: {  	v7 =	vmul.f32 v7, v11;
	v6 =	vadd.f32 v35, v6;
	v35 =	vld [tilespmem:$0x1F9E0]  }
0x31d: {  	v24 =	vadd.f32 v24, v60;
	v60 =	vld [tilespmem:$0x1FBA0]  }
0x31e: {  	v43 =	vadd.f32 $0.0e+00, v19;
	v7 =	vadd.f32 v7, v20;
	v20 =	vld [tilespmem:s21+$0x1F0]  }
0x31f: {  	v46 =	vadd.f32 $0.0e+00, v27;
	v27 =	vld [tilespmem:$0x1F960]  }
0x320: {  	v11 =	vadd.f32 v17, v43;
	v43 =	vld [tilespmem:s21+$0x2CF0]  }
0x321: {  	v13 =	vmul.f32 v32, v13;
	v32 =	vld [tilespmem:$0x1F940]  }
0x322: {  	v52 =	vmul.f32 v42, v33;
	v33 =	vld [tilespmem:$0x1F950]  }
0x323: {  	v42 =	vld [tilespmem:$0x1FCA0]  }
0x324: {  	v19 =	vmul.f32 v47, v45;
	v45 =	vld [tilespmem:$0x1FD30]  }
0x325: {  	v22 =	vmul.f32 v26, v22;
	v47 =	vld [tilespmem:$0x1F920]  }
0x326: {  	v17 =	vmul.f32 v51, v48;
	v48 =	vld [tilespmem:s21+$0x2E60]  }
0x327: {  	v49 =	vadd.f32 v22, v46;
	v22 =	vld [tilespmem:$0x1FA10]  }
0x328: {  	v50 =	vadd.f32 v25, v24;
	v24 =	vld [tilespmem:s21+$0x29F0]  }
0x329: {  	v25 =	vld [tilespmem:s21+$0x2B60]  }
0x32a: {  	v46 =	vld [tilespmem:$0x1F910]  }
0x32b: {  	v0 =	vmul.f32 v2, v0;
	v2 =	vmul.f32 v58, v56;
	v58 =	vld [tilespmem:$0x1F8F0]  }
0x32c: {  	v15 =	vadd.f32 v15, v49;
	v54 =	vadd.f32 v9, v50;
	v9 =	vmul.f32 v55, v53;
	v53 =	vld [tilespmem:$0x1F900]  }
0x32d: {  	v7 =	vadd.f32 v18, v7;
	v13 =	vadd.f32 $0.0e+00, v13;
	v55 =	vld [tilespmem:s21+$0x2E70]  }
0x32e: {  	v50 =	vmul.f32 v31, v29;
	v31 =	vld [tilespmem:$0x1F880];
	v0 =	vadd.f32 v0, v15;
	v15 =	vmul.f32 v59, v57  }
0x32f: {  	v7 =	vadd.f32 v16, v7;
	v13 =	vadd.f32 v52, v13;
	v52 =	vld [tilespmem:s21+$0x670]  }
0x330: {  	v8 =	vmul.f32 v28, v27;
	v27 =	vld [tilespmem:$0x1F8B0];
	v0 =	vadd.f32 v15, v0  }
0x331: {  	v28 =	vld [tilespmem:$0x1F8C0];
	v1 =	vadd.f32 v1, v54;
	v7 =	vadd.f32 v14, v7  }
0x332: {  	(xrf2) =	vadd.scan.msk.f32 $0xffff, v10;
	v59 =	vld [tilespmem:s21+$0x1E0];
	v13 =	vadd.f32 v19, v13;
	v0 =	vadd.f32 v12, v0  }
0x333: {  	(xrf2) =	vadd.scan.msk.f32 $0xffff, v3;
	v3 =	vadd.f32 v45, v6;
	v54 =	vadd.f32 v34, v62;
	v15 =	vmul.f32 v60, v63;
	v63 =	vld [tilespmem:s21+$0x29E0]  }
0x334: {  	v57 =	vld [tilespmem:$0x1F8E0];
	v13 =	vadd.f32 v17, v13;
	v0 =	vadd.f32 v5, v0  }
0x335: {  	v62 =	vld [tilespmem:$0x1FB10];
	v4 =	vadd.f32 v4, v7;
	v11 =	vadd.f32 v15, v11;
	v12 =	vmul.f32 v23, v22  }
0x336: {  	v9 =	vadd.f32 v9, v13;
	v0 =	vadd.f32 v41, v0;
	v41 =	vld [tilespmem:$0x1F930]  }
0x337: {  	v1 =	vadd.f32 v37, v1;
	v37 =	vld [tilespmem:s21+$0x2CE0];
	v26 =	vadd.f32 v12, v11  }
0x338: {  	v34 =	vld [tilespmem:$0x1F8A0];
	v4 =	vadd.f32 v38, v4;
	v2 =	vadd.f32 v2, v9;
	v30 =	vmul.f32 v63, v59  }
0x339: {  	v60 =	vmul.f32 v43, v39;
	v39 =	vld [tilespmem:$0x1F860];
	(xrf2) =	vadd.scan.msk.f32 $0xffff, v1;
	v5 =	vadd.f32 v8, v26;
	v8 =	vmul.f32 v33, v32  }
0x33a: {  	v38 =	vmul.f32 v24, v20;
	v20 =	vld [tilespmem:$0x1F8D0];
	(xrf2) =	vadd.scan.msk.f32 $0xffff, v4;
	v4 =	vmul.f32 v47, v46;
	v2 =	vadd.f32 v30, v2  }
0x33b: {  	v22 =	vld [tilespmem:$0x1FB20];
	v40 =	vadd.f32 v8, v5;
	v8 =	vadd.f32 v42, v36;
	v5 =	vmul.f32 v25, v41  }
0x33c: {  	v24 =	vld [tilespmem:s21+$0x2FF0];
	v3 =	vadd.f32 v4, v3;
	v4 =	vmul.f32 v37, v53;
	v2 =	vadd.f32 v38, v2  }
0x33d: {  	(xrf2) =	vadd.scan.msk.f32 $0xffff, v0;
	v51 =	vadd.f32 v61, v8;
	v25 =	vld [tilespmem:$0x1FA50];
	v49 =	vadd.f32 v5, v40  }
0x33e: {  	v59 =	vld [tilespmem:s21+$0x2FE0];
	v11, _, _ =	vpop (xrf2);
	v3 =	vadd.f32 v4, v3;
	(xrf2) =	vadd.scan.msk.f32 $0xffff, v2  }
0x33f: {  	v12 =	vmul.f32 v58, v57;
	v32 =	vld [tilespmem:$0x1F890];
	v56 =	vadd.f32 v44, v51;
	v0 =	vadd.f32 v50, v49;
	v5, _, _ =	vpop (xrf2)  }
0x340: {  	v9 =	vadd.f32 v62, v54;
	v63 =	vld [tilespmem:s21+$0x7F0];
	v61, _, _ =	vpop (xrf2)  }
0x341: {  	v6 =	vmul.f32 v48, v20;
	v3 =	vadd.f32 v60, v3;
	v40 =	vld [tilespmem:$0x1F870];
	v1 =	vadd.f32 v12, v56;
	v23, _, _ =	vpop (xrf2);
	(xrf2) =	vadd.scan.msk.f32 $0xffff, v0  }
0x342: {  	v29 =	vld [tilespmem:s21+$0x8E0];
	v15 =	vmul.f32 v28, v27;
	v12 =	vadd.f32 v21, v22;
	v4 =	vadd.f32 v25, v9;
	v26, _, _ =	vpop (xrf2)  }
0x343: {  	v33 =	vld [tilespmem:s21+$0x30E0];
	v13 =	vmul.f32 v59, v34;
	v2 =	vmul.f32 v55, v52;
	v1 =	vadd.f32 v6, v1;
	v30, _, _ =	vpop (xrf2)  }
0x344: {  	v37 =	vld [tilespmem:s21+$0x8F0];
	v8 =	vmul.f32 v32, v31;
	v12 =	vadd.f32 v35, v12;
	v4 =	vadd.f32 v15, v4;
	(xrf2) =	vadd.scan.msk.f32 $0xffff, v3;
	v36, _, _ =	vpop (xrf2)  }
0x345: {  	v41 =	vld [tilespmem:s21+$0x30F0];
	v0 =	vmul.f32 v24, v63;
	v1 =	vadd.f32 v2, v1;
	v38, _, _ =	vpop (xrf2)  }
0x346: {  	v18 =	vmul.f32 v40, v39;
	v8 =	vadd.f32 v8, v12;
	v4 =	vadd.f32 v13, v4;
	v42, _, _ =	vpop (xrf2)  }
0x347: {  	(xrf2) =	vadd.scan.msk.f32 $0xffff, v1;
	v43, _, _ =	vpop (xrf2)  }
0x348: {  	v45 =	vmul.f32 v33, v29;
	v44 =	vadd.f32 v18, v8;
	v0 =	vadd.f32 v0, v4;
	v46, _, _ =	vpop (xrf2)  }
0x349: {  	v1 =	vbroadcast v43, $0xF;
	v12 =	vbroadcast v46, $0xF  }
0x34a: {  	v3 =	vmul.f32 v41, v37;
	v4 =	vadd.f32 v45, v44;
	v47 =	vbroadcast v42, $0xF;
	(xrf2) =	vadd.scan.msk.f32 $0xffff, v0  }
0x34b: {  	v2 =	vbroadcast v38, $0xF;
	v1 =	vsel vm0, v1, v12;
	v48, _, _ =	vpop (xrf2)  }
0x34c: {  	v49 =	vadd.f32 v3, v4;
	v0 =	vsel vm1, v1, v47;
	v50 =	vbroadcast v48, $0xF  }
0x34d: {  	v51 =	vbroadcast v36, $0xF;
	v0 =	vsel vm2, v0, v2  }
0x34e: {  	v52 =	vbroadcast v30, $0xF;
	(xrf2) =	vadd.scan.msk.f32 $0xffff, v49;
	v53, _, _ =	vpop (xrf2);
	v0 =	vsel vm3, v0, v50  }
0x34f: {  	v1 =	vbroadcast v53, $0xF;
	v0 =	vsel vm4, v0, v51  }
0x350: {  	v54 =	vbroadcast v26, $0xF;
	v0 =	vsel vm5, v0, v52  }
0x351: {  	v55 =	vbroadcast v23, $0xF;
	v56, _, _ =	vpop (xrf2);
	v0 =	vsel vm6, v0, v1  }
0x352: {  	v57 =	vbroadcast v56, $0xF;
	v0 =	vsel vm7, v0, v54  }
0x353: {  	v58 =	vbroadcast v61, $0xF;
	v0 =	vsel vm8, v0, v55  }
0x354: {  	v59 =	vbroadcast v5, $0xF;
	v60, _, _ =	vpop (xrf2);
	v0 =	vsel vm9, v0, v57  }
0x355: {  	v61 =	vbroadcast v60, $0xF;
	v0 =	vsel vm10, v0, v58  }
0x356: {  	v62 =	vbroadcast v11, $0xF;
	v0 =	vsel vm11, v0, v59  }
0x357: {  	v0 =	vsel vm12, v0, v61  }
0x358: {  	s20 =	sshll.u32 s20, $0x4;
	s19 =	sadd.s32 $0x1, s19;
	v63, _, _ =	vpop (xrf2);
	v0 =	vsel vm13, v0, v62  }
0x359: {  	s20 =	sand.u32 $0x3FFFFFF0, s20;
	p0 =	sne.s32 s19, $0x7D;
	v0 =	vsel vm14, v0, v63  }
.Ltmp1:
0x35a: {  	s31 =	sadd.s32 s7, s18;
	s18 =	simm.s32 $0x0;
	[tilespmem:s20+$0x5100] =	vst v0;
	(pc) =	sbr.rel @p0 .LBB2_2-.Ltmp1, $4  }
0x35b: {  	[hbm4b:s31+s18] =	stream.linear.scatter [tilespmem:s16], [sflag:$0x2], $0x50, $0x38;
	[tilespmem:$0x5180] =	vst v63  }
0x35c: {  	_ =	swait.ge [sflag:s10], $0x50  }
0x35d: {  	[sflag:s10] =	ssyncset.done $0x0  }
0x35e: {  	[sflag:s10] =	ssyncadd.s32 $0xFFFFFFB0  }
0x35f: {  	s19 =	simm.s32 $0x0  }
.LBB2_6:
0x360: {  	s20 =	smul.u32 $0x50, s19;
	_ =	sdelay $0x1  }
0x361: {  	s21 =	sadd.s32 s4, s20  }
0x362: {  	s21 =	sshrl.u32 s21, $0x3  }
0x363: {  	s21 =	sadd.s32 s6, s21  }
0x364: {  	[tilespmem:s18], [sflag:$0x2] =	stream.linear.gather [hbm4b:s21+s18], $0x50, $0x38;
	[tilespmem:$0x5180] =	vst v63  }
0x365: {  	s20 =	sadd.s32 s20, s8;
	_ =	swait.ge [sflag:s10], $0x50  }
0x366: {  	s20 =	sshrl.u32 s20, $0x3;
	[sflag:s10] =	ssyncset.done $0x0  }
0x367: {  	s31 =	sadd.s32 s6, s20;
	[sflag:s10] =	ssyncadd.s32 $0xFFFFFFB0  }
0x368: {  	[tilespmem:s11], [sflag:$0x2] =	stream.linear.gather [hbm4b:s31+s18], $0x50, $0x38;
	[tilespmem:$0x5180] =	vst v63  }
0x369: {  	_ =	swait.ge [sflag:s10], $0x50  }
0x36a: {  	[sflag:s10] =	ssyncset.done $0x0  }
0x36b: {  	[sflag:s10] =	ssyncadd.s32 $0xFFFFFFB0  }
0x36c: {  	[tilespmem:s13], [sflag:$0x1] =	stream.indirect.gather [hbm4b:s2+s12], $0x80, s18, s12, $0xb8;
	[tilespmem:$0x5180] =	vst v63  }
0x36d: {  	_ = 	snop  }
0x36e: {  	[tilespmem:s14], [sflag:$0x1] =	stream.indirect.gather [hbm4b:s2+s12], $0x80, s11, s12, $0xb8;
	[tilespmem:$0x5180] =	vst v63  }
0x36f: {  	_ =	swait.ge [sflag:s15], $0x2800  }
0x370: {  	[sflag:s15] =	ssyncset.done $0x0  }
0x371: {  	[sflag:s15] =	ssyncadd.s32 $0xFFFFD800  }
0x372: {  	_ =	swait.ge [sflag:s15], $0x2800  }
0x373: {  	[sflag:s15] =	ssyncset.done $0x0  }
0x374: {  	s21 =	simm.s32 $0x0;
	[sflag:s15] =	ssyncadd.s32 $0xFFFFD800  }
0x375: {  	v0 =	vld [tilespmem:s21+$0x8D0];
	_ =	sdelay $0x4  }
0x376: {  	[tilespmem:$0x1EA20] =	vst v0;
	v0 =	vld [tilespmem:s21+$0x30D0];
	_ =	sdelay $0x4  }
0x377: {  	[tilespmem:$0x1EA30] =	vst v0;
	v0 =	vld [tilespmem:s21+$0x8C0];
	_ =	sdelay $0x4  }
0x378: {  	[tilespmem:$0x1EA40] =	vst v0;
	v0 =	vld [tilespmem:s21+$0x30C0];
	_ =	sdelay $0x4  }
0x379: {  	[tilespmem:$0x1EA50] =	vst v0;
	v0 =	vld [tilespmem:s21+$0x7E0];
	_ =	sdelay $0x4  }
0x37a: {  	[tilespmem:$0x1EA60] =	vst v0;
	v0 =	vld [tilespmem:s21+$0x850];
	_ =	sdelay $0x4  }
0x37b: {  	[tilespmem:$0x1EB40] =	vst v0;
	v0 =	vld [tilespmem:s21+$0x3050];
	_ =	sdelay $0x4  }
0x37c: {  	[tilespmem:$0x1EB50] =	vst v0;
	v0 =	vld [tilespmem:s21+$0x8B0];
	_ =	sdelay $0x4  }
0x37d: {  	[tilespmem:$0x1EB70] =	vst v0;
	v0 =	vld [tilespmem:s21+$0x30B0];
	_ =	sdelay $0x4  }
0x37e: {  	[tilespmem:$0x1EB80] =	vst v0;
	v0 =	vld [tilespmem:s21+$0x6F0];
	_ =	sdelay $0x4  }
0x37f: {  	[tilespmem:$0x1EB60] =	vst v0;
	v0 =	vld [tilespmem:s21+$0x760];
	_ =	sdelay $0x4  }
0x380: {  	[tilespmem:$0x1EBA0] =	vst v0;
	v0 =	vld [tilespmem:s21+$0x2F60];
	_ =	sdelay $0x4  }
0x381: {  	[tilespmem:$0x1EBB0] =	vst v0;
	v0 =	vld [tilespmem:s21+$0x7D0];
	_ =	sdelay $0x4  }
0x382: {  	[tilespmem:$0x1EA70] =	vst v0;
	v0 =	vld [tilespmem:s21+$0x2FD0];
	_ =	sdelay $0x4  }
0x383: {  	[tilespmem:$0x1EA80] =	vst v0;
	v0 =	vld [tilespmem:s21+$0x830];
	_ =	sdelay $0x4  }
0x384: {  	[tilespmem:$0x1EC00] =	vst v0;
	v0 =	vld [tilespmem:s21+$0x890];
	_ =	sdelay $0x4  }
0x385: {  	[tilespmem:$0x1EC10] =	vst v0;
	v0 =	vld [tilespmem:s21+$0x3090];
	_ =	sdelay $0x4  }
0x386: {  	[tilespmem:$0x1EC20] =	vst v0;
	v0 =	vld [tilespmem:s21+$0x5F0];
	_ =	sdelay $0x4  }
0x387: {  	[tilespmem:$0x1EC30] =	vst v0;
	v0 =	vld [tilespmem:s21+$0x2DF0];
	_ =	sdelay $0x4  }
0x388: {  	[tilespmem:$0x1EC40] =	vst v0;
	v0 =	vld [tilespmem:s21+$0x660];
	_ =	sdelay $0x4  }
0x389: {  	[tilespmem:$0x1EA90] =	vst v0;
	v0 =	vld [tilespmem:s21+$0x6D0];
	_ =	sdelay $0x4  }
0x38a: {  	[tilespmem:$0x1EC50] =	vst v0;
	v0 =	vld [tilespmem:s21+$0x2ED0];
	_ =	sdelay $0x4  }
0x38b: {  	[tilespmem:$0x1EC60] =	vst v0;
	v0 =	vld [tilespmem:s21+$0x740];
	_ =	sdelay $0x4  }
0x38c: {  	[tilespmem:$0x1EC70] =	vst v0;
	v0 =	vld [tilespmem:s21+$0x2F40];
	_ =	sdelay $0x4  }
0x38d: {  	[tilespmem:$0x1EC80] =	vst v0;
	v0 =	vld [tilespmem:s21+$0x7B0];
	_ =	sdelay $0x4  }
0x38e: {  	[tilespmem:$0x1EC90] =	vst v0;
	v0 =	vld [tilespmem:s21+$0x2FB0];
	_ =	sdelay $0x4  }
0x38f: {  	[tilespmem:$0x1ECA0] =	vst v0;
	v0 =	vld [tilespmem:s21+$0x5E0];
	_ =	sdelay $0x4  }
0x390: {  	[tilespmem:$0x1ECC0] =	vst v0;
	v0 =	vld [tilespmem:s21+$0x2DE0];
	_ =	sdelay $0x4  }
0x391: {  	[tilespmem:$0x1ECD0] =	vst v0;
	v0 =	vld [tilespmem:s21+$0x650];
	_ =	sdelay $0x4  }
0x392: {  	[tilespmem:$0x1EAA0] =	vst v0;
	v0 =	vld [tilespmem:s21+$0x2E50];
	_ =	sdelay $0x4  }
0x393: {  	[tilespmem:$0x1EAB0] =	vst v0;
	v0 =	vld [tilespmem:s21+$0x730];
	_ =	sdelay $0x4  }
0x394: {  	[tilespmem:$0x1ECE0] =	vst v0;
	v0 =	vld [tilespmem:s21+$0x7A0];
	_ =	sdelay $0x4  }
0x395: {  	[tilespmem:$0x1ECF0] =	vst v0;
	v0 =	vld [tilespmem:s21+$0x2FA0];
	_ =	sdelay $0x4  }
0x396: {  	[tilespmem:$0x1ED00] =	vst v0;
	v0 =	vld [tilespmem:s21+$0x640];
	_ =	sdelay $0x4  }
0x397: {  	[tilespmem:$0x1ED20] =	vst v0;
	v0 =	vld [tilespmem:s21+$0x2E40];
	_ =	sdelay $0x4  }
0x398: {  	[tilespmem:$0x1ED30] =	vst v0;
	v0 =	vld [tilespmem:s21+$0x790];
	_ =	sdelay $0x4  }
0x399: {  	[tilespmem:$0x1ED40] =	vst v0;
	v0 =	vld [tilespmem:s21+$0x4E0];
	_ =	sdelay $0x4  }
0x39a: {  	[tilespmem:$0x1EAC0] =	vst v0;
	v0 =	vld [tilespmem:s21+$0x5C0];
	_ =	sdelay $0x4  }
0x39b: {  	[tilespmem:$0x1ED70] =	vst v0;
	v0 =	vld [tilespmem:s21+$0x2DC0];
	_ =	sdelay $0x4  }
0x39c: {  	[tilespmem:$0x1ED80] =	vst v0;
	v0 =	vld [tilespmem:s21+$0x630];
	_ =	sdelay $0x4  }
0x39d: {  	[tilespmem:$0x1EDC0] =	vst v0;
	v0 =	vld [tilespmem:s21+$0x2E30];
	_ =	sdelay $0x4  }
0x39e: {  	[tilespmem:$0x1EDD0] =	vst v0;
	v0 =	vld [tilespmem:s21+$0x6A0];
	_ =	sdelay $0x4  }
0x39f: {  	[tilespmem:$0x1ED90] =	vst v0;
	v0 =	vld [tilespmem:s21+$0x2EA0];
	_ =	sdelay $0x4  }
0x3a0: {  	[tilespmem:$0x1EDA0] =	vst v0;
	v0 =	vld [tilespmem:s21+$0x3F0];
	_ =	sdelay $0x4  }
0x3a1: {  	[tilespmem:$0x1EDB0] =	vst v0;
	v0 =	vld [tilespmem:s21+$0x460];
	_ =	sdelay $0x4  }
0x3a2: {  	[tilespmem:$0x1EDF0] =	vst v0;
	v0 =	vld [tilespmem:s21+$0x2C60];
	_ =	sdelay $0x4  }
0x3a3: {  	[tilespmem:$0x1EE00] =	vst v0;
	v0 =	vld [tilespmem:s21+$0x4D0];
	_ =	sdelay $0x4  }
0x3a4: {  	[tilespmem:$0x1EAD0] =	vst v0;
	v0 =	vld [tilespmem:s21+$0x2CD0];
	_ =	sdelay $0x4  }
0x3a5: {  	[tilespmem:$0x1EAE0] =	vst v0;
	v0 =	vld [tilespmem:s21+$0x540];
	_ =	sdelay $0x4  }
0x3a6: {  	[tilespmem:$0x1EE10] =	vst v0;
	v0 =	vld [tilespmem:s21+$0x2D40];
	_ =	sdelay $0x4  }
0x3a7: {  	[tilespmem:$0x1EE20] =	vst v0;
	v0 =	vld [tilespmem:s21+$0x5B0];
	_ =	sdelay $0x4  }
0x3a8: {  	[tilespmem:$0x1EE40] =	vst v0;
	v0 =	vld [tilespmem:s21+$0x2DB0];
	_ =	sdelay $0x4  }
0x3a9: {  	[tilespmem:$0x1EE50] =	vst v0;
	v0 =	vld [tilespmem:s21+$0x620];
	_ =	sdelay $0x4  }
0x3aa: {  	[tilespmem:$0x1EE60] =	vst v0;
	v0 =	vld [tilespmem:s21+$0x2E20];
	_ =	sdelay $0x4  }
0x3ab: {  	[tilespmem:$0x1EE70] =	vst v0;
	v0 =	vld [tilespmem:s21+$0x3E0];
	_ =	sdelay $0x4  }
0x3ac: {  	[tilespmem:$0x1EE90] =	vst v0;
	v0 =	vld [tilespmem:s21+$0x2BE0];
	_ =	sdelay $0x4  }
0x3ad: {  	[tilespmem:$0x1EEA0] =	vst v0;
	v0 =	vld [tilespmem:s21+$0x450];
	_ =	sdelay $0x4  }
0x3ae: {  	[tilespmem:$0x1EEB0] =	vst v0;
	v0 =	vld [tilespmem:s21+$0x2C50];
	_ =	sdelay $0x4  }
0x3af: {  	[tilespmem:$0x1EEC0] =	vst v0;
	v0 =	vld [tilespmem:s21+$0x4C0];
	_ =	sdelay $0x4  }
0x3b0: {  	[tilespmem:$0x1EEF0] =	vst v0;
	v0 =	vld [tilespmem:s21+$0x2CC0];
	_ =	sdelay $0x4  }
0x3b1: {  	[tilespmem:$0x1EF00] =	vst v0;
	v0 =	vld [tilespmem:s21+$0x530];
	_ =	sdelay $0x4  }
0x3b2: {  	[tilespmem:$0x1EF20] =	vst v0;
	v0 =	vld [tilespmem:s21+$0x2D30];
	_ =	sdelay $0x4  }
0x3b3: {  	[tilespmem:$0x1EF30] =	vst v0;
	v0 =	vld [tilespmem:s21+$0x5A0];
	_ =	sdelay $0x4  }
0x3b4: {  	[tilespmem:$0x1EED0] =	vst v0;
	v0 =	vld [tilespmem:s21+$0x2DA0];
	_ =	sdelay $0x4  }
0x3b5: {  	[tilespmem:$0x1EEE0] =	vst v0;
	v0 =	vld [tilespmem:s21+$0x610];
	_ =	sdelay $0x4  }
0x3b6: {  	[tilespmem:$0x1EF40] =	vst v0;
	v0 =	vld [tilespmem:s21+$0x2E10];
	_ =	sdelay $0x4  }
0x3b7: {  	[tilespmem:$0x1EF50] =	vst v0;
	v0 =	vld [tilespmem:s21+$0x2F0];
	_ =	sdelay $0x4  }
0x3b8: {  	[tilespmem:$0x1EF60] =	vst v0;
	v0 =	vld [tilespmem:s21+$0x2AF0];
	_ =	sdelay $0x4  }
0x3b9: {  	[tilespmem:$0x1EF70] =	vst v0;
	v0 =	vld [tilespmem:s21+$0x360];
	_ =	sdelay $0x4  }
0x3ba: {  	[tilespmem:$0x1EAF0] =	vst v0;
	v0 =	vld [tilespmem:s21+$0x3D0];
	_ =	sdelay $0x4  }
0x3bb: {  	[tilespmem:$0x1EF80] =	vst v0;
	v0 =	vld [tilespmem:s21+$0x2BD0];
	_ =	sdelay $0x4  }
0x3bc: {  	[tilespmem:$0x1EF90] =	vst v0;
	v0 =	vld [tilespmem:s21+$0x440];
	_ =	sdelay $0x4  }
0x3bd: {  	[tilespmem:$0x1EFA0] =	vst v0;
	v0 =	vld [tilespmem:s21+$0x2C40];
	_ =	sdelay $0x4  }
0x3be: {  	[tilespmem:$0x1EFB0] =	vst v0;
	v0 =	vld [tilespmem:s21+$0x4B0];
	_ =	sdelay $0x4  }
0x3bf: {  	[tilespmem:$0x1F020] =	vst v0;
	v0 =	vld [tilespmem:s21+$0x2CB0];
	_ =	sdelay $0x4  }
0x3c0: {  	[tilespmem:$0x1F030] =	vst v0;
	v0 =	vld [tilespmem:s21+$0x520];
	_ =	sdelay $0x4  }
0x3c1: {  	[tilespmem:$0x1EFE0] =	vst v0;
	v0 =	vld [tilespmem:s21+$0x2D20];
	_ =	sdelay $0x4  }
0x3c2: {  	[tilespmem:$0x1EFF0] =	vst v0;
	v0 =	vld [tilespmem:s21+$0x600];
	_ =	sdelay $0x4  }
0x3c3: {  	[tilespmem:$0x1EFC0] =	vst v0;
	v0 =	vld [tilespmem:s21+$0x2E00];
	_ =	sdelay $0x4  }
0x3c4: {  	[tilespmem:$0x1EFD0] =	vst v0;
	v0 =	vld [tilespmem:s21+$0x270];
	_ =	sdelay $0x4  }
0x3c5: {  	[tilespmem:$0x1F000] =	vst v0;
	v0 =	vld [tilespmem:s21+$0x2A70];
	_ =	sdelay $0x4  }
0x3c6: {  	[tilespmem:$0x1F010] =	vst v0;
	v0 =	vld [tilespmem:s21+$0x2E0];
	_ =	sdelay $0x4  }
0x3c7: {  	[tilespmem:$0x1F040] =	vst v0;
	v0 =	vld [tilespmem:s21+$0x2AE0];
	_ =	sdelay $0x4  }
0x3c8: {  	[tilespmem:$0x1F050] =	vst v0;
	v0 =	vld [tilespmem:s21+$0x350];
	_ =	sdelay $0x4  }
0x3c9: {  	[tilespmem:$0x1EB00] =	vst v0;
	v0 =	vld [tilespmem:s21+$0x2B50];
	_ =	sdelay $0x4  }
0x3ca: {  	[tilespmem:$0x1EB10] =	vst v0;
	v0 =	vld [tilespmem:s21+$0x3C0];
	_ =	sdelay $0x4  }
0x3cb: {  	[tilespmem:$0x1F060] =	vst v0;
	v0 =	vld [tilespmem:s21+$0x2BC0];
	_ =	sdelay $0x4  }
0x3cc: {  	[tilespmem:$0x1F070] =	vst v0;
	v0 =	vld [tilespmem:s21+$0x430];
	_ =	sdelay $0x4  }
0x3cd: {  	[tilespmem:$0x1F080] =	vst v0;
	v0 =	vld [tilespmem:s21+$0x2C30];
	_ =	sdelay $0x4  }
0x3ce: {  	[tilespmem:$0x1F090] =	vst v0;
	v0 =	vld [tilespmem:s21+$0x4A0];
	_ =	sdelay $0x4  }
0x3cf: {  	[tilespmem:$0x1F0A0] =	vst v0;
	v0 =	vld [tilespmem:s21+$0x2CA0];
	_ =	sdelay $0x4  }
0x3d0: {  	[tilespmem:$0x1F0B0] =	vst v0;
	v0 =	vld [tilespmem:s21+$0x170];
	_ =	sdelay $0x4  }
0x3d1: {  	[tilespmem:$0x1F0C0] =	vst v0;
	v0 =	vld [tilespmem:s21+$0x2970];
	_ =	sdelay $0x4  }
0x3d2: {  	[tilespmem:$0x1F0D0] =	vst v0;
	v0 =	vld [tilespmem:s21+$0x260];
	_ =	sdelay $0x4  }
0x3d3: {  	[tilespmem:$0x1F100] =	vst v0;
	v0 =	vld [tilespmem:s21+$0x2A60];
	_ =	sdelay $0x1  }
0x3d4: {  	v2 =	vld [tilespmem:s21+$0x870]  }
0x3d5: {  	v4 =	vld [tilespmem:s21+$0x3070]  }
0x3d6: {  	v1 =	vld [tilespmem:s21+$0x860]  }
0x3d7: {  	[tilespmem:$0x1F110] =	vst v0;
	v0 =	vld [tilespmem:s21+$0x2D0]  }
0x3d8: {  	v6 =	vld [tilespmem:s21+$0x3060]  }
0x3d9: {  	v30 =	vld [tilespmem:s21+$0x770]  }
0x3da: {  	v59 =	vld [tilespmem:s21+$0x2F70]  }
0x3db: {  	v50 =	vld [tilespmem:s21+$0x2EF0]  }
0x3dc: {  	[tilespmem:$0x1F120] =	vst v0;
	v0 =	vld [tilespmem:s21+$0x2AD0]  }
0x3dd: {  	v53 =	vld [tilespmem:s21+$0x840]  }
0x3de: {  	v42 =	vld [tilespmem:s21+$0x3040]  }
0x3df: {  	v60 =	vld [tilespmem:s21+$0x8A0]  }
0x3e0: {  	v45 =	vld [tilespmem:s21+$0x30A0]  }
0x3e1: {  	[tilespmem:$0x1F130] =	vst v0;
	v0 =	vld [tilespmem:s21+$0x340]  }
0x3e2: {  	v3 =	vld [tilespmem:s21+$0x6E0]  }
0x3e3: {  	v48 =	vld [tilespmem:s21+$0x2EE0]  }
0x3e4: {  	v46 =	vld [tilespmem:s21+$0x750]  }
0x3e5: {  	v39 =	vld [tilespmem:s21+$0x2F50]  }
0x3e6: {  	[tilespmem:$0x1EB20] =	vst v0;
	v0 =	vld [tilespmem:s21+$0x2B40]  }
0x3e7: {  	v51 =	vld [tilespmem:s21+$0x7C0]  }
0x3e8: {  	v40 =	vld [tilespmem:s21+$0x2FC0]  }
0x3e9: {  	v8 =	vld [tilespmem:s21+$0x800]  }
0x3ea: {  	v7 =	vld [tilespmem:s21+$0x3000]  }
0x3eb: {  	[tilespmem:$0x1EB30] =	vst v0;
	v0 =	vld [tilespmem:s21+$0x3B0]  }
0x3ec: {  	v22 =	vld [tilespmem:s21+$0x3030]  }
0x3ed: {  	v27 =	vld [tilespmem:s21+$0x820]  }
0x3ee: {  	v26 =	vld [tilespmem:s21+$0x3020]  }
0x3ef: {  	v25 =	vld [tilespmem:s21+$0x880]  }
0x3f0: {  	v7 =	vmul.f32 v7, v8;
	v8 =	vmul.f32 v45, v60;
	[tilespmem:$0x1F150] =	vst v0;
	v0 =	vld [tilespmem:s21+$0x2BB0]  }
0x3f1: {  	v24 =	vld [tilespmem:s21+$0x3080]  }
0x3f2: {  	[tilespmem:$0x1EBD0] =	vst v8;
	v8 =	vld [tilespmem:s21+$0x2B30]  }
0x3f3: {  	v47 =	vld [tilespmem:s21+$0x570]  }
0x3f4: {  	v29 =	vld [tilespmem:s21+$0x2D70]  }
0x3f5: {  	[tilespmem:$0x1F160] =	vst v0;
	v0 =	vld [tilespmem:s21+$0x420]  }
0x3f6: {  	v41 =	vld [tilespmem:s21+$0x6C0]  }
0x3f7: {  	[tilespmem:$0x1EBE0] =	vst v8;
	v8 =	vmul.f32 v48, v3;
	v3 =	vld [tilespmem:s21+$0x3A0]  }
0x3f8: {  	v37 =	vld [tilespmem:s21+$0x2EC0]  }
0x3f9: {  	v49 =	vld [tilespmem:s21+$0x2F30]  }
0x3fa: {  	[tilespmem:$0x1F0E0] =	vst v0;
	v0 =	vld [tilespmem:s21+$0x2C20]  }
0x3fb: {  	v17 =	vld [tilespmem:s21+$0x810]  }
0x3fc: {  	v16 =	vld [tilespmem:s21+$0x3010];
	[tilespmem:$0x1F140] =	vst v3;
	v3 =	vmul.f32 v40, v51  }
0x3fd: {  	v52 =	vld [tilespmem:s21+$0x5D0]  }
0x3fe: {  	[tilespmem:$0x1EBF0] =	vst v3;
	v3 =	vld [tilespmem:$0x1EC00]  }
0x3ff: {  	[tilespmem:$0x1F0F0] =	vst v0;
	v0 =	vld [tilespmem:s21+$0x490]  }
0x400: {  	v44 =	vld [tilespmem:s21+$0x2DD0]  }
0x401: {  	v57 =	vld [tilespmem:s21+$0x6B0]  }
0x402: {  	v54 =	vld [tilespmem:s21+$0x2EB0]  }
0x403: {  	v45 =	vmul.f32 v39, v46;
	v39 =	vmul.f32 v22, v3;
	v3 =	vld [tilespmem:$0x1EC10]  }
0x404: {  	[tilespmem:$0x1F170] =	vst v0;
	v0 =	vld [tilespmem:s21+$0x2C90]  }
0x405: {  	v22 =	vld [tilespmem:$0x1EC20]  }
0x406: {  	v61 =	vld [tilespmem:s21+$0x720]  }
0x407: {  	v38 =	vld [tilespmem:s21+$0x2F20]  }
0x408: {  	v55 =	vld [tilespmem:s21+$0x470];
	v16 =	vmul.f32 v16, v17;
	v7 =	vadd.f32 $0.0e+00, v7  }
0x409: {  	[tilespmem:$0x1F180] =	vst v0;
	v0 =	vld [tilespmem:s21+$0x160]  }
0x40a: {  	v7 =	vadd.f32 v16, v7;
	v16 =	vmul.f32 v26, v27;
	v26 =	vmul.f32 v22, v3;
	v3 =	vld [tilespmem:$0x1EC30]  }
0x40b: {  	v22 =	vld [tilespmem:$0x1EC40]  }
0x40c: {  	v18 =	vld [tilespmem:s21+$0x710]  }
0x40d: {  	v15 =	vld [tilespmem:s21+$0x2F10]  }
0x40e: {  	[tilespmem:$0x1F190] =	vst v0;
	v0 =	vld [tilespmem:s21+$0x2960]  }
0x40f: {  	v32 =	vld [tilespmem:s21+$0x780]  }
0x410: {  	v22 =	vmul.f32 v22, v3;
	v3 =	vld [tilespmem:$0x1EC50]  }
0x411: {  	v17 =	vmul.f32 v24, v25;
	v24 =	vld [tilespmem:$0x1EC60]  }
0x412: {  	v28 =	vld [tilespmem:s21+$0x2F80]  }
0x413: {  	[tilespmem:$0x1F1A0] =	vst v0;
	v0 =	vld [tilespmem:s21+$0x250]  }
0x414: {  	v56 =	vld [tilespmem:s21+$0x2BF0]  }
0x415: {  	v27 =	vadd.f32 $0.0e+00, v17;
	v17 =	vld [tilespmem:$0x1EC70]  }
0x416: {  	v3 =	vmul.f32 v24, v3;
	v24 =	vld [tilespmem:$0x1EC80]  }
0x417: {  	v63 =	vld [tilespmem:s21+$0x700]  }
0x418: {  	[tilespmem:$0x1F1B0] =	vst v0;
	v0 =	vld [tilespmem:s21+$0x2A50]  }
0x419: {  	v5 =	vld [tilespmem:s21+$0x2F00]  }
0x41a: {  	v2 =	vmul.f32 v4, v2;
	v4 =	vld [tilespmem:$0x1EB50]  }
0x41b: {  	v46 =	vmul.f32 v24, v17;
	v17 =	vld [tilespmem:$0x1EC90]  }
0x41c: {  	v24 =	vld [tilespmem:$0x1ECA0]  }
0x41d: {  	[tilespmem:$0x1F1C0] =	vst v0;
	v0 =	vld [tilespmem:$0x1EB40]  }
0x41e: {  	v21 =	vld [tilespmem:s21+$0x690];
	v7 =	vadd.f32 v16, v7  }
0x41f: {  	v62 =	vld [tilespmem:s21+$0x2E90]  }
0x420: {  	v12 =	vld [tilespmem:s21+$0x680];
	v53 =	vmul.f32 v42, v53;
	v7 =	vadd.f32 v39, v7  }
0x421: {  	v5 =	vmul.f32 v5, v63;
	v63 =	vadd.f32 v26, v27;
	v17 =	vmul.f32 v24, v17;
	v27 =	vld [tilespmem:$0x1ECF0]  }
0x422: {  	v7 =	vadd.f32 v53, v7;
	v24 =	vmul.f32 v29, v47;
	v29 =	vld [tilespmem:$0x1ED00];
	v0 =	vmul.f32 v4, v0  }
0x423: {  	v11 =	vld [tilespmem:s21+$0x2E80]  }
0x424: {  	v1 =	vmul.f32 v6, v1;
	v16 =	vld [tilespmem:$0x1ECC0];
	v0 =	vadd.f32 v0, v7  }
0x425: {  	v4 =	vld [tilespmem:s21+$0x2C0]  }
0x426: {  	v0 =	vadd.f32 v1, v0;
	v1 =	vld [tilespmem:s21+$0x2B20]  }
0x427: {  	[tilespmem:$0x1ECB0] =	vst v17;
	v17 =	vld [tilespmem:$0x1ECD0];
	v27 =	vmul.f32 v29, v27  }
0x428: {  	v6 =	vmul.f32 v59, v30;
	v15 =	vmul.f32 v15, v18;
	v5 =	vadd.f32 $0.0e+00, v5;
	v30 =	vld [tilespmem:$0x1EB80]  }
0x429: {  	[tilespmem:$0x1ED10] =	vst v27;
	v27 =	vld [tilespmem:$0x1ED20];
	v7 =	vmul.f32 v11, v12  }
0x42a: {  	v5 =	vadd.f32 v15, v5;
	[tilespmem:$0x1F1D0] =	vst v4;
	v4 =	vld [tilespmem:$0x1EB60]  }
0x42b: {  	v15 =	vmul.f32 v38, v61;
	v29 =	vld [tilespmem:$0x1ED30];
	v7 =	vadd.f32 $0.0e+00, v7;
	[tilespmem:$0x1ED60] =	vst v1;
	v1 =	vmul.f32 v62, v21  }
0x42c: {  	v26 =	vmul.f32 v17, v16;
	v16 =	vmul.f32 v37, v41;
	v17 =	vld [tilespmem:$0x1ECE0]  }
0x42d: {  	v41 =	vmul.f32 v44, v52;
	v44 =	vadd.f32 v2, v0;
	v0 =	vadd.f32 v1, v7;
	v7 =	vld [tilespmem:$0x1EDB0]  }
0x42e: {  	v5 =	vadd.f32 v15, v5;
	v15 =	vld [tilespmem:$0x1ED70]  }
0x42f: {  	v50 =	vmul.f32 v50, v4;
	v4 =	vld [tilespmem:$0x1EB70]  }
0x430: {  	v61 =	vmul.f32 v29, v27;
	v27 =	vld [tilespmem:$0x1EDD0]  }
0x431: {  	v21 =	vld [tilespmem:$0x1ED80]  }
0x432: {  	v39 =	vmul.f32 v56, v7;
	v7 =	vld [tilespmem:$0x1EDC0]  }
0x433: {  	v43 =	vld [tilespmem:s21+$0x2C70]  }
0x434: {  	v2 =	vld [tilespmem:$0x1EDA0];
	v4 =	vmul.f32 v30, v4  }
0x435: {  	v1 =	vld [tilespmem:$0x1ED90]  }
0x436: {  	v18 =	vmul.f32 v49, v17;
	v21 =	vmul.f32 v21, v15;
	[tilespmem:$0x1EB90] =	vst v4;
	v4 =	vld [tilespmem:s21+$0x2AC0]  }
0x437: {  	v10 =	vld [tilespmem:s21+$0x580];
	v15 =	vmul.f32 v28, v32;
	v7 =	vmul.f32 v27, v7  }
0x438: {  	v27 =	vld [tilespmem:$0x1EE00]  }
0x439: {  	v5 =	vadd.f32 v18, v5;
	[tilespmem:$0x1EDE0] =	vst v7;
	v7 =	vadd.f32 $0.0e+00, v15;
	v15 =	vld [tilespmem:$0x1EDF0]  }
0x43a: {  	v30 =	vld [tilespmem:$0x1EBB0]  }
0x43b: {  	v1 =	vmul.f32 v2, v1;
	v2 =	vadd.f32 v46, v5;
	[tilespmem:$0x1F1E0] =	vst v4;
	v4 =	vld [tilespmem:$0x1EBA0]  }
0x43c: {  	v9 =	vld [tilespmem:s21+$0x2D80]  }
0x43d: {  	v0 =	vadd.f32 v1, v0;
	v1 =	vadd.f32 v45, v2;
	v2 =	vld [tilespmem:$0x1EE10]  }
0x43e: {  	v57 =	vmul.f32 v54, v57;
	v54 =	vmul.f32 v27, v15;
	v15 =	vld [tilespmem:$0x1EE20];
	_ =	sdelay $0x1  }
0x43f: {  	v58 =	vld [tilespmem:s21+$0x2F90];
	v4 =	vmul.f32 v30, v4  }
0x440: {  	v11 =	vld [tilespmem:$0x1ED40]  }
0x441: {  	v49 =	vmul.f32 v43, v55;
	v1 =	vadd.f32 v4, v1;
	v4 =	vld [tilespmem:$0x1EE60]  }
0x442: {  	v43 =	vmul.f32 v15, v2;
	v2 =	vmul.f32 v9, v10;
	v10 =	vld [tilespmem:$0x1EE70];
	_ =	sdelay $0x4  }
0x443: {  	v20 =	vld [tilespmem:s21+$0x590];
	v11 =	vmul.f32 v58, v11;
	v4 =	vmul.f32 v10, v4  }
0x444: {  	v10 =	vld [tilespmem:$0x1EEA0]  }
0x445: {  	v7 =	vadd.f32 v11, v7;
	[tilespmem:$0x1EE80] =	vst v4;
	v4 =	vld [tilespmem:$0x1EE90]  }
0x446: {  	v19 =	vld [tilespmem:s21+$0x2D90]  }
0x447: {  	[tilespmem:$0x1EE30] =	vst v7;
	v7 =	vld [tilespmem:$0x1EE40]  }
0x448: {  	v9 =	vld [tilespmem:$0x1EE50]  }
0x449: {  	v0 =	vadd.f32 v57, v0;
	v57 =	vadd.f32 v6, v1;
	v1 =	vld [tilespmem:$0x1EEB0]  }
0x44a: {  	v52 =	vmul.f32 v10, v4;
	v4 =	vld [tilespmem:$0x1EEC0];
	_ =	sdelay $0x2  }
0x44b: {  	v2 =	vadd.f32 $0.0e+00, v2;
	v7 =	vmul.f32 v9, v7;
	v9 =	vmul.f32 v19, v20;
	_ =	sdelay $0x1  }
0x44c: {  	v32 =	vmul.f32 v4, v1;
	v1 =	vadd.f32 v9, v2;
	v2 =	vld [tilespmem:$0x1EED0]  }
0x44d: {  	v4 =	vld [tilespmem:$0x1EEE0];
	_ =	sdelay $0x3  }
0x44e: {  	v0 =	vadd.f32 v16, v0  }
0x44f: {  	v2 =	vmul.f32 v4, v2  }
0x450: {  	v0 =	vadd.f32 v3, v0;
	v3 =	vld [tilespmem:$0x1EF50]  }
0x451: {  	v1 =	vadd.f32 v2, v1;
	v2 =	vld [tilespmem:$0x1EF40];
	_ =	sdelay $0x1  }
0x452: {  	v6 =	vld [tilespmem:$0x1EF00]  }
0x453: {  	v4 =	vld [tilespmem:$0x1EEF0];
	_ =	sdelay $0x1  }
0x454: {  	v10 =	vmul.f32 v3, v2;
	v2 =	vld [tilespmem:$0x1EF60]  }
0x455: {  	v3 =	vld [tilespmem:$0x1EF70];
	_ =	sdelay $0x1  }
0x456: {  	v4 =	vmul.f32 v6, v4  }
0x457: {  	v6 =	vld [tilespmem:$0x1EF30]  }
0x458: {  	[tilespmem:$0x1EF10] =	vst v4;
	v4 =	vld [tilespmem:$0x1EF20]  }
0x459: {  	v37 =	vmul.f32 v3, v2;
	v2 =	vld [tilespmem:$0x1EF80]  }
0x45a: {  	v3 =	vld [tilespmem:$0x1EF90];
	_ =	sdelay $0x1  }
0x45b: {  	v14 =	vld [tilespmem:s21+$0x500]  }
0x45c: {  	v13 =	vld [tilespmem:s21+$0x2D00]  }
0x45d: {  	v4 =	vmul.f32 v6, v4;
	v6 =	vld [tilespmem:$0x1EFB0]  }
0x45e: {  	v27 =	vmul.f32 v3, v2;
	v3 =	vld [tilespmem:$0x1EFA0];
	_ =	sdelay $0x1  }
0x45f: {  	v31 =	vld [tilespmem:s21+$0x510]  }
0x460: {  	v23 =	vld [tilespmem:s21+$0x2D10];
	_ =	sdelay $0x1  }
0x461: {  	v9 =	vmul.f32 v13, v14;
	v14 =	vmul.f32 v6, v3;
	v3 =	vld [tilespmem:$0x1EFC0]  }
0x462: {  	v6 =	vld [tilespmem:$0x1EFD0];
	_ =	sdelay $0x1  }
0x463: {  	v1 =	vadd.f32 v7, v1;
	v7 =	vadd.f32 $0.0e+00, v9;
	v2 =	vmul.f32 v23, v31;
	_ =	sdelay $0x1  }
0x464: {  	v7 =	vadd.f32 v2, v7;
	v2 =	vld [tilespmem:$0x1EFE0]  }
0x465: {  	v11 =	vmul.f32 v6, v3;
	v3 =	vld [tilespmem:$0x1EFF0];
	_ =	sdelay $0x3  }
0x466: {  	v19 =	vadd.f32 v21, v1;
	v1 =	vld [tilespmem:$0x1F000]  }
0x467: {  	v16 =	vmul.f32 v3, v2;
	v3 =	vld [tilespmem:$0x1F010];
	_ =	sdelay $0x2  }
0x468: {  	v35 =	vld [tilespmem:s21+$0x560]  }
0x469: {  	v33 =	vld [tilespmem:s21+$0x2D60]  }
0x46a: {  	v38 =	vmul.f32 v3, v1;
	v1 =	vld [tilespmem:$0x1F020]  }
0x46b: {  	v3 =	vld [tilespmem:$0x1F030];
	_ =	sdelay $0x4  }
0x46c: {  	v17 =	vmul.f32 v33, v35;
	v35 =	vmul.f32 v3, v1;
	v1 =	vld [tilespmem:$0x1F040]  }
0x46d: {  	v3 =	vld [tilespmem:$0x1F050]  }
0x46e: {  	v36 =	vld [tilespmem:s21+$0x550]  }
0x46f: {  	v34 =	vld [tilespmem:s21+$0x2D50]  }
0x470: {  	v12 =	vld [tilespmem:s21+$0x320]  }
0x471: {  	v6 =	vld [tilespmem:$0x1F070]  }
0x472: {  	v1 =	vmul.f32 v3, v1;
	v3 =	vld [tilespmem:$0x1F060];
	_ =	sdelay $0x2  }
0x473: {  	[tilespmem:$0x1ED50] =	vst v12;
	v12 =	vmul.f32 v34, v36;
	v36 =	vld [tilespmem:s21+$0x2C00]  }
0x474: {  	v5 =	vld [tilespmem:s21+$0x400]  }
0x475: {  	v21 =	vmul.f32 v6, v3;
	v3 =	vld [tilespmem:$0x1F080]  }
0x476: {  	v6 =	vld [tilespmem:$0x1F090]  }
0x477: {  	v25 =	vld [tilespmem:s21+$0x410]  }
0x478: {  	v40 =	vld [tilespmem:s21+$0x2C10]  }
0x479: {  	v0 =	vadd.f32 v8, v0;
	v8 =	vld [tilespmem:s21+$0x380];
	v20 =	vadd.f32 $0.0e+00, v11  }
0x47a: {  	v9 =	vld [tilespmem:s21+$0x2B80];
	v19 =	vadd.f32 v41, v19  }
0x47b: {  	v5 =	vmul.f32 v36, v5;
	v36 =	vadd.f32 v10, v20;
	v10 =	vmul.f32 v6, v3;
	v3 =	vld [tilespmem:$0x1F0A0]  }
0x47c: {  	v6 =	vadd.f32 v26, v19;
	v19 =	vld [tilespmem:$0x1F0B0];
	_ =	sdelay $0x2  }
0x47d: {  	v16 =	vadd.f32 v16, v7  }
0x47e: {  	v9 =	vmul.f32 v9, v8;
	v8 =	vadd.f32 v22, v6;
	v6 =	vld [tilespmem:$0x1F0D0]  }
0x47f: {  	v4 =	vadd.f32 v4, v16;
	v16 =	vmul.f32 v40, v25;
	v40 =	vmul.f32 v19, v3;
	v3 =	vld [tilespmem:$0x1F0C0]  }
0x480: {  	v59 =	vld [tilespmem:s21+$0x2BA0]  }
0x481: {  	v42 =	vld [tilespmem:s21+$0x2C80]  }
0x482: {  	v60 =	vld [tilespmem:s21+$0x140]  }
0x483: {  	v48 =	vld [tilespmem:s21+$0x2950]  }
0x484: {  	v41 =	vmul.f32 v6, v3;
	v3 =	vld [tilespmem:$0x1F0E0]  }
0x485: {  	v6 =	vld [tilespmem:$0x1F0F0]  }
0x486: {  	v51 =	vld [tilespmem:s21+$0x150]  }
0x487: {  	v53 =	vld [tilespmem:s21+$0x2B0];
	v4 =	vadd.f32 v43, v4  }
0x488: {  	v47 =	vld [tilespmem:s21+$0x240]  }
0x489: {  	v12 =	vadd.f32 v12, v4;
	v4 =	vld [tilespmem:$0x1F110]  }
0x48a: {  	v6 =	vmul.f32 v6, v3;
	v3 =	vld [tilespmem:$0x1F100]  }
0x48b: {  	v33 =	vld [tilespmem:s21+$0x2A40]  }
0x48c: {  	v55 =	vld [tilespmem:s21+$0x230]  }
0x48d: {  	v18 =	vld [tilespmem:s21+$0x390]  }
0x48e: {  	v19 =	vadd.f32 $0.0e+00, v9;
	v9 =	vld [tilespmem:$0x1F130]  }
0x48f: {  	v4 =	vmul.f32 v4, v3;
	v3 =	vld [tilespmem:$0x1F120]  }
0x490: {  	v29 =	vld [tilespmem:s21+$0x2AB0]  }
0x491: {  	v28 =	vld [tilespmem:s21+$0x2B90]  }
0x492: {  	v34 =	vld [tilespmem:s21+$0x2940]  }
0x493: {  	v58 =	vld [tilespmem:s21+$0x2A0]  }
0x494: {  	v5 =	vadd.f32 $0.0e+00, v5;
	v9 =	vmul.f32 v9, v3;
	v3 =	vld [tilespmem:$0x1F140]  }
0x495: {  	v62 =	vld [tilespmem:s21+$0x2AA0]  }
0x496: {  	v56 =	vld [tilespmem:s21+$0x2A30];
	v18 =	vmul.f32 v28, v18;
	v5 =	vadd.f32 v16, v5  }
0x497: {  	v46 =	vld [tilespmem:s21+$0x2A00]  }
0x498: {  	v5 =	vadd.f32 v6, v5;
	v6 =	vadd.f32 v18, v19;
	v19 =	vld [tilespmem:$0x1F160]  }
0x499: {  	v18 =	vmul.f32 v59, v3;
	v3 =	vld [tilespmem:$0x1F150]  }
0x49a: {  	v45 =	vld [tilespmem:s21+$0x2B10]  }
0x49b: {  	v30 =	vld [tilespmem:s21+$0x330]  }
0x49c: {  	v28 =	vld [tilespmem:s21+$0x210]  }
0x49d: {  	v10 =	vadd.f32 v10, v5;
	v5 =	vld [tilespmem:$0x1F180]  }
0x49e: {  	v59 =	vmul.f32 v19, v3;
	v3 =	vld [tilespmem:$0x1F170]  }
0x49f: {  	v50 =	vadd.f32 v50, v0;
	v0 =	vld [tilespmem:s21+$0x130]  }
0x4a0: {  	[tilespmem:$0x1EBC0] =	vst v30;
	v30 =	vld [tilespmem:s21+$0x480]  }
0x4a1: {  	v15 =	vld [tilespmem:s21+$0x310]  }
0x4a2: {  	v13 =	vld [tilespmem:s21+$0x2A90]  }
0x4a3: {  	v6 =	vadd.f32 v18, v6;
	v18 =	vmul.f32 v5, v3;
	v3 =	vld [tilespmem:$0x1F190]  }
0x4a4: {  	v5 =	vld [tilespmem:$0x1F1A0]  }
0x4a5: {  	v31 =	vld [tilespmem:s21+$0x290]  }
0x4a6: {  	v23 =	vld [tilespmem:s21+$0x2920];
	v12 =	vadd.f32 v17, v12  }
0x4a7: {  	v11 =	vld [tilespmem:s21+$0x220]  }
0x4a8: {  	v19 =	vadd.f32 v24, v12;
	v12 =	vadd.f32 v14, v10;
	v10 =	vld [tilespmem:$0x1F1C0]  }
0x4a9: {  	v5 =	vmul.f32 v5, v3;
	v3 =	vld [tilespmem:$0x1F1B0]  }
0x4aa: {  	v20 =	vld [tilespmem:s21+$0x300]  }
0x4ab: {  	v2 =	vld [tilespmem:s21+$0x2930]  }
0x4ac: {  	v7 =	vld [tilespmem:s21+$0x2A20]  }
0x4ad: {  	v17 =	vld [tilespmem:s21+$0x280]  }
0x4ae: {  	v14 =	vmul.f32 v10, v3;
	v3 =	vld [tilespmem:$0x1F1D0]  }
0x4af: {  	v10 =	vld [tilespmem:$0x1F1E0]  }
0x4b0: {  	v22 =	vmul.f32 v42, v30;
	v42 =	vld [tilespmem:s21+$0x200]  }
0x4b1: {  	v30 =	vld [tilespmem:s21+$0x2A80]  }
0x4b2: {  	v25 =	vld [tilespmem:s21+$0x2B00]  }
0x4b3: {  	v16 =	vld [tilespmem:s21+$0x120]  }
0x4b4: {  	v43 =	vld [tilespmem:s21+$0x2A10];
	v24 =	vadd.f32 $0.0e+00, v22;
	v22 =	vmul.f32 v10, v3;
	v3 =	vadd.f32 v59, v6  }
0x4b5: {  	v26 =	vld [tilespmem:s21+$0x2900];
	v42 =	vmul.f32 v46, v42;
	v32 =	vadd.f32 v32, v12;
	v12 =	vmul.f32 v33, v47  }
0x4b6: {  	v33 =	vmul.f32 v30, v17;
	v6 =	vadd.f32 v18, v24;
	v24 =	vld [tilespmem:s21+$0x110];
	v21 =	vadd.f32 v21, v3  }
0x4b7: {  	(xrf2) =	vadd.scan.msk.f32 $0xffff, v44;
	v17 =	vmul.f32 v56, v55;
	v18 =	vmul.f32 v29, v53;
	v59 =	vadd.f32 v54, v32;
	v29 =	vld [tilespmem:s21+$0x100]  }
0x4b8: {  	(xrf2) =	vadd.scan.msk.f32 $0xffff, v57;
	v30 =	vmul.f32 v62, v58;
	v10 =	vmul.f32 v48, v51;
	v47 =	vadd.f32 v27, v21;
	v27 =	vld [tilespmem:s21+$0x2910]  }
0x4b9: {  	s23 =	simm.s32 $0x1;
	s22 =	simm.s32 $0x0;
	(xrf2) =	vadd.scan.msk.f32 $0xffff, v50;
	v48 =	vmul.f32 v13, v31;
	v13 =	vadd.f32 v49, v59;
	v49 =	vadd.f32 $0.0e+00, v33;
	v21 =	vld [tilespmem:s21+$0x180]  }
.LBB2_7:
0x4ba: {  	_ = 	snop  }
0x4bb: {  	v48 =	vadd.f32 v48, v49  }
0x4bc: {  	v31 =	vadd.f32 v52, v47;
	v20 =	vmul.f32 v25, v20  }
0x4bd: {  	v15 =	vmul.f32 v45, v15;
	v25 =	vmul.f32 v26, v29;
	v29 =	vadd.f32 v30, v48  }
0x4be: {  	v30 =	vadd.f32 v39, v31;
	v31 =	vmul.f32 v7, v11;
	v11 =	vadd.f32 $0.0e+00, v20  }
0x4bf: {  	v24 =	vmul.f32 v27, v24;
	v20 =	vadd.f32 $0.0e+00, v25;
	v18 =	vadd.f32 v18, v29  }
0x4c0: {  	(xrf2) =	vadd.scan.msk.f32 $0xffff, v8;
	v42 =	vadd.f32 $0.0e+00, v42;
	v28 =	vmul.f32 v43, v28;
	v27 =	vld [tilespmem:s21+$0x1B0];
	v11 =	vadd.f32 v15, v11  }
0x4c1: {  	v16 =	vmul.f32 v23, v16;
	v3, _, _ =	vpop (xrf2);
	(xrf2) =	vadd.scan.msk.f32 $0xffff, v19;
	v19 =	vld [tilespmem:s21+$0x29B0];
	v15 =	vadd.f32 v24, v20;
	v18 =	vadd.f32 v22, v18  }
0x4c2: {  	v28 =	vadd.f32 v28, v42  }
0x4c3: {  	v44 =	vld [tilespmem:s21+$0x2980];
	v2 =	vmul.f32 v2, v0;
	v15 =	vadd.f32 v16, v15;
	v9 =	vadd.f32 v9, v18  }
0x4c4: {  	v33 =	vld [tilespmem:s21+$0x190];
	v28 =	vadd.f32 v31, v28  }
0x4c5: {  	v26 =	vld [tilespmem:s21+$0x2990];
	v2 =	vadd.f32 v2, v15;
	v15 =	vmul.f32 v34, v60;
	v1 =	vadd.f32 v1, v9  }
0x4c6: {  	v17 =	vadd.f32 v17, v28;
	v9 =	vmul.f32 v19, v27;
	v19 =	vld [tilespmem:$0x1ED60]  }
0x4c7: {  	v2 =	vadd.f32 v15, v2;
	v15 =	vadd.f32 v37, v1;
	v1 =	vld [tilespmem:$0x1ED50]  }
0x4c8: {  	v8 =	vld [tilespmem:s21+$0x1A0]  }
0x4c9: {  	v25 =	vld [tilespmem:s21+$0x29A0];
	v12 =	vadd.f32 v12, v17  }
0x4ca: {  	v21 =	vmul.f32 v44, v21  }
0x4cb: {  	v22 =	vld [tilespmem:s21+$0x1C0];
	v12 =	vadd.f32 v14, v12  }
0x4cc: {  	v20 =	vadd.f32 $0.0e+00, v21;
	v21 =	vmul.f32 v26, v33;
	v16 =	vld [tilespmem:s21+$0x29C0];
	v19 =	vmul.f32 v19, v1  }
0x4cd: {  	v4 =	vadd.f32 v4, v12;
	v12 =	vld [tilespmem:$0x1EBC0]  }
0x4ce: {  	v7, _, _ =	vpop (xrf2);
	(xrf2) =	vadd.scan.msk.f32 $0xffff, v13;
	v13 =	vadd.f32 v21, v20;
	v8 =	vmul.f32 v25, v8;
	v11 =	vadd.f32 v19, v11;
	v19 =	vld [tilespmem:$0x1EBE0]  }
0x4cf: {  	v18 =	vld [tilespmem:s21+$0x1D0]  }
0x4d0: {  	v17 =	vld [tilespmem:s21+$0x29D0];
	v8 =	vadd.f32 v8, v13  }
0x4d1: {  	v13 =	vld [tilespmem:s21+$0x1E0]  }
0x4d2: {  	v14 =	vld [tilespmem:s21+$0x29E0];
	v8 =	vadd.f32 v9, v8  }
0x4d3: {  	v9 =	vmul.f32 v16, v22;
	v16 =	vld [tilespmem:s21+$0x1F0];
	v2 =	vadd.f32 v10, v2;
	v12 =	vmul.f32 v19, v12  }
0x4d4: {  	v10 =	vld [tilespmem:s21+$0x29F0]  }
0x4d5: {  	v2 =	vadd.f32 v5, v2;
	v5 =	vadd.f32 v12, v11;
	v11 =	vld [tilespmem:$0x1EB20]  }
0x4d6: {  	v8 =	vadd.f32 v9, v8;
	v9 =	vmul.f32 v17, v18;
	v12 =	vld [tilespmem:$0x1EB30];
	_ =	sdelay $0x1  }
0x4d7: {  	v8 =	vadd.f32 v9, v8;
	v9 =	vmul.f32 v14, v13  }
0x4d8: {  	v0, _, _ =	vpop (xrf2);
	(xrf2) =	vadd.scan.msk.f32 $0xffff, v30;
	v4 =	vadd.f32 v38, v4  }
0x4d9: {  	v1, _, _ =	vpop (xrf2);
	(xrf2) =	vadd.scan.msk.f32 $0xffff, v15;
	v2 =	vadd.f32 v41, v2;
	v8 =	vadd.f32 v9, v8;
	v9 =	vmul.f32 v10, v16  }
0x4da: {  	v17, _, _ =	vpop (xrf2);
	(xrf2) =	vadd.scan.msk.f32 $0xffff, v4;
	v11 =	vmul.f32 v12, v11  }
0x4db: {  	v14, _, _ =	vpop (xrf2);
	(xrf2) =	vadd.scan.msk.f32 $0xffff, v2;
	v2 =	vadd.f32 v9, v8;
	v8 =	vld [tilespmem:$0x1EF10]  }
0x4dc: {  	v4 =	vadd.f32 v11, v5;
	v5 =	vld [tilespmem:$0x1EB00]  }
0x4dd: {  	v11 =	vld [tilespmem:$0x1EB10]  }
0x4de: {  	v6 =	vadd.f32 v40, v6;
	_ =	sdelay $0x1  }
0x4df: {  	v6 =	vadd.f32 v35, v6  }
0x4e0: {  	v9 =	vld [tilespmem:$0x1EAE0]  }
0x4e1: {  	v6 =	vadd.f32 v8, v6;
	v8 =	vld [tilespmem:$0x1EAD0];
	v5 =	vmul.f32 v11, v5  }
0x4e2: {  	v15 =	vld [tilespmem:s21+$0x2B60]  }
0x4e3: {  	v4 =	vadd.f32 v5, v4;
	v5 =	vld [tilespmem:$0x1EAF0]  }
0x4e4: {  	v13 =	vld [tilespmem:s21+$0x2B70]  }
0x4e5: {  	v12 =	vld [tilespmem:s21+$0x370]  }
0x4e6: {  	v10 =	vld [tilespmem:s21+$0x4F0];
	v8 =	vmul.f32 v9, v8  }
0x4e7: {  	v16 =	vld [tilespmem:$0x1EE80]  }
0x4e8: {  	v6 =	vadd.f32 v8, v6;
	v8 =	vld [tilespmem:$0x1EAC0];
	v5 =	vmul.f32 v15, v5  }
0x4e9: {  	v11 =	vld [tilespmem:s21+$0x2CE0]  }
0x4ea: {  	v4 =	vadd.f32 v5, v4;
	v5 =	vmul.f32 v13, v12;
	v12 =	vld [tilespmem:$0x1EDE0]  }
0x4eb: {  	v19 =	vld [tilespmem:$0x1EE30]  }
0x4ec: {  	v9 =	vld [tilespmem:s21+$0x2E60]  }
0x4ed: {  	v16 =	vadd.f32 v16, v36;
	v15 =	vld [tilespmem:s21+$0x2CF0]  }
0x4ee: {  	v8 =	vmul.f32 v11, v8;
	v11 =	vld [tilespmem:s21+$0x2E70]  }
0x4ef: {  	v18, _, _ =	vpop (xrf2);
	v12 =	vadd.f32 v12, v16;
	v16 =	vld [tilespmem:$0x1ED10]  }
0x4f0: {  	v13 =	vld [tilespmem:s21+$0x670];
	(xrf2) =	vadd.scan.msk.f32 $0xffff, v2  }
0x4f1: {  	v2 =	vadd.f32 v5, v4;
	v5 =	vld [tilespmem:$0x1EAA0]  }
0x4f2: {  	v6 =	vadd.f32 v8, v6;
	v8 =	vmul.f32 v15, v10;
	v10 =	vld [tilespmem:$0x1ECB0]  }
0x4f3: {  	v4 =	vadd.f32 v61, v12;
	v12 =	vld [tilespmem:$0x1EAB0]  }
0x4f4: {  	v16 =	vadd.f32 v16, v19;
	v19, _, _ =	vpop (xrf2);
	(xrf2) =	vadd.scan.msk.f32 $0xffff, v2;
	v2 =	vadd.f32 v8, v6;
	v6 =	vld [tilespmem:$0x1EBF0];
	_ =	sdelay $0x2  }
0x4f5: {  	v10 =	vadd.f32 v10, v16  }
0x4f6: {  	v8 =	vld [tilespmem:$0x1EA70];
	v5 =	vmul.f32 v12, v5  }
0x4f7: {  	v6 =	vadd.f32 v6, v10;
	v10 =	vld [tilespmem:$0x1EA80]  }
0x4f8: {  	v4 =	vadd.f32 v5, v4;
	v5 =	vld [tilespmem:$0x1EA90];
	_ =	sdelay $0x3  }
0x4f9: {  	v12 =	vld [tilespmem:s21+$0x2FE0];
	v8 =	vmul.f32 v10, v8  }
0x4fa: {  	v16 =	vld [tilespmem:$0x1EBD0];
	v5 =	vmul.f32 v9, v5  }
0x4fb: {  	v6 =	vadd.f32 v8, v6;
	v8 =	vld [tilespmem:$0x1EA60]  }
0x4fc: {  	v4 =	vadd.f32 v5, v4;
	v5 =	vmul.f32 v11, v13;
	v11 =	vld [tilespmem:$0x1EA40]  }
0x4fd: {  	v13 =	vld [tilespmem:$0x1EA50]  }
0x4fe: {  	v20, _, _ =	vpop (xrf2);
	(xrf2) =	vadd.scan.msk.f32 $0xffff, v2;
	v2 =	vadd.f32 v5, v4;
	v4 =	vld [tilespmem:$0x1EA20]  }
0x4ff: {  	v5 =	vld [tilespmem:$0x1EA30]  }
0x500: {  	v8 =	vmul.f32 v12, v8;
	v12 =	vld [tilespmem:$0x1EB90]  }
0x501: {  	v15 =	vld [tilespmem:s21+$0x7F0]  }
0x502: {  	v9 =	vld [tilespmem:s21+$0x2FF0]  }
0x503: {  	v16 =	vadd.f32 v16, v63;
	v10 =	vld [tilespmem:s21+$0x8E0]  }
0x504: {  	v11 =	vmul.f32 v13, v11;
	v13 =	vld [tilespmem:s21+$0x30E0]  }
0x505: {  	v4 =	vmul.f32 v5, v4;
	v5 =	vld [tilespmem:s21+$0x30F0];
	v12 =	vadd.f32 v12, v16  }
0x506: {  	v16 =	vld [tilespmem:s21+$0x8F0]  }
0x507: {  	v15 =	vmul.f32 v9, v15;
	v6 =	vadd.f32 v8, v6;
	v9 =	vadd.f32 v11, v12  }
0x508: {  	v21, _, _ =	vpop (xrf2);
	(xrf2) =	vadd.scan.msk.f32 $0xffff, v2  }
0x509: {  	v2 =	vadd.f32 v15, v6;
	v6 =	vmul.f32 v13, v10;
	v8, _, _ =	vpop (xrf2);
	v4 =	vadd.f32 v4, v9  }
0x50a: {  	v11 =	vbroadcast v8, $0xF;
	v9 =	vbroadcast v21, $0xF  }
0x50b: {  	v10 =	vbroadcast v20, $0xF;
	(xrf2) =	vadd.scan.msk.f32 $0xffff, v2;
	v5 =	vmul.f32 v5, v16;
	v4 =	vadd.f32 v6, v4  }
0x50c: {  	v8, _, _ =	vpop (xrf2);
	v2 =	vsel vm0, v9, v11;
	v6 =	vbroadcast v19, $0xF  }
0x50d: {  	v9 =	vbroadcast v8, $0xF;
	v2 =	vsel vm1, v2, v10;
	v4 =	vadd.f32 v5, v4  }
0x50e: {  	v2 =	vsel vm2, v2, v6;
	v5 =	vbroadcast v18, $0xF  }
0x50f: {  	v8, _, _ =	vpop (xrf2);
	v6 =	vbroadcast v14, $0xF;
	v2 =	vsel vm3, v2, v9;
	(xrf2) =	vadd.scan.msk.f32 $0xffff, v4  }
0x510: {  	v8 =	vbroadcast v8, $0xF;
	v2 =	vsel vm4, v2, v5  }
0x511: {  	v5 =	vbroadcast v17, $0xF;
	v2 =	vsel vm5, v2, v6  }
0x512: {  	v1 =	vbroadcast v1, $0xF;
	v2 =	vsel vm6, v2, v8;
	v4, _, _ =	vpop (xrf2)  }
0x513: {  	v2 =	vsel vm7, v2, v5;
	v5 =	vbroadcast v4, $0xF  }
0x514: {  	v0 =	vbroadcast v0, $0xF;
	v1 =	vsel vm8, v2, v1  }
0x515: {  	v4, _, _ =	vpop (xrf2);
	v2 =	vbroadcast v7, $0xF;
	v1 =	vsel vm9, v1, v5  }
0x516: {  	v4 =	vbroadcast v4, $0xF;
	v0 =	vsel vm10, v1, v0  }
0x517: {  	v0 =	vsel vm11, v0, v2;
	v2 =	vbroadcast v3, $0xF  }
0x518: {  	v0 =	vsel vm12, v0, v4  }
0x519: {  	s31 =	sshll.u32 s22, $0x4;
	v0 =	vsel vm13, v0, v2;
	v1, _, _ =	vpop (xrf2)  }
0x51a: {  	s24 =	sand.u32 $0x3FFFFFF0, s31;
	v0 =	vsel vm14, v0, v1  }
0x51b: {  	s21 =	sshll.u32 s23, $0xB;
	[tilespmem:s24+$0x5100] =	vst v0  }
0x51c: {  	v1 =	vld [tilespmem:s21+$0x470];
	_ =	sdelay $0x4  }
0x51d: {  	[tilespmem:$0x1E620] =	vst v1;
	v1 =	vld [tilespmem:s21+$0x2C70];
	_ =	sdelay $0x4  }
0x51e: {  	[tilespmem:$0x1E630] =	vst v1;
	v1 =	vld [tilespmem:s21+$0x4E0];
	_ =	sdelay $0x4  }
0x51f: {  	[tilespmem:$0x1EAC0] =	vst v1;
	v1 =	vld [tilespmem:s21+$0x550];
	_ =	sdelay $0x4  }
0x520: {  	[tilespmem:$0x1E640] =	vst v1;
	v1 =	vld [tilespmem:s21+$0x2D50];
	_ =	sdelay $0x4  }
0x521: {  	[tilespmem:$0x1E650] =	vst v1;
	v1 =	vld [tilespmem:s21+$0x5C0];
	_ =	sdelay $0x4  }
0x522: {  	[tilespmem:$0x1E660] =	vst v1;
	v1 =	vld [tilespmem:s21+$0x2DC0];
	_ =	sdelay $0x4  }
0x523: {  	[tilespmem:$0x1E670] =	vst v1;
	v1 =	vld [tilespmem:s21+$0x630];
	_ =	sdelay $0x4  }
0x524: {  	[tilespmem:$0x1E6B0] =	vst v1;
	v1 =	vld [tilespmem:s21+$0x2E30];
	_ =	sdelay $0x4  }
0x525: {  	[tilespmem:$0x1E6C0] =	vst v1;
	v1 =	vld [tilespmem:s21+$0x6A0];
	_ =	sdelay $0x4  }
0x526: {  	[tilespmem:$0x1E680] =	vst v1;
	v1 =	vld [tilespmem:s21+$0x2EA0];
	_ =	sdelay $0x4  }
0x527: {  	[tilespmem:$0x1E690] =	vst v1;
	v1 =	vld [tilespmem:s21+$0x3F0];
	_ =	sdelay $0x4  }
0x528: {  	[tilespmem:$0x1E6A0] =	vst v1;
	v1 =	vld [tilespmem:s21+$0x460];
	_ =	sdelay $0x4  }
0x529: {  	[tilespmem:$0x1E6D0] =	vst v1;
	v1 =	vld [tilespmem:s21+$0x2C60];
	_ =	sdelay $0x4  }
0x52a: {  	[tilespmem:$0x1E6E0] =	vst v1;
	v1 =	vld [tilespmem:s21+$0x4D0];
	_ =	sdelay $0x4  }
0x52b: {  	[tilespmem:$0x1EAD0] =	vst v1;
	v1 =	vld [tilespmem:s21+$0x2CD0];
	_ =	sdelay $0x4  }
0x52c: {  	[tilespmem:$0x1EAE0] =	vst v1;
	v1 =	vld [tilespmem:s21+$0x540];
	_ =	sdelay $0x4  }
0x52d: {  	[tilespmem:$0x1E6F0] =	vst v1;
	v1 =	vld [tilespmem:s21+$0x2D40];
	_ =	sdelay $0x4  }
0x52e: {  	[tilespmem:$0x1E700] =	vst v1;
	v1 =	vld [tilespmem:s21+$0x5B0];
	_ =	sdelay $0x4  }
0x52f: {  	[tilespmem:$0x1E710] =	vst v1;
	v1 =	vld [tilespmem:s21+$0x2DB0];
	_ =	sdelay $0x4  }
0x530: {  	[tilespmem:$0x1E720] =	vst v1;
	v1 =	vld [tilespmem:s21+$0x620];
	_ =	sdelay $0x4  }
0x531: {  	[tilespmem:$0x1E730] =	vst v1;
	v1 =	vld [tilespmem:s21+$0x2E20];
	_ =	sdelay $0x3  }
0x532: {  	v0 =	vld [tilespmem:s21+$0x8D0]  }
0x533: {  	[tilespmem:$0x1E740] =	vst v1;
	v1 =	vld [tilespmem:s21+$0x3E0];
	_ =	sdelay $0x3  }
0x534: {  	[tilespmem:$0x1EA20] =	vst v0;
	v0 =	vld [tilespmem:s21+$0x30D0]  }
0x535: {  	[tilespmem:$0x1E750] =	vst v1;
	v1 =	vld [tilespmem:s21+$0x2BE0];
	_ =	sdelay $0x3  }
0x536: {  	[tilespmem:$0x1EA30] =	vst v0;
	v0 =	vld [tilespmem:s21+$0x8C0]  }
0x537: {  	[tilespmem:$0x1E760] =	vst v1;
	v1 =	vld [tilespmem:s21+$0x450];
	_ =	sdelay $0x3  }
0x538: {  	[tilespmem:$0x1EA40] =	vst v0;
	v0 =	vld [tilespmem:s21+$0x30C0]  }
0x539: {  	[tilespmem:$0x1E770] =	vst v1;
	v1 =	vld [tilespmem:s21+$0x2C50];
	_ =	sdelay $0x3  }
0x53a: {  	[tilespmem:$0x1EA50] =	vst v0;
	v0 =	vld [tilespmem:s21+$0x7E0]  }
0x53b: {  	[tilespmem:$0x1E780] =	vst v1;
	v1 =	vld [tilespmem:s21+$0x4C0];
	_ =	sdelay $0x3  }
0x53c: {  	[tilespmem:$0x1EA60] =	vst v0;
	v0 =	vld [tilespmem:s21+$0x7D0]  }
0x53d: {  	[tilespmem:$0x1E7A0] =	vst v1;
	v1 =	vld [tilespmem:s21+$0x2CC0];
	_ =	sdelay $0x3  }
0x53e: {  	[tilespmem:$0x1EA70] =	vst v0;
	v0 =	vld [tilespmem:s21+$0x2FD0]  }
0x53f: {  	[tilespmem:$0x1E7B0] =	vst v1;
	v1 =	vld [tilespmem:s21+$0x530];
	_ =	sdelay $0x3  }
0x540: {  	[tilespmem:$0x1EA80] =	vst v0;
	v0 =	vld [tilespmem:s21+$0x2F50]  }
0x541: {  	[tilespmem:$0x1E7C0] =	vst v1;
	v1 =	vld [tilespmem:s21+$0x2D30];
	_ =	sdelay $0x3  }
0x542: {  	[tilespmem:$0x1E3C0] =	vst v0;
	v0 =	vld [tilespmem:s21+$0x7C0]  }
0x543: {  	[tilespmem:$0x1E7D0] =	vst v1;
	v1 =	vld [tilespmem:s21+$0x5A0];
	_ =	sdelay $0x3  }
0x544: {  	[tilespmem:$0x1E3D0] =	vst v0;
	v0 =	vld [tilespmem:s21+$0x2FC0]  }
0x545: {  	[tilespmem:$0x1E790] =	vst v1;
	v1 =	vld [tilespmem:s21+$0x610];
	_ =	sdelay $0x3  }
0x546: {  	[tilespmem:$0x1E3E0] =	vst v0;
	v0 =	vld [tilespmem:s21+$0x830]  }
0x547: {  	[tilespmem:$0x1E7E0] =	vst v1;
	v1 =	vld [tilespmem:s21+$0x2E10];
	_ =	sdelay $0x3  }
0x548: {  	[tilespmem:$0x1E3F0] =	vst v0;
	v0 =	vld [tilespmem:s21+$0x3030]  }
0x549: {  	[tilespmem:$0x1E7F0] =	vst v1;
	v1 =	vld [tilespmem:s21+$0x2F0];
	_ =	sdelay $0x3  }
0x54a: {  	[tilespmem:$0x1E400] =	vst v0;
	v0 =	vld [tilespmem:s21+$0x3090]  }
0x54b: {  	[tilespmem:$0x1E800] =	vst v1;
	v1 =	vld [tilespmem:s21+$0x360];
	_ =	sdelay $0x3  }
0x54c: {  	[tilespmem:$0x1E450] =	vst v0;
	v0 =	vld [tilespmem:s21+$0x2DF0]  }
0x54d: {  	[tilespmem:$0x1EAF0] =	vst v1;
	v1 =	vld [tilespmem:s21+$0x3D0];
	_ =	sdelay $0x3  }
0x54e: {  	[tilespmem:$0x1E460] =	vst v0;
	v0 =	vld [tilespmem:s21+$0x660]  }
0x54f: {  	[tilespmem:$0x1E810] =	vst v1;
	v1 =	vld [tilespmem:s21+$0x2BD0];
	_ =	sdelay $0x3  }
0x550: {  	[tilespmem:$0x1EA90] =	vst v0;
	v0 =	vld [tilespmem:s21+$0x6D0]  }
0x551: {  	[tilespmem:$0x1E820] =	vst v1;
	v1 =	vld [tilespmem:s21+$0x440];
	_ =	sdelay $0x3  }
0x552: {  	[tilespmem:$0x1E470] =	vst v0;
	v0 =	vld [tilespmem:s21+$0x2ED0]  }
0x553: {  	[tilespmem:$0x1E830] =	vst v1;
	v1 =	vld [tilespmem:s21+$0x2C40];
	_ =	sdelay $0x3  }
0x554: {  	[tilespmem:$0x1E480] =	vst v0;
	v0 =	vld [tilespmem:s21+$0x740]  }
0x555: {  	[tilespmem:$0x1E840] =	vst v1;
	v1 =	vld [tilespmem:s21+$0x4B0];
	_ =	sdelay $0x3  }
0x556: {  	[tilespmem:$0x1E490] =	vst v0;
	v0 =	vld [tilespmem:s21+$0x2F40]  }
0x557: {  	[tilespmem:$0x1E880] =	vst v1;
	v1 =	vld [tilespmem:s21+$0x2CB0];
	_ =	sdelay $0x3  }
0x558: {  	[tilespmem:$0x1E4A0] =	vst v0;
	v0 =	vld [tilespmem:s21+$0x7B0]  }
0x559: {  	[tilespmem:$0x1E890] =	vst v1;
	v1 =	vld [tilespmem:s21+$0x520];
	_ =	sdelay $0x3  }
0x55a: {  	[tilespmem:$0x1E4B0] =	vst v0;
	v0 =	vld [tilespmem:s21+$0x2FB0]  }
0x55b: {  	[tilespmem:$0x1E850] =	vst v1;
	v1 =	vld [tilespmem:s21+$0x2D20];
	_ =	sdelay $0x3  }
0x55c: {  	[tilespmem:$0x1E4C0] =	vst v0;
	v0 =	vld [tilespmem:s21+$0x820]  }
0x55d: {  	[tilespmem:$0x1E860] =	vst v1;
	v1 =	vld [tilespmem:s21+$0x270];
	_ =	sdelay $0x3  }
0x55e: {  	[tilespmem:$0x1E430] =	vst v0;
	v0 =	vld [tilespmem:s21+$0x3020]  }
0x55f: {  	[tilespmem:$0x1E870] =	vst v1;
	v1 =	vld [tilespmem:s21+$0x2E0];
	_ =	sdelay $0x3  }
0x560: {  	[tilespmem:$0x1E440] =	vst v0;
	v0 =	vld [tilespmem:s21+$0x880]  }
0x561: {  	[tilespmem:$0x1E8A0] =	vst v1;
	v1 =	vld [tilespmem:s21+$0x2AE0];
	_ =	sdelay $0x3  }
0x562: {  	[tilespmem:$0x1E410] =	vst v0;
	v0 =	vld [tilespmem:s21+$0x3080]  }
0x563: {  	[tilespmem:$0x1E8B0] =	vst v1;
	v1 =	vld [tilespmem:s21+$0x350];
	_ =	sdelay $0x3  }
0x564: {  	[tilespmem:$0x1E420] =	vst v0;
	v0 =	vld [tilespmem:s21+$0x570]  }
0x565: {  	[tilespmem:$0x1EB00] =	vst v1;
	v1 =	vld [tilespmem:s21+$0x2B50];
	_ =	sdelay $0x3  }
0x566: {  	[tilespmem:$0x1E4D0] =	vst v0;
	v0 =	vld [tilespmem:s21+$0x2D70]  }
0x567: {  	[tilespmem:$0x1EB10] =	vst v1;
	v1 =	vld [tilespmem:s21+$0x3C0];
	_ =	sdelay $0x3  }
0x568: {  	[tilespmem:$0x1E4E0] =	vst v0;
	v0 =	vld [tilespmem:s21+$0x5E0]  }
0x569: {  	[tilespmem:$0x1E8C0] =	vst v1;
	v1 =	vld [tilespmem:s21+$0x430];
	_ =	sdelay $0x3  }
0x56a: {  	[tilespmem:$0x1E4F0] =	vst v0;
	v0 =	vld [tilespmem:s21+$0x2DE0]  }
0x56b: {  	[tilespmem:$0x1E8D0] =	vst v1;
	v1 =	vld [tilespmem:s21+$0x2C30];
	_ =	sdelay $0x3  }
0x56c: {  	[tilespmem:$0x1E500] =	vst v0;
	v0 =	vld [tilespmem:s21+$0x650]  }
0x56d: {  	[tilespmem:$0x1E8E0] =	vst v1;
	v1 =	vld [tilespmem:s21+$0x4A0];
	_ =	sdelay $0x3  }
0x56e: {  	[tilespmem:$0x1EAA0] =	vst v0;
	v0 =	vld [tilespmem:s21+$0x2E50]  }
0x56f: {  	[tilespmem:$0x1E8F0] =	vst v1;
	v1 =	vld [tilespmem:s21+$0x2CA0];
	_ =	sdelay $0x3  }
0x570: {  	[tilespmem:$0x1EAB0] =	vst v0;
	v0 =	vld [tilespmem:s21+$0x6C0]  }
0x571: {  	[tilespmem:$0x1E900] =	vst v1;
	v1 =	vld [tilespmem:s21+$0x170];
	_ =	sdelay $0x3  }
0x572: {  	[tilespmem:$0x1E510] =	vst v0;
	v0 =	vld [tilespmem:s21+$0x2EC0]  }
0x573: {  	[tilespmem:$0x1E910] =	vst v1;
	v1 =	vld [tilespmem:s21+$0x260];
	_ =	sdelay $0x3  }
0x574: {  	[tilespmem:$0x1E520] =	vst v0;
	v0 =	vld [tilespmem:s21+$0x730]  }
0x575: {  	[tilespmem:$0x1E920] =	vst v1;
	v1 =	vld [tilespmem:s21+$0x2A60];
	_ =	sdelay $0x3  }
0x576: {  	[tilespmem:$0x1E530] =	vst v0;
	v0 =	vld [tilespmem:s21+$0x2F30]  }
0x577: {  	[tilespmem:$0x1E930] =	vst v1;
	v1 =	vld [tilespmem:s21+$0x2D0];
	_ =	sdelay $0x3  }
0x578: {  	[tilespmem:$0x1E540] =	vst v0;
	v0 =	vld [tilespmem:s21+$0x7A0]  }
0x579: {  	[tilespmem:$0x1E940] =	vst v1;
	v1 =	vld [tilespmem:s21+$0x2AD0];
	_ =	sdelay $0x3  }
0x57a: {  	[tilespmem:$0x1E570] =	vst v0;
	v0 =	vld [tilespmem:s21+$0x2FA0]  }
0x57b: {  	[tilespmem:$0x1E950] =	vst v1;
	v1 =	vld [tilespmem:s21+$0x340];
	_ =	sdelay $0x3  }
0x57c: {  	[tilespmem:$0x1E580] =	vst v0;
	v0 =	vld [tilespmem:s21+$0x560]  }
0x57d: {  	[tilespmem:$0x1EB20] =	vst v1;
	v1 =	vld [tilespmem:s21+$0x2B40];
	_ =	sdelay $0x3  }
0x57e: {  	[tilespmem:$0x1E550] =	vst v0;
	v0 =	vld [tilespmem:s21+$0x2D60]  }
0x57f: {  	[tilespmem:$0x1EB30] =	vst v1;
	v1 =	vld [tilespmem:s21+$0x3B0];
	_ =	sdelay $0x3  }
0x580: {  	[tilespmem:$0x1E560] =	vst v0;
	v0 =	vld [tilespmem:s21+$0x5D0]  }
0x581: {  	[tilespmem:$0x1E960] =	vst v1;
	v1 =	vld [tilespmem:s21+$0x2BB0];
	_ =	sdelay $0x3  }
0x582: {  	[tilespmem:$0x1E590] =	vst v0;
	v0 =	vld [tilespmem:s21+$0x2DD0]  }
0x583: {  	[tilespmem:$0x1E970] =	vst v1;
	v1 =	vld [tilespmem:s21+$0x490];
	_ =	sdelay $0x3  }
0x584: {  	[tilespmem:$0x1E5A0] =	vst v0;
	v0 =	vld [tilespmem:s21+$0x640]  }
0x585: {  	[tilespmem:$0x1E980] =	vst v1;
	v1 =	vld [tilespmem:s21+$0x2C90];
	_ =	sdelay $0x3  }
0x586: {  	[tilespmem:$0x1E5C0] =	vst v0;
	v0 =	vld [tilespmem:s21+$0x2E40]  }
0x587: {  	[tilespmem:$0x1E990] =	vst v1;
	v1 =	vld [tilespmem:s21+$0x160];
	_ =	sdelay $0x3  }
0x588: {  	[tilespmem:$0x1E5D0] =	vst v0;
	v0 =	vld [tilespmem:s21+$0x6B0]  }
0x589: {  	[tilespmem:$0x1E9A0] =	vst v1;
	v1 =	vld [tilespmem:s21+$0x2960];
	_ =	sdelay $0x3  }
0x58a: {  	[tilespmem:$0x1E5E0] =	vst v0;
	v0 =	vld [tilespmem:s21+$0x2EB0]  }
0x58b: {  	[tilespmem:$0x1E9B0] =	vst v1;
	v1 =	vld [tilespmem:s21+$0x250];
	_ =	sdelay $0x3  }
0x58c: {  	[tilespmem:$0x1E5F0] =	vst v0;
	v0 =	vld [tilespmem:s21+$0x720]  }
0x58d: {  	[tilespmem:$0x1E9C0] =	vst v1;
	v1 =	vld [tilespmem:s21+$0x2A50];
	_ =	sdelay $0x3  }
0x58e: {  	[tilespmem:$0x1E5B0] =	vst v0;
	v0 =	vld [tilespmem:s21+$0x790]  }
0x58f: {  	[tilespmem:$0x1E9D0] =	vst v1;
	v1 =	vld [tilespmem:s21+$0x2C0];
	_ =	sdelay $0x1  }
0x590: {  	v12 =	vld [tilespmem:s21+$0x8B0]  }
0x591: {  	v18 =	vld [tilespmem:s21+$0x30B0]  }
0x592: {  	[tilespmem:$0x1E600] =	vst v0;
	v0 =	vld [tilespmem:s21+$0x2F90]  }
0x593: {  	[tilespmem:$0x1E9E0] =	vst v1;
	v1 =	vld [tilespmem:s21+$0x2AC0]  }
0x594: {  	v32 =	vld [tilespmem:s21+$0x8A0]  }
0x595: {  	v49 =	vld [tilespmem:s21+$0x30A0]  }
0x596: {  	v4 =	vld [tilespmem:s21+$0x3000]  }
0x597: {  	[tilespmem:$0x1E610] =	vst v0;
	v0 =	vld [tilespmem:s21+$0x800]  }
0x598: {  	[tilespmem:$0x1E9F0] =	vst v1;
	v1 =	vmul.f32 v18, v12;
	_ =	sdelay $0x1  }
0x599: {  	[tilespmem:$0x1EB90] =	vst v1;
	v1 =	vld [tilespmem:s21+$0x330]  }
0x59a: {  	v5 =	vld [tilespmem:s21+$0x860]  }
0x59b: {  	v6 =	vld [tilespmem:s21+$0x3060];
	v4 =	vmul.f32 v4, v0;
	v0 =	vmul.f32 v49, v32  }
0x59c: {  	v56 =	vld [tilespmem:s21+$0x750]  }
0x59d: {  	[tilespmem:$0x1EBD0] =	vst v0;
	v0 =	vld [tilespmem:$0x1E3C0]  }
0x59e: {  	[tilespmem:$0x1EBC0] =	vst v1;
	v1 =	vld [tilespmem:s21+$0x2B30];
	_ =	sdelay $0x3  }
0x59f: {  	v44 =	vmul.f32 v6, v5;
	v6 =	vmul.f32 v0, v56;
	v0 =	vld [tilespmem:$0x1E3D0]  }
0x5a0: {  	[tilespmem:$0x1EBE0] =	vst v1;
	v1 =	vld [tilespmem:$0x1E3E0];
	_ =	sdelay $0x4  }
0x5a1: {  	v0 =	vmul.f32 v1, v0  }
0x5a2: {  	v1 =	vld [tilespmem:$0x1E400]  }
0x5a3: {  	[tilespmem:$0x1EBF0] =	vst v0;
	v0 =	vld [tilespmem:$0x1E3F0];
	_ =	sdelay $0x2  }
0x5a4: {  	v16 =	vld [tilespmem:s21+$0x810]  }
0x5a5: {  	v29 =	vld [tilespmem:s21+$0x3010]  }
0x5a6: {  	v12 =	vmul.f32 v1, v0;
	v0 =	vld [tilespmem:$0x1E410]  }
0x5a7: {  	v1 =	vld [tilespmem:$0x1E420];
	_ =	sdelay $0x2  }
0x5a8: {  	v42 =	vld [tilespmem:s21+$0x6E0]  }
0x5a9: {  	v55 =	vld [tilespmem:s21+$0x2EE0]  }
0x5aa: {  	v16 =	vmul.f32 v29, v16;
	v29 =	vmul.f32 v1, v0;
	v0 =	vld [tilespmem:$0x1E430]  }
0x5ab: {  	v1 =	vld [tilespmem:$0x1E440];
	_ =	sdelay $0x1  }
0x5ac: {  	v2 =	vld [tilespmem:s21+$0x870]  }
0x5ad: {  	v3 =	vld [tilespmem:s21+$0x3070]  }
0x5ae: {  	v57 =	vld [tilespmem:s21+$0x890]  }
0x5af: {  	v49 =	vmul.f32 v55, v42;
	v42 =	vmul.f32 v1, v0;
	v0 =	vld [tilespmem:$0x1E450];
	_ =	sdelay $0x1  }
0x5b0: {  	v9 =	vld [tilespmem:s21+$0x850]  }
0x5b1: {  	v17 =	vld [tilespmem:s21+$0x3050]  }
0x5b2: {  	v60 =	vld [tilespmem:s21+$0x5F0]  }
0x5b3: {  	v46 =	vmul.f32 v3, v2;
	v3 =	vmul.f32 v0, v57;
	v0 =	vld [tilespmem:$0x1E460];
	_ =	sdelay $0x1  }
0x5b4: {  	v7 =	vld [tilespmem:s21+$0x770]  }
0x5b5: {  	v8 =	vld [tilespmem:s21+$0x2F70]  }
0x5b6: {  	v1 =	vld [tilespmem:$0x1E480]  }
0x5b7: {  	v51 =	vmul.f32 v17, v9;
	v17 =	vmul.f32 v0, v60;
	v0 =	vld [tilespmem:$0x1E470];
	_ =	sdelay $0x1  }
0x5b8: {  	v19 =	vld [tilespmem:s21+$0x6F0]  }
0x5b9: {  	v22 =	vld [tilespmem:s21+$0x2EF0]  }
0x5ba: {  	v21 =	vld [tilespmem:s21+$0x760]  }
0x5bb: {  	v15 =	vmul.f32 v8, v7;
	v7 =	vmul.f32 v1, v0;
	v0 =	vld [tilespmem:$0x1E490]  }
0x5bc: {  	v1 =	vld [tilespmem:$0x1E4A0]  }
0x5bd: {  	v26 =	vld [tilespmem:s21+$0x2F60]  }
0x5be: {  	v27 =	vld [tilespmem:s21+$0x840]  }
0x5bf: {  	v43 =	vld [tilespmem:s21+$0x3040];
	v4 =	vadd.f32 $0.0e+00, v4  }
0x5c0: {  	v31 =	vld [tilespmem:s21+$0x2F20]  }
0x5c1: {  	v16 =	vadd.f32 v16, v4;
	v4 =	vmul.f32 v1, v0;
	v0 =	vld [tilespmem:$0x1E4B0]  }
0x5c2: {  	v1 =	vld [tilespmem:$0x1E4C0]  }
0x5c3: {  	v53 =	vld [tilespmem:s21+$0x710];
	v2 =	vadd.f32 $0.0e+00, v29  }
0x5c4: {  	v62 =	vld [tilespmem:s21+$0x2F10]  }
0x5c5: {  	v34 =	vld [tilespmem:s21+$0x780];
	v2 =	vadd.f32 v3, v2  }
0x5c6: {  	v3 =	vld [tilespmem:$0x1E500]  }
0x5c7: {  	[tilespmem:$0x1EA10] =	vst v2;
	v2 =	vld [tilespmem:$0x1E4F0];
	v0 =	vmul.f32 v1, v0  }
0x5c8: {  	v33 =	vld [tilespmem:s21+$0x2F80]  }
0x5c9: {  	[tilespmem:$0x1ECB0] =	vst v0;
	v0 =	vld [tilespmem:s21+$0x150]  }
0x5ca: {  	v39 =	vld [tilespmem:s21+$0x2BF0]  }
0x5cb: {  	v5 =	vld [tilespmem:$0x1E4E0]  }
0x5cc: {  	v1 =	vadd.f32 v42, v16;
	v16 =	vmul.f32 v3, v2;
	v2 =	vld [tilespmem:$0x1E510]  }
0x5cd: {  	v3 =	vld [tilespmem:$0x1E520]  }
0x5ce: {  	[tilespmem:$0x1EA00] =	vst v0;
	v0 =	vld [tilespmem:$0x1E4D0]  }
0x5cf: {  	v48 =	vld [tilespmem:s21+$0x690]  }
0x5d0: {  	v50 =	vld [tilespmem:s21+$0x2E90]  }
0x5d1: {  	v63 =	vld [tilespmem:s21+$0x700]  }
0x5d2: {  	v8 =	vld [tilespmem:$0x1E540]  }
0x5d3: {  	v55 =	vmul.f32 v5, v0;
	v5 =	vmul.f32 v3, v2;
	v2 =	vld [tilespmem:$0x1E530]  }
0x5d4: {  	v61 =	vld [tilespmem:s21+$0x2F00]  }
0x5d5: {  	v45 =	vld [tilespmem:s21+$0x2DA0]  }
0x5d6: {  	v58 =	vld [tilespmem:s21+$0x680]  }
0x5d7: {  	v30 =	vld [tilespmem:s21+$0x2E80]  }
0x5d8: {  	v3 =	vmul.f32 v62, v53;
	v62 =	vmul.f32 v8, v2;
	v2 =	vld [tilespmem:$0x1E550]  }
0x5d9: {  	v8 =	vld [tilespmem:$0x1E560]  }
0x5da: {  	v37 =	vld [tilespmem:s21+$0x2AF0]  }
0x5db: {  	v25 =	vld [tilespmem:s21+$0x590]  }
0x5dc: {  	v23 =	vld [tilespmem:s21+$0x2D90]  }
0x5dd: {  	v36 =	vld [tilespmem:s21+$0x600]  }
0x5de: {  	v53 =	vmul.f32 v8, v2;
	v2 =	vld [tilespmem:$0x1E570]  }
0x5df: {  	v8 =	vld [tilespmem:$0x1E580]  }
0x5e0: {  	v35 =	vld [tilespmem:s21+$0x2E00]  }
0x5e1: {  	v38 =	vld [tilespmem:s21+$0x2A70]  }
0x5e2: {  	v40 =	vld [tilespmem:s21+$0x2BC0]  }
0x5e3: {  	v24 =	vld [tilespmem:s21+$0x510]  }
0x5e4: {  	v20 =	vld [tilespmem:s21+$0x2D10];
	v2 =	vmul.f32 v8, v2  }
0x5e5: {  	v8 =	vld [tilespmem:$0x1E5A0]  }
0x5e6: {  	[tilespmem:$0x1ED10] =	vst v2;
	v2 =	vld [tilespmem:$0x1E590]  }
0x5e7: {  	v14 =	vld [tilespmem:s21+$0x580]  }
0x5e8: {  	v13 =	vld [tilespmem:s21+$0x2D80]  }
0x5e9: {  	v41 =	vld [tilespmem:s21+$0x2970]  }
0x5ea: {  	v47 =	vld [tilespmem:s21+$0x420]  }
0x5eb: {  	v0 =	vmul.f32 v61, v63;
	v8 =	vmul.f32 v8, v2;
	v2 =	vld [tilespmem:$0x1E5B0]  }
0x5ec: {  	v28 =	vld [tilespmem:s21+$0x2C20];
	v59 =	vmul.f32 v43, v27;
	v1 =	vadd.f32 v12, v1  }
0x5ed: {  	v11 =	vld [tilespmem:s21+$0x500];
	v0 =	vadd.f32 $0.0e+00, v0  }
0x5ee: {  	v10 =	vld [tilespmem:s21+$0x2D00];
	v1 =	vadd.f32 v59, v1  }
0x5ef: {  	v0 =	vadd.f32 v3, v0;
	v3 =	vld [tilespmem:$0x1E5D0]  }
0x5f0: {  	v30 =	vmul.f32 v30, v58;
	v1 =	vadd.f32 v51, v1;
	v31 =	vmul.f32 v31, v2;
	v2 =	vld [tilespmem:$0x1E5C0]  }
0x5f1: {  	v54 =	vmul.f32 v22, v19;
	v43 =	vld [tilespmem:s21+$0x3A0]  }
0x5f2: {  	v22 =	vld [tilespmem:s21+$0x2BA0];
	v30 =	vadd.f32 $0.0e+00, v30;
	v59 =	vmul.f32 v50, v48;
	v1 =	vadd.f32 v44, v1  }
0x5f3: {  	v44 =	vld [tilespmem:$0x1E690]  }
0x5f4: {  	v50 =	vadd.f32 v46, v1;
	v1 =	vadd.f32 v59, v30;
	v30 =	vld [tilespmem:$0x1E680]  }
0x5f5: {  	v12 =	vmul.f32 v3, v2;
	v2 =	vld [tilespmem:$0x1E5E0]  }
0x5f6: {  	v3 =	vld [tilespmem:$0x1E5F0]  }
0x5f7: {  	v19 =	vld [tilespmem:s21+$0x480]  }
0x5f8: {  	v52 =	vmul.f32 v26, v21;
	v26 =	vld [tilespmem:s21+$0x2950];
	v0 =	vadd.f32 v31, v0  }
0x5f9: {  	v48 =	vld [tilespmem:$0x1E6C0]  }
0x5fa: {  	v33 =	vmul.f32 v33, v34;
	v34 =	vmul.f32 v44, v30;
	v30 =	vld [tilespmem:$0x1E6B0];
	v0 =	vadd.f32 v62, v0  }
0x5fb: {  	v2 =	vmul.f32 v3, v2;
	v3 =	vld [tilespmem:s21+$0x320]  }
0x5fc: {  	v27 =	vld [tilespmem:s21+$0x2A40];
	v0 =	vadd.f32 v4, v0  }
0x5fd: {  	v21 =	vld [tilespmem:s21+$0x2AB0]  }
0x5fe: {  	v9 =	vld [tilespmem:$0x1E610];
	v0 =	vadd.f32 v6, v0  }
0x5ff: {  	v61 =	vld [tilespmem:$0x1E6E0];
	v1 =	vadd.f32 v34, v1;
	v30 =	vmul.f32 v48, v30  }
0x600: {  	v0 =	vadd.f32 v52, v0;
	[tilespmem:$0x1ED50] =	vst v3;
	v3 =	vld [tilespmem:$0x1E600]  }
0x601: {  	[tilespmem:$0x1EDE0] =	vst v30;
	v30 =	vld [tilespmem:$0x1E6D0];
	v1 =	vadd.f32 v2, v1  }
0x602: {  	v32 =	vadd.f32 v15, v0;
	v0 =	vld [tilespmem:$0x1E770]  }
0x603: {  	v1 =	vadd.f32 v5, v1;
	v5 =	vld [tilespmem:$0x1E780]  }
0x604: {  	v13 =	vmul.f32 v13, v14;
	v56 =	vld [tilespmem:s21+$0x2C10]  }
0x605: {  	v51 =	vmul.f32 v9, v3;
	v3 =	vld [tilespmem:s21+$0x2B20]  }
0x606: {  	v18 =	vld [tilespmem:s21+$0x410];
	v2 =	vadd.f32 $0.0e+00, v13;
	v13 =	vmul.f32 v23, v25  }
0x607: {  	v29 =	vld [tilespmem:s21+$0x240]  }
0x608: {  	v30 =	vmul.f32 v61, v30;
	v61 =	vmul.f32 v5, v0;
	v0 =	vadd.f32 v13, v2;
	v2 =	vld [tilespmem:$0x1E790]  }
0x609: {  	v9 =	vld [tilespmem:$0x1E630]  }
0x60a: {  	[tilespmem:$0x1ED60] =	vst v3;
	v3 =	vld [tilespmem:$0x1E620]  }
0x60b: {  	v57 =	vld [tilespmem:s21+$0x2C80]  }
0x60c: {  	v60 =	vld [tilespmem:s21+$0x140]  }
0x60d: {  	v42 =	vld [tilespmem:s21+$0x2B0]  }
0x60e: {  	v1 =	vadd.f32 v7, v1;
	v7 =	vmul.f32 v10, v11;
	v10 =	vld [tilespmem:$0x1E7F0]  }
0x60f: {  	v2 =	vmul.f32 v45, v2;
	v58 =	vmul.f32 v9, v3;
	v3 =	vld [tilespmem:$0x1E640]  }
0x610: {  	v9 =	vld [tilespmem:$0x1E650]  }
0x611: {  	v0 =	vadd.f32 v2, v0;
	v2 =	vld [tilespmem:$0x1E7E0]  }
0x612: {  	v63 =	vld [tilespmem:$0x1E670]  }
0x613: {  	v23 =	vld [tilespmem:$0x1E730]  }
0x614: {  	v25 =	vld [tilespmem:$0x1E740]  }
0x615: {  	v31 =	vmul.f32 v9, v3;
	v3 =	vld [tilespmem:$0x1E660]  }
0x616: {  	v10 =	vmul.f32 v10, v2;
	v2 =	vld [tilespmem:$0x1E800]  }
0x617: {  	v46 =	vld [tilespmem:s21+$0x400]  }
0x618: {  	v6 =	vld [tilespmem:$0x1E6F0]  }
0x619: {  	v11 =	vld [tilespmem:$0x1E820]  }
0x61a: {  	v3 =	vmul.f32 v63, v3;
	v63 =	vld [tilespmem:$0x1E700]  }
0x61b: {  	v23 =	vmul.f32 v25, v23;
	v37 =	vmul.f32 v37, v2;
	v2 =	vld [tilespmem:$0x1E810]  }
0x61c: {  	v25 =	vld [tilespmem:$0x1E760]  }
0x61d: {  	[tilespmem:$0x1EE80] =	vst v23;
	v23 =	vld [tilespmem:$0x1E750]  }
0x61e: {  	v59 =	vadd.f32 $0.0e+00, v33;
	v33 =	vld [tilespmem:s21+$0x2A30]  }
0x61f: {  	v44 =	vld [tilespmem:$0x1E720];
	v1 =	vadd.f32 v49, v1;
	v6 =	vmul.f32 v63, v6  }
0x620: {  	v34 =	vld [tilespmem:s21+$0x2940];
	v7 =	vadd.f32 $0.0e+00, v7;
	v63 =	vmul.f32 v11, v2;
	v11 =	vmul.f32 v20, v24  }
0x621: {  	v54 =	vadd.f32 v54, v1;
	v1 =	vld [tilespmem:$0x1E850]  }
0x622: {  	v14 =	vadd.f32 v51, v59;
	v52 =	vmul.f32 v25, v23;
	v25 =	vadd.f32 v11, v7;
	v7 =	vld [tilespmem:$0x1E860]  }
0x623: {  	v48 =	vld [tilespmem:s21+$0x230]  }
0x624: {  	[tilespmem:$0x1EE30] =	vst v14;
	v14 =	vld [tilespmem:$0x1E710]  }
0x625: {  	v4 =	vld [tilespmem:$0x1E6A0]  }
0x626: {  	v62 =	vld [tilespmem:s21+$0x2B90]  }
0x627: {  	v49 =	vmul.f32 v7, v1;
	v1 =	vld [tilespmem:$0x1E870]  }
0x628: {  	v2 =	vld [tilespmem:$0x1E830]  }
0x629: {  	v14 =	vmul.f32 v44, v14;
	v20 =	vld [tilespmem:$0x1E840]  }
0x62a: {  	v39 =	vmul.f32 v39, v4;
	v4 =	vld [tilespmem:s21+$0x2C00]  }
0x62b: {  	v14 =	vadd.f32 v14, v0;
	v7 =	vld [tilespmem:$0x1E890]  }
0x62c: {  	v38 =	vmul.f32 v38, v1;
	v1 =	vld [tilespmem:$0x1E880]  }
0x62d: {  	v5 =	vld [tilespmem:$0x1E7A0];
	v3 =	vadd.f32 v3, v14  }
0x62e: {  	v13 =	vld [tilespmem:$0x1E7B0];
	v24 =	vmul.f32 v20, v2;
	v20 =	vmul.f32 v35, v36  }
0x62f: {  	v3 =	vadd.f32 v8, v3;
	v8 =	vld [tilespmem:$0x1E8C0]  }
0x630: {  	v14 =	vadd.f32 $0.0e+00, v20;
	v20 =	vld [tilespmem:$0x1E8B0]  }
0x631: {  	v35 =	vmul.f32 v7, v1;
	v1 =	vld [tilespmem:$0x1E8A0]  }
0x632: {  	v15 =	vld [tilespmem:s21+$0x310]  }
0x633: {  	v4 =	vmul.f32 v4, v46;
	v46 =	vld [tilespmem:s21+$0x2A90]  }
0x634: {  	v51 =	vld [tilespmem:s21+$0x2A0]  }
0x635: {  	v5 =	vmul.f32 v13, v5;
	v36 =	vadd.f32 v10, v14;
	v10 =	vld [tilespmem:$0x1E8E0]  }
0x636: {  	v1 =	vmul.f32 v20, v1;
	v20 =	vadd.f32 v49, v25;
	v49 =	vmul.f32 v40, v8;
	v8 =	vld [tilespmem:$0x1E8D0]  }
0x637: {  	v13 =	vld [tilespmem:$0x1E7D0]  }
0x638: {  	[tilespmem:$0x1EF10] =	vst v5;
	v5 =	vld [tilespmem:$0x1E7C0]  }
0x639: {  	v59 =	vld [tilespmem:s21+$0x290]  }
0x63a: {  	v3 =	vadd.f32 v16, v3;
	v16 =	vld [tilespmem:$0x1E900]  }
0x63b: {  	v10 =	vmul.f32 v10, v8;
	v8 =	vld [tilespmem:$0x1E8F0]  }
0x63c: {  	v23 =	vld [tilespmem:s21+$0x2B80]  }
0x63d: {  	v5 =	vmul.f32 v13, v5;
	v13 =	vld [tilespmem:s21+$0x380]  }
0x63e: {  	v45 =	vld [tilespmem:s21+$0x2B10]  }
0x63f: {  	v9 =	vld [tilespmem:s21+$0x390]  }
0x640: {  	v40 =	vmul.f32 v16, v8;
	v8 =	vadd.f32 v17, v3;
	v3 =	vld [tilespmem:$0x1E910]  }
0x641: {  	v44 =	vld [tilespmem:s21+$0x2AA0]  }
0x642: {  	v0 =	vld [tilespmem:s21+$0x130];
	v13 =	vmul.f32 v23, v13;
	v5 =	vadd.f32 v5, v20  }
0x643: {  	v4 =	vadd.f32 $0.0e+00, v4;
	v23 =	vld [tilespmem:s21+$0x2920];
	v14 =	vmul.f32 v56, v18  }
0x644: {  	v13 =	vadd.f32 $0.0e+00, v13;
	v11 =	vld [tilespmem:s21+$0x220];
	v5 =	vadd.f32 v6, v5;
	v6 =	vmul.f32 v28, v47  }
0x645: {  	v2 =	vld [tilespmem:s21+$0x2930];
	v41 =	vmul.f32 v41, v3;
	v3 =	vadd.f32 v14, v4;
	v14 =	vmul.f32 v62, v9  }
0x646: {  	v18 =	vld [tilespmem:s21+$0x2A80]  }
0x647: {  	v3 =	vadd.f32 v6, v3;
	v6 =	vadd.f32 v14, v13;
	v14 =	vld [tilespmem:$0x1E960]  }
0x648: {  	v13 =	vmul.f32 v22, v43;
	v22 =	vld [tilespmem:$0x1E970]  }
0x649: {  	v7 =	vld [tilespmem:s21+$0x2A20]  }
0x64a: {  	v25 =	vld [tilespmem:s21+$0x2B00]  }
0x64b: {  	v20 =	vld [tilespmem:s21+$0x300]  }
0x64c: {  	v6 =	vadd.f32 v13, v6;
	v13 =	vld [tilespmem:$0x1E980]  }
0x64d: {  	v5 =	vadd.f32 v31, v5;
	v31 =	vmul.f32 v22, v14;
	v14 =	vld [tilespmem:$0x1E990]  }
0x64e: {  	v28 =	vld [tilespmem:s21+$0x210]  }
0x64f: {  	v5 =	vadd.f32 v53, v5;
	v53 =	vld [tilespmem:s21+$0x200]  }
0x650: {  	v4 =	vld [tilespmem:$0x1E920]  }
0x651: {  	v3 =	vadd.f32 v10, v3;
	v10 =	vmul.f32 v57, v19;
	v19 =	vadd.f32 v55, v5;
	v5 =	vld [tilespmem:$0x1E9A0]  }
0x652: {  	v13 =	vmul.f32 v14, v13;
	v14 =	vld [tilespmem:$0x1E9B0]  }
0x653: {  	v9 =	vld [tilespmem:$0x1E930]  }
0x654: {  	v16 =	vld [tilespmem:s21+$0x120]  }
0x655: {  	v17 =	vld [tilespmem:$0x1E950]  }
0x656: {  	v56 =	vadd.f32 $0.0e+00, v10;
	v10 =	vld [tilespmem:$0x1E9C0]  }
0x657: {  	v5 =	vmul.f32 v14, v5;
	v14 =	vld [tilespmem:$0x1E9D0]  }
0x658: {  	v4 =	vmul.f32 v9, v4;
	v9 =	vld [tilespmem:$0x1E940]  }
0x659: {  	v43 =	vld [tilespmem:s21+$0x2A10]  }
0x65a: {  	v22 =	vld [tilespmem:$0x1E9F0]  }
0x65b: {  	v31 =	vadd.f32 v31, v6;
	v6 =	vld [tilespmem:$0x1EA00]  }
0x65c: {  	v3 =	vadd.f32 v24, v3;
	v14 =	vmul.f32 v14, v10;
	v10 =	vld [tilespmem:$0x1E9E0]  }
0x65d: {  	v9 =	vmul.f32 v17, v9;
	v17 =	vld [tilespmem:s21+$0x280]  }
0x65e: {  	v57 =	vld [tilespmem:s21+$0x2A00];
	v3 =	vadd.f32 v61, v3  }
0x65f: {  	p0 =	sne.s32 s23, $0x4;
	v24 =	vld [tilespmem:s21+$0x110];
	v31 =	vadd.f32 v49, v31  }
.Ltmp2:
0x660: {  	v61 =	vmovc v12;
	v12 =	vmul.f32 v27, v29;
	v29 =	vld [tilespmem:s21+$0x100];
	v3 =	vadd.f32 v30, v3;
	v30 =	vmul.f32 v44, v51;
	(pc) =	sbr.rel @p0 .LBB2_7-.Ltmp2, $4  }
0x661: {  	v27 =	vld [tilespmem:s21+$0x2910];
	v47 =	vadd.f32 v63, v31;
	v22 =	vmul.f32 v22, v10;
	v10 =	vmul.f32 v26, v6  }
0x662: {  	(xrf2) =	vadd.scan.msk.f32 $0xffff, v50;
	v63 =	vld [tilespmem:$0x1EA10];
	v6 =	vadd.f32 v13, v56;
	v13 =	vmul.f32 v18, v17;
	v17 =	vmul.f32 v33, v48  }
0x663: {  	(xrf2) =	vadd.scan.msk.f32 $0xffff, v32;
	v26 =	vld [tilespmem:s21+$0x2900];
	v18 =	vmul.f32 v21, v42;
	v48 =	vmul.f32 v46, v59  }
0x664: {  	s22 =	smov.u32 s23;
	s23 =	sadd.s32 $0x1, s23;
	(xrf2) =	vadd.scan.msk.f32 $0xffff, v54;
	v21 =	vld [tilespmem:s21+$0x180];
	v42 =	vmul.f32 v57, v53;
	v49 =	vadd.f32 $0.0e+00, v13;
	v13 =	vadd.f32 v58, v3  }
0x665: {  	v32 =	vld [tilespmem:s21+$0x2980]  }
0x666: {  	v33 =	vld [tilespmem:s21+$0x190]  }
0x667: {  	v28 =	vmul.f32 v43, v28;
	v43 =	vld [tilespmem:s21+$0x1A0]  }
0x668: {  	v15 =	vmul.f32 v45, v15;
	v45 =	vld [tilespmem:s21+$0x29A0]  }
0x669: {  	v46 =	vld [tilespmem:s21+$0x1B0]  }
0x66a: {  	v31 =	vadd.f32 v52, v47;
	v47 =	vld [tilespmem:s21+$0x29B0]  }
0x66b: {  	v50 =	vld [tilespmem:s21+$0x1C0]  }
0x66c: {  	v52 =	vld [tilespmem:s21+$0x29C0]  }
0x66d: {  	v55 =	vld [tilespmem:s21+$0x1D0]  }
0x66e: {  	v57 =	vld [tilespmem:s21+$0x29D0]  }
0x66f: {  	v58 =	vld [tilespmem:s21+$0x1E0]  }
0x670: {  	v59 =	vld [tilespmem:$0x1ED50]  }
0x671: {  	v56 =	vmul.f32 v34, v60;
	v60 =	vld [tilespmem:$0x1ED60]  }
0x672: {  	v16 =	vmul.f32 v23, v16;
	v23 =	vld [tilespmem:s21+$0x29F0]  }
0x673: {  	v34 =	vld [tilespmem:s21+$0x2CE0]  }
0x674: {  	v6 =	vadd.f32 v40, v6;
	v40 =	vld [tilespmem:$0x1EAF0]  }
0x675: {  	v24 =	vmul.f32 v27, v24;
	v27 =	vld [tilespmem:$0x1EB30]  }
0x676: {  	v62 =	vadd.f32 $0.0e+00, v42;
	v6 =	vadd.f32 v35, v6;
	v35 =	vld [tilespmem:$0x1EB90]  }
0x677: {  	v20 =	vmul.f32 v25, v20;
	v26 =	vmul.f32 v26, v29;
	v29 =	vadd.f32 v39, v31;
	v39 =	vld [tilespmem:s21+$0x2990]  }
0x678: {  	v25 =	vadd.f32 v28, v62;
	v62 =	vld [tilespmem:s21+$0x29E0]  }
0x679: {  	v42 =	vadd.f32 $0.0e+00, v20;
	v28 =	vld [tilespmem:s21+$0x370]  }
0x67a: {  	v31 =	vld [tilespmem:s21+$0x2B70]  }
0x67b: {  	v7 =	vmul.f32 v7, v11;
	v11 =	vadd.f32 v15, v42;
	v42 =	vld [tilespmem:s21+$0x2CF0]  }
0x67c: {  	v44 =	vadd.f32 $0.0e+00, v26;
	v26 =	vld [tilespmem:$0x1EB20]  }
0x67d: {  	v3 =	vadd.f32 v48, v49;
	v21 =	vmul.f32 v32, v21;
	v32 =	vld [tilespmem:$0x1EB00]  }
0x67e: {  	v54 =	vmul.f32 v45, v43;
	v43 =	vld [tilespmem:$0x1EF10]  }
0x67f: {  	v3 =	vadd.f32 v30, v3;
	v45 =	vld [tilespmem:$0x1EAE0]  }
0x680: {  	v15 =	vmul.f32 v47, v46;
	v46 =	vld [tilespmem:s21+$0x2E60]  }
0x681: {  	v0 =	vmul.f32 v2, v0;
	v3 =	vadd.f32 v18, v3;
	v2 =	vmul.f32 v57, v55;
	v57 =	vld [tilespmem:$0x1EAB0]  }
0x682: {  	v49 =	vadd.f32 $0.0e+00, v21;
	v21 =	vld [tilespmem:$0x1EBC0]  }
0x683: {  	v18 =	vadd.f32 v24, v44;
	v3 =	vadd.f32 v22, v3;
	v22 =	vld [tilespmem:$0x1EBE0]  }
0x684: {  	v24 =	vld [tilespmem:s21+$0x2B60]  }
0x685: {  	v44 =	vld [tilespmem:$0x1EAD0];
	v16 =	vadd.f32 v16, v18  }
0x686: {  	v48 =	vmul.f32 v39, v33;
	v33 =	vld [tilespmem:$0x1EB10]  }
0x687: {  	v30 =	vmul.f32 v62, v58;
	v58 =	vld [tilespmem:s21+$0x2FE0];
	v0 =	vadd.f32 v0, v16  }
0x688: {  	v62 =	vld [tilespmem:s21+$0x7F0]  }
0x689: {  	v7 =	vadd.f32 v7, v25;
	v18 =	vld [tilespmem:s21+$0x1F0];
	v0 =	vadd.f32 v56, v0  }
0x68a: {  	v51 =	vadd.f32 v9, v3;
	v3 =	vmul.f32 v52, v50;
	v50 =	vld [tilespmem:s21+$0x670]  }
0x68b: {  	v7 =	vadd.f32 v17, v7;
	v52 =	vld [tilespmem:$0x1ED10];
	v0 =	vadd.f32 v10, v0  }
0x68c: {  	v53 =	vadd.f32 v48, v49;
	v49 =	vld [tilespmem:$0x1EDE0];
	v16 =	vmul.f32 v60, v59  }
0x68d: {  	(xrf2) =	vadd.scan.msk.f32 $0xffff, v8;
	v7 =	vadd.f32 v12, v7;
	v8 =	vmul.f32 v27, v26;
	v27 =	vld [tilespmem:$0x1EA70];
	v0 =	vadd.f32 v5, v0  }
0x68e: {  	v48 =	vmul.f32 v31, v28;
	v28 =	vld [tilespmem:$0x1EA80];
	v20 =	vadd.f32 v16, v11;
	v11 =	vmul.f32 v22, v21  }
0x68f: {  	v9 =	vadd.f32 v54, v53;
	v0 =	vadd.f32 v41, v0;
	v41 =	vld [tilespmem:$0x1EE80]  }
0x690: {  	v31 =	vld [tilespmem:$0x1EA40];
	v1 =	vadd.f32 v1, v51;
	v25 =	vadd.f32 v11, v20  }
0x691: {  	v7 =	vadd.f32 v14, v7;
	v51 =	vld [tilespmem:$0x1EAC0];
	v9 =	vadd.f32 v15, v9  }
0x692: {  	v53 =	vld [tilespmem:$0x1EE30];
	v1 =	vadd.f32 v37, v1;
	v5 =	vadd.f32 v8, v25;
	v8 =	vmul.f32 v33, v32  }
0x693: {  	v54 =	vld [tilespmem:s21+$0x2E70];
	v4 =	vadd.f32 v4, v7;
	v3 =	vadd.f32 v3, v9  }
0x694: {  	(xrf2) =	vadd.scan.msk.f32 $0xffff, v19;
	v56 =	vld [tilespmem:$0x1EAA0];
	v39 =	vadd.f32 v8, v5;
	v5 =	vmul.f32 v24, v40;
	v8 =	vadd.f32 v41, v36  }
0x695: {  	(xrf2) =	vadd.scan.msk.f32 $0xffff, v13;
	v21 =	vld [tilespmem:$0x1EA90];
	v4 =	vadd.f32 v38, v4;
	v2 =	vadd.f32 v2, v3  }
0x696: {  	(xrf2) =	vadd.scan.msk.f32 $0xffff, v29;
	v22 =	vld [tilespmem:$0x1EBD0];
	v47 =	vadd.f32 v5, v39;
	v5 =	vadd.f32 v49, v8  }
0x697: {  	v37 =	vmul.f32 v23, v18;
	v38 =	vld [tilespmem:s21+$0x4F0];
	(xrf2) =	vadd.scan.msk.f32 $0xffff, v1;
	v2 =	vadd.f32 v30, v2  }
0x698: {  	(xrf2) =	vadd.scan.msk.f32 $0xffff, v4;
	v4 =	vmul.f32 v45, v44;
	v3 =	vadd.f32 v43, v6;
	v55 =	vadd.f32 v61, v5;
	v61 =	vld [tilespmem:$0x1ECB0]  }
0x699: {  	v25 =	vld [tilespmem:$0x1EBF0];
	v2 =	vadd.f32 v37, v2  }
0x69a: {  	v32 =	vld [tilespmem:$0x1EA50];
	v3 =	vadd.f32 v4, v3;
	v4 =	vmul.f32 v34, v51;
	(xrf2) =	vadd.scan.msk.f32 $0xffff, v0  }
0x69b: {  	v10 =	vadd.f32 v52, v53;
	v11, _, _ =	vpop (xrf2);
	v12 =	vmul.f32 v57, v56;
	v34 =	vld [tilespmem:$0x1EA60];
	(xrf2) =	vadd.scan.msk.f32 $0xffff, v2  }
0x69c: {  	v40 =	vld [tilespmem:$0x1EA30];
	v59 =	vmul.f32 v42, v38;
	v3 =	vadd.f32 v4, v3;
	v0 =	vadd.f32 v48, v47;
	v5, _, _ =	vpop (xrf2)  }
0x69d: {  	v39 =	vld [tilespmem:$0x1EA20];
	v60, _, _ =	vpop (xrf2);
	v9 =	vadd.f32 v61, v10  }
0x69e: {  	v6 =	vmul.f32 v46, v21;
	v24 =	vld [tilespmem:s21+$0x2FF0];
	v3 =	vadd.f32 v59, v3;
	v1 =	vadd.f32 v12, v55;
	(xrf2) =	vadd.scan.msk.f32 $0xffff, v0;
	v23, _, _ =	vpop (xrf2)  }
0x69f: {  	v29 =	vld [tilespmem:s21+$0x8E0];
	v15 =	vmul.f32 v28, v27;
	v12 =	vadd.f32 v22, v63;
	v26, _, _ =	vpop (xrf2);
	v4 =	vadd.f32 v25, v9  }
0x6a0: {  	v33 =	vld [tilespmem:s21+$0x30E0];
	v2 =	vmul.f32 v54, v50;
	v13 =	vmul.f32 v58, v34;
	v1 =	vadd.f32 v6, v1;
	v30, _, _ =	vpop (xrf2)  }
0x6a1: {  	v37 =	vld [tilespmem:s21+$0x8F0];
	v8 =	vmul.f32 v32, v31;
	(xrf2) =	vadd.scan.msk.f32 $0xffff, v3;
	v12 =	vadd.f32 v35, v12;
	v36, _, _ =	vpop (xrf2);
	v4 =	vadd.f32 v15, v4  }
0x6a2: {  	v41 =	vld [tilespmem:s21+$0x30F0];
	v18 =	vmul.f32 v40, v39;
	v1 =	vadd.f32 v2, v1;
	v38, _, _ =	vpop (xrf2)  }
0x6a3: {  	v0 =	vmul.f32 v24, v62;
	v8 =	vadd.f32 v8, v12;
	v42, _, _ =	vpop (xrf2);
	v4 =	vadd.f32 v13, v4  }
0x6a4: {  	(xrf2) =	vadd.scan.msk.f32 $0xffff, v1;
	v43, _, _ =	vpop (xrf2)  }
0x6a5: {  	v45 =	vmul.f32 v33, v29;
	v44 =	vadd.f32 v18, v8;
	v46, _, _ =	vpop (xrf2);
	v0 =	vadd.f32 v0, v4  }
0x6a6: {  	v1 =	vbroadcast v43, $0xF;
	v12 =	vbroadcast v46, $0xF  }
0x6a7: {  	v3 =	vmul.f32 v41, v37;
	v47 =	vbroadcast v42, $0xF;
	v4 =	vadd.f32 v45, v44;
	(xrf2) =	vadd.scan.msk.f32 $0xffff, v0  }
0x6a8: {  	v2 =	vbroadcast v38, $0xF;
	v48, _, _ =	vpop (xrf2);
	v1 =	vsel vm0, v1, v12  }
0x6a9: {  	v50 =	vbroadcast v48, $0xF;
	v0 =	vsel vm1, v1, v47;
	v49 =	vadd.f32 v3, v4  }
0x6aa: {  	v51 =	vbroadcast v36, $0xF;
	v0 =	vsel vm2, v0, v2  }
0x6ab: {  	v52 =	vbroadcast v30, $0xF;
	v53, _, _ =	vpop (xrf2);
	v0 =	vsel vm3, v0, v50;
	(xrf2) =	vadd.scan.msk.f32 $0xffff, v49  }
0x6ac: {  	v1 =	vbroadcast v53, $0xF;
	v0 =	vsel vm4, v0, v51  }
0x6ad: {  	v54 =	vbroadcast v26, $0xF;
	v0 =	vsel vm5, v0, v52  }
0x6ae: {  	v55 =	vbroadcast v23, $0xF;
	v56, _, _ =	vpop (xrf2);
	v0 =	vsel vm6, v0, v1  }
0x6af: {  	v57 =	vbroadcast v56, $0xF;
	v0 =	vsel vm7, v0, v54  }
0x6b0: {  	v58 =	vbroadcast v60, $0xF;
	v0 =	vsel vm8, v0, v55  }
0x6b1: {  	v59 =	vbroadcast v5, $0xF;
	v0 =	vsel vm9, v0, v57;
	v60, _, _ =	vpop (xrf2)  }
0x6b2: {  	v0 =	vsel vm10, v0, v58;
	v61 =	vbroadcast v60, $0xF  }
0x6b3: {  	v62 =	vbroadcast v11, $0xF;
	v0 =	vsel vm11, v0, v59  }
0x6b4: {  	v0 =	vsel vm12, v0, v61  }
0x6b5: {  	s31 =	sshll.u32 s22, $0x4;
	s19 =	sadd.s32 $0x1, s19;
	v63, _, _ =	vpop (xrf2);
	v0 =	vsel vm13, v0, v62  }
0x6b6: {  	p0 =	sne.s32 s19, $0x7D;
	s21 =	sand.u32 $0x3FFFFFF0, s31;
	v0 =	vsel vm14, v0, v63  }
.Ltmp3:
0x6b7: {  	s20 =	sadd.s32 s7, s20;
	[tilespmem:s21+$0x5100] =	vst v0;
	(pc) =	sbr.rel @p0 .LBB2_6-.Ltmp3, $4  }
0x6b8: {  	[hbm4b:s20+s3] =	stream.linear.scatter [tilespmem:s16], [sflag:$0x2], $0x50, $0x38;
	[tilespmem:$0x5180] =	vst v63  }
0x6b9: {  	_ =	swait.ge [sflag:s10], $0x50  }
0x6ba: {  	[sflag:s10] =	ssyncset.done $0x0  }
0x6bb: {  	[sflag:s10] =	ssyncadd.s32 $0xFFFFFFB0  }
0x6bc: {  	s17 =	sadd.s32 $0x1, s17  }
0x6bd: {  	p0 =	sne.s32 s17, s9  }
.Ltmp4:
0x6be: {  	_ = 	snop;
	(pc) =	sbr.rel @p0 .LBB2_1-.Ltmp4, $1  }
0x6bf: {  	_ =	sdelay $0x3  }
0x6c0: {  	_ =	sfence.sel $0x180000  }
0x6c1: {  	[bflag:$0x0] =	sbarrier.arrive $0xFFFF  }
0x6c2: {  	p0 =	sne.s32 s1, $0x0;
	_ =	strace $0x90000047  }
0x6c3: {  	s0 =	sadd.s32 @!p0 $0x100000, s0;
	[bflag:$0x2] =	sbarrier.arrive $0xFFFF  }
0x6c4: {  	[sflag:s0] =	ssyncadd.tile.s32 @!p0 $0x1;
	_ =	shalt  }
.Lfunc_end2:
_tile_overlayer_lowered:
.L_overlay_start_2:
0x6c5: {  	(tag) =	ssettag $0x2  }
0x6c6: {  	s0 =	rddreg [dreg:$0x0];
	s2 =	stileid.u32  }
0x6c7: {  	s1 =	rddreg [dreg:$0x1];
	p0 =	sne.s32 s2, $0x0  }
0x6c8: {  	s3 =	rddreg [dreg:$0x2];
	[bflag:$0x3] =	sbarrier.arrive $0xFFFF;
	s2 =	simm.s32 @!p0 $0x1C02  }
0x6c9: {  	[timem:s3], [sflag:s2] =	dma.local @!p0 [hbm:s0], s1  }
0x6ca: {  	s0 =	simm.s32 @!p0 $0x2  }
0x6cb: {  	_ =	swait.ge @!p0 [sflag:s0], s1  }
0x6cc: {  	s1 =	ssub.s32 @!p0 $0x0, s1;
	[sflag:s0] =	ssyncset.done @!p0 $0x0  }
0x6cd: {  	[sflag:s0] =	ssyncadd.s32 @!p0 s1  }
0x6ce: {  	[bflag:$0x3] =	sbarrier.arrive $0xFFFF  }
0x6cf: {  	_ =	shalt  }

</sc_bundles>
